<compile_context>
chip_gen: v7x
topology: tpu7x:2x2x1
jax: 0.10.2.dev20260603
libtpu: 0.0.44.dev20260713+nightly
codegen_flags: <defaults>
</compile_context>

<pallas_src>
import dataclasses
import functools

import jax
import jax.numpy as jnp
from jax import lax
from jax.experimental import pallas as pl
from jax.experimental.pallas import tpu as pltpu
from jax.experimental.pallas import tpu_sc as plsc

_SIZE = 1048576
_P = 2147483647
_CHUNK = 8
_NHASH = 8
_BATCH = 4096
_FEAT = 26
_M = _BATCH * _FEAT
_NCHUNKS = _M * _NHASH
_NW = 32
_CPW = _NCHUNKS // _NW
_RPW = _BATCH // _NW
_NB = 4
_RPB = _RPW // _NB
_K = _CPW // _NB
_KR = _K // 128
_GPR = _FEAT * _NHASH // 16
_WPW = _SIZE * _CHUNK // _NW
_NSB = 16
_SB = _WPW // _NSB
_SBR = _SB // _CHUNK

_CP = pltpu.CompilerParams()
if "needs_layout_passes" in pltpu.CompilerParams.__dataclass_fields__:
    _CP = dataclasses.replace(_CP, needs_layout_passes=False)
if "use_tc_tiling_on_sc" in pltpu.CompilerParams.__dataclass_fields__:
    _CP = dataclasses.replace(_CP, use_tc_tiling_on_sc=False)

_MESH = plsc.VectorSubcoreMesh(core_axis_name="c", subcore_axis_name="s")


@functools.partial(
    pl.kernel,
    out_type=jax.ShapeDtypeStruct((_SIZE, _CHUNK), jnp.float32),
    mesh=_MESH,
    scratch_types=[
        pltpu.VMEM((_SB + 8,), jnp.float32),
        pltpu.VMEM((_SB + 8,), jnp.float32),
        pltpu.VMEM((_SBR, _CHUNK), jnp.float32),
        pltpu.VMEM((_SBR, _CHUNK), jnp.float32),
        pltpu.SemaphoreType.DMA,
        pltpu.SemaphoreType.DMA,
    ],
    compiler_params=_CP,
)
def _build_w_sc(dext_hbm, w_hbm, buf_a, buf_b, sh_a, sh_b, isem, osem):
    wid = lax.axis_index("s") * 2 + lax.axis_index("c")
    s = wid >> 2
    q = wid & 3
    src0 = q * _WPW
    row0 = wid * (_WPW // _CHUNK)
    lane = lax.iota(jnp.int32, 16)
    rowpat = lane >> 3
    colpat = lane & 7
    bufs = (buf_a, buf_b)
    shs = (sh_a, sh_b)

    def src_ref(sb):
        return dext_hbm.at[pl.ds(src0 + sb * _SB, _SB + 8)]

    def dst_ref(sb):
        return w_hbm.at[pl.ds(row0 + sb * _SBR, _SBR)]

    pltpu.async_copy(src_ref(0), bufs[0], isem)
    for sb in range(_NSB):
        b = sb & 1
        pltpu.make_async_copy(src_ref(sb), bufs[b], isem).wait()
        if sb + 1 < _NSB:
            pltpu.async_copy(src_ref(sb + 1), bufs[1 - b], isem)
        if sb >= 2:
            pltpu.make_async_copy(shs[b], dst_ref(sb - 2), osem).wait()
        buf_v, sh_v = bufs[b], shs[b]

        @pl.loop(0, _SB // 128)
        def _shift(i):
            base = i * 128 + s
            r8 = 16 * i + rowpat
            for u in range(8):
                v = plsc.load_gather(buf_v, [(base + u * 16) + lane])
                plsc.store_scatter(sh_v, [r8 + 2 * u, colpat], v)

        pltpu.async_copy(sh_v, dst_ref(sb), osem)
    pltpu.make_async_copy(shs[0], dst_ref(_NSB - 2), osem).wait()
    pltpu.make_async_copy(shs[1], dst_ref(_NSB - 1), osem).wait()


@functools.partial(
    pl.kernel,
    out_type=jax.ShapeDtypeStruct((_NCHUNKS // 128, 128, _CHUNK), jnp.float32),
    mesh=_MESH,
    scratch_types=[
        pltpu.VMEM((_RPW, _FEAT), jnp.int32),
        pltpu.VMEM((16,), jnp.int32),
        pltpu.VMEM((_KR, 128), jnp.int32),
        pltpu.VMEM((_KR, 128), jnp.int32),
        pltpu.VMEM((_KR, 128, _CHUNK), jnp.float32),
        pltpu.VMEM((_KR, 128, _CHUNK), jnp.float32),
        pltpu.SemaphoreType.DMA,
        pltpu.SemaphoreType.DMA,
    ],
    compiler_params=_CP,
)
def _robe_sc(x_hbm, w_hbm, ab_hbm, out_hbm,
             x_v, ab_v, idx0, idx1, rows0, rows1, gsem, osem):
    wid = lax.axis_index("s") * 2 + lax.axis_index("c")
    pltpu.sync_copy(x_hbm.at[pl.ds(wid * _RPW, _RPW)], x_v)
    pltpu.sync_copy(ab_hbm, ab_v)
    lane = lax.iota(jnp.int32, 16)
    k8 = lane & 7
    av = plsc.load_gather(ab_v, [k8])
    bv = plsc.load_gather(ab_v, [k8 + 8])
    idxs = (idx0, idx1)
    rows = (rows0, rows1)

    def hash_block(blk, idx_v):
        @pl.loop(0, _RPB)
        def _row(r2):
            r = blk * _RPB + r2

            @pl.loop(0, _GPR)
            def _grp(g):
                col = (g * 16 + lane) >> 3
                xv = plsc.load_gather(x_v, [jnp.full((16,), r, jnp.int32), col])
                v = xv * av + bv
                v = jnp.where(v < 0, v + _P, v)
                v = jnp.where(v < 0, v + _P, v)
                v = jnp.where(v >= _P, v - _P, v)
                h = v & (_SIZE - 1)
                grp = r2 * _GPR + g
                idx_v[grp >> 3, pl.ds((grp & 7) * 16, 16)] = (
                    ((h & 7) << 17) + (h >> 3)
                )

    def fire(idx_v, rows_v):
        @pl.loop(0, _KR)
        def _f(j):
            pltpu.async_copy(w_hbm.at[idx_v.at[j]], rows_v.at[j], gsem)

    def drain(idx_v, rows_v):
        @pl.loop(0, _KR)
        def _d(j):
            pltpu.make_async_copy(w_hbm.at[idx_v.at[j]], rows_v.at[j], gsem).wait()

    def out_ref(blk):
        return out_hbm.at[pl.ds(wid * (_CPW // 128) + blk * _KR, _KR)]

    hash_block(0, idxs[0])
    fire(idxs[0], rows[0])
    for blk in range(1, _NB):
        b = blk & 1
        hash_block(blk, idxs[b])
        drain(idxs[1 - b], rows[1 - b])
        pltpu.async_copy(rows[1 - b], out_ref(blk - 1), osem)
        if blk >= 2:
            pltpu.make_async_copy(rows[b], out_ref(blk - 2), osem).wait()
        fire(idxs[b], rows[b])
    last = (_NB - 1) & 1
    drain(idxs[last], rows[last])
    pltpu.make_async_copy(rows[last], out_ref(_NB - 2), osem).wait()
    pltpu.sync_copy(rows[last], out_ref(_NB - 1))


def kernel(input_tensor, data, a, b):
    data_ext = jnp.concatenate([data, jnp.broadcast_to(data[-1], (_CHUNK,))])
    w = _build_w_sc(data_ext)
    ab = jnp.concatenate([a, b])
    out = _robe_sc(input_tensor, w, ab)
    return out.reshape(_BATCH, _FEAT, _NHASH * _CHUNK)

# --- scband reference (transcript-rebuilt; emitter-appended) ---
"""Pipeline reference for scband-robe-embedding-27436251087209 (READ-ONLY COPY).

The authoritative reference and input builder live on the scoring server;
editing this copy changes nothing except your own understanding.
"""

import jax, jax.numpy as jnp
import numpy as np

SIZE = 1048576
CHUNK = 8
NHASH = 8
P = 2147483647


def setup_inputs(seed: int = 0) -> dict:
    key = jax.random.key(seed)
    k1, k2, k3, k4 = jax.random.split(key, 4)
    input_tensor = jax.random.randint(k1, (4096, 26), 0, 100000, dtype=jnp.int32)
    # MultiHash parameters: universal hash h_i(x) = ((a_i * x + b_i) mod P) mod SIZE
    a = jax.random.randint(k2, (NHASH,), 1, 1000003, dtype=jnp.int32)
    b = jax.random.randint(k3, (NHASH,), 0, 1000003, dtype=jnp.int32)
    # learned ROBE parameter array (nn.Parameter of shape [size], uniform init)
    data = jax.random.uniform(k4, (SIZE,), dtype=jnp.float32)
    return {"input_tensor": input_tensor, "data": data, "a": a, "b": b}


def reference(input_tensor, data, a, b):
    batch_shape = input_tensor.shape
    # multi_hash: [B, F] -> [B, F, NHASH], values in [0, SIZE)
    hash_values = ((input_tensor[..., None] * a + b) % P) % SIZE
    # faithful to torch code: arange(chunk_size) % len(data)  (the % binds to arange)
    offsets = jnp.arange(CHUNK, dtype=hash_values.dtype) % SIZE
    idx = hash_values[..., None] + offsets  # [B, F, NHASH, CHUNK]
    slices = data[idx]  # gather from flat ROBE array
    return slices.reshape(*batch_shape, -1)  # [B, F, NHASH*CHUNK] = [4096, 26, 64]

if __name__ == "__main__":
    import jax
    _d = setup_inputs()
    print(jax.jit(kernel)(*tuple(_d.values())))

</pallas_src>

<mosaic_0001>
#map = affine_map<(d0, d1) -> (0)>
#map1 = affine_map<(d0, d1) -> (0, 0)>
module attributes {stable_mosaic.version = 14 : i64} {
  func.func @_build_w_sc(%arg0: i32, %arg1: i32, %arg2: memref<1048584xf32, #tpu.memory_space<hbm>>, %arg3: memref<1048576x8xf32, #tpu.memory_space<hbm>>, %arg4: memref<16392xf32, #tpu.memory_space<vmem>>, %arg5: memref<16392xf32, #tpu.memory_space<vmem>>, %arg6: memref<2048x8xf32, #tpu.memory_space<vmem>>, %arg7: memref<2048x8xf32, #tpu.memory_space<vmem>>, %arg8: memref<!tpu.dma_semaphore, #tpu.memory_space<semaphore_mem>>, %arg9: memref<!tpu.dma_semaphore, #tpu.memory_space<semaphore_mem>>) attributes {dimension_semantics = [#tpu.dimension_semantics<core_parallel>, #tpu.dimension_semantics<subcore_parallel>], iteration_bounds = array<i64: 2, 16>, scalar_prefetch = 0 : i64, scratch_operands = 6 : i64, tpu.core_type = #tpu.core_type<sc_vector_subcore>, window_params = [{transform_indices = #map}, {transform_indices = #map1}]} {
    %mul3A = arith.constant 2 : i32
    %mul3A_0 = arith.muli %arg1, %mul3A : i32
    %add3A = arith.addi %mul3A_0, %arg0 : i32
    %shift_right_arithmetic3A = arith.constant 2 : i32
    %shift_right_arithmetic3A_1 = arith.shrsi %add3A, %shift_right_arithmetic3A : i32
    %and3A = arith.constant 3 : i32
    %and3A_2 = arith.andi %add3A, %and3A : i32
    %mul3A_3 = arith.constant 262144 : i32
    %mul3A_4 = arith.muli %and3A_2, %mul3A_3 : i32
    %mul3A_5 = arith.constant 32768 : i32
    %mul3A_6 = arith.muli %add3A, %mul3A_5 : i32
    %iota3A = tpu.iota {dimensions = array<i32: 0>} : vector<16xi32>
    %shift_right_arithmetic3A_7 = arith.constant 3 : i32
    %shift_right_arithmetic3A_8 = vector.broadcast %shift_right_arithmetic3A_7 : i32 to vector<16xi32>
    %shift_right_arithmetic3A_9 = arith.shrsi %iota3A, %shift_right_arithmetic3A_8 : vector<16xi32>
    %and3A_10 = arith.constant 7 : i32
    %and3A_11 = vector.broadcast %and3A_10 : i32 to vector<16xi32>
    %and3A_12 = arith.andi %iota3A, %and3A_11 : vector<16xi32>
    %add3A_13 = arith.constant 0 : i32
    %add3A_14 = arith.addi %mul3A_4, %add3A_13 : i32
    %dma_start3A = tpu.memref_slice %arg2[%add3A_14] : memref<1048584xf32, #tpu.memory_space<hbm>> -> memref<16392xf32, #tpu.memory_space<hbm>>
    %dma_start3A_15 = tpu.memref_slice %arg2[%add3A_14] : memref<1048584xf32, #tpu.memory_space<hbm>> -> memref<16392xf32, #tpu.memory_space<hbm>>
    tpu.enqueue_dma source(%dma_start3A_15 : memref<16392xf32, #tpu.memory_space<hbm>>) target(%arg4 : memref<16392xf32, #tpu.memory_space<vmem>>) target_semaphore(%arg8 : memref<!tpu.dma_semaphore, #tpu.memory_space<semaphore_mem>>)
    %add3A_16 = arith.constant 0 : i32
    %add3A_17 = arith.addi %mul3A_4, %add3A_16 : i32
    %dma_wait3A = tpu.memref_slice %arg2[%add3A_17] : memref<1048584xf32, #tpu.memory_space<hbm>> -> memref<16392xf32, #tpu.memory_space<hbm>>
    %dma_wait3A_18 = tpu.memref_slice %arg2[%add3A_17] : memref<1048584xf32, #tpu.memory_space<hbm>> -> memref<16392xf32, #tpu.memory_space<hbm>>
    tpu.wait_dma2 semaphore(%arg8 : memref<!tpu.dma_semaphore, #tpu.memory_space<semaphore_mem>>) src(%dma_wait3A_18 : memref<16392xf32, #tpu.memory_space<hbm>>) dst(%arg4 : memref<16392xf32, #tpu.memory_space<vmem>>)
    %add3A_19 = arith.constant 16384 : i32
    %add3A_20 = arith.addi %mul3A_4, %add3A_19 : i32
    %dma_start3A_21 = tpu.memref_slice %arg2[%add3A_20] : memref<1048584xf32, #tpu.memory_space<hbm>> -> memref<16392xf32, #tpu.memory_space<hbm>>
    %dma_start3A_22 = tpu.memref_slice %arg2[%add3A_20] : memref<1048584xf32, #tpu.memory_space<hbm>> -> memref<16392xf32, #tpu.memory_space<hbm>>
    tpu.enqueue_dma source(%dma_start3A_22 : memref<16392xf32, #tpu.memory_space<hbm>>) target(%arg5 : memref<16392xf32, #tpu.memory_space<vmem>>) target_semaphore(%arg8 : memref<!tpu.dma_semaphore, #tpu.memory_space<semaphore_mem>>)
    %scan3A = arith.constant 0 : i32
    %scan3A_23 = arith.constant 128 : i32
    %scan3A_24 = arith.addi %scan3A, %scan3A_23 : i32
    %scan3A_25 = arith.constant 1 : i32
    scf.for %scan3A_410 = %scan3A to %scan3A_24 step %scan3A_25  : i32 {
      %mul3A_411 = arith.constant 1 : i32
      %mul3A_412 = arith.muli %scan3A_410, %mul3A_411 : i32
      %add3A_413 = arith.constant 0 : i32
      %add3A_414 = arith.addi %add3A_413, %mul3A_412 : i32
      %mul3A_415 = arith.constant 128 : i32
      %mul3A_416 = arith.muli %add3A_414, %mul3A_415 : i32
      %add3A_417 = arith.addi %mul3A_416, %shift_right_arithmetic3A_1 : i32
      %mul3A_418 = arith.constant 16 : i32
      %mul3A_419 = arith.muli %mul3A_418, %add3A_414 : i32
      %add3A_420 = vector.broadcast %mul3A_419 : i32 to vector<16xi32>
      %add3A_421 = arith.addi %add3A_420, %shift_right_arithmetic3A_9 : vector<16xi32>
      %add3A_422 = arith.constant 0 : i32
      %add3A_423 = arith.addi %add3A_417, %add3A_422 : i32
      %add3A_424 = vector.broadcast %add3A_423 : i32 to vector<16xi32>
      %add3A_425 = arith.addi %add3A_424, %iota3A : vector<16xi32>
      %gather3A = tpu.vector_load_idx %arg4[%add3A_425] : memref<16392xf32, #tpu.memory_space<vmem>>[vector<16xi32>], vector<16xf32>,
      %add3A_426 = arith.constant 0 : i32
      %add3A_427 = vector.broadcast %add3A_426 : i32 to vector<16xi32>
      %add3A_428 = arith.addi %add3A_421, %add3A_427 : vector<16xi32>
      tpu.vector_store_idx %arg6[%add3A_428, %and3A_12], %gather3A : memref<2048x8xf32, #tpu.memory_space<vmem>>[vector<16xi32>, vector<16xi32>], vector<16xf32>,
      %add3A_429 = arith.constant 16 : i32
      %add3A_430 = arith.addi %add3A_417, %add3A_429 : i32
      %add3A_431 = vector.broadcast %add3A_430 : i32 to vector<16xi32>
      %add3A_432 = arith.addi %add3A_431, %iota3A : vector<16xi32>
      %gather3A_433 = tpu.vector_load_idx %arg4[%add3A_432] : memref<16392xf32, #tpu.memory_space<vmem>>[vector<16xi32>], vector<16xf32>,
      %add3A_434 = arith.constant 2 : i32
      %add3A_435 = vector.broadcast %add3A_434 : i32 to vector<16xi32>
      %add3A_436 = arith.addi %add3A_421, %add3A_435 : vector<16xi32>
      tpu.vector_store_idx %arg6[%add3A_436, %and3A_12], %gather3A_433 : memref<2048x8xf32, #tpu.memory_space<vmem>>[vector<16xi32>, vector<16xi32>], vector<16xf32>,
      %add3A_437 = arith.constant 32 : i32
      %add3A_438 = arith.addi %add3A_417, %add3A_437 : i32
      %add3A_439 = vector.broadcast %add3A_438 : i32 to vector<16xi32>
      %add3A_440 = arith.addi %add3A_439, %iota3A : vector<16xi32>
      %gather3A_441 = tpu.vector_load_idx %arg4[%add3A_440] : memref<16392xf32, #tpu.memory_space<vmem>>[vector<16xi32>], vector<16xf32>,
      %add3A_442 = arith.constant 4 : i32
      %add3A_443 = vector.broadcast %add3A_442 : i32 to vector<16xi32>
      %add3A_444 = arith.addi %add3A_421, %add3A_443 : vector<16xi32>
      tpu.vector_store_idx %arg6[%add3A_444, %and3A_12], %gather3A_441 : memref<2048x8xf32, #tpu.memory_space<vmem>>[vector<16xi32>, vector<16xi32>], vector<16xf32>,
      %add3A_445 = arith.constant 48 : i32
      %add3A_446 = arith.addi %add3A_417, %add3A_445 : i32
      %add3A_447 = vector.broadcast %add3A_446 : i32 to vector<16xi32>
      %add3A_448 = arith.addi %add3A_447, %iota3A : vector<16xi32>
      %gather3A_449 = tpu.vector_load_idx %arg4[%add3A_448] : memref<16392xf32, #tpu.memory_space<vmem>>[vector<16xi32>], vector<16xf32>,
      %add3A_450 = arith.constant 6 : i32
      %add3A_451 = vector.broadcast %add3A_450 : i32 to vector<16xi32>
      %add3A_452 = arith.addi %add3A_421, %add3A_451 : vector<16xi32>
      tpu.vector_store_idx %arg6[%add3A_452, %and3A_12], %gather3A_449 : memref<2048x8xf32, #tpu.memory_space<vmem>>[vector<16xi32>, vector<16xi32>], vector<16xf32>,
      %add3A_453 = arith.constant 64 : i32
      %add3A_454 = arith.addi %add3A_417, %add3A_453 : i32
      %add3A_455 = vector.broadcast %add3A_454 : i32 to vector<16xi32>
      %add3A_456 = arith.addi %add3A_455, %iota3A : vector<16xi32>
      %gather3A_457 = tpu.vector_load_idx %arg4[%add3A_456] : memref<16392xf32, #tpu.memory_space<vmem>>[vector<16xi32>], vector<16xf32>,
      %add3A_458 = arith.constant 8 : i32
      %add3A_459 = vector.broadcast %add3A_458 : i32 to vector<16xi32>
      %add3A_460 = arith.addi %add3A_421, %add3A_459 : vector<16xi32>
      tpu.vector_store_idx %arg6[%add3A_460, %and3A_12], %gather3A_457 : memref<2048x8xf32, #tpu.memory_space<vmem>>[vector<16xi32>, vector<16xi32>], vector<16xf32>,
      %add3A_461 = arith.constant 80 : i32
      %add3A_462 = arith.addi %add3A_417, %add3A_461 : i32
      %add3A_463 = vector.broadcast %add3A_462 : i32 to vector<16xi32>
      %add3A_464 = arith.addi %add3A_463, %iota3A : vector<16xi32>
      %gather3A_465 = tpu.vector_load_idx %arg4[%add3A_464] : memref<16392xf32, #tpu.memory_space<vmem>>[vector<16xi32>], vector<16xf32>,
      %add3A_466 = arith.constant 10 : i32
      %add3A_467 = vector.broadcast %add3A_466 : i32 to vector<16xi32>
      %add3A_468 = arith.addi %add3A_421, %add3A_467 : vector<16xi32>
      tpu.vector_store_idx %arg6[%add3A_468, %and3A_12], %gather3A_465 : memref<2048x8xf32, #tpu.memory_space<vmem>>[vector<16xi32>, vector<16xi32>], vector<16xf32>,
      %add3A_469 = arith.constant 96 : i32
      %add3A_470 = arith.addi %add3A_417, %add3A_469 : i32
      %add3A_471 = vector.broadcast %add3A_470 : i32 to vector<16xi32>
      %add3A_472 = arith.addi %add3A_471, %iota3A : vector<16xi32>
      %gather3A_473 = tpu.vector_load_idx %arg4[%add3A_472] : memref<16392xf32, #tpu.memory_space<vmem>>[vector<16xi32>], vector<16xf32>,
      %add3A_474 = arith.constant 12 : i32
      %add3A_475 = vector.broadcast %add3A_474 : i32 to vector<16xi32>
      %add3A_476 = arith.addi %add3A_421, %add3A_475 : vector<16xi32>
      tpu.vector_store_idx %arg6[%add3A_476, %and3A_12], %gather3A_473 : memref<2048x8xf32, #tpu.memory_space<vmem>>[vector<16xi32>, vector<16xi32>], vector<16xf32>,
      %add3A_477 = arith.constant 112 : i32
      %add3A_478 = arith.addi %add3A_417, %add3A_477 : i32
      %add3A_479 = vector.broadcast %add3A_478 : i32 to vector<16xi32>
      %add3A_480 = arith.addi %add3A_479, %iota3A : vector<16xi32>
      %gather3A_481 = tpu.vector_load_idx %arg4[%add3A_480] : memref<16392xf32, #tpu.memory_space<vmem>>[vector<16xi32>], vector<16xf32>,
      %add3A_482 = arith.constant 14 : i32
      %add3A_483 = vector.broadcast %add3A_482 : i32 to vector<16xi32>
      %add3A_484 = arith.addi %add3A_421, %add3A_483 : vector<16xi32>
      tpu.vector_store_idx %arg6[%add3A_484, %and3A_12], %gather3A_481 : memref<2048x8xf32, #tpu.memory_space<vmem>>[vector<16xi32>, vector<16xi32>], vector<16xf32>,
    }
    %scan3A_26 = arith.constant 128 : i32
    %add3A_27 = arith.constant 0 : i32
    %add3A_28 = arith.addi %mul3A_6, %add3A_27 : i32
    %dma_start3A_29 = arith.constant 0 : i32
    %dma_start3A_30 = tpu.memref_slice %arg3[%add3A_28, %dma_start3A_29] : memref<1048576x8xf32, #tpu.memory_space<hbm>> -> memref<2048x8xf32, #tpu.memory_space<hbm>>
    %dma_start3A_31 = arith.constant 0 : i32
    %dma_start3A_32 = tpu.memref_slice %arg3[%add3A_28, %dma_start3A_31] : memref<1048576x8xf32, #tpu.memory_space<hbm>> -> memref<2048x8xf32, #tpu.memory_space<hbm>>
    tpu.enqueue_dma source(%arg6 : memref<2048x8xf32, #tpu.memory_space<vmem>>) target(%dma_start3A_32 : memref<2048x8xf32, #tpu.memory_space<hbm>>) target_semaphore(%arg9 : memref<!tpu.dma_semaphore, #tpu.memory_space<semaphore_mem>>)
    %add3A_33 = arith.constant 16384 : i32
    %add3A_34 = arith.addi %mul3A_4, %add3A_33 : i32
    %dma_wait3A_35 = tpu.memref_slice %arg2[%add3A_34] : memref<1048584xf32, #tpu.memory_space<hbm>> -> memref<16392xf32, #tpu.memory_space<hbm>>
    %dma_wait3A_36 = tpu.memref_slice %arg2[%add3A_34] : memref<1048584xf32, #tpu.memory_space<hbm>> -> memref<16392xf32, #tpu.memory_space<hbm>>
    tpu.wait_dma2 semaphore(%arg8 : memref<!tpu.dma_semaphore, #tpu.memory_space<semaphore_mem>>) src(%dma_wait3A_36 : memref<16392xf32, #tpu.memory_space<hbm>>) dst(%arg5 : memref<16392xf32, #tpu.memory_space<vmem>>)
    %add3A_37 = arith.constant 32768 : i32
    %add3A_38 = arith.addi %mul3A_4, %add3A_37 : i32
    %dma_start3A_39 = tpu.memref_slice %arg2[%add3A_38] : memref<1048584xf32, #tpu.memory_space<hbm>> -> memref<16392xf32, #tpu.memory_space<hbm>>
    %dma_start3A_40 = tpu.memref_slice %arg2[%add3A_38] : memref<1048584xf32, #tpu.memory_space<hbm>> -> memref<16392xf32, #tpu.memory_space<hbm>>
    tpu.enqueue_dma source(%dma_start3A_40 : memref<16392xf32, #tpu.memory_space<hbm>>) target(%arg4 : memref<16392xf32, #tpu.memory_space<vmem>>) target_semaphore(%arg8 : memref<!tpu.dma_semaphore, #tpu.memory_space<semaphore_mem>>)
    %scan3A_41 = arith.constant 0 : i32
    %scan3A_42 = arith.constant 128 : i32
    %scan3A_43 = arith.addi %scan3A_41, %scan3A_42 : i32
    %scan3A_44 = arith.constant 1 : i32
    scf.for %scan3A_410 = %scan3A_41 to %scan3A_43 step %scan3A_44  : i32 {
      %mul3A_411 = arith.constant 1 : i32
      %mul3A_412 = arith.muli %scan3A_410, %mul3A_411 : i32
      %add3A_413 = arith.constant 0 : i32
      %add3A_414 = arith.addi %add3A_413, %mul3A_412 : i32
      %mul3A_415 = arith.constant 128 : i32
      %mul3A_416 = arith.muli %add3A_414, %mul3A_415 : i32
      %add3A_417 = arith.addi %mul3A_416, %shift_right_arithmetic3A_1 : i32
      %mul3A_418 = arith.constant 16 : i32
      %mul3A_419 = arith.muli %mul3A_418, %add3A_414 : i32
      %add3A_420 = vector.broadcast %mul3A_419 : i32 to vector<16xi32>
      %add3A_421 = arith.addi %add3A_420, %shift_right_arithmetic3A_9 : vector<16xi32>
      %add3A_422 = arith.constant 0 : i32
      %add3A_423 = arith.addi %add3A_417, %add3A_422 : i32
      %add3A_424 = vector.broadcast %add3A_423 : i32 to vector<16xi32>
      %add3A_425 = arith.addi %add3A_424, %iota3A : vector<16xi32>
      %gather3A = tpu.vector_load_idx %arg5[%add3A_425] : memref<16392xf32, #tpu.memory_space<vmem>>[vector<16xi32>], vector<16xf32>,
      %add3A_426 = arith.constant 0 : i32
      %add3A_427 = vector.broadcast %add3A_426 : i32 to vector<16xi32>
      %add3A_428 = arith.addi %add3A_421, %add3A_427 : vector<16xi32>
      tpu.vector_store_idx %arg7[%add3A_428, %and3A_12], %gather3A : memref<2048x8xf32, #tpu.memory_space<vmem>>[vector<16xi32>, vector<16xi32>], vector<16xf32>,
      %add3A_429 = arith.constant 16 : i32
      %add3A_430 = arith.addi %add3A_417, %add3A_429 : i32
      %add3A_431 = vector.broadcast %add3A_430 : i32 to vector<16xi32>
      %add3A_432 = arith.addi %add3A_431, %iota3A : vector<16xi32>
      %gather3A_433 = tpu.vector_load_idx %arg5[%add3A_432] : memref<16392xf32, #tpu.memory_space<vmem>>[vector<16xi32>], vector<16xf32>,
      %add3A_434 = arith.constant 2 : i32
      %add3A_435 = vector.broadcast %add3A_434 : i32 to vector<16xi32>
      %add3A_436 = arith.addi %add3A_421, %add3A_435 : vector<16xi32>
      tpu.vector_store_idx %arg7[%add3A_436, %and3A_12], %gather3A_433 : memref<2048x8xf32, #tpu.memory_space<vmem>>[vector<16xi32>, vector<16xi32>], vector<16xf32>,
      %add3A_437 = arith.constant 32 : i32
      %add3A_438 = arith.addi %add3A_417, %add3A_437 : i32
      %add3A_439 = vector.broadcast %add3A_438 : i32 to vector<16xi32>
      %add3A_440 = arith.addi %add3A_439, %iota3A : vector<16xi32>
      %gather3A_441 = tpu.vector_load_idx %arg5[%add3A_440] : memref<16392xf32, #tpu.memory_space<vmem>>[vector<16xi32>], vector<16xf32>,
      %add3A_442 = arith.constant 4 : i32
      %add3A_443 = vector.broadcast %add3A_442 : i32 to vector<16xi32>
      %add3A_444 = arith.addi %add3A_421, %add3A_443 : vector<16xi32>
      tpu.vector_store_idx %arg7[%add3A_444, %and3A_12], %gather3A_441 : memref<2048x8xf32, #tpu.memory_space<vmem>>[vector<16xi32>, vector<16xi32>], vector<16xf32>,
      %add3A_445 = arith.constant 48 : i32
      %add3A_446 = arith.addi %add3A_417, %add3A_445 : i32
      %add3A_447 = vector.broadcast %add3A_446 : i32 to vector<16xi32>
      %add3A_448 = arith.addi %add3A_447, %iota3A : vector<16xi32>
      %gather3A_449 = tpu.vector_load_idx %arg5[%add3A_448] : memref<16392xf32, #tpu.memory_space<vmem>>[vector<16xi32>], vector<16xf32>,
      %add3A_450 = arith.constant 6 : i32
      %add3A_451 = vector.broadcast %add3A_450 : i32 to vector<16xi32>
      %add3A_452 = arith.addi %add3A_421, %add3A_451 : vector<16xi32>
      tpu.vector_store_idx %arg7[%add3A_452, %and3A_12], %gather3A_449 : memref<2048x8xf32, #tpu.memory_space<vmem>>[vector<16xi32>, vector<16xi32>], vector<16xf32>,
      %add3A_453 = arith.constant 64 : i32
      %add3A_454 = arith.addi %add3A_417, %add3A_453 : i32
      %add3A_455 = vector.broadcast %add3A_454 : i32 to vector<16xi32>
      %add3A_456 = arith.addi %add3A_455, %iota3A : vector<16xi32>
      %gather3A_457 = tpu.vector_load_idx %arg5[%add3A_456] : memref<16392xf32, #tpu.memory_space<vmem>>[vector<16xi32>], vector<16xf32>,
      %add3A_458 = arith.constant 8 : i32
      %add3A_459 = vector.broadcast %add3A_458 : i32 to vector<16xi32>
      %add3A_460 = arith.addi %add3A_421, %add3A_459 : vector<16xi32>
      tpu.vector_store_idx %arg7[%add3A_460, %and3A_12], %gather3A_457 : memref<2048x8xf32, #tpu.memory_space<vmem>>[vector<16xi32>, vector<16xi32>], vector<16xf32>,
      %add3A_461 = arith.constant 80 : i32
      %add3A_462 = arith.addi %add3A_417, %add3A_461 : i32
      %add3A_463 = vector.broadcast %add3A_462 : i32 to vector<16xi32>
      %add3A_464 = arith.addi %add3A_463, %iota3A : vector<16xi32>
      %gather3A_465 = tpu.vector_load_idx %arg5[%add3A_464] : memref<16392xf32, #tpu.memory_space<vmem>>[vector<16xi32>], vector<16xf32>,
      %add3A_466 = arith.constant 10 : i32
      %add3A_467 = vector.broadcast %add3A_466 : i32 to vector<16xi32>
      %add3A_468 = arith.addi %add3A_421, %add3A_467 : vector<16xi32>
      tpu.vector_store_idx %arg7[%add3A_468, %and3A_12], %gather3A_465 : memref<2048x8xf32, #tpu.memory_space<vmem>>[vector<16xi32>, vector<16xi32>], vector<16xf32>,
      %add3A_469 = arith.constant 96 : i32
      %add3A_470 = arith.addi %add3A_417, %add3A_469 : i32
      %add3A_471 = vector.broadcast %add3A_470 : i32 to vector<16xi32>
      %add3A_472 = arith.addi %add3A_471, %iota3A : vector<16xi32>
      %gather3A_473 = tpu.vector_load_idx %arg5[%add3A_472] : memref<16392xf32, #tpu.memory_space<vmem>>[vector<16xi32>], vector<16xf32>,
      %add3A_474 = arith.constant 12 : i32
      %add3A_475 = vector.broadcast %add3A_474 : i32 to vector<16xi32>
      %add3A_476 = arith.addi %add3A_421, %add3A_475 : vector<16xi32>
      tpu.vector_store_idx %arg7[%add3A_476, %and3A_12], %gather3A_473 : memref<2048x8xf32, #tpu.memory_space<vmem>>[vector<16xi32>, vector<16xi32>], vector<16xf32>,
      %add3A_477 = arith.constant 112 : i32
      %add3A_478 = arith.addi %add3A_417, %add3A_477 : i32
      %add3A_479 = vector.broadcast %add3A_478 : i32 to vector<16xi32>
      %add3A_480 = arith.addi %add3A_479, %iota3A : vector<16xi32>
      %gather3A_481 = tpu.vector_load_idx %arg5[%add3A_480] : memref<16392xf32, #tpu.memory_space<vmem>>[vector<16xi32>], vector<16xf32>,
      %add3A_482 = arith.constant 14 : i32
      %add3A_483 = vector.broadcast %add3A_482 : i32 to vector<16xi32>
      %add3A_484 = arith.addi %add3A_421, %add3A_483 : vector<16xi32>
      tpu.vector_store_idx %arg7[%add3A_484, %and3A_12], %gather3A_481 : memref<2048x8xf32, #tpu.memory_space<vmem>>[vector<16xi32>, vector<16xi32>], vector<16xf32>,
    }
    %scan3A_45 = arith.constant 128 : i32
    %add3A_46 = arith.constant 2048 : i32
    %add3A_47 = arith.addi %mul3A_6, %add3A_46 : i32
    %dma_start3A_48 = arith.constant 0 : i32
    %dma_start3A_49 = tpu.memref_slice %arg3[%add3A_47, %dma_start3A_48] : memref<1048576x8xf32, #tpu.memory_space<hbm>> -> memref<2048x8xf32, #tpu.memory_space<hbm>>
    %dma_start3A_50 = arith.constant 0 : i32
    %dma_start3A_51 = tpu.memref_slice %arg3[%add3A_47, %dma_start3A_50] : memref<1048576x8xf32, #tpu.memory_space<hbm>> -> memref<2048x8xf32, #tpu.memory_space<hbm>>
    tpu.enqueue_dma source(%arg7 : memref<2048x8xf32, #tpu.memory_space<vmem>>) target(%dma_start3A_51 : memref<2048x8xf32, #tpu.memory_space<hbm>>) target_semaphore(%arg9 : memref<!tpu.dma_semaphore, #tpu.memory_space<semaphore_mem>>)
    %add3A_52 = arith.constant 32768 : i32
    %add3A_53 = arith.addi %mul3A_4, %add3A_52 : i32
    %dma_wait3A_54 = tpu.memref_slice %arg2[%add3A_53] : memref<1048584xf32, #tpu.memory_space<hbm>> -> memref<16392xf32, #tpu.memory_space<hbm>>
    %dma_wait3A_55 = tpu.memref_slice %arg2[%add3A_53] : memref<1048584xf32, #tpu.memory_space<hbm>> -> memref<16392xf32, #tpu.memory_space<hbm>>
    tpu.wait_dma2 semaphore(%arg8 : memref<!tpu.dma_semaphore, #tpu.memory_space<semaphore_mem>>) src(%dma_wait3A_55 : memref<16392xf32, #tpu.memory_space<hbm>>) dst(%arg4 : memref<16392xf32, #tpu.memory_space<vmem>>)
    %add3A_56 = arith.constant 49152 : i32
    %add3A_57 = arith.addi %mul3A_4, %add3A_56 : i32
    %dma_start3A_58 = tpu.memref_slice %arg2[%add3A_57] : memref<1048584xf32, #tpu.memory_space<hbm>> -> memref<16392xf32, #tpu.memory_space<hbm>>
    %dma_start3A_59 = tpu.memref_slice %arg2[%add3A_57] : memref<1048584xf32, #tpu.memory_space<hbm>> -> memref<16392xf32, #tpu.memory_space<hbm>>
    tpu.enqueue_dma source(%dma_start3A_59 : memref<16392xf32, #tpu.memory_space<hbm>>) target(%arg5 : memref<16392xf32, #tpu.memory_space<vmem>>) target_semaphore(%arg8 : memref<!tpu.dma_semaphore, #tpu.memory_space<semaphore_mem>>)
    %add3A_60 = arith.constant 0 : i32
    %add3A_61 = arith.addi %mul3A_6, %add3A_60 : i32
    %dma_wait3A_62 = arith.constant 0 : i32
    %dma_wait3A_63 = tpu.memref_slice %arg3[%add3A_61, %dma_wait3A_62] : memref<1048576x8xf32, #tpu.memory_space<hbm>> -> memref<2048x8xf32, #tpu.memory_space<hbm>>
    %dma_wait3A_64 = arith.constant 0 : i32
    %dma_wait3A_65 = tpu.memref_slice %arg3[%add3A_61, %dma_wait3A_64] : memref<1048576x8xf32, #tpu.memory_space<hbm>> -> memref<2048x8xf32, #tpu.memory_space<hbm>>
    tpu.wait_dma2 semaphore(%arg9 : memref<!tpu.dma_semaphore, #tpu.memory_space<semaphore_mem>>) src(%arg6 : memref<2048x8xf32, #tpu.memory_space<vmem>>) dst(%dma_wait3A_65 : memref<2048x8xf32, #tpu.memory_space<hbm>>)
    %scan3A_66 = arith.constant 0 : i32
    %scan3A_67 = arith.constant 128 : i32
    %scan3A_68 = arith.addi %scan3A_66, %scan3A_67 : i32
    %scan3A_69 = arith.constant 1 : i32
    scf.for %scan3A_410 = %scan3A_66 to %scan3A_68 step %scan3A_69  : i32 {
      %mul3A_411 = arith.constant 1 : i32
      %mul3A_412 = arith.muli %scan3A_410, %mul3A_411 : i32
      %add3A_413 = arith.constant 0 : i32
      %add3A_414 = arith.addi %add3A_413, %mul3A_412 : i32
      %mul3A_415 = arith.constant 128 : i32
      %mul3A_416 = arith.muli %add3A_414, %mul3A_415 : i32
      %add3A_417 = arith.addi %mul3A_416, %shift_right_arithmetic3A_1 : i32
      %mul3A_418 = arith.constant 16 : i32
      %mul3A_419 = arith.muli %mul3A_418, %add3A_414 : i32
      %add3A_420 = vector.broadcast %mul3A_419 : i32 to vector<16xi32>
      %add3A_421 = arith.addi %add3A_420, %shift_right_arithmetic3A_9 : vector<16xi32>
      %add3A_422 = arith.constant 0 : i32
      %add3A_423 = arith.addi %add3A_417, %add3A_422 : i32
      %add3A_424 = vector.broadcast %add3A_423 : i32 to vector<16xi32>
      %add3A_425 = arith.addi %add3A_424, %iota3A : vector<16xi32>
      %gather3A = tpu.vector_load_idx %arg4[%add3A_425] : memref<16392xf32, #tpu.memory_space<vmem>>[vector<16xi32>], vector<16xf32>,
      %add3A_426 = arith.constant 0 : i32
      %add3A_427 = vector.broadcast %add3A_426 : i32 to vector<16xi32>
      %add3A_428 = arith.addi %add3A_421, %add3A_427 : vector<16xi32>
      tpu.vector_store_idx %arg6[%add3A_428, %and3A_12], %gather3A : memref<2048x8xf32, #tpu.memory_space<vmem>>[vector<16xi32>, vector<16xi32>], vector<16xf32>,
      %add3A_429 = arith.constant 16 : i32
      %add3A_430 = arith.addi %add3A_417, %add3A_429 : i32
      %add3A_431 = vector.broadcast %add3A_430 : i32 to vector<16xi32>
      %add3A_432 = arith.addi %add3A_431, %iota3A : vector<16xi32>
      %gather3A_433 = tpu.vector_load_idx %arg4[%add3A_432] : memref<16392xf32, #tpu.memory_space<vmem>>[vector<16xi32>], vector<16xf32>,
      %add3A_434 = arith.constant 2 : i32
      %add3A_435 = vector.broadcast %add3A_434 : i32 to vector<16xi32>
      %add3A_436 = arith.addi %add3A_421, %add3A_435 : vector<16xi32>
      tpu.vector_store_idx %arg6[%add3A_436, %and3A_12], %gather3A_433 : memref<2048x8xf32, #tpu.memory_space<vmem>>[vector<16xi32>, vector<16xi32>], vector<16xf32>,
      %add3A_437 = arith.constant 32 : i32
      %add3A_438 = arith.addi %add3A_417, %add3A_437 : i32
      %add3A_439 = vector.broadcast %add3A_438 : i32 to vector<16xi32>
      %add3A_440 = arith.addi %add3A_439, %iota3A : vector<16xi32>
      %gather3A_441 = tpu.vector_load_idx %arg4[%add3A_440] : memref<16392xf32, #tpu.memory_space<vmem>>[vector<16xi32>], vector<16xf32>,
      %add3A_442 = arith.constant 4 : i32
      %add3A_443 = vector.broadcast %add3A_442 : i32 to vector<16xi32>
      %add3A_444 = arith.addi %add3A_421, %add3A_443 : vector<16xi32>
      tpu.vector_store_idx %arg6[%add3A_444, %and3A_12], %gather3A_441 : memref<2048x8xf32, #tpu.memory_space<vmem>>[vector<16xi32>, vector<16xi32>], vector<16xf32>,
      %add3A_445 = arith.constant 48 : i32
      %add3A_446 = arith.addi %add3A_417, %add3A_445 : i32
      %add3A_447 = vector.broadcast %add3A_446 : i32 to vector<16xi32>
      %add3A_448 = arith.addi %add3A_447, %iota3A : vector<16xi32>
      %gather3A_449 = tpu.vector_load_idx %arg4[%add3A_448] : memref<16392xf32, #tpu.memory_space<vmem>>[vector<16xi32>], vector<16xf32>,
      %add3A_450 = arith.constant 6 : i32
      %add3A_451 = vector.broadcast %add3A_450 : i32 to vector<16xi32>
      %add3A_452 = arith.addi %add3A_421, %add3A_451 : vector<16xi32>
      tpu.vector_store_idx %arg6[%add3A_452, %and3A_12], %gather3A_449 : memref<2048x8xf32, #tpu.memory_space<vmem>>[vector<16xi32>, vector<16xi32>], vector<16xf32>,
      %add3A_453 = arith.constant 64 : i32
      %add3A_454 = arith.addi %add3A_417, %add3A_453 : i32
      %add3A_455 = vector.broadcast %add3A_454 : i32 to vector<16xi32>
      %add3A_456 = arith.addi %add3A_455, %iota3A : vector<16xi32>
      %gather3A_457 = tpu.vector_load_idx %arg4[%add3A_456] : memref<16392xf32, #tpu.memory_space<vmem>>[vector<16xi32>], vector<16xf32>,
      %add3A_458 = arith.constant 8 : i32
      %add3A_459 = vector.broadcast %add3A_458 : i32 to vector<16xi32>
      %add3A_460 = arith.addi %add3A_421, %add3A_459 : vector<16xi32>
      tpu.vector_store_idx %arg6[%add3A_460, %and3A_12], %gather3A_457 : memref<2048x8xf32, #tpu.memory_space<vmem>>[vector<16xi32>, vector<16xi32>], vector<16xf32>,
      %add3A_461 = arith.constant 80 : i32
      %add3A_462 = arith.addi %add3A_417, %add3A_461 : i32
      %add3A_463 = vector.broadcast %add3A_462 : i32 to vector<16xi32>
      %add3A_464 = arith.addi %add3A_463, %iota3A : vector<16xi32>
      %gather3A_465 = tpu.vector_load_idx %arg4[%add3A_464] : memref<16392xf32, #tpu.memory_space<vmem>>[vector<16xi32>], vector<16xf32>,
      %add3A_466 = arith.constant 10 : i32
      %add3A_467 = vector.broadcast %add3A_466 : i32 to vector<16xi32>
      %add3A_468 = arith.addi %add3A_421, %add3A_467 : vector<16xi32>
      tpu.vector_store_idx %arg6[%add3A_468, %and3A_12], %gather3A_465 : memref<2048x8xf32, #tpu.memory_space<vmem>>[vector<16xi32>, vector<16xi32>], vector<16xf32>,
      %add3A_469 = arith.constant 96 : i32
      %add3A_470 = arith.addi %add3A_417, %add3A_469 : i32
      %add3A_471 = vector.broadcast %add3A_470 : i32 to vector<16xi32>
      %add3A_472 = arith.addi %add3A_471, %iota3A : vector<16xi32>
      %gather3A_473 = tpu.vector_load_idx %arg4[%add3A_472] : memref<16392xf32, #tpu.memory_space<vmem>>[vector<16xi32>], vector<16xf32>,
      %add3A_474 = arith.constant 12 : i32
      %add3A_475 = vector.broadcast %add3A_474 : i32 to vector<16xi32>
      %add3A_476 = arith.addi %add3A_421, %add3A_475 : vector<16xi32>
      tpu.vector_store_idx %arg6[%add3A_476, %and3A_12], %gather3A_473 : memref<2048x8xf32, #tpu.memory_space<vmem>>[vector<16xi32>, vector<16xi32>], vector<16xf32>,
      %add3A_477 = arith.constant 112 : i32
      %add3A_478 = arith.addi %add3A_417, %add3A_477 : i32
      %add3A_479 = vector.broadcast %add3A_478 : i32 to vector<16xi32>
      %add3A_480 = arith.addi %add3A_479, %iota3A : vector<16xi32>
      %gather3A_481 = tpu.vector_load_idx %arg4[%add3A_480] : memref<16392xf32, #tpu.memory_space<vmem>>[vector<16xi32>], vector<16xf32>,
      %add3A_482 = arith.constant 14 : i32
      %add3A_483 = vector.broadcast %add3A_482 : i32 to vector<16xi32>
      %add3A_484 = arith.addi %add3A_421, %add3A_483 : vector<16xi32>
      tpu.vector_store_idx %arg6[%add3A_484, %and3A_12], %gather3A_481 : memref<2048x8xf32, #tpu.memory_space<vmem>>[vector<16xi32>, vector<16xi32>], vector<16xf32>,
    }
    %scan3A_70 = arith.constant 128 : i32
    %add3A_71 = arith.constant 4096 : i32
    %add3A_72 = arith.addi %mul3A_6, %add3A_71 : i32
    %dma_start3A_73 = arith.constant 0 : i32
    %dma_start3A_74 = tpu.memref_slice %arg3[%add3A_72, %dma_start3A_73] : memref<1048576x8xf32, #tpu.memory_space<hbm>> -> memref<2048x8xf32, #tpu.memory_space<hbm>>
    %dma_start3A_75 = arith.constant 0 : i32
    %dma_start3A_76 = tpu.memref_slice %arg3[%add3A_72, %dma_start3A_75] : memref<1048576x8xf32, #tpu.memory_space<hbm>> -> memref<2048x8xf32, #tpu.memory_space<hbm>>
    tpu.enqueue_dma source(%arg6 : memref<2048x8xf32, #tpu.memory_space<vmem>>) target(%dma_start3A_76 : memref<2048x8xf32, #tpu.memory_space<hbm>>) target_semaphore(%arg9 : memref<!tpu.dma_semaphore, #tpu.memory_space<semaphore_mem>>)
    %add3A_77 = arith.constant 49152 : i32
    %add3A_78 = arith.addi %mul3A_4, %add3A_77 : i32
    %dma_wait3A_79 = tpu.memref_slice %arg2[%add3A_78] : memref<1048584xf32, #tpu.memory_space<hbm>> -> memref<16392xf32, #tpu.memory_space<hbm>>
    %dma_wait3A_80 = tpu.memref_slice %arg2[%add3A_78] : memref<1048584xf32, #tpu.memory_space<hbm>> -> memref<16392xf32, #tpu.memory_space<hbm>>
    tpu.wait_dma2 semaphore(%arg8 : memref<!tpu.dma_semaphore, #tpu.memory_space<semaphore_mem>>) src(%dma_wait3A_80 : memref<16392xf32, #tpu.memory_space<hbm>>) dst(%arg5 : memref<16392xf32, #tpu.memory_space<vmem>>)
    %add3A_81 = arith.constant 65536 : i32
    %add3A_82 = arith.addi %mul3A_4, %add3A_81 : i32
    %dma_start3A_83 = tpu.memref_slice %arg2[%add3A_82] : memref<1048584xf32, #tpu.memory_space<hbm>> -> memref<16392xf32, #tpu.memory_space<hbm>>
    %dma_start3A_84 = tpu.memref_slice %arg2[%add3A_82] : memref<1048584xf32, #tpu.memory_space<hbm>> -> memref<16392xf32, #tpu.memory_space<hbm>>
    tpu.enqueue_dma source(%dma_start3A_84 : memref<16392xf32, #tpu.memory_space<hbm>>) target(%arg4 : memref<16392xf32, #tpu.memory_space<vmem>>) target_semaphore(%arg8 : memref<!tpu.dma_semaphore, #tpu.memory_space<semaphore_mem>>)
    %add3A_85 = arith.constant 2048 : i32
    %add3A_86 = arith.addi %mul3A_6, %add3A_85 : i32
    %dma_wait3A_87 = arith.constant 0 : i32
    %dma_wait3A_88 = tpu.memref_slice %arg3[%add3A_86, %dma_wait3A_87] : memref<1048576x8xf32, #tpu.memory_space<hbm>> -> memref<2048x8xf32, #tpu.memory_space<hbm>>
    %dma_wait3A_89 = arith.constant 0 : i32
    %dma_wait3A_90 = tpu.memref_slice %arg3[%add3A_86, %dma_wait3A_89] : memref<1048576x8xf32, #tpu.memory_space<hbm>> -> memref<2048x8xf32, #tpu.memory_space<hbm>>
    tpu.wait_dma2 semaphore(%arg9 : memref<!tpu.dma_semaphore, #tpu.memory_space<semaphore_mem>>) src(%arg7 : memref<2048x8xf32, #tpu.memory_space<vmem>>) dst(%dma_wait3A_90 : memref<2048x8xf32, #tpu.memory_space<hbm>>)
    %scan3A_91 = arith.constant 0 : i32
    %scan3A_92 = arith.constant 128 : i32
    %scan3A_93 = arith.addi %scan3A_91, %scan3A_92 : i32
    %scan3A_94 = arith.constant 1 : i32
    scf.for %scan3A_410 = %scan3A_91 to %scan3A_93 step %scan3A_94  : i32 {
      %mul3A_411 = arith.constant 1 : i32
      %mul3A_412 = arith.muli %scan3A_410, %mul3A_411 : i32
      %add3A_413 = arith.constant 0 : i32
      %add3A_414 = arith.addi %add3A_413, %mul3A_412 : i32
      %mul3A_415 = arith.constant 128 : i32
      %mul3A_416 = arith.muli %add3A_414, %mul3A_415 : i32
      %add3A_417 = arith.addi %mul3A_416, %shift_right_arithmetic3A_1 : i32
      %mul3A_418 = arith.constant 16 : i32
      %mul3A_419 = arith.muli %mul3A_418, %add3A_414 : i32
      %add3A_420 = vector.broadcast %mul3A_419 : i32 to vector<16xi32>
      %add3A_421 = arith.addi %add3A_420, %shift_right_arithmetic3A_9 : vector<16xi32>
      %add3A_422 = arith.constant 0 : i32
      %add3A_423 = arith.addi %add3A_417, %add3A_422 : i32
      %add3A_424 = vector.broadcast %add3A_423 : i32 to vector<16xi32>
      %add3A_425 = arith.addi %add3A_424, %iota3A : vector<16xi32>
      %gather3A = tpu.vector_load_idx %arg5[%add3A_425] : memref<16392xf32, #tpu.memory_space<vmem>>[vector<16xi32>], vector<16xf32>,
      %add3A_426 = arith.constant 0 : i32
      %add3A_427 = vector.broadcast %add3A_426 : i32 to vector<16xi32>
      %add3A_428 = arith.addi %add3A_421, %add3A_427 : vector<16xi32>
      tpu.vector_store_idx %arg7[%add3A_428, %and3A_12], %gather3A : memref<2048x8xf32, #tpu.memory_space<vmem>>[vector<16xi32>, vector<16xi32>], vector<16xf32>,
      %add3A_429 = arith.constant 16 : i32
      %add3A_430 = arith.addi %add3A_417, %add3A_429 : i32
      %add3A_431 = vector.broadcast %add3A_430 : i32 to vector<16xi32>
      %add3A_432 = arith.addi %add3A_431, %iota3A : vector<16xi32>
      %gather3A_433 = tpu.vector_load_idx %arg5[%add3A_432] : memref<16392xf32, #tpu.memory_space<vmem>>[vector<16xi32>], vector<16xf32>,
      %add3A_434 = arith.constant 2 : i32
      %add3A_435 = vector.broadcast %add3A_434 : i32 to vector<16xi32>
      %add3A_436 = arith.addi %add3A_421, %add3A_435 : vector<16xi32>
      tpu.vector_store_idx %arg7[%add3A_436, %and3A_12], %gather3A_433 : memref<2048x8xf32, #tpu.memory_space<vmem>>[vector<16xi32>, vector<16xi32>], vector<16xf32>,
      %add3A_437 = arith.constant 32 : i32
      %add3A_438 = arith.addi %add3A_417, %add3A_437 : i32
      %add3A_439 = vector.broadcast %add3A_438 : i32 to vector<16xi32>
      %add3A_440 = arith.addi %add3A_439, %iota3A : vector<16xi32>
      %gather3A_441 = tpu.vector_load_idx %arg5[%add3A_440] : memref<16392xf32, #tpu.memory_space<vmem>>[vector<16xi32>], vector<16xf32>,
      %add3A_442 = arith.constant 4 : i32
      %add3A_443 = vector.broadcast %add3A_442 : i32 to vector<16xi32>
      %add3A_444 = arith.addi %add3A_421, %add3A_443 : vector<16xi32>
      tpu.vector_store_idx %arg7[%add3A_444, %and3A_12], %gather3A_441 : memref<2048x8xf32, #tpu.memory_space<vmem>>[vector<16xi32>, vector<16xi32>], vector<16xf32>,
      %add3A_445 = arith.constant 48 : i32
      %add3A_446 = arith.addi %add3A_417, %add3A_445 : i32
      %add3A_447 = vector.broadcast %add3A_446 : i32 to vector<16xi32>
      %add3A_448 = arith.addi %add3A_447, %iota3A : vector<16xi32>
      %gather3A_449 = tpu.vector_load_idx %arg5[%add3A_448] : memref<16392xf32, #tpu.memory_space<vmem>>[vector<16xi32>], vector<16xf32>,
      %add3A_450 = arith.constant 6 : i32
      %add3A_451 = vector.broadcast %add3A_450 : i32 to vector<16xi32>
      %add3A_452 = arith.addi %add3A_421, %add3A_451 : vector<16xi32>
      tpu.vector_store_idx %arg7[%add3A_452, %and3A_12], %gather3A_449 : memref<2048x8xf32, #tpu.memory_space<vmem>>[vector<16xi32>, vector<16xi32>], vector<16xf32>,
      %add3A_453 = arith.constant 64 : i32
      %add3A_454 = arith.addi %add3A_417, %add3A_453 : i32
      %add3A_455 = vector.broadcast %add3A_454 : i32 to vector<16xi32>
      %add3A_456 = arith.addi %add3A_455, %iota3A : vector<16xi32>
      %gather3A_457 = tpu.vector_load_idx %arg5[%add3A_456] : memref<16392xf32, #tpu.memory_space<vmem>>[vector<16xi32>], vector<16xf32>,
      %add3A_458 = arith.constant 8 : i32
      %add3A_459 = vector.broadcast %add3A_458 : i32 to vector<16xi32>
      %add3A_460 = arith.addi %add3A_421, %add3A_459 : vector<16xi32>
      tpu.vector_store_idx %arg7[%add3A_460, %and3A_12], %gather3A_457 : memref<2048x8xf32, #tpu.memory_space<vmem>>[vector<16xi32>, vector<16xi32>], vector<16xf32>,
      %add3A_461 = arith.constant 80 : i32
      %add3A_462 = arith.addi %add3A_417, %add3A_461 : i32
      %add3A_463 = vector.broadcast %add3A_462 : i32 to vector<16xi32>
      %add3A_464 = arith.addi %add3A_463, %iota3A : vector<16xi32>
      %gather3A_465 = tpu.vector_load_idx %arg5[%add3A_464] : memref<16392xf32, #tpu.memory_space<vmem>>[vector<16xi32>], vector<16xf32>,
      %add3A_466 = arith.constant 10 : i32
      %add3A_467 = vector.broadcast %add3A_466 : i32 to vector<16xi32>
      %add3A_468 = arith.addi %add3A_421, %add3A_467 : vector<16xi32>
      tpu.vector_store_idx %arg7[%add3A_468, %and3A_12], %gather3A_465 : memref<2048x8xf32, #tpu.memory_space<vmem>>[vector<16xi32>, vector<16xi32>], vector<16xf32>,
      %add3A_469 = arith.constant 96 : i32
      %add3A_470 = arith.addi %add3A_417, %add3A_469 : i32
      %add3A_471 = vector.broadcast %add3A_470 : i32 to vector<16xi32>
      %add3A_472 = arith.addi %add3A_471, %iota3A : vector<16xi32>
      %gather3A_473 = tpu.vector_load_idx %arg5[%add3A_472] : memref<16392xf32, #tpu.memory_space<vmem>>[vector<16xi32>], vector<16xf32>,
      %add3A_474 = arith.constant 12 : i32
      %add3A_475 = vector.broadcast %add3A_474 : i32 to vector<16xi32>
      %add3A_476 = arith.addi %add3A_421, %add3A_475 : vector<16xi32>
      tpu.vector_store_idx %arg7[%add3A_476, %and3A_12], %gather3A_473 : memref<2048x8xf32, #tpu.memory_space<vmem>>[vector<16xi32>, vector<16xi32>], vector<16xf32>,
      %add3A_477 = arith.constant 112 : i32
      %add3A_478 = arith.addi %add3A_417, %add3A_477 : i32
      %add3A_479 = vector.broadcast %add3A_478 : i32 to vector<16xi32>
      %add3A_480 = arith.addi %add3A_479, %iota3A : vector<16xi32>
      %gather3A_481 = tpu.vector_load_idx %arg5[%add3A_480] : memref<16392xf32, #tpu.memory_space<vmem>>[vector<16xi32>], vector<16xf32>,
      %add3A_482 = arith.constant 14 : i32
      %add3A_483 = vector.broadcast %add3A_482 : i32 to vector<16xi32>
      %add3A_484 = arith.addi %add3A_421, %add3A_483 : vector<16xi32>
      tpu.vector_store_idx %arg7[%add3A_484, %and3A_12], %gather3A_481 : memref<2048x8xf32, #tpu.memory_space<vmem>>[vector<16xi32>, vector<16xi32>], vector<16xf32>,
    }
    %scan3A_95 = arith.constant 128 : i32
    %add3A_96 = arith.constant 6144 : i32
    %add3A_97 = arith.addi %mul3A_6, %add3A_96 : i32
    %dma_start3A_98 = arith.constant 0 : i32
    %dma_start3A_99 = tpu.memref_slice %arg3[%add3A_97, %dma_start3A_98] : memref<1048576x8xf32, #tpu.memory_space<hbm>> -> memref<2048x8xf32, #tpu.memory_space<hbm>>
    %dma_start3A_100 = arith.constant 0 : i32
    %dma_start3A_101 = tpu.memref_slice %arg3[%add3A_97, %dma_start3A_100] : memref<1048576x8xf32, #tpu.memory_space<hbm>> -> memref<2048x8xf32, #tpu.memory_space<hbm>>
    tpu.enqueue_dma source(%arg7 : memref<2048x8xf32, #tpu.memory_space<vmem>>) target(%dma_start3A_101 : memref<2048x8xf32, #tpu.memory_space<hbm>>) target_semaphore(%arg9 : memref<!tpu.dma_semaphore, #tpu.memory_space<semaphore_mem>>)
    %add3A_102 = arith.constant 65536 : i32
    %add3A_103 = arith.addi %mul3A_4, %add3A_102 : i32
    %dma_wait3A_104 = tpu.memref_slice %arg2[%add3A_103] : memref<1048584xf32, #tpu.memory_space<hbm>> -> memref<16392xf32, #tpu.memory_space<hbm>>
    %dma_wait3A_105 = tpu.memref_slice %arg2[%add3A_103] : memref<1048584xf32, #tpu.memory_space<hbm>> -> memref<16392xf32, #tpu.memory_space<hbm>>
    tpu.wait_dma2 semaphore(%arg8 : memref<!tpu.dma_semaphore, #tpu.memory_space<semaphore_mem>>) src(%dma_wait3A_105 : memref<16392xf32, #tpu.memory_space<hbm>>) dst(%arg4 : memref<16392xf32, #tpu.memory_space<vmem>>)
    %add3A_106 = arith.constant 81920 : i32
    %add3A_107 = arith.addi %mul3A_4, %add3A_106 : i32
    %dma_start3A_108 = tpu.memref_slice %arg2[%add3A_107] : memref<1048584xf32, #tpu.memory_space<hbm>> -> memref<16392xf32, #tpu.memory_space<hbm>>
    %dma_start3A_109 = tpu.memref_slice %arg2[%add3A_107] : memref<1048584xf32, #tpu.memory_space<hbm>> -> memref<16392xf32, #tpu.memory_space<hbm>>
    tpu.enqueue_dma source(%dma_start3A_109 : memref<16392xf32, #tpu.memory_space<hbm>>) target(%arg5 : memref<16392xf32, #tpu.memory_space<vmem>>) target_semaphore(%arg8 : memref<!tpu.dma_semaphore, #tpu.memory_space<semaphore_mem>>)
    %add3A_110 = arith.constant 4096 : i32
    %add3A_111 = arith.addi %mul3A_6, %add3A_110 : i32
    %dma_wait3A_112 = arith.constant 0 : i32
    %dma_wait3A_113 = tpu.memref_slice %arg3[%add3A_111, %dma_wait3A_112] : memref<1048576x8xf32, #tpu.memory_space<hbm>> -> memref<2048x8xf32, #tpu.memory_space<hbm>>
    %dma_wait3A_114 = arith.constant 0 : i32
    %dma_wait3A_115 = tpu.memref_slice %arg3[%add3A_111, %dma_wait3A_114] : memref<1048576x8xf32, #tpu.memory_space<hbm>> -> memref<2048x8xf32, #tpu.memory_space<hbm>>
    tpu.wait_dma2 semaphore(%arg9 : memref<!tpu.dma_semaphore, #tpu.memory_space<semaphore_mem>>) src(%arg6 : memref<2048x8xf32, #tpu.memory_space<vmem>>) dst(%dma_wait3A_115 : memref<2048x8xf32, #tpu.memory_space<hbm>>)
    %scan3A_116 = arith.constant 0 : i32
    %scan3A_117 = arith.constant 128 : i32
    %scan3A_118 = arith.addi %scan3A_116, %scan3A_117 : i32
    %scan3A_119 = arith.constant 1 : i32
    scf.for %scan3A_410 = %scan3A_116 to %scan3A_118 step %scan3A_119  : i32 {
      %mul3A_411 = arith.constant 1 : i32
      %mul3A_412 = arith.muli %scan3A_410, %mul3A_411 : i32
      %add3A_413 = arith.constant 0 : i32
      %add3A_414 = arith.addi %add3A_413, %mul3A_412 : i32
      %mul3A_415 = arith.constant 128 : i32
      %mul3A_416 = arith.muli %add3A_414, %mul3A_415 : i32
      %add3A_417 = arith.addi %mul3A_416, %shift_right_arithmetic3A_1 : i32
      %mul3A_418 = arith.constant 16 : i32
      %mul3A_419 = arith.muli %mul3A_418, %add3A_414 : i32
      %add3A_420 = vector.broadcast %mul3A_419 : i32 to vector<16xi32>
      %add3A_421 = arith.addi %add3A_420, %shift_right_arithmetic3A_9 : vector<16xi32>
      %add3A_422 = arith.constant 0 : i32
      %add3A_423 = arith.addi %add3A_417, %add3A_422 : i32
      %add3A_424 = vector.broadcast %add3A_423 : i32 to vector<16xi32>
      %add3A_425 = arith.addi %add3A_424, %iota3A : vector<16xi32>
      %gather3A = tpu.vector_load_idx %arg4[%add3A_425] : memref<16392xf32, #tpu.memory_space<vmem>>[vector<16xi32>], vector<16xf32>,
      %add3A_426 = arith.constant 0 : i32
      %add3A_427 = vector.broadcast %add3A_426 : i32 to vector<16xi32>
      %add3A_428 = arith.addi %add3A_421, %add3A_427 : vector<16xi32>
      tpu.vector_store_idx %arg6[%add3A_428, %and3A_12], %gather3A : memref<2048x8xf32, #tpu.memory_space<vmem>>[vector<16xi32>, vector<16xi32>], vector<16xf32>,
      %add3A_429 = arith.constant 16 : i32
      %add3A_430 = arith.addi %add3A_417, %add3A_429 : i32
      %add3A_431 = vector.broadcast %add3A_430 : i32 to vector<16xi32>
      %add3A_432 = arith.addi %add3A_431, %iota3A : vector<16xi32>
      %gather3A_433 = tpu.vector_load_idx %arg4[%add3A_432] : memref<16392xf32, #tpu.memory_space<vmem>>[vector<16xi32>], vector<16xf32>,
      %add3A_434 = arith.constant 2 : i32
      %add3A_435 = vector.broadcast %add3A_434 : i32 to vector<16xi32>
      %add3A_436 = arith.addi %add3A_421, %add3A_435 : vector<16xi32>
      tpu.vector_store_idx %arg6[%add3A_436, %and3A_12], %gather3A_433 : memref<2048x8xf32, #tpu.memory_space<vmem>>[vector<16xi32>, vector<16xi32>], vector<16xf32>,
      %add3A_437 = arith.constant 32 : i32
      %add3A_438 = arith.addi %add3A_417, %add3A_437 : i32
      %add3A_439 = vector.broadcast %add3A_438 : i32 to vector<16xi32>
      %add3A_440 = arith.addi %add3A_439, %iota3A : vector<16xi32>
      %gather3A_441 = tpu.vector_load_idx %arg4[%add3A_440] : memref<16392xf32, #tpu.memory_space<vmem>>[vector<16xi32>], vector<16xf32>,
      %add3A_442 = arith.constant 4 : i32
      %add3A_443 = vector.broadcast %add3A_442 : i32 to vector<16xi32>
      %add3A_444 = arith.addi %add3A_421, %add3A_443 : vector<16xi32>
      tpu.vector_store_idx %arg6[%add3A_444, %and3A_12], %gather3A_441 : memref<2048x8xf32, #tpu.memory_space<vmem>>[vector<16xi32>, vector<16xi32>], vector<16xf32>,
      %add3A_445 = arith.constant 48 : i32
      %add3A_446 = arith.addi %add3A_417, %add3A_445 : i32
      %add3A_447 = vector.broadcast %add3A_446 : i32 to vector<16xi32>
      %add3A_448 = arith.addi %add3A_447, %iota3A : vector<16xi32>
      %gather3A_449 = tpu.vector_load_idx %arg4[%add3A_448] : memref<16392xf32, #tpu.memory_space<vmem>>[vector<16xi32>], vector<16xf32>,
      %add3A_450 = arith.constant 6 : i32
      %add3A_451 = vector.broadcast %add3A_450 : i32 to vector<16xi32>
      %add3A_452 = arith.addi %add3A_421, %add3A_451 : vector<16xi32>
      tpu.vector_store_idx %arg6[%add3A_452, %and3A_12], %gather3A_449 : memref<2048x8xf32, #tpu.memory_space<vmem>>[vector<16xi32>, vector<16xi32>], vector<16xf32>,
      %add3A_453 = arith.constant 64 : i32
      %add3A_454 = arith.addi %add3A_417, %add3A_453 : i32
      %add3A_455 = vector.broadcast %add3A_454 : i32 to vector<16xi32>
      %add3A_456 = arith.addi %add3A_455, %iota3A : vector<16xi32>
      %gather3A_457 = tpu.vector_load_idx %arg4[%add3A_456] : memref<16392xf32, #tpu.memory_space<vmem>>[vector<16xi32>], vector<16xf32>,
      %add3A_458 = arith.constant 8 : i32
      %add3A_459 = vector.broadcast %add3A_458 : i32 to vector<16xi32>
      %add3A_460 = arith.addi %add3A_421, %add3A_459 : vector<16xi32>
      tpu.vector_store_idx %arg6[%add3A_460, %and3A_12], %gather3A_457 : memref<2048x8xf32, #tpu.memory_space<vmem>>[vector<16xi32>, vector<16xi32>], vector<16xf32>,
      %add3A_461 = arith.constant 80 : i32
      %add3A_462 = arith.addi %add3A_417, %add3A_461 : i32
      %add3A_463 = vector.broadcast %add3A_462 : i32 to vector<16xi32>
      %add3A_464 = arith.addi %add3A_463, %iota3A : vector<16xi32>
      %gather3A_465 = tpu.vector_load_idx %arg4[%add3A_464] : memref<16392xf32, #tpu.memory_space<vmem>>[vector<16xi32>], vector<16xf32>,
      %add3A_466 = arith.constant 10 : i32
      %add3A_467 = vector.broadcast %add3A_466 : i32 to vector<16xi32>
      %add3A_468 = arith.addi %add3A_421, %add3A_467 : vector<16xi32>
      tpu.vector_store_idx %arg6[%add3A_468, %and3A_12], %gather3A_465 : memref<2048x8xf32, #tpu.memory_space<vmem>>[vector<16xi32>, vector<16xi32>], vector<16xf32>,
      %add3A_469 = arith.constant 96 : i32
      %add3A_470 = arith.addi %add3A_417, %add3A_469 : i32
      %add3A_471 = vector.broadcast %add3A_470 : i32 to vector<16xi32>
      %add3A_472 = arith.addi %add3A_471, %iota3A : vector<16xi32>
      %gather3A_473 = tpu.vector_load_idx %arg4[%add3A_472] : memref<16392xf32, #tpu.memory_space<vmem>>[vector<16xi32>], vector<16xf32>,
      %add3A_474 = arith.constant 12 : i32
      %add3A_475 = vector.broadcast %add3A_474 : i32 to vector<16xi32>
      %add3A_476 = arith.addi %add3A_421, %add3A_475 : vector<16xi32>
      tpu.vector_store_idx %arg6[%add3A_476, %and3A_12], %gather3A_473 : memref<2048x8xf32, #tpu.memory_space<vmem>>[vector<16xi32>, vector<16xi32>], vector<16xf32>,
      %add3A_477 = arith.constant 112 : i32
      %add3A_478 = arith.addi %add3A_417, %add3A_477 : i32
      %add3A_479 = vector.broadcast %add3A_478 : i32 to vector<16xi32>
      %add3A_480 = arith.addi %add3A_479, %iota3A : vector<16xi32>
      %gather3A_481 = tpu.vector_load_idx %arg4[%add3A_480] : memref<16392xf32, #tpu.memory_space<vmem>>[vector<16xi32>], vector<16xf32>,
      %add3A_482 = arith.constant 14 : i32
      %add3A_483 = vector.broadcast %add3A_482 : i32 to vector<16xi32>
      %add3A_484 = arith.addi %add3A_421, %add3A_483 : vector<16xi32>
      tpu.vector_store_idx %arg6[%add3A_484, %and3A_12], %gather3A_481 : memref<2048x8xf32, #tpu.memory_space<vmem>>[vector<16xi32>, vector<16xi32>], vector<16xf32>,
    }
    %scan3A_120 = arith.constant 128 : i32
    %add3A_121 = arith.constant 8192 : i32
    %add3A_122 = arith.addi %mul3A_6, %add3A_121 : i32
    %dma_start3A_123 = arith.constant 0 : i32
    %dma_start3A_124 = tpu.memref_slice %arg3[%add3A_122, %dma_start3A_123] : memref<1048576x8xf32, #tpu.memory_space<hbm>> -> memref<2048x8xf32, #tpu.memory_space<hbm>>
    %dma_start3A_125 = arith.constant 0 : i32
    %dma_start3A_126 = tpu.memref_slice %arg3[%add3A_122, %dma_start3A_125] : memref<1048576x8xf32, #tpu.memory_space<hbm>> -> memref<2048x8xf32, #tpu.memory_space<hbm>>
    tpu.enqueue_dma source(%arg6 : memref<2048x8xf32, #tpu.memory_space<vmem>>) target(%dma_start3A_126 : memref<2048x8xf32, #tpu.memory_space<hbm>>) target_semaphore(%arg9 : memref<!tpu.dma_semaphore, #tpu.memory_space<semaphore_mem>>)
    %add3A_127 = arith.constant 81920 : i32
    %add3A_128 = arith.addi %mul3A_4, %add3A_127 : i32
    %dma_wait3A_129 = tpu.memref_slice %arg2[%add3A_128] : memref<1048584xf32, #tpu.memory_space<hbm>> -> memref<16392xf32, #tpu.memory_space<hbm>>
    %dma_wait3A_130 = tpu.memref_slice %arg2[%add3A_128] : memref<1048584xf32, #tpu.memory_space<hbm>> -> memref<16392xf32, #tpu.memory_space<hbm>>
    tpu.wait_dma2 semaphore(%arg8 : memref<!tpu.dma_semaphore, #tpu.memory_space<semaphore_mem>>) src(%dma_wait3A_130 : memref<16392xf32, #tpu.memory_space<hbm>>) dst(%arg5 : memref<16392xf32, #tpu.memory_space<vmem>>)
    %add3A_131 = arith.constant 98304 : i32
    %add3A_132 = arith.addi %mul3A_4, %add3A_131 : i32
    %dma_start3A_133 = tpu.memref_slice %arg2[%add3A_132] : memref<1048584xf32, #tpu.memory_space<hbm>> -> memref<16392xf32, #tpu.memory_space<hbm>>
    %dma_start3A_134 = tpu.memref_slice %arg2[%add3A_132] : memref<1048584xf32, #tpu.memory_space<hbm>> -> memref<16392xf32, #tpu.memory_space<hbm>>
    tpu.enqueue_dma source(%dma_start3A_134 : memref<16392xf32, #tpu.memory_space<hbm>>) target(%arg4 : memref<16392xf32, #tpu.memory_space<vmem>>) target_semaphore(%arg8 : memref<!tpu.dma_semaphore, #tpu.memory_space<semaphore_mem>>)
    %add3A_135 = arith.constant 6144 : i32
    %add3A_136 = arith.addi %mul3A_6, %add3A_135 : i32
    %dma_wait3A_137 = arith.constant 0 : i32
    %dma_wait3A_138 = tpu.memref_slice %arg3[%add3A_136, %dma_wait3A_137] : memref<1048576x8xf32, #tpu.memory_space<hbm>> -> memref<2048x8xf32, #tpu.memory_space<hbm>>
    %dma_wait3A_139 = arith.constant 0 : i32
    %dma_wait3A_140 = tpu.memref_slice %arg3[%add3A_136, %dma_wait3A_139] : memref<1048576x8xf32, #tpu.memory_space<hbm>> -> memref<2048x8xf32, #tpu.memory_space<hbm>>
    tpu.wait_dma2 semaphore(%arg9 : memref<!tpu.dma_semaphore, #tpu.memory_space<semaphore_mem>>) src(%arg7 : memref<2048x8xf32, #tpu.memory_space<vmem>>) dst(%dma_wait3A_140 : memref<2048x8xf32, #tpu.memory_space<hbm>>)
    %scan3A_141 = arith.constant 0 : i32
    %scan3A_142 = arith.constant 128 : i32
    %scan3A_143 = arith.addi %scan3A_141, %scan3A_142 : i32
    %scan3A_144 = arith.constant 1 : i32
    scf.for %scan3A_410 = %scan3A_141 to %scan3A_143 step %scan3A_144  : i32 {
      %mul3A_411 = arith.constant 1 : i32
      %mul3A_412 = arith.muli %scan3A_410, %mul3A_411 : i32
      %add3A_413 = arith.constant 0 : i32
      %add3A_414 = arith.addi %add3A_413, %mul3A_412 : i32
      %mul3A_415 = arith.constant 128 : i32
      %mul3A_416 = arith.muli %add3A_414, %mul3A_415 : i32
      %add3A_417 = arith.addi %mul3A_416, %shift_right_arithmetic3A_1 : i32
      %mul3A_418 = arith.constant 16 : i32
      %mul3A_419 = arith.muli %mul3A_418, %add3A_414 : i32
      %add3A_420 = vector.broadcast %mul3A_419 : i32 to vector<16xi32>
      %add3A_421 = arith.addi %add3A_420, %shift_right_arithmetic3A_9 : vector<16xi32>
      %add3A_422 = arith.constant 0 : i32
      %add3A_423 = arith.addi %add3A_417, %add3A_422 : i32
      %add3A_424 = vector.broadcast %add3A_423 : i32 to vector<16xi32>
      %add3A_425 = arith.addi %add3A_424, %iota3A : vector<16xi32>
      %gather3A = tpu.vector_load_idx %arg5[%add3A_425] : memref<16392xf32, #tpu.memory_space<vmem>>[vector<16xi32>], vector<16xf32>,
      %add3A_426 = arith.constant 0 : i32
      %add3A_427 = vector.broadcast %add3A_426 : i32 to vector<16xi32>
      %add3A_428 = arith.addi %add3A_421, %add3A_427 : vector<16xi32>
      tpu.vector_store_idx %arg7[%add3A_428, %and3A_12], %gather3A : memref<2048x8xf32, #tpu.memory_space<vmem>>[vector<16xi32>, vector<16xi32>], vector<16xf32>,
      %add3A_429 = arith.constant 16 : i32
      %add3A_430 = arith.addi %add3A_417, %add3A_429 : i32
      %add3A_431 = vector.broadcast %add3A_430 : i32 to vector<16xi32>
      %add3A_432 = arith.addi %add3A_431, %iota3A : vector<16xi32>
      %gather3A_433 = tpu.vector_load_idx %arg5[%add3A_432] : memref<16392xf32, #tpu.memory_space<vmem>>[vector<16xi32>], vector<16xf32>,
      %add3A_434 = arith.constant 2 : i32
      %add3A_435 = vector.broadcast %add3A_434 : i32 to vector<16xi32>
      %add3A_436 = arith.addi %add3A_421, %add3A_435 : vector<16xi32>
      tpu.vector_store_idx %arg7[%add3A_436, %and3A_12], %gather3A_433 : memref<2048x8xf32, #tpu.memory_space<vmem>>[vector<16xi32>, vector<16xi32>], vector<16xf32>,
      %add3A_437 = arith.constant 32 : i32
      %add3A_438 = arith.addi %add3A_417, %add3A_437 : i32
      %add3A_439 = vector.broadcast %add3A_438 : i32 to vector<16xi32>
      %add3A_440 = arith.addi %add3A_439, %iota3A : vector<16xi32>
      %gather3A_441 = tpu.vector_load_idx %arg5[%add3A_440] : memref<16392xf32, #tpu.memory_space<vmem>>[vector<16xi32>], vector<16xf32>,
      %add3A_442 = arith.constant 4 : i32
      %add3A_443 = vector.broadcast %add3A_442 : i32 to vector<16xi32>
      %add3A_444 = arith.addi %add3A_421, %add3A_443 : vector<16xi32>
      tpu.vector_store_idx %arg7[%add3A_444, %and3A_12], %gather3A_441 : memref<2048x8xf32, #tpu.memory_space<vmem>>[vector<16xi32>, vector<16xi32>], vector<16xf32>,
      %add3A_445 = arith.constant 48 : i32
      %add3A_446 = arith.addi %add3A_417, %add3A_445 : i32
      %add3A_447 = vector.broadcast %add3A_446 : i32 to vector<16xi32>
      %add3A_448 = arith.addi %add3A_447, %iota3A : vector<16xi32>
      %gather3A_449 = tpu.vector_load_idx %arg5[%add3A_448] : memref<16392xf32, #tpu.memory_space<vmem>>[vector<16xi32>], vector<16xf32>,
      %add3A_450 = arith.constant 6 : i32
      %add3A_451 = vector.broadcast %add3A_450 : i32 to vector<16xi32>
      %add3A_452 = arith.addi %add3A_421, %add3A_451 : vector<16xi32>
      tpu.vector_store_idx %arg7[%add3A_452, %and3A_12], %gather3A_449 : memref<2048x8xf32, #tpu.memory_space<vmem>>[vector<16xi32>, vector<16xi32>], vector<16xf32>,
      %add3A_453 = arith.constant 64 : i32
      %add3A_454 = arith.addi %add3A_417, %add3A_453 : i32
      %add3A_455 = vector.broadcast %add3A_454 : i32 to vector<16xi32>
      %add3A_456 = arith.addi %add3A_455, %iota3A : vector<16xi32>
      %gather3A_457 = tpu.vector_load_idx %arg5[%add3A_456] : memref<16392xf32, #tpu.memory_space<vmem>>[vector<16xi32>], vector<16xf32>,
      %add3A_458 = arith.constant 8 : i32
      %add3A_459 = vector.broadcast %add3A_458 : i32 to vector<16xi32>
      %add3A_460 = arith.addi %add3A_421, %add3A_459 : vector<16xi32>
      tpu.vector_store_idx %arg7[%add3A_460, %and3A_12], %gather3A_457 : memref<2048x8xf32, #tpu.memory_space<vmem>>[vector<16xi32>, vector<16xi32>], vector<16xf32>,
      %add3A_461 = arith.constant 80 : i32
      %add3A_462 = arith.addi %add3A_417, %add3A_461 : i32
      %add3A_463 = vector.broadcast %add3A_462 : i32 to vector<16xi32>
      %add3A_464 = arith.addi %add3A_463, %iota3A : vector<16xi32>
      %gather3A_465 = tpu.vector_load_idx %arg5[%add3A_464] : memref<16392xf32, #tpu.memory_space<vmem>>[vector<16xi32>], vector<16xf32>,
      %add3A_466 = arith.constant 10 : i32
      %add3A_467 = vector.broadcast %add3A_466 : i32 to vector<16xi32>
      %add3A_468 = arith.addi %add3A_421, %add3A_467 : vector<16xi32>
      tpu.vector_store_idx %arg7[%add3A_468, %and3A_12], %gather3A_465 : memref<2048x8xf32, #tpu.memory_space<vmem>>[vector<16xi32>, vector<16xi32>], vector<16xf32>,
      %add3A_469 = arith.constant 96 : i32
      %add3A_470 = arith.addi %add3A_417, %add3A_469 : i32
      %add3A_471 = vector.broadcast %add3A_470 : i32 to vector<16xi32>
      %add3A_472 = arith.addi %add3A_471, %iota3A : vector<16xi32>
      %gather3A_473 = tpu.vector_load_idx %arg5[%add3A_472] : memref<16392xf32, #tpu.memory_space<vmem>>[vector<16xi32>], vector<16xf32>,
      %add3A_474 = arith.constant 12 : i32
      %add3A_475 = vector.broadcast %add3A_474 : i32 to vector<16xi32>
      %add3A_476 = arith.addi %add3A_421, %add3A_475 : vector<16xi32>
      tpu.vector_store_idx %arg7[%add3A_476, %and3A_12], %gather3A_473 : memref<2048x8xf32, #tpu.memory_space<vmem>>[vector<16xi32>, vector<16xi32>], vector<16xf32>,
      %add3A_477 = arith.constant 112 : i32
      %add3A_478 = arith.addi %add3A_417, %add3A_477 : i32
      %add3A_479 = vector.broadcast %add3A_478 : i32 to vector<16xi32>
      %add3A_480 = arith.addi %add3A_479, %iota3A : vector<16xi32>
      %gather3A_481 = tpu.vector_load_idx %arg5[%add3A_480] : memref<16392xf32, #tpu.memory_space<vmem>>[vector<16xi32>], vector<16xf32>,
      %add3A_482 = arith.constant 14 : i32
      %add3A_483 = vector.broadcast %add3A_482 : i32 to vector<16xi32>
      %add3A_484 = arith.addi %add3A_421, %add3A_483 : vector<16xi32>
      tpu.vector_store_idx %arg7[%add3A_484, %and3A_12], %gather3A_481 : memref<2048x8xf32, #tpu.memory_space<vmem>>[vector<16xi32>, vector<16xi32>], vector<16xf32>,
    }
    %scan3A_145 = arith.constant 128 : i32
    %add3A_146 = arith.constant 10240 : i32
    %add3A_147 = arith.addi %mul3A_6, %add3A_146 : i32
    %dma_start3A_148 = arith.constant 0 : i32
    %dma_start3A_149 = tpu.memref_slice %arg3[%add3A_147, %dma_start3A_148] : memref<1048576x8xf32, #tpu.memory_space<hbm>> -> memref<2048x8xf32, #tpu.memory_space<hbm>>
    %dma_start3A_150 = arith.constant 0 : i32
    %dma_start3A_151 = tpu.memref_slice %arg3[%add3A_147, %dma_start3A_150] : memref<1048576x8xf32, #tpu.memory_space<hbm>> -> memref<2048x8xf32, #tpu.memory_space<hbm>>
    tpu.enqueue_dma source(%arg7 : memref<2048x8xf32, #tpu.memory_space<vmem>>) target(%dma_start3A_151 : memref<2048x8xf32, #tpu.memory_space<hbm>>) target_semaphore(%arg9 : memref<!tpu.dma_semaphore, #tpu.memory_space<semaphore_mem>>)
    %add3A_152 = arith.constant 98304 : i32
    %add3A_153 = arith.addi %mul3A_4, %add3A_152 : i32
    %dma_wait3A_154 = tpu.memref_slice %arg2[%add3A_153] : memref<1048584xf32, #tpu.memory_space<hbm>> -> memref<16392xf32, #tpu.memory_space<hbm>>
    %dma_wait3A_155 = tpu.memref_slice %arg2[%add3A_153] : memref<1048584xf32, #tpu.memory_space<hbm>> -> memref<16392xf32, #tpu.memory_space<hbm>>
    tpu.wait_dma2 semaphore(%arg8 : memref<!tpu.dma_semaphore, #tpu.memory_space<semaphore_mem>>) src(%dma_wait3A_155 : memref<16392xf32, #tpu.memory_space<hbm>>) dst(%arg4 : memref<16392xf32, #tpu.memory_space<vmem>>)
    %add3A_156 = arith.constant 114688 : i32
    %add3A_157 = arith.addi %mul3A_4, %add3A_156 : i32
    %dma_start3A_158 = tpu.memref_slice %arg2[%add3A_157] : memref<1048584xf32, #tpu.memory_space<hbm>> -> memref<16392xf32, #tpu.memory_space<hbm>>
    %dma_start3A_159 = tpu.memref_slice %arg2[%add3A_157] : memref<1048584xf32, #tpu.memory_space<hbm>> -> memref<16392xf32, #tpu.memory_space<hbm>>
    tpu.enqueue_dma source(%dma_start3A_159 : memref<16392xf32, #tpu.memory_space<hbm>>) target(%arg5 : memref<16392xf32, #tpu.memory_space<vmem>>) target_semaphore(%arg8 : memref<!tpu.dma_semaphore, #tpu.memory_space<semaphore_mem>>)
    %add3A_160 = arith.constant 8192 : i32
    %add3A_161 = arith.addi %mul3A_6, %add3A_160 : i32
    %dma_wait3A_162 = arith.constant 0 : i32
    %dma_wait3A_163 = tpu.memref_slice %arg3[%add3A_161, %dma_wait3A_162] : memref<1048576x8xf32, #tpu.memory_space<hbm>> -> memref<2048x8xf32, #tpu.memory_space<hbm>>
    %dma_wait3A_164 = arith.constant 0 : i32
    %dma_wait3A_165 = tpu.memref_slice %arg3[%add3A_161, %dma_wait3A_164] : memref<1048576x8xf32, #tpu.memory_space<hbm>> -> memref<2048x8xf32, #tpu.memory_space<hbm>>
    tpu.wait_dma2 semaphore(%arg9 : memref<!tpu.dma_semaphore, #tpu.memory_space<semaphore_mem>>) src(%arg6 : memref<2048x8xf32, #tpu.memory_space<vmem>>) dst(%dma_wait3A_165 : memref<2048x8xf32, #tpu.memory_space<hbm>>)
    %scan3A_166 = arith.constant 0 : i32
    %scan3A_167 = arith.constant 128 : i32
    %scan3A_168 = arith.addi %scan3A_166, %scan3A_167 : i32
    %scan3A_169 = arith.constant 1 : i32
    scf.for %scan3A_410 = %scan3A_166 to %scan3A_168 step %scan3A_169  : i32 {
      %mul3A_411 = arith.constant 1 : i32
      %mul3A_412 = arith.muli %scan3A_410, %mul3A_411 : i32
      %add3A_413 = arith.constant 0 : i32
      %add3A_414 = arith.addi %add3A_413, %mul3A_412 : i32
      %mul3A_415 = arith.constant 128 : i32
      %mul3A_416 = arith.muli %add3A_414, %mul3A_415 : i32
      %add3A_417 = arith.addi %mul3A_416, %shift_right_arithmetic3A_1 : i32
      %mul3A_418 = arith.constant 16 : i32
      %mul3A_419 = arith.muli %mul3A_418, %add3A_414 : i32
      %add3A_420 = vector.broadcast %mul3A_419 : i32 to vector<16xi32>
      %add3A_421 = arith.addi %add3A_420, %shift_right_arithmetic3A_9 : vector<16xi32>
      %add3A_422 = arith.constant 0 : i32
      %add3A_423 = arith.addi %add3A_417, %add3A_422 : i32
      %add3A_424 = vector.broadcast %add3A_423 : i32 to vector<16xi32>
      %add3A_425 = arith.addi %add3A_424, %iota3A : vector<16xi32>
      %gather3A = tpu.vector_load_idx %arg4[%add3A_425] : memref<16392xf32, #tpu.memory_space<vmem>>[vector<16xi32>], vector<16xf32>,
      %add3A_426 = arith.constant 0 : i32
      %add3A_427 = vector.broadcast %add3A_426 : i32 to vector<16xi32>
      %add3A_428 = arith.addi %add3A_421, %add3A_427 : vector<16xi32>
      tpu.vector_store_idx %arg6[%add3A_428, %and3A_12], %gather3A : memref<2048x8xf32, #tpu.memory_space<vmem>>[vector<16xi32>, vector<16xi32>], vector<16xf32>,
      %add3A_429 = arith.constant 16 : i32
      %add3A_430 = arith.addi %add3A_417, %add3A_429 : i32
      %add3A_431 = vector.broadcast %add3A_430 : i32 to vector<16xi32>
      %add3A_432 = arith.addi %add3A_431, %iota3A : vector<16xi32>
      %gather3A_433 = tpu.vector_load_idx %arg4[%add3A_432] : memref<16392xf32, #tpu.memory_space<vmem>>[vector<16xi32>], vector<16xf32>,
      %add3A_434 = arith.constant 2 : i32
      %add3A_435 = vector.broadcast %add3A_434 : i32 to vector<16xi32>
      %add3A_436 = arith.addi %add3A_421, %add3A_435 : vector<16xi32>
      tpu.vector_store_idx %arg6[%add3A_436, %and3A_12], %gather3A_433 : memref<2048x8xf32, #tpu.memory_space<vmem>>[vector<16xi32>, vector<16xi32>], vector<16xf32>,
      %add3A_437 = arith.constant 32 : i32
      %add3A_438 = arith.addi %add3A_417, %add3A_437 : i32
      %add3A_439 = vector.broadcast %add3A_438 : i32 to vector<16xi32>
      %add3A_440 = arith.addi %add3A_439, %iota3A : vector<16xi32>
      %gather3A_441 = tpu.vector_load_idx %arg4[%add3A_440] : memref<16392xf32, #tpu.memory_space<vmem>>[vector<16xi32>], vector<16xf32>,
      %add3A_442 = arith.constant 4 : i32
      %add3A_443 = vector.broadcast %add3A_442 : i32 to vector<16xi32>
      %add3A_444 = arith.addi %add3A_421, %add3A_443 : vector<16xi32>
      tpu.vector_store_idx %arg6[%add3A_444, %and3A_12], %gather3A_441 : memref<2048x8xf32, #tpu.memory_space<vmem>>[vector<16xi32>, vector<16xi32>], vector<16xf32>,
      %add3A_445 = arith.constant 48 : i32
      %add3A_446 = arith.addi %add3A_417, %add3A_445 : i32
      %add3A_447 = vector.broadcast %add3A_446 : i32 to vector<16xi32>
      %add3A_448 = arith.addi %add3A_447, %iota3A : vector<16xi32>
      %gather3A_449 = tpu.vector_load_idx %arg4[%add3A_448] : memref<16392xf32, #tpu.memory_space<vmem>>[vector<16xi32>], vector<16xf32>,
      %add3A_450 = arith.constant 6 : i32
      %add3A_451 = vector.broadcast %add3A_450 : i32 to vector<16xi32>
      %add3A_452 = arith.addi %add3A_421, %add3A_451 : vector<16xi32>
      tpu.vector_store_idx %arg6[%add3A_452, %and3A_12], %gather3A_449 : memref<2048x8xf32, #tpu.memory_space<vmem>>[vector<16xi32>, vector<16xi32>], vector<16xf32>,
      %add3A_453 = arith.constant 64 : i32
      %add3A_454 = arith.addi %add3A_417, %add3A_453 : i32
      %add3A_455 = vector.broadcast %add3A_454 : i32 to vector<16xi32>
      %add3A_456 = arith.addi %add3A_455, %iota3A : vector<16xi32>
      %gather3A_457 = tpu.vector_load_idx %arg4[%add3A_456] : memref<16392xf32, #tpu.memory_space<vmem>>[vector<16xi32>], vector<16xf32>,
      %add3A_458 = arith.constant 8 : i32
      %add3A_459 = vector.broadcast %add3A_458 : i32 to vector<16xi32>
      %add3A_460 = arith.addi %add3A_421, %add3A_459 : vector<16xi32>
      tpu.vector_store_idx %arg6[%add3A_460, %and3A_12], %gather3A_457 : memref<2048x8xf32, #tpu.memory_space<vmem>>[vector<16xi32>, vector<16xi32>], vector<16xf32>,
      %add3A_461 = arith.constant 80 : i32
      %add3A_462 = arith.addi %add3A_417, %add3A_461 : i32
      %add3A_463 = vector.broadcast %add3A_462 : i32 to vector<16xi32>
      %add3A_464 = arith.addi %add3A_463, %iota3A : vector<16xi32>
      %gather3A_465 = tpu.vector_load_idx %arg4[%add3A_464] : memref<16392xf32, #tpu.memory_space<vmem>>[vector<16xi32>], vector<16xf32>,
      %add3A_466 = arith.constant 10 : i32
      %add3A_467 = vector.broadcast %add3A_466 : i32 to vector<16xi32>
      %add3A_468 = arith.addi %add3A_421, %add3A_467 : vector<16xi32>
      tpu.vector_store_idx %arg6[%add3A_468, %and3A_12], %gather3A_465 : memref<2048x8xf32, #tpu.memory_space<vmem>>[vector<16xi32>, vector<16xi32>], vector<16xf32>,
      %add3A_469 = arith.constant 96 : i32
      %add3A_470 = arith.addi %add3A_417, %add3A_469 : i32
      %add3A_471 = vector.broadcast %add3A_470 : i32 to vector<16xi32>
      %add3A_472 = arith.addi %add3A_471, %iota3A : vector<16xi32>
      %gather3A_473 = tpu.vector_load_idx %arg4[%add3A_472] : memref<16392xf32, #tpu.memory_space<vmem>>[vector<16xi32>], vector<16xf32>,
      %add3A_474 = arith.constant 12 : i32
      %add3A_475 = vector.broadcast %add3A_474 : i32 to vector<16xi32>
      %add3A_476 = arith.addi %add3A_421, %add3A_475 : vector<16xi32>
      tpu.vector_store_idx %arg6[%add3A_476, %and3A_12], %gather3A_473 : memref<2048x8xf32, #tpu.memory_space<vmem>>[vector<16xi32>, vector<16xi32>], vector<16xf32>,
      %add3A_477 = arith.constant 112 : i32
      %add3A_478 = arith.addi %add3A_417, %add3A_477 : i32
      %add3A_479 = vector.broadcast %add3A_478 : i32 to vector<16xi32>
      %add3A_480 = arith.addi %add3A_479, %iota3A : vector<16xi32>
      %gather3A_481 = tpu.vector_load_idx %arg4[%add3A_480] : memref<16392xf32, #tpu.memory_space<vmem>>[vector<16xi32>], vector<16xf32>,
      %add3A_482 = arith.constant 14 : i32
      %add3A_483 = vector.broadcast %add3A_482 : i32 to vector<16xi32>
      %add3A_484 = arith.addi %add3A_421, %add3A_483 : vector<16xi32>
      tpu.vector_store_idx %arg6[%add3A_484, %and3A_12], %gather3A_481 : memref<2048x8xf32, #tpu.memory_space<vmem>>[vector<16xi32>, vector<16xi32>], vector<16xf32>,
    }
    %scan3A_170 = arith.constant 128 : i32
    %add3A_171 = arith.constant 12288 : i32
    %add3A_172 = arith.addi %mul3A_6, %add3A_171 : i32
    %dma_start3A_173 = arith.constant 0 : i32
    %dma_start3A_174 = tpu.memref_slice %arg3[%add3A_172, %dma_start3A_173] : memref<1048576x8xf32, #tpu.memory_space<hbm>> -> memref<2048x8xf32, #tpu.memory_space<hbm>>
    %dma_start3A_175 = arith.constant 0 : i32
    %dma_start3A_176 = tpu.memref_slice %arg3[%add3A_172, %dma_start3A_175] : memref<1048576x8xf32, #tpu.memory_space<hbm>> -> memref<2048x8xf32, #tpu.memory_space<hbm>>
    tpu.enqueue_dma source(%arg6 : memref<2048x8xf32, #tpu.memory_space<vmem>>) target(%dma_start3A_176 : memref<2048x8xf32, #tpu.memory_space<hbm>>) target_semaphore(%arg9 : memref<!tpu.dma_semaphore, #tpu.memory_space<semaphore_mem>>)
    %add3A_177 = arith.constant 114688 : i32
    %add3A_178 = arith.addi %mul3A_4, %add3A_177 : i32
    %dma_wait3A_179 = tpu.memref_slice %arg2[%add3A_178] : memref<1048584xf32, #tpu.memory_space<hbm>> -> memref<16392xf32, #tpu.memory_space<hbm>>
    %dma_wait3A_180 = tpu.memref_slice %arg2[%add3A_178] : memref<1048584xf32, #tpu.memory_space<hbm>> -> memref<16392xf32, #tpu.memory_space<hbm>>
    tpu.wait_dma2 semaphore(%arg8 : memref<!tpu.dma_semaphore, #tpu.memory_space<semaphore_mem>>) src(%dma_wait3A_180 : memref<16392xf32, #tpu.memory_space<hbm>>) dst(%arg5 : memref<16392xf32, #tpu.memory_space<vmem>>)
    %add3A_181 = arith.constant 131072 : i32
    %add3A_182 = arith.addi %mul3A_4, %add3A_181 : i32
    %dma_start3A_183 = tpu.memref_slice %arg2[%add3A_182] : memref<1048584xf32, #tpu.memory_space<hbm>> -> memref<16392xf32, #tpu.memory_space<hbm>>
    %dma_start3A_184 = tpu.memref_slice %arg2[%add3A_182] : memref<1048584xf32, #tpu.memory_space<hbm>> -> memref<16392xf32, #tpu.memory_space<hbm>>
    tpu.enqueue_dma source(%dma_start3A_184 : memref<16392xf32, #tpu.memory_space<hbm>>) target(%arg4 : memref<16392xf32, #tpu.memory_space<vmem>>) target_semaphore(%arg8 : memref<!tpu.dma_semaphore, #tpu.memory_space<semaphore_mem>>)
    %add3A_185 = arith.constant 10240 : i32
    %add3A_186 = arith.addi %mul3A_6, %add3A_185 : i32
    %dma_wait3A_187 = arith.constant 0 : i32
    %dma_wait3A_188 = tpu.memref_slice %arg3[%add3A_186, %dma_wait3A_187] : memref<1048576x8xf32, #tpu.memory_space<hbm>> -> memref<2048x8xf32, #tpu.memory_space<hbm>>
    %dma_wait3A_189 = arith.constant 0 : i32
    %dma_wait3A_190 = tpu.memref_slice %arg3[%add3A_186, %dma_wait3A_189] : memref<1048576x8xf32, #tpu.memory_space<hbm>> -> memref<2048x8xf32, #tpu.memory_space<hbm>>
    tpu.wait_dma2 semaphore(%arg9 : memref<!tpu.dma_semaphore, #tpu.memory_space<semaphore_mem>>) src(%arg7 : memref<2048x8xf32, #tpu.memory_space<vmem>>) dst(%dma_wait3A_190 : memref<2048x8xf32, #tpu.memory_space<hbm>>)
    %scan3A_191 = arith.constant 0 : i32
    %scan3A_192 = arith.constant 128 : i32
    %scan3A_193 = arith.addi %scan3A_191, %scan3A_192 : i32
    %scan3A_194 = arith.constant 1 : i32
    scf.for %scan3A_410 = %scan3A_191 to %scan3A_193 step %scan3A_194  : i32 {
      %mul3A_411 = arith.constant 1 : i32
      %mul3A_412 = arith.muli %scan3A_410, %mul3A_411 : i32
      %add3A_413 = arith.constant 0 : i32
      %add3A_414 = arith.addi %add3A_413, %mul3A_412 : i32
      %mul3A_415 = arith.constant 128 : i32
      %mul3A_416 = arith.muli %add3A_414, %mul3A_415 : i32
      %add3A_417 = arith.addi %mul3A_416, %shift_right_arithmetic3A_1 : i32
      %mul3A_418 = arith.constant 16 : i32
      %mul3A_419 = arith.muli %mul3A_418, %add3A_414 : i32
      %add3A_420 = vector.broadcast %mul3A_419 : i32 to vector<16xi32>
      %add3A_421 = arith.addi %add3A_420, %shift_right_arithmetic3A_9 : vector<16xi32>
      %add3A_422 = arith.constant 0 : i32
      %add3A_423 = arith.addi %add3A_417, %add3A_422 : i32
      %add3A_424 = vector.broadcast %add3A_423 : i32 to vector<16xi32>
      %add3A_425 = arith.addi %add3A_424, %iota3A : vector<16xi32>
      %gather3A = tpu.vector_load_idx %arg5[%add3A_425] : memref<16392xf32, #tpu.memory_space<vmem>>[vector<16xi32>], vector<16xf32>,
      %add3A_426 = arith.constant 0 : i32
      %add3A_427 = vector.broadcast %add3A_426 : i32 to vector<16xi32>
      %add3A_428 = arith.addi %add3A_421, %add3A_427 : vector<16xi32>
      tpu.vector_store_idx %arg7[%add3A_428, %and3A_12], %gather3A : memref<2048x8xf32, #tpu.memory_space<vmem>>[vector<16xi32>, vector<16xi32>], vector<16xf32>,
      %add3A_429 = arith.constant 16 : i32
      %add3A_430 = arith.addi %add3A_417, %add3A_429 : i32
      %add3A_431 = vector.broadcast %add3A_430 : i32 to vector<16xi32>
      %add3A_432 = arith.addi %add3A_431, %iota3A : vector<16xi32>
      %gather3A_433 = tpu.vector_load_idx %arg5[%add3A_432] : memref<16392xf32, #tpu.memory_space<vmem>>[vector<16xi32>], vector<16xf32>,
      %add3A_434 = arith.constant 2 : i32
      %add3A_435 = vector.broadcast %add3A_434 : i32 to vector<16xi32>
      %add3A_436 = arith.addi %add3A_421, %add3A_435 : vector<16xi32>
      tpu.vector_store_idx %arg7[%add3A_436, %and3A_12], %gather3A_433 : memref<2048x8xf32, #tpu.memory_space<vmem>>[vector<16xi32>, vector<16xi32>], vector<16xf32>,
      %add3A_437 = arith.constant 32 : i32
      %add3A_438 = arith.addi %add3A_417, %add3A_437 : i32
      %add3A_439 = vector.broadcast %add3A_438 : i32 to vector<16xi32>
      %add3A_440 = arith.addi %add3A_439, %iota3A : vector<16xi32>
      %gather3A_441 = tpu.vector_load_idx %arg5[%add3A_440] : memref<16392xf32, #tpu.memory_space<vmem>>[vector<16xi32>], vector<16xf32>,
      %add3A_442 = arith.constant 4 : i32
      %add3A_443 = vector.broadcast %add3A_442 : i32 to vector<16xi32>
      %add3A_444 = arith.addi %add3A_421, %add3A_443 : vector<16xi32>
      tpu.vector_store_idx %arg7[%add3A_444, %and3A_12], %gather3A_441 : memref<2048x8xf32, #tpu.memory_space<vmem>>[vector<16xi32>, vector<16xi32>], vector<16xf32>,
      %add3A_445 = arith.constant 48 : i32
      %add3A_446 = arith.addi %add3A_417, %add3A_445 : i32
      %add3A_447 = vector.broadcast %add3A_446 : i32 to vector<16xi32>
      %add3A_448 = arith.addi %add3A_447, %iota3A : vector<16xi32>
      %gather3A_449 = tpu.vector_load_idx %arg5[%add3A_448] : memref<16392xf32, #tpu.memory_space<vmem>>[vector<16xi32>], vector<16xf32>,
      %add3A_450 = arith.constant 6 : i32
      %add3A_451 = vector.broadcast %add3A_450 : i32 to vector<16xi32>
      %add3A_452 = arith.addi %add3A_421, %add3A_451 : vector<16xi32>
      tpu.vector_store_idx %arg7[%add3A_452, %and3A_12], %gather3A_449 : memref<2048x8xf32, #tpu.memory_space<vmem>>[vector<16xi32>, vector<16xi32>], vector<16xf32>,
      %add3A_453 = arith.constant 64 : i32
      %add3A_454 = arith.addi %add3A_417, %add3A_453 : i32
      %add3A_455 = vector.broadcast %add3A_454 : i32 to vector<16xi32>
      %add3A_456 = arith.addi %add3A_455, %iota3A : vector<16xi32>
      %gather3A_457 = tpu.vector_load_idx %arg5[%add3A_456] : memref<16392xf32, #tpu.memory_space<vmem>>[vector<16xi32>], vector<16xf32>,
      %add3A_458 = arith.constant 8 : i32
      %add3A_459 = vector.broadcast %add3A_458 : i32 to vector<16xi32>
      %add3A_460 = arith.addi %add3A_421, %add3A_459 : vector<16xi32>
      tpu.vector_store_idx %arg7[%add3A_460, %and3A_12], %gather3A_457 : memref<2048x8xf32, #tpu.memory_space<vmem>>[vector<16xi32>, vector<16xi32>], vector<16xf32>,
      %add3A_461 = arith.constant 80 : i32
      %add3A_462 = arith.addi %add3A_417, %add3A_461 : i32
      %add3A_463 = vector.broadcast %add3A_462 : i32 to vector<16xi32>
      %add3A_464 = arith.addi %add3A_463, %iota3A : vector<16xi32>
      %gather3A_465 = tpu.vector_load_idx %arg5[%add3A_464] : memref<16392xf32, #tpu.memory_space<vmem>>[vector<16xi32>], vector<16xf32>,
      %add3A_466 = arith.constant 10 : i32
      %add3A_467 = vector.broadcast %add3A_466 : i32 to vector<16xi32>
      %add3A_468 = arith.addi %add3A_421, %add3A_467 : vector<16xi32>
      tpu.vector_store_idx %arg7[%add3A_468, %and3A_12], %gather3A_465 : memref<2048x8xf32, #tpu.memory_space<vmem>>[vector<16xi32>, vector<16xi32>], vector<16xf32>,
      %add3A_469 = arith.constant 96 : i32
      %add3A_470 = arith.addi %add3A_417, %add3A_469 : i32
      %add3A_471 = vector.broadcast %add3A_470 : i32 to vector<16xi32>
      %add3A_472 = arith.addi %add3A_471, %iota3A : vector<16xi32>
      %gather3A_473 = tpu.vector_load_idx %arg5[%add3A_472] : memref<16392xf32, #tpu.memory_space<vmem>>[vector<16xi32>], vector<16xf32>,
      %add3A_474 = arith.constant 12 : i32
      %add3A_475 = vector.broadcast %add3A_474 : i32 to vector<16xi32>
      %add3A_476 = arith.addi %add3A_421, %add3A_475 : vector<16xi32>
      tpu.vector_store_idx %arg7[%add3A_476, %and3A_12], %gather3A_473 : memref<2048x8xf32, #tpu.memory_space<vmem>>[vector<16xi32>, vector<16xi32>], vector<16xf32>,
      %add3A_477 = arith.constant 112 : i32
      %add3A_478 = arith.addi %add3A_417, %add3A_477 : i32
      %add3A_479 = vector.broadcast %add3A_478 : i32 to vector<16xi32>
      %add3A_480 = arith.addi %add3A_479, %iota3A : vector<16xi32>
      %gather3A_481 = tpu.vector_load_idx %arg5[%add3A_480] : memref<16392xf32, #tpu.memory_space<vmem>>[vector<16xi32>], vector<16xf32>,
      %add3A_482 = arith.constant 14 : i32
      %add3A_483 = vector.broadcast %add3A_482 : i32 to vector<16xi32>
      %add3A_484 = arith.addi %add3A_421, %add3A_483 : vector<16xi32>
      tpu.vector_store_idx %arg7[%add3A_484, %and3A_12], %gather3A_481 : memref<2048x8xf32, #tpu.memory_space<vmem>>[vector<16xi32>, vector<16xi32>], vector<16xf32>,
    }
    %scan3A_195 = arith.constant 128 : i32
    %add3A_196 = arith.constant 14336 : i32
    %add3A_197 = arith.addi %mul3A_6, %add3A_196 : i32
    %dma_start3A_198 = arith.constant 0 : i32
    %dma_start3A_199 = tpu.memref_slice %arg3[%add3A_197, %dma_start3A_198] : memref<1048576x8xf32, #tpu.memory_space<hbm>> -> memref<2048x8xf32, #tpu.memory_space<hbm>>
    %dma_start3A_200 = arith.constant 0 : i32
    %dma_start3A_201 = tpu.memref_slice %arg3[%add3A_197, %dma_start3A_200] : memref<1048576x8xf32, #tpu.memory_space<hbm>> -> memref<2048x8xf32, #tpu.memory_space<hbm>>
    tpu.enqueue_dma source(%arg7 : memref<2048x8xf32, #tpu.memory_space<vmem>>) target(%dma_start3A_201 : memref<2048x8xf32, #tpu.memory_space<hbm>>) target_semaphore(%arg9 : memref<!tpu.dma_semaphore, #tpu.memory_space<semaphore_mem>>)
    %add3A_202 = arith.constant 131072 : i32
    %add3A_203 = arith.addi %mul3A_4, %add3A_202 : i32
    %dma_wait3A_204 = tpu.memref_slice %arg2[%add3A_203] : memref<1048584xf32, #tpu.memory_space<hbm>> -> memref<16392xf32, #tpu.memory_space<hbm>>
    %dma_wait3A_205 = tpu.memref_slice %arg2[%add3A_203] : memref<1048584xf32, #tpu.memory_space<hbm>> -> memref<16392xf32, #tpu.memory_space<hbm>>
    tpu.wait_dma2 semaphore(%arg8 : memref<!tpu.dma_semaphore, #tpu.memory_space<semaphore_mem>>) src(%dma_wait3A_205 : memref<16392xf32, #tpu.memory_space<hbm>>) dst(%arg4 : memref<16392xf32, #tpu.memory_space<vmem>>)
    %add3A_206 = arith.constant 147456 : i32
    %add3A_207 = arith.addi %mul3A_4, %add3A_206 : i32
    %dma_start3A_208 = tpu.memref_slice %arg2[%add3A_207] : memref<1048584xf32, #tpu.memory_space<hbm>> -> memref<16392xf32, #tpu.memory_space<hbm>>
    %dma_start3A_209 = tpu.memref_slice %arg2[%add3A_207] : memref<1048584xf32, #tpu.memory_space<hbm>> -> memref<16392xf32, #tpu.memory_space<hbm>>
    tpu.enqueue_dma source(%dma_start3A_209 : memref<16392xf32, #tpu.memory_space<hbm>>) target(%arg5 : memref<16392xf32, #tpu.memory_space<vmem>>) target_semaphore(%arg8 : memref<!tpu.dma_semaphore, #tpu.memory_space<semaphore_mem>>)
    %add3A_210 = arith.constant 12288 : i32
    %add3A_211 = arith.addi %mul3A_6, %add3A_210 : i32
    %dma_wait3A_212 = arith.constant 0 : i32
    %dma_wait3A_213 = tpu.memref_slice %arg3[%add3A_211, %dma_wait3A_212] : memref<1048576x8xf32, #tpu.memory_space<hbm>> -> memref<2048x8xf32, #tpu.memory_space<hbm>>
    %dma_wait3A_214 = arith.constant 0 : i32
    %dma_wait3A_215 = tpu.memref_slice %arg3[%add3A_211, %dma_wait3A_214] : memref<1048576x8xf32, #tpu.memory_space<hbm>> -> memref<2048x8xf32, #tpu.memory_space<hbm>>
    tpu.wait_dma2 semaphore(%arg9 : memref<!tpu.dma_semaphore, #tpu.memory_space<semaphore_mem>>) src(%arg6 : memref<2048x8xf32, #tpu.memory_space<vmem>>) dst(%dma_wait3A_215 : memref<2048x8xf32, #tpu.memory_space<hbm>>)
    %scan3A_216 = arith.constant 0 : i32
    %scan3A_217 = arith.constant 128 : i32
    %scan3A_218 = arith.addi %scan3A_216, %scan3A_217 : i32
    %scan3A_219 = arith.constant 1 : i32
    scf.for %scan3A_410 = %scan3A_216 to %scan3A_218 step %scan3A_219  : i32 {
      %mul3A_411 = arith.constant 1 : i32
      %mul3A_412 = arith.muli %scan3A_410, %mul3A_411 : i32
      %add3A_413 = arith.constant 0 : i32
      %add3A_414 = arith.addi %add3A_413, %mul3A_412 : i32
      %mul3A_415 = arith.constant 128 : i32
      %mul3A_416 = arith.muli %add3A_414, %mul3A_415 : i32
      %add3A_417 = arith.addi %mul3A_416, %shift_right_arithmetic3A_1 : i32
      %mul3A_418 = arith.constant 16 : i32
      %mul3A_419 = arith.muli %mul3A_418, %add3A_414 : i32
      %add3A_420 = vector.broadcast %mul3A_419 : i32 to vector<16xi32>
      %add3A_421 = arith.addi %add3A_420, %shift_right_arithmetic3A_9 : vector<16xi32>
      %add3A_422 = arith.constant 0 : i32
      %add3A_423 = arith.addi %add3A_417, %add3A_422 : i32
      %add3A_424 = vector.broadcast %add3A_423 : i32 to vector<16xi32>
      %add3A_425 = arith.addi %add3A_424, %iota3A : vector<16xi32>
      %gather3A = tpu.vector_load_idx %arg4[%add3A_425] : memref<16392xf32, #tpu.memory_space<vmem>>[vector<16xi32>], vector<16xf32>,
      %add3A_426 = arith.constant 0 : i32
      %add3A_427 = vector.broadcast %add3A_426 : i32 to vector<16xi32>
      %add3A_428 = arith.addi %add3A_421, %add3A_427 : vector<16xi32>
      tpu.vector_store_idx %arg6[%add3A_428, %and3A_12], %gather3A : memref<2048x8xf32, #tpu.memory_space<vmem>>[vector<16xi32>, vector<16xi32>], vector<16xf32>,
      %add3A_429 = arith.constant 16 : i32
      %add3A_430 = arith.addi %add3A_417, %add3A_429 : i32
      %add3A_431 = vector.broadcast %add3A_430 : i32 to vector<16xi32>
      %add3A_432 = arith.addi %add3A_431, %iota3A : vector<16xi32>
      %gather3A_433 = tpu.vector_load_idx %arg4[%add3A_432] : memref<16392xf32, #tpu.memory_space<vmem>>[vector<16xi32>], vector<16xf32>,
      %add3A_434 = arith.constant 2 : i32
      %add3A_435 = vector.broadcast %add3A_434 : i32 to vector<16xi32>
      %add3A_436 = arith.addi %add3A_421, %add3A_435 : vector<16xi32>
      tpu.vector_store_idx %arg6[%add3A_436, %and3A_12], %gather3A_433 : memref<2048x8xf32, #tpu.memory_space<vmem>>[vector<16xi32>, vector<16xi32>], vector<16xf32>,
      %add3A_437 = arith.constant 32 : i32
      %add3A_438 = arith.addi %add3A_417, %add3A_437 : i32
      %add3A_439 = vector.broadcast %add3A_438 : i32 to vector<16xi32>
      %add3A_440 = arith.addi %add3A_439, %iota3A : vector<16xi32>
      %gather3A_441 = tpu.vector_load_idx %arg4[%add3A_440] : memref<16392xf32, #tpu.memory_space<vmem>>[vector<16xi32>], vector<16xf32>,
      %add3A_442 = arith.constant 4 : i32
      %add3A_443 = vector.broadcast %add3A_442 : i32 to vector<16xi32>
      %add3A_444 = arith.addi %add3A_421, %add3A_443 : vector<16xi32>
      tpu.vector_store_idx %arg6[%add3A_444, %and3A_12], %gather3A_441 : memref<2048x8xf32, #tpu.memory_space<vmem>>[vector<16xi32>, vector<16xi32>], vector<16xf32>,
      %add3A_445 = arith.constant 48 : i32
      %add3A_446 = arith.addi %add3A_417, %add3A_445 : i32
      %add3A_447 = vector.broadcast %add3A_446 : i32 to vector<16xi32>
      %add3A_448 = arith.addi %add3A_447, %iota3A : vector<16xi32>
      %gather3A_449 = tpu.vector_load_idx %arg4[%add3A_448] : memref<16392xf32, #tpu.memory_space<vmem>>[vector<16xi32>], vector<16xf32>,
      %add3A_450 = arith.constant 6 : i32
      %add3A_451 = vector.broadcast %add3A_450 : i32 to vector<16xi32>
      %add3A_452 = arith.addi %add3A_421, %add3A_451 : vector<16xi32>
      tpu.vector_store_idx %arg6[%add3A_452, %and3A_12], %gather3A_449 : memref<2048x8xf32, #tpu.memory_space<vmem>>[vector<16xi32>, vector<16xi32>], vector<16xf32>,
      %add3A_453 = arith.constant 64 : i32
      %add3A_454 = arith.addi %add3A_417, %add3A_453 : i32
      %add3A_455 = vector.broadcast %add3A_454 : i32 to vector<16xi32>
      %add3A_456 = arith.addi %add3A_455, %iota3A : vector<16xi32>
      %gather3A_457 = tpu.vector_load_idx %arg4[%add3A_456] : memref<16392xf32, #tpu.memory_space<vmem>>[vector<16xi32>], vector<16xf32>,
      %add3A_458 = arith.constant 8 : i32
      %add3A_459 = vector.broadcast %add3A_458 : i32 to vector<16xi32>
      %add3A_460 = arith.addi %add3A_421, %add3A_459 : vector<16xi32>
      tpu.vector_store_idx %arg6[%add3A_460, %and3A_12], %gather3A_457 : memref<2048x8xf32, #tpu.memory_space<vmem>>[vector<16xi32>, vector<16xi32>], vector<16xf32>,
      %add3A_461 = arith.constant 80 : i32
      %add3A_462 = arith.addi %add3A_417, %add3A_461 : i32
      %add3A_463 = vector.broadcast %add3A_462 : i32 to vector<16xi32>
      %add3A_464 = arith.addi %add3A_463, %iota3A : vector<16xi32>
      %gather3A_465 = tpu.vector_load_idx %arg4[%add3A_464] : memref<16392xf32, #tpu.memory_space<vmem>>[vector<16xi32>], vector<16xf32>,
      %add3A_466 = arith.constant 10 : i32
      %add3A_467 = vector.broadcast %add3A_466 : i32 to vector<16xi32>
      %add3A_468 = arith.addi %add3A_421, %add3A_467 : vector<16xi32>
      tpu.vector_store_idx %arg6[%add3A_468, %and3A_12], %gather3A_465 : memref<2048x8xf32, #tpu.memory_space<vmem>>[vector<16xi32>, vector<16xi32>], vector<16xf32>,
      %add3A_469 = arith.constant 96 : i32
      %add3A_470 = arith.addi %add3A_417, %add3A_469 : i32
      %add3A_471 = vector.broadcast %add3A_470 : i32 to vector<16xi32>
      %add3A_472 = arith.addi %add3A_471, %iota3A : vector<16xi32>
      %gather3A_473 = tpu.vector_load_idx %arg4[%add3A_472] : memref<16392xf32, #tpu.memory_space<vmem>>[vector<16xi32>], vector<16xf32>,
      %add3A_474 = arith.constant 12 : i32
      %add3A_475 = vector.broadcast %add3A_474 : i32 to vector<16xi32>
      %add3A_476 = arith.addi %add3A_421, %add3A_475 : vector<16xi32>
      tpu.vector_store_idx %arg6[%add3A_476, %and3A_12], %gather3A_473 : memref<2048x8xf32, #tpu.memory_space<vmem>>[vector<16xi32>, vector<16xi32>], vector<16xf32>,
      %add3A_477 = arith.constant 112 : i32
      %add3A_478 = arith.addi %add3A_417, %add3A_477 : i32
      %add3A_479 = vector.broadcast %add3A_478 : i32 to vector<16xi32>
      %add3A_480 = arith.addi %add3A_479, %iota3A : vector<16xi32>
      %gather3A_481 = tpu.vector_load_idx %arg4[%add3A_480] : memref<16392xf32, #tpu.memory_space<vmem>>[vector<16xi32>], vector<16xf32>,
      %add3A_482 = arith.constant 14 : i32
      %add3A_483 = vector.broadcast %add3A_482 : i32 to vector<16xi32>
      %add3A_484 = arith.addi %add3A_421, %add3A_483 : vector<16xi32>
      tpu.vector_store_idx %arg6[%add3A_484, %and3A_12], %gather3A_481 : memref<2048x8xf32, #tpu.memory_space<vmem>>[vector<16xi32>, vector<16xi32>], vector<16xf32>,
    }
    %scan3A_220 = arith.constant 128 : i32
    %add3A_221 = arith.constant 16384 : i32
    %add3A_222 = arith.addi %mul3A_6, %add3A_221 : i32
    %dma_start3A_223 = arith.constant 0 : i32
    %dma_start3A_224 = tpu.memref_slice %arg3[%add3A_222, %dma_start3A_223] : memref<1048576x8xf32, #tpu.memory_space<hbm>> -> memref<2048x8xf32, #tpu.memory_space<hbm>>
    %dma_start3A_225 = arith.constant 0 : i32
    %dma_start3A_226 = tpu.memref_slice %arg3[%add3A_222, %dma_start3A_225] : memref<1048576x8xf32, #tpu.memory_space<hbm>> -> memref<2048x8xf32, #tpu.memory_space<hbm>>
    tpu.enqueue_dma source(%arg6 : memref<2048x8xf32, #tpu.memory_space<vmem>>) target(%dma_start3A_226 : memref<2048x8xf32, #tpu.memory_space<hbm>>) target_semaphore(%arg9 : memref<!tpu.dma_semaphore, #tpu.memory_space<semaphore_mem>>)
    %add3A_227 = arith.constant 147456 : i32
    %add3A_228 = arith.addi %mul3A_4, %add3A_227 : i32
    %dma_wait3A_229 = tpu.memref_slice %arg2[%add3A_228] : memref<1048584xf32, #tpu.memory_space<hbm>> -> memref<16392xf32, #tpu.memory_space<hbm>>
    %dma_wait3A_230 = tpu.memref_slice %arg2[%add3A_228] : memref<1048584xf32, #tpu.memory_space<hbm>> -> memref<16392xf32, #tpu.memory_space<hbm>>
    tpu.wait_dma2 semaphore(%arg8 : memref<!tpu.dma_semaphore, #tpu.memory_space<semaphore_mem>>) src(%dma_wait3A_230 : memref<16392xf32, #tpu.memory_space<hbm>>) dst(%arg5 : memref<16392xf32, #tpu.memory_space<vmem>>)
    %add3A_231 = arith.constant 163840 : i32
    %add3A_232 = arith.addi %mul3A_4, %add3A_231 : i32
    %dma_start3A_233 = tpu.memref_slice %arg2[%add3A_232] : memref<1048584xf32, #tpu.memory_space<hbm>> -> memref<16392xf32, #tpu.memory_space<hbm>>
    %dma_start3A_234 = tpu.memref_slice %arg2[%add3A_232] : memref<1048584xf32, #tpu.memory_space<hbm>> -> memref<16392xf32, #tpu.memory_space<hbm>>
    tpu.enqueue_dma source(%dma_start3A_234 : memref<16392xf32, #tpu.memory_space<hbm>>) target(%arg4 : memref<16392xf32, #tpu.memory_space<vmem>>) target_semaphore(%arg8 : memref<!tpu.dma_semaphore, #tpu.memory_space<semaphore_mem>>)
    %add3A_235 = arith.constant 14336 : i32
    %add3A_236 = arith.addi %mul3A_6, %add3A_235 : i32
    %dma_wait3A_237 = arith.constant 0 : i32
    %dma_wait3A_238 = tpu.memref_slice %arg3[%add3A_236, %dma_wait3A_237] : memref<1048576x8xf32, #tpu.memory_space<hbm>> -> memref<2048x8xf32, #tpu.memory_space<hbm>>
    %dma_wait3A_239 = arith.constant 0 : i32
    %dma_wait3A_240 = tpu.memref_slice %arg3[%add3A_236, %dma_wait3A_239] : memref<1048576x8xf32, #tpu.memory_space<hbm>> -> memref<2048x8xf32, #tpu.memory_space<hbm>>
    tpu.wait_dma2 semaphore(%arg9 : memref<!tpu.dma_semaphore, #tpu.memory_space<semaphore_mem>>) src(%arg7 : memref<2048x8xf32, #tpu.memory_space<vmem>>) dst(%dma_wait3A_240 : memref<2048x8xf32, #tpu.memory_space<hbm>>)
    %scan3A_241 = arith.constant 0 : i32
    %scan3A_242 = arith.constant 128 : i32
    %scan3A_243 = arith.addi %scan3A_241, %scan3A_242 : i32
    %scan3A_244 = arith.constant 1 : i32
    scf.for %scan3A_410 = %scan3A_241 to %scan3A_243 step %scan3A_244  : i32 {
      %mul3A_411 = arith.constant 1 : i32
      %mul3A_412 = arith.muli %scan3A_410, %mul3A_411 : i32
      %add3A_413 = arith.constant 0 : i32
      %add3A_414 = arith.addi %add3A_413, %mul3A_412 : i32
      %mul3A_415 = arith.constant 128 : i32
      %mul3A_416 = arith.muli %add3A_414, %mul3A_415 : i32
      %add3A_417 = arith.addi %mul3A_416, %shift_right_arithmetic3A_1 : i32
      %mul3A_418 = arith.constant 16 : i32
      %mul3A_419 = arith.muli %mul3A_418, %add3A_414 : i32
      %add3A_420 = vector.broadcast %mul3A_419 : i32 to vector<16xi32>
      %add3A_421 = arith.addi %add3A_420, %shift_right_arithmetic3A_9 : vector<16xi32>
      %add3A_422 = arith.constant 0 : i32
      %add3A_423 = arith.addi %add3A_417, %add3A_422 : i32
      %add3A_424 = vector.broadcast %add3A_423 : i32 to vector<16xi32>
      %add3A_425 = arith.addi %add3A_424, %iota3A : vector<16xi32>
      %gather3A = tpu.vector_load_idx %arg5[%add3A_425] : memref<16392xf32, #tpu.memory_space<vmem>>[vector<16xi32>], vector<16xf32>,
      %add3A_426 = arith.constant 0 : i32
      %add3A_427 = vector.broadcast %add3A_426 : i32 to vector<16xi32>
      %add3A_428 = arith.addi %add3A_421, %add3A_427 : vector<16xi32>
      tpu.vector_store_idx %arg7[%add3A_428, %and3A_12], %gather3A : memref<2048x8xf32, #tpu.memory_space<vmem>>[vector<16xi32>, vector<16xi32>], vector<16xf32>,
      %add3A_429 = arith.constant 16 : i32
      %add3A_430 = arith.addi %add3A_417, %add3A_429 : i32
      %add3A_431 = vector.broadcast %add3A_430 : i32 to vector<16xi32>
      %add3A_432 = arith.addi %add3A_431, %iota3A : vector<16xi32>
      %gather3A_433 = tpu.vector_load_idx %arg5[%add3A_432] : memref<16392xf32, #tpu.memory_space<vmem>>[vector<16xi32>], vector<16xf32>,
      %add3A_434 = arith.constant 2 : i32
      %add3A_435 = vector.broadcast %add3A_434 : i32 to vector<16xi32>
      %add3A_436 = arith.addi %add3A_421, %add3A_435 : vector<16xi32>
      tpu.vector_store_idx %arg7[%add3A_436, %and3A_12], %gather3A_433 : memref<2048x8xf32, #tpu.memory_space<vmem>>[vector<16xi32>, vector<16xi32>], vector<16xf32>,
      %add3A_437 = arith.constant 32 : i32
      %add3A_438 = arith.addi %add3A_417, %add3A_437 : i32
      %add3A_439 = vector.broadcast %add3A_438 : i32 to vector<16xi32>
      %add3A_440 = arith.addi %add3A_439, %iota3A : vector<16xi32>
      %gather3A_441 = tpu.vector_load_idx %arg5[%add3A_440] : memref<16392xf32, #tpu.memory_space<vmem>>[vector<16xi32>], vector<16xf32>,
      %add3A_442 = arith.constant 4 : i32
      %add3A_443 = vector.broadcast %add3A_442 : i32 to vector<16xi32>
      %add3A_444 = arith.addi %add3A_421, %add3A_443 : vector<16xi32>
      tpu.vector_store_idx %arg7[%add3A_444, %and3A_12], %gather3A_441 : memref<2048x8xf32, #tpu.memory_space<vmem>>[vector<16xi32>, vector<16xi32>], vector<16xf32>,
      %add3A_445 = arith.constant 48 : i32
      %add3A_446 = arith.addi %add3A_417, %add3A_445 : i32
      %add3A_447 = vector.broadcast %add3A_446 : i32 to vector<16xi32>
      %add3A_448 = arith.addi %add3A_447, %iota3A : vector<16xi32>
      %gather3A_449 = tpu.vector_load_idx %arg5[%add3A_448] : memref<16392xf32, #tpu.memory_space<vmem>>[vector<16xi32>], vector<16xf32>,
      %add3A_450 = arith.constant 6 : i32
      %add3A_451 = vector.broadcast %add3A_450 : i32 to vector<16xi32>
      %add3A_452 = arith.addi %add3A_421, %add3A_451 : vector<16xi32>
      tpu.vector_store_idx %arg7[%add3A_452, %and3A_12], %gather3A_449 : memref<2048x8xf32, #tpu.memory_space<vmem>>[vector<16xi32>, vector<16xi32>], vector<16xf32>,
      %add3A_453 = arith.constant 64 : i32
      %add3A_454 = arith.addi %add3A_417, %add3A_453 : i32
      %add3A_455 = vector.broadcast %add3A_454 : i32 to vector<16xi32>
      %add3A_456 = arith.addi %add3A_455, %iota3A : vector<16xi32>
      %gather3A_457 = tpu.vector_load_idx %arg5[%add3A_456] : memref<16392xf32, #tpu.memory_space<vmem>>[vector<16xi32>], vector<16xf32>,
      %add3A_458 = arith.constant 8 : i32
      %add3A_459 = vector.broadcast %add3A_458 : i32 to vector<16xi32>
      %add3A_460 = arith.addi %add3A_421, %add3A_459 : vector<16xi32>
      tpu.vector_store_idx %arg7[%add3A_460, %and3A_12], %gather3A_457 : memref<2048x8xf32, #tpu.memory_space<vmem>>[vector<16xi32>, vector<16xi32>], vector<16xf32>,
      %add3A_461 = arith.constant 80 : i32
      %add3A_462 = arith.addi %add3A_417, %add3A_461 : i32
      %add3A_463 = vector.broadcast %add3A_462 : i32 to vector<16xi32>
      %add3A_464 = arith.addi %add3A_463, %iota3A : vector<16xi32>
      %gather3A_465 = tpu.vector_load_idx %arg5[%add3A_464] : memref<16392xf32, #tpu.memory_space<vmem>>[vector<16xi32>], vector<16xf32>,
      %add3A_466 = arith.constant 10 : i32
      %add3A_467 = vector.broadcast %add3A_466 : i32 to vector<16xi32>
      %add3A_468 = arith.addi %add3A_421, %add3A_467 : vector<16xi32>
      tpu.vector_store_idx %arg7[%add3A_468, %and3A_12], %gather3A_465 : memref<2048x8xf32, #tpu.memory_space<vmem>>[vector<16xi32>, vector<16xi32>], vector<16xf32>,
      %add3A_469 = arith.constant 96 : i32
      %add3A_470 = arith.addi %add3A_417, %add3A_469 : i32
      %add3A_471 = vector.broadcast %add3A_470 : i32 to vector<16xi32>
      %add3A_472 = arith.addi %add3A_471, %iota3A : vector<16xi32>
      %gather3A_473 = tpu.vector_load_idx %arg5[%add3A_472] : memref<16392xf32, #tpu.memory_space<vmem>>[vector<16xi32>], vector<16xf32>,
      %add3A_474 = arith.constant 12 : i32
      %add3A_475 = vector.broadcast %add3A_474 : i32 to vector<16xi32>
      %add3A_476 = arith.addi %add3A_421, %add3A_475 : vector<16xi32>
      tpu.vector_store_idx %arg7[%add3A_476, %and3A_12], %gather3A_473 : memref<2048x8xf32, #tpu.memory_space<vmem>>[vector<16xi32>, vector<16xi32>], vector<16xf32>,
      %add3A_477 = arith.constant 112 : i32
      %add3A_478 = arith.addi %add3A_417, %add3A_477 : i32
      %add3A_479 = vector.broadcast %add3A_478 : i32 to vector<16xi32>
      %add3A_480 = arith.addi %add3A_479, %iota3A : vector<16xi32>
      %gather3A_481 = tpu.vector_load_idx %arg5[%add3A_480] : memref<16392xf32, #tpu.memory_space<vmem>>[vector<16xi32>], vector<16xf32>,
      %add3A_482 = arith.constant 14 : i32
      %add3A_483 = vector.broadcast %add3A_482 : i32 to vector<16xi32>
      %add3A_484 = arith.addi %add3A_421, %add3A_483 : vector<16xi32>
      tpu.vector_store_idx %arg7[%add3A_484, %and3A_12], %gather3A_481 : memref<2048x8xf32, #tpu.memory_space<vmem>>[vector<16xi32>, vector<16xi32>], vector<16xf32>,
    }
    %scan3A_245 = arith.constant 128 : i32
    %add3A_246 = arith.constant 18432 : i32
    %add3A_247 = arith.addi %mul3A_6, %add3A_246 : i32
    %dma_start3A_248 = arith.constant 0 : i32
    %dma_start3A_249 = tpu.memref_slice %arg3[%add3A_247, %dma_start3A_248] : memref<1048576x8xf32, #tpu.memory_space<hbm>> -> memref<2048x8xf32, #tpu.memory_space<hbm>>
    %dma_start3A_250 = arith.constant 0 : i32
    %dma_start3A_251 = tpu.memref_slice %arg3[%add3A_247, %dma_start3A_250] : memref<1048576x8xf32, #tpu.memory_space<hbm>> -> memref<2048x8xf32, #tpu.memory_space<hbm>>
    tpu.enqueue_dma source(%arg7 : memref<2048x8xf32, #tpu.memory_space<vmem>>) target(%dma_start3A_251 : memref<2048x8xf32, #tpu.memory_space<hbm>>) target_semaphore(%arg9 : memref<!tpu.dma_semaphore, #tpu.memory_space<semaphore_mem>>)
    %add3A_252 = arith.constant 163840 : i32
    %add3A_253 = arith.addi %mul3A_4, %add3A_252 : i32
    %dma_wait3A_254 = tpu.memref_slice %arg2[%add3A_253] : memref<1048584xf32, #tpu.memory_space<hbm>> -> memref<16392xf32, #tpu.memory_space<hbm>>
    %dma_wait3A_255 = tpu.memref_slice %arg2[%add3A_253] : memref<1048584xf32, #tpu.memory_space<hbm>> -> memref<16392xf32, #tpu.memory_space<hbm>>
    tpu.wait_dma2 semaphore(%arg8 : memref<!tpu.dma_semaphore, #tpu.memory_space<semaphore_mem>>) src(%dma_wait3A_255 : memref<16392xf32, #tpu.memory_space<hbm>>) dst(%arg4 : memref<16392xf32, #tpu.memory_space<vmem>>)
    %add3A_256 = arith.constant 180224 : i32
    %add3A_257 = arith.addi %mul3A_4, %add3A_256 : i32
    %dma_start3A_258 = tpu.memref_slice %arg2[%add3A_257] : memref<1048584xf32, #tpu.memory_space<hbm>> -> memref<16392xf32, #tpu.memory_space<hbm>>
    %dma_start3A_259 = tpu.memref_slice %arg2[%add3A_257] : memref<1048584xf32, #tpu.memory_space<hbm>> -> memref<16392xf32, #tpu.memory_space<hbm>>
    tpu.enqueue_dma source(%dma_start3A_259 : memref<16392xf32, #tpu.memory_space<hbm>>) target(%arg5 : memref<16392xf32, #tpu.memory_space<vmem>>) target_semaphore(%arg8 : memref<!tpu.dma_semaphore, #tpu.memory_space<semaphore_mem>>)
    %add3A_260 = arith.constant 16384 : i32
    %add3A_261 = arith.addi %mul3A_6, %add3A_260 : i32
    %dma_wait3A_262 = arith.constant 0 : i32
    %dma_wait3A_263 = tpu.memref_slice %arg3[%add3A_261, %dma_wait3A_262] : memref<1048576x8xf32, #tpu.memory_space<hbm>> -> memref<2048x8xf32, #tpu.memory_space<hbm>>
    %dma_wait3A_264 = arith.constant 0 : i32
    %dma_wait3A_265 = tpu.memref_slice %arg3[%add3A_261, %dma_wait3A_264] : memref<1048576x8xf32, #tpu.memory_space<hbm>> -> memref<2048x8xf32, #tpu.memory_space<hbm>>
    tpu.wait_dma2 semaphore(%arg9 : memref<!tpu.dma_semaphore, #tpu.memory_space<semaphore_mem>>) src(%arg6 : memref<2048x8xf32, #tpu.memory_space<vmem>>) dst(%dma_wait3A_265 : memref<2048x8xf32, #tpu.memory_space<hbm>>)
    %scan3A_266 = arith.constant 0 : i32
    %scan3A_267 = arith.constant 128 : i32
    %scan3A_268 = arith.addi %scan3A_266, %scan3A_267 : i32
    %scan3A_269 = arith.constant 1 : i32
    scf.for %scan3A_410 = %scan3A_266 to %scan3A_268 step %scan3A_269  : i32 {
      %mul3A_411 = arith.constant 1 : i32
      %mul3A_412 = arith.muli %scan3A_410, %mul3A_411 : i32
      %add3A_413 = arith.constant 0 : i32
      %add3A_414 = arith.addi %add3A_413, %mul3A_412 : i32
      %mul3A_415 = arith.constant 128 : i32
      %mul3A_416 = arith.muli %add3A_414, %mul3A_415 : i32
      %add3A_417 = arith.addi %mul3A_416, %shift_right_arithmetic3A_1 : i32
      %mul3A_418 = arith.constant 16 : i32
      %mul3A_419 = arith.muli %mul3A_418, %add3A_414 : i32
      %add3A_420 = vector.broadcast %mul3A_419 : i32 to vector<16xi32>
      %add3A_421 = arith.addi %add3A_420, %shift_right_arithmetic3A_9 : vector<16xi32>
      %add3A_422 = arith.constant 0 : i32
      %add3A_423 = arith.addi %add3A_417, %add3A_422 : i32
      %add3A_424 = vector.broadcast %add3A_423 : i32 to vector<16xi32>
      %add3A_425 = arith.addi %add3A_424, %iota3A : vector<16xi32>
      %gather3A = tpu.vector_load_idx %arg4[%add3A_425] : memref<16392xf32, #tpu.memory_space<vmem>>[vector<16xi32>], vector<16xf32>,
      %add3A_426 = arith.constant 0 : i32
      %add3A_427 = vector.broadcast %add3A_426 : i32 to vector<16xi32>
      %add3A_428 = arith.addi %add3A_421, %add3A_427 : vector<16xi32>
      tpu.vector_store_idx %arg6[%add3A_428, %and3A_12], %gather3A : memref<2048x8xf32, #tpu.memory_space<vmem>>[vector<16xi32>, vector<16xi32>], vector<16xf32>,
      %add3A_429 = arith.constant 16 : i32
      %add3A_430 = arith.addi %add3A_417, %add3A_429 : i32
      %add3A_431 = vector.broadcast %add3A_430 : i32 to vector<16xi32>
      %add3A_432 = arith.addi %add3A_431, %iota3A : vector<16xi32>
      %gather3A_433 = tpu.vector_load_idx %arg4[%add3A_432] : memref<16392xf32, #tpu.memory_space<vmem>>[vector<16xi32>], vector<16xf32>,
      %add3A_434 = arith.constant 2 : i32
      %add3A_435 = vector.broadcast %add3A_434 : i32 to vector<16xi32>
      %add3A_436 = arith.addi %add3A_421, %add3A_435 : vector<16xi32>
      tpu.vector_store_idx %arg6[%add3A_436, %and3A_12], %gather3A_433 : memref<2048x8xf32, #tpu.memory_space<vmem>>[vector<16xi32>, vector<16xi32>], vector<16xf32>,
      %add3A_437 = arith.constant 32 : i32
      %add3A_438 = arith.addi %add3A_417, %add3A_437 : i32
      %add3A_439 = vector.broadcast %add3A_438 : i32 to vector<16xi32>
      %add3A_440 = arith.addi %add3A_439, %iota3A : vector<16xi32>
      %gather3A_441 = tpu.vector_load_idx %arg4[%add3A_440] : memref<16392xf32, #tpu.memory_space<vmem>>[vector<16xi32>], vector<16xf32>,
      %add3A_442 = arith.constant 4 : i32
      %add3A_443 = vector.broadcast %add3A_442 : i32 to vector<16xi32>
      %add3A_444 = arith.addi %add3A_421, %add3A_443 : vector<16xi32>
      tpu.vector_store_idx %arg6[%add3A_444, %and3A_12], %gather3A_441 : memref<2048x8xf32, #tpu.memory_space<vmem>>[vector<16xi32>, vector<16xi32>], vector<16xf32>,
      %add3A_445 = arith.constant 48 : i32
      %add3A_446 = arith.addi %add3A_417, %add3A_445 : i32
      %add3A_447 = vector.broadcast %add3A_446 : i32 to vector<16xi32>
      %add3A_448 = arith.addi %add3A_447, %iota3A : vector<16xi32>
      %gather3A_449 = tpu.vector_load_idx %arg4[%add3A_448] : memref<16392xf32, #tpu.memory_space<vmem>>[vector<16xi32>], vector<16xf32>,
      %add3A_450 = arith.constant 6 : i32
      %add3A_451 = vector.broadcast %add3A_450 : i32 to vector<16xi32>
      %add3A_452 = arith.addi %add3A_421, %add3A_451 : vector<16xi32>
      tpu.vector_store_idx %arg6[%add3A_452, %and3A_12], %gather3A_449 : memref<2048x8xf32, #tpu.memory_space<vmem>>[vector<16xi32>, vector<16xi32>], vector<16xf32>,
      %add3A_453 = arith.constant 64 : i32
      %add3A_454 = arith.addi %add3A_417, %add3A_453 : i32
      %add3A_455 = vector.broadcast %add3A_454 : i32 to vector<16xi32>
      %add3A_456 = arith.addi %add3A_455, %iota3A : vector<16xi32>
      %gather3A_457 = tpu.vector_load_idx %arg4[%add3A_456] : memref<16392xf32, #tpu.memory_space<vmem>>[vector<16xi32>], vector<16xf32>,
      %add3A_458 = arith.constant 8 : i32
      %add3A_459 = vector.broadcast %add3A_458 : i32 to vector<16xi32>
      %add3A_460 = arith.addi %add3A_421, %add3A_459 : vector<16xi32>
      tpu.vector_store_idx %arg6[%add3A_460, %and3A_12], %gather3A_457 : memref<2048x8xf32, #tpu.memory_space<vmem>>[vector<16xi32>, vector<16xi32>], vector<16xf32>,
      %add3A_461 = arith.constant 80 : i32
      %add3A_462 = arith.addi %add3A_417, %add3A_461 : i32
      %add3A_463 = vector.broadcast %add3A_462 : i32 to vector<16xi32>
      %add3A_464 = arith.addi %add3A_463, %iota3A : vector<16xi32>
      %gather3A_465 = tpu.vector_load_idx %arg4[%add3A_464] : memref<16392xf32, #tpu.memory_space<vmem>>[vector<16xi32>], vector<16xf32>,
      %add3A_466 = arith.constant 10 : i32
      %add3A_467 = vector.broadcast %add3A_466 : i32 to vector<16xi32>
      %add3A_468 = arith.addi %add3A_421, %add3A_467 : vector<16xi32>
      tpu.vector_store_idx %arg6[%add3A_468, %and3A_12], %gather3A_465 : memref<2048x8xf32, #tpu.memory_space<vmem>>[vector<16xi32>, vector<16xi32>], vector<16xf32>,
      %add3A_469 = arith.constant 96 : i32
      %add3A_470 = arith.addi %add3A_417, %add3A_469 : i32
      %add3A_471 = vector.broadcast %add3A_470 : i32 to vector<16xi32>
      %add3A_472 = arith.addi %add3A_471, %iota3A : vector<16xi32>
      %gather3A_473 = tpu.vector_load_idx %arg4[%add3A_472] : memref<16392xf32, #tpu.memory_space<vmem>>[vector<16xi32>], vector<16xf32>,
      %add3A_474 = arith.constant 12 : i32
      %add3A_475 = vector.broadcast %add3A_474 : i32 to vector<16xi32>
      %add3A_476 = arith.addi %add3A_421, %add3A_475 : vector<16xi32>
      tpu.vector_store_idx %arg6[%add3A_476, %and3A_12], %gather3A_473 : memref<2048x8xf32, #tpu.memory_space<vmem>>[vector<16xi32>, vector<16xi32>], vector<16xf32>,
      %add3A_477 = arith.constant 112 : i32
      %add3A_478 = arith.addi %add3A_417, %add3A_477 : i32
      %add3A_479 = vector.broadcast %add3A_478 : i32 to vector<16xi32>
      %add3A_480 = arith.addi %add3A_479, %iota3A : vector<16xi32>
      %gather3A_481 = tpu.vector_load_idx %arg4[%add3A_480] : memref<16392xf32, #tpu.memory_space<vmem>>[vector<16xi32>], vector<16xf32>,
      %add3A_482 = arith.constant 14 : i32
      %add3A_483 = vector.broadcast %add3A_482 : i32 to vector<16xi32>
      %add3A_484 = arith.addi %add3A_421, %add3A_483 : vector<16xi32>
      tpu.vector_store_idx %arg6[%add3A_484, %and3A_12], %gather3A_481 : memref<2048x8xf32, #tpu.memory_space<vmem>>[vector<16xi32>, vector<16xi32>], vector<16xf32>,
    }
    %scan3A_270 = arith.constant 128 : i32
    %add3A_271 = arith.constant 20480 : i32
    %add3A_272 = arith.addi %mul3A_6, %add3A_271 : i32
    %dma_start3A_273 = arith.constant 0 : i32
    %dma_start3A_274 = tpu.memref_slice %arg3[%add3A_272, %dma_start3A_273] : memref<1048576x8xf32, #tpu.memory_space<hbm>> -> memref<2048x8xf32, #tpu.memory_space<hbm>>
    %dma_start3A_275 = arith.constant 0 : i32
    %dma_start3A_276 = tpu.memref_slice %arg3[%add3A_272, %dma_start3A_275] : memref<1048576x8xf32, #tpu.memory_space<hbm>> -> memref<2048x8xf32, #tpu.memory_space<hbm>>
    tpu.enqueue_dma source(%arg6 : memref<2048x8xf32, #tpu.memory_space<vmem>>) target(%dma_start3A_276 : memref<2048x8xf32, #tpu.memory_space<hbm>>) target_semaphore(%arg9 : memref<!tpu.dma_semaphore, #tpu.memory_space<semaphore_mem>>)
    %add3A_277 = arith.constant 180224 : i32
    %add3A_278 = arith.addi %mul3A_4, %add3A_277 : i32
    %dma_wait3A_279 = tpu.memref_slice %arg2[%add3A_278] : memref<1048584xf32, #tpu.memory_space<hbm>> -> memref<16392xf32, #tpu.memory_space<hbm>>
    %dma_wait3A_280 = tpu.memref_slice %arg2[%add3A_278] : memref<1048584xf32, #tpu.memory_space<hbm>> -> memref<16392xf32, #tpu.memory_space<hbm>>
    tpu.wait_dma2 semaphore(%arg8 : memref<!tpu.dma_semaphore, #tpu.memory_space<semaphore_mem>>) src(%dma_wait3A_280 : memref<16392xf32, #tpu.memory_space<hbm>>) dst(%arg5 : memref<16392xf32, #tpu.memory_space<vmem>>)
    %add3A_281 = arith.constant 196608 : i32
    %add3A_282 = arith.addi %mul3A_4, %add3A_281 : i32
    %dma_start3A_283 = tpu.memref_slice %arg2[%add3A_282] : memref<1048584xf32, #tpu.memory_space<hbm>> -> memref<16392xf32, #tpu.memory_space<hbm>>
    %dma_start3A_284 = tpu.memref_slice %arg2[%add3A_282] : memref<1048584xf32, #tpu.memory_space<hbm>> -> memref<16392xf32, #tpu.memory_space<hbm>>
    tpu.enqueue_dma source(%dma_start3A_284 : memref<16392xf32, #tpu.memory_space<hbm>>) target(%arg4 : memref<16392xf32, #tpu.memory_space<vmem>>) target_semaphore(%arg8 : memref<!tpu.dma_semaphore, #tpu.memory_space<semaphore_mem>>)
    %add3A_285 = arith.constant 18432 : i32
    %add3A_286 = arith.addi %mul3A_6, %add3A_285 : i32
    %dma_wait3A_287 = arith.constant 0 : i32
    %dma_wait3A_288 = tpu.memref_slice %arg3[%add3A_286, %dma_wait3A_287] : memref<1048576x8xf32, #tpu.memory_space<hbm>> -> memref<2048x8xf32, #tpu.memory_space<hbm>>
    %dma_wait3A_289 = arith.constant 0 : i32
    %dma_wait3A_290 = tpu.memref_slice %arg3[%add3A_286, %dma_wait3A_289] : memref<1048576x8xf32, #tpu.memory_space<hbm>> -> memref<2048x8xf32, #tpu.memory_space<hbm>>
    tpu.wait_dma2 semaphore(%arg9 : memref<!tpu.dma_semaphore, #tpu.memory_space<semaphore_mem>>) src(%arg7 : memref<2048x8xf32, #tpu.memory_space<vmem>>) dst(%dma_wait3A_290 : memref<2048x8xf32, #tpu.memory_space<hbm>>)
    %scan3A_291 = arith.constant 0 : i32
    %scan3A_292 = arith.constant 128 : i32
    %scan3A_293 = arith.addi %scan3A_291, %scan3A_292 : i32
    %scan3A_294 = arith.constant 1 : i32
    scf.for %scan3A_410 = %scan3A_291 to %scan3A_293 step %scan3A_294  : i32 {
      %mul3A_411 = arith.constant 1 : i32
      %mul3A_412 = arith.muli %scan3A_410, %mul3A_411 : i32
      %add3A_413 = arith.constant 0 : i32
      %add3A_414 = arith.addi %add3A_413, %mul3A_412 : i32
      %mul3A_415 = arith.constant 128 : i32
      %mul3A_416 = arith.muli %add3A_414, %mul3A_415 : i32
      %add3A_417 = arith.addi %mul3A_416, %shift_right_arithmetic3A_1 : i32
      %mul3A_418 = arith.constant 16 : i32
      %mul3A_419 = arith.muli %mul3A_418, %add3A_414 : i32
      %add3A_420 = vector.broadcast %mul3A_419 : i32 to vector<16xi32>
      %add3A_421 = arith.addi %add3A_420, %shift_right_arithmetic3A_9 : vector<16xi32>
      %add3A_422 = arith.constant 0 : i32
      %add3A_423 = arith.addi %add3A_417, %add3A_422 : i32
      %add3A_424 = vector.broadcast %add3A_423 : i32 to vector<16xi32>
      %add3A_425 = arith.addi %add3A_424, %iota3A : vector<16xi32>
      %gather3A = tpu.vector_load_idx %arg5[%add3A_425] : memref<16392xf32, #tpu.memory_space<vmem>>[vector<16xi32>], vector<16xf32>,
      %add3A_426 = arith.constant 0 : i32
      %add3A_427 = vector.broadcast %add3A_426 : i32 to vector<16xi32>
      %add3A_428 = arith.addi %add3A_421, %add3A_427 : vector<16xi32>
      tpu.vector_store_idx %arg7[%add3A_428, %and3A_12], %gather3A : memref<2048x8xf32, #tpu.memory_space<vmem>>[vector<16xi32>, vector<16xi32>], vector<16xf32>,
      %add3A_429 = arith.constant 16 : i32
      %add3A_430 = arith.addi %add3A_417, %add3A_429 : i32
      %add3A_431 = vector.broadcast %add3A_430 : i32 to vector<16xi32>
      %add3A_432 = arith.addi %add3A_431, %iota3A : vector<16xi32>
      %gather3A_433 = tpu.vector_load_idx %arg5[%add3A_432] : memref<16392xf32, #tpu.memory_space<vmem>>[vector<16xi32>], vector<16xf32>,
      %add3A_434 = arith.constant 2 : i32
      %add3A_435 = vector.broadcast %add3A_434 : i32 to vector<16xi32>
      %add3A_436 = arith.addi %add3A_421, %add3A_435 : vector<16xi32>
      tpu.vector_store_idx %arg7[%add3A_436, %and3A_12], %gather3A_433 : memref<2048x8xf32, #tpu.memory_space<vmem>>[vector<16xi32>, vector<16xi32>], vector<16xf32>,
      %add3A_437 = arith.constant 32 : i32
      %add3A_438 = arith.addi %add3A_417, %add3A_437 : i32
      %add3A_439 = vector.broadcast %add3A_438 : i32 to vector<16xi32>
      %add3A_440 = arith.addi %add3A_439, %iota3A : vector<16xi32>
      %gather3A_441 = tpu.vector_load_idx %arg5[%add3A_440] : memref<16392xf32, #tpu.memory_space<vmem>>[vector<16xi32>], vector<16xf32>,
      %add3A_442 = arith.constant 4 : i32
      %add3A_443 = vector.broadcast %add3A_442 : i32 to vector<16xi32>
      %add3A_444 = arith.addi %add3A_421, %add3A_443 : vector<16xi32>
      tpu.vector_store_idx %arg7[%add3A_444, %and3A_12], %gather3A_441 : memref<2048x8xf32, #tpu.memory_space<vmem>>[vector<16xi32>, vector<16xi32>], vector<16xf32>,
      %add3A_445 = arith.constant 48 : i32
      %add3A_446 = arith.addi %add3A_417, %add3A_445 : i32
      %add3A_447 = vector.broadcast %add3A_446 : i32 to vector<16xi32>
      %add3A_448 = arith.addi %add3A_447, %iota3A : vector<16xi32>
      %gather3A_449 = tpu.vector_load_idx %arg5[%add3A_448] : memref<16392xf32, #tpu.memory_space<vmem>>[vector<16xi32>], vector<16xf32>,
      %add3A_450 = arith.constant 6 : i32
      %add3A_451 = vector.broadcast %add3A_450 : i32 to vector<16xi32>
      %add3A_452 = arith.addi %add3A_421, %add3A_451 : vector<16xi32>
      tpu.vector_store_idx %arg7[%add3A_452, %and3A_12], %gather3A_449 : memref<2048x8xf32, #tpu.memory_space<vmem>>[vector<16xi32>, vector<16xi32>], vector<16xf32>,
      %add3A_453 = arith.constant 64 : i32
      %add3A_454 = arith.addi %add3A_417, %add3A_453 : i32
      %add3A_455 = vector.broadcast %add3A_454 : i32 to vector<16xi32>
      %add3A_456 = arith.addi %add3A_455, %iota3A : vector<16xi32>
      %gather3A_457 = tpu.vector_load_idx %arg5[%add3A_456] : memref<16392xf32, #tpu.memory_space<vmem>>[vector<16xi32>], vector<16xf32>,
      %add3A_458 = arith.constant 8 : i32
      %add3A_459 = vector.broadcast %add3A_458 : i32 to vector<16xi32>
      %add3A_460 = arith.addi %add3A_421, %add3A_459 : vector<16xi32>
      tpu.vector_store_idx %arg7[%add3A_460, %and3A_12], %gather3A_457 : memref<2048x8xf32, #tpu.memory_space<vmem>>[vector<16xi32>, vector<16xi32>], vector<16xf32>,
      %add3A_461 = arith.constant 80 : i32
      %add3A_462 = arith.addi %add3A_417, %add3A_461 : i32
      %add3A_463 = vector.broadcast %add3A_462 : i32 to vector<16xi32>
      %add3A_464 = arith.addi %add3A_463, %iota3A : vector<16xi32>
      %gather3A_465 = tpu.vector_load_idx %arg5[%add3A_464] : memref<16392xf32, #tpu.memory_space<vmem>>[vector<16xi32>], vector<16xf32>,
      %add3A_466 = arith.constant 10 : i32
      %add3A_467 = vector.broadcast %add3A_466 : i32 to vector<16xi32>
      %add3A_468 = arith.addi %add3A_421, %add3A_467 : vector<16xi32>
      tpu.vector_store_idx %arg7[%add3A_468, %and3A_12], %gather3A_465 : memref<2048x8xf32, #tpu.memory_space<vmem>>[vector<16xi32>, vector<16xi32>], vector<16xf32>,
      %add3A_469 = arith.constant 96 : i32
      %add3A_470 = arith.addi %add3A_417, %add3A_469 : i32
      %add3A_471 = vector.broadcast %add3A_470 : i32 to vector<16xi32>
      %add3A_472 = arith.addi %add3A_471, %iota3A : vector<16xi32>
      %gather3A_473 = tpu.vector_load_idx %arg5[%add3A_472] : memref<16392xf32, #tpu.memory_space<vmem>>[vector<16xi32>], vector<16xf32>,
      %add3A_474 = arith.constant 12 : i32
      %add3A_475 = vector.broadcast %add3A_474 : i32 to vector<16xi32>
      %add3A_476 = arith.addi %add3A_421, %add3A_475 : vector<16xi32>
      tpu.vector_store_idx %arg7[%add3A_476, %and3A_12], %gather3A_473 : memref<2048x8xf32, #tpu.memory_space<vmem>>[vector<16xi32>, vector<16xi32>], vector<16xf32>,
      %add3A_477 = arith.constant 112 : i32
      %add3A_478 = arith.addi %add3A_417, %add3A_477 : i32
      %add3A_479 = vector.broadcast %add3A_478 : i32 to vector<16xi32>
      %add3A_480 = arith.addi %add3A_479, %iota3A : vector<16xi32>
      %gather3A_481 = tpu.vector_load_idx %arg5[%add3A_480] : memref<16392xf32, #tpu.memory_space<vmem>>[vector<16xi32>], vector<16xf32>,
      %add3A_482 = arith.constant 14 : i32
      %add3A_483 = vector.broadcast %add3A_482 : i32 to vector<16xi32>
      %add3A_484 = arith.addi %add3A_421, %add3A_483 : vector<16xi32>
      tpu.vector_store_idx %arg7[%add3A_484, %and3A_12], %gather3A_481 : memref<2048x8xf32, #tpu.memory_space<vmem>>[vector<16xi32>, vector<16xi32>], vector<16xf32>,
    }
    %scan3A_295 = arith.constant 128 : i32
    %add3A_296 = arith.constant 22528 : i32
    %add3A_297 = arith.addi %mul3A_6, %add3A_296 : i32
    %dma_start3A_298 = arith.constant 0 : i32
    %dma_start3A_299 = tpu.memref_slice %arg3[%add3A_297, %dma_start3A_298] : memref<1048576x8xf32, #tpu.memory_space<hbm>> -> memref<2048x8xf32, #tpu.memory_space<hbm>>
    %dma_start3A_300 = arith.constant 0 : i32
    %dma_start3A_301 = tpu.memref_slice %arg3[%add3A_297, %dma_start3A_300] : memref<1048576x8xf32, #tpu.memory_space<hbm>> -> memref<2048x8xf32, #tpu.memory_space<hbm>>
    tpu.enqueue_dma source(%arg7 : memref<2048x8xf32, #tpu.memory_space<vmem>>) target(%dma_start3A_301 : memref<2048x8xf32, #tpu.memory_space<hbm>>) target_semaphore(%arg9 : memref<!tpu.dma_semaphore, #tpu.memory_space<semaphore_mem>>)
    %add3A_302 = arith.constant 196608 : i32
    %add3A_303 = arith.addi %mul3A_4, %add3A_302 : i32
    %dma_wait3A_304 = tpu.memref_slice %arg2[%add3A_303] : memref<1048584xf32, #tpu.memory_space<hbm>> -> memref<16392xf32, #tpu.memory_space<hbm>>
    %dma_wait3A_305 = tpu.memref_slice %arg2[%add3A_303] : memref<1048584xf32, #tpu.memory_space<hbm>> -> memref<16392xf32, #tpu.memory_space<hbm>>
    tpu.wait_dma2 semaphore(%arg8 : memref<!tpu.dma_semaphore, #tpu.memory_space<semaphore_mem>>) src(%dma_wait3A_305 : memref<16392xf32, #tpu.memory_space<hbm>>) dst(%arg4 : memref<16392xf32, #tpu.memory_space<vmem>>)
    %add3A_306 = arith.constant 212992 : i32
    %add3A_307 = arith.addi %mul3A_4, %add3A_306 : i32
    %dma_start3A_308 = tpu.memref_slice %arg2[%add3A_307] : memref<1048584xf32, #tpu.memory_space<hbm>> -> memref<16392xf32, #tpu.memory_space<hbm>>
    %dma_start3A_309 = tpu.memref_slice %arg2[%add3A_307] : memref<1048584xf32, #tpu.memory_space<hbm>> -> memref<16392xf32, #tpu.memory_space<hbm>>
    tpu.enqueue_dma source(%dma_start3A_309 : memref<16392xf32, #tpu.memory_space<hbm>>) target(%arg5 : memref<16392xf32, #tpu.memory_space<vmem>>) target_semaphore(%arg8 : memref<!tpu.dma_semaphore, #tpu.memory_space<semaphore_mem>>)
    %add3A_310 = arith.constant 20480 : i32
    %add3A_311 = arith.addi %mul3A_6, %add3A_310 : i32
    %dma_wait3A_312 = arith.constant 0 : i32
    %dma_wait3A_313 = tpu.memref_slice %arg3[%add3A_311, %dma_wait3A_312] : memref<1048576x8xf32, #tpu.memory_space<hbm>> -> memref<2048x8xf32, #tpu.memory_space<hbm>>
    %dma_wait3A_314 = arith.constant 0 : i32
    %dma_wait3A_315 = tpu.memref_slice %arg3[%add3A_311, %dma_wait3A_314] : memref<1048576x8xf32, #tpu.memory_space<hbm>> -> memref<2048x8xf32, #tpu.memory_space<hbm>>
    tpu.wait_dma2 semaphore(%arg9 : memref<!tpu.dma_semaphore, #tpu.memory_space<semaphore_mem>>) src(%arg6 : memref<2048x8xf32, #tpu.memory_space<vmem>>) dst(%dma_wait3A_315 : memref<2048x8xf32, #tpu.memory_space<hbm>>)
    %scan3A_316 = arith.constant 0 : i32
    %scan3A_317 = arith.constant 128 : i32
    %scan3A_318 = arith.addi %scan3A_316, %scan3A_317 : i32
    %scan3A_319 = arith.constant 1 : i32
    scf.for %scan3A_410 = %scan3A_316 to %scan3A_318 step %scan3A_319  : i32 {
      %mul3A_411 = arith.constant 1 : i32
      %mul3A_412 = arith.muli %scan3A_410, %mul3A_411 : i32
      %add3A_413 = arith.constant 0 : i32
      %add3A_414 = arith.addi %add3A_413, %mul3A_412 : i32
      %mul3A_415 = arith.constant 128 : i32
      %mul3A_416 = arith.muli %add3A_414, %mul3A_415 : i32
      %add3A_417 = arith.addi %mul3A_416, %shift_right_arithmetic3A_1 : i32
      %mul3A_418 = arith.constant 16 : i32
      %mul3A_419 = arith.muli %mul3A_418, %add3A_414 : i32
      %add3A_420 = vector.broadcast %mul3A_419 : i32 to vector<16xi32>
      %add3A_421 = arith.addi %add3A_420, %shift_right_arithmetic3A_9 : vector<16xi32>
      %add3A_422 = arith.constant 0 : i32
      %add3A_423 = arith.addi %add3A_417, %add3A_422 : i32
      %add3A_424 = vector.broadcast %add3A_423 : i32 to vector<16xi32>
      %add3A_425 = arith.addi %add3A_424, %iota3A : vector<16xi32>
      %gather3A = tpu.vector_load_idx %arg4[%add3A_425] : memref<16392xf32, #tpu.memory_space<vmem>>[vector<16xi32>], vector<16xf32>,
      %add3A_426 = arith.constant 0 : i32
      %add3A_427 = vector.broadcast %add3A_426 : i32 to vector<16xi32>
      %add3A_428 = arith.addi %add3A_421, %add3A_427 : vector<16xi32>
      tpu.vector_store_idx %arg6[%add3A_428, %and3A_12], %gather3A : memref<2048x8xf32, #tpu.memory_space<vmem>>[vector<16xi32>, vector<16xi32>], vector<16xf32>,
      %add3A_429 = arith.constant 16 : i32
      %add3A_430 = arith.addi %add3A_417, %add3A_429 : i32
      %add3A_431 = vector.broadcast %add3A_430 : i32 to vector<16xi32>
      %add3A_432 = arith.addi %add3A_431, %iota3A : vector<16xi32>
      %gather3A_433 = tpu.vector_load_idx %arg4[%add3A_432] : memref<16392xf32, #tpu.memory_space<vmem>>[vector<16xi32>], vector<16xf32>,
      %add3A_434 = arith.constant 2 : i32
      %add3A_435 = vector.broadcast %add3A_434 : i32 to vector<16xi32>
      %add3A_436 = arith.addi %add3A_421, %add3A_435 : vector<16xi32>
      tpu.vector_store_idx %arg6[%add3A_436, %and3A_12], %gather3A_433 : memref<2048x8xf32, #tpu.memory_space<vmem>>[vector<16xi32>, vector<16xi32>], vector<16xf32>,
      %add3A_437 = arith.constant 32 : i32
      %add3A_438 = arith.addi %add3A_417, %add3A_437 : i32
      %add3A_439 = vector.broadcast %add3A_438 : i32 to vector<16xi32>
      %add3A_440 = arith.addi %add3A_439, %iota3A : vector<16xi32>
      %gather3A_441 = tpu.vector_load_idx %arg4[%add3A_440] : memref<16392xf32, #tpu.memory_space<vmem>>[vector<16xi32>], vector<16xf32>,
      %add3A_442 = arith.constant 4 : i32
      %add3A_443 = vector.broadcast %add3A_442 : i32 to vector<16xi32>
      %add3A_444 = arith.addi %add3A_421, %add3A_443 : vector<16xi32>
      tpu.vector_store_idx %arg6[%add3A_444, %and3A_12], %gather3A_441 : memref<2048x8xf32, #tpu.memory_space<vmem>>[vector<16xi32>, vector<16xi32>], vector<16xf32>,
      %add3A_445 = arith.constant 48 : i32
      %add3A_446 = arith.addi %add3A_417, %add3A_445 : i32
      %add3A_447 = vector.broadcast %add3A_446 : i32 to vector<16xi32>
      %add3A_448 = arith.addi %add3A_447, %iota3A : vector<16xi32>
      %gather3A_449 = tpu.vector_load_idx %arg4[%add3A_448] : memref<16392xf32, #tpu.memory_space<vmem>>[vector<16xi32>], vector<16xf32>,
      %add3A_450 = arith.constant 6 : i32
      %add3A_451 = vector.broadcast %add3A_450 : i32 to vector<16xi32>
      %add3A_452 = arith.addi %add3A_421, %add3A_451 : vector<16xi32>
      tpu.vector_store_idx %arg6[%add3A_452, %and3A_12], %gather3A_449 : memref<2048x8xf32, #tpu.memory_space<vmem>>[vector<16xi32>, vector<16xi32>], vector<16xf32>,
      %add3A_453 = arith.constant 64 : i32
      %add3A_454 = arith.addi %add3A_417, %add3A_453 : i32
      %add3A_455 = vector.broadcast %add3A_454 : i32 to vector<16xi32>
      %add3A_456 = arith.addi %add3A_455, %iota3A : vector<16xi32>
      %gather3A_457 = tpu.vector_load_idx %arg4[%add3A_456] : memref<16392xf32, #tpu.memory_space<vmem>>[vector<16xi32>], vector<16xf32>,
      %add3A_458 = arith.constant 8 : i32
      %add3A_459 = vector.broadcast %add3A_458 : i32 to vector<16xi32>
      %add3A_460 = arith.addi %add3A_421, %add3A_459 : vector<16xi32>
      tpu.vector_store_idx %arg6[%add3A_460, %and3A_12], %gather3A_457 : memref<2048x8xf32, #tpu.memory_space<vmem>>[vector<16xi32>, vector<16xi32>], vector<16xf32>,
      %add3A_461 = arith.constant 80 : i32
      %add3A_462 = arith.addi %add3A_417, %add3A_461 : i32
      %add3A_463 = vector.broadcast %add3A_462 : i32 to vector<16xi32>
      %add3A_464 = arith.addi %add3A_463, %iota3A : vector<16xi32>
      %gather3A_465 = tpu.vector_load_idx %arg4[%add3A_464] : memref<16392xf32, #tpu.memory_space<vmem>>[vector<16xi32>], vector<16xf32>,
      %add3A_466 = arith.constant 10 : i32
      %add3A_467 = vector.broadcast %add3A_466 : i32 to vector<16xi32>
      %add3A_468 = arith.addi %add3A_421, %add3A_467 : vector<16xi32>
      tpu.vector_store_idx %arg6[%add3A_468, %and3A_12], %gather3A_465 : memref<2048x8xf32, #tpu.memory_space<vmem>>[vector<16xi32>, vector<16xi32>], vector<16xf32>,
      %add3A_469 = arith.constant 96 : i32
      %add3A_470 = arith.addi %add3A_417, %add3A_469 : i32
      %add3A_471 = vector.broadcast %add3A_470 : i32 to vector<16xi32>
      %add3A_472 = arith.addi %add3A_471, %iota3A : vector<16xi32>
      %gather3A_473 = tpu.vector_load_idx %arg4[%add3A_472] : memref<16392xf32, #tpu.memory_space<vmem>>[vector<16xi32>], vector<16xf32>,
      %add3A_474 = arith.constant 12 : i32
      %add3A_475 = vector.broadcast %add3A_474 : i32 to vector<16xi32>
      %add3A_476 = arith.addi %add3A_421, %add3A_475 : vector<16xi32>
      tpu.vector_store_idx %arg6[%add3A_476, %and3A_12], %gather3A_473 : memref<2048x8xf32, #tpu.memory_space<vmem>>[vector<16xi32>, vector<16xi32>], vector<16xf32>,
      %add3A_477 = arith.constant 112 : i32
      %add3A_478 = arith.addi %add3A_417, %add3A_477 : i32
      %add3A_479 = vector.broadcast %add3A_478 : i32 to vector<16xi32>
      %add3A_480 = arith.addi %add3A_479, %iota3A : vector<16xi32>
      %gather3A_481 = tpu.vector_load_idx %arg4[%add3A_480] : memref<16392xf32, #tpu.memory_space<vmem>>[vector<16xi32>], vector<16xf32>,
      %add3A_482 = arith.constant 14 : i32
      %add3A_483 = vector.broadcast %add3A_482 : i32 to vector<16xi32>
      %add3A_484 = arith.addi %add3A_421, %add3A_483 : vector<16xi32>
      tpu.vector_store_idx %arg6[%add3A_484, %and3A_12], %gather3A_481 : memref<2048x8xf32, #tpu.memory_space<vmem>>[vector<16xi32>, vector<16xi32>], vector<16xf32>,
    }
    %scan3A_320 = arith.constant 128 : i32
    %add3A_321 = arith.constant 24576 : i32
    %add3A_322 = arith.addi %mul3A_6, %add3A_321 : i32
    %dma_start3A_323 = arith.constant 0 : i32
    %dma_start3A_324 = tpu.memref_slice %arg3[%add3A_322, %dma_start3A_323] : memref<1048576x8xf32, #tpu.memory_space<hbm>> -> memref<2048x8xf32, #tpu.memory_space<hbm>>
    %dma_start3A_325 = arith.constant 0 : i32
    %dma_start3A_326 = tpu.memref_slice %arg3[%add3A_322, %dma_start3A_325] : memref<1048576x8xf32, #tpu.memory_space<hbm>> -> memref<2048x8xf32, #tpu.memory_space<hbm>>
    tpu.enqueue_dma source(%arg6 : memref<2048x8xf32, #tpu.memory_space<vmem>>) target(%dma_start3A_326 : memref<2048x8xf32, #tpu.memory_space<hbm>>) target_semaphore(%arg9 : memref<!tpu.dma_semaphore, #tpu.memory_space<semaphore_mem>>)
    %add3A_327 = arith.constant 212992 : i32
    %add3A_328 = arith.addi %mul3A_4, %add3A_327 : i32
    %dma_wait3A_329 = tpu.memref_slice %arg2[%add3A_328] : memref<1048584xf32, #tpu.memory_space<hbm>> -> memref<16392xf32, #tpu.memory_space<hbm>>
    %dma_wait3A_330 = tpu.memref_slice %arg2[%add3A_328] : memref<1048584xf32, #tpu.memory_space<hbm>> -> memref<16392xf32, #tpu.memory_space<hbm>>
    tpu.wait_dma2 semaphore(%arg8 : memref<!tpu.dma_semaphore, #tpu.memory_space<semaphore_mem>>) src(%dma_wait3A_330 : memref<16392xf32, #tpu.memory_space<hbm>>) dst(%arg5 : memref<16392xf32, #tpu.memory_space<vmem>>)
    %add3A_331 = arith.constant 229376 : i32
    %add3A_332 = arith.addi %mul3A_4, %add3A_331 : i32
    %dma_start3A_333 = tpu.memref_slice %arg2[%add3A_332] : memref<1048584xf32, #tpu.memory_space<hbm>> -> memref<16392xf32, #tpu.memory_space<hbm>>
    %dma_start3A_334 = tpu.memref_slice %arg2[%add3A_332] : memref<1048584xf32, #tpu.memory_space<hbm>> -> memref<16392xf32, #tpu.memory_space<hbm>>
    tpu.enqueue_dma source(%dma_start3A_334 : memref<16392xf32, #tpu.memory_space<hbm>>) target(%arg4 : memref<16392xf32, #tpu.memory_space<vmem>>) target_semaphore(%arg8 : memref<!tpu.dma_semaphore, #tpu.memory_space<semaphore_mem>>)
    %add3A_335 = arith.constant 22528 : i32
    %add3A_336 = arith.addi %mul3A_6, %add3A_335 : i32
    %dma_wait3A_337 = arith.constant 0 : i32
    %dma_wait3A_338 = tpu.memref_slice %arg3[%add3A_336, %dma_wait3A_337] : memref<1048576x8xf32, #tpu.memory_space<hbm>> -> memref<2048x8xf32, #tpu.memory_space<hbm>>
    %dma_wait3A_339 = arith.constant 0 : i32
    %dma_wait3A_340 = tpu.memref_slice %arg3[%add3A_336, %dma_wait3A_339] : memref<1048576x8xf32, #tpu.memory_space<hbm>> -> memref<2048x8xf32, #tpu.memory_space<hbm>>
    tpu.wait_dma2 semaphore(%arg9 : memref<!tpu.dma_semaphore, #tpu.memory_space<semaphore_mem>>) src(%arg7 : memref<2048x8xf32, #tpu.memory_space<vmem>>) dst(%dma_wait3A_340 : memref<2048x8xf32, #tpu.memory_space<hbm>>)
    %scan3A_341 = arith.constant 0 : i32
    %scan3A_342 = arith.constant 128 : i32
    %scan3A_343 = arith.addi %scan3A_341, %scan3A_342 : i32
    %scan3A_344 = arith.constant 1 : i32
    scf.for %scan3A_410 = %scan3A_341 to %scan3A_343 step %scan3A_344  : i32 {
      %mul3A_411 = arith.constant 1 : i32
      %mul3A_412 = arith.muli %scan3A_410, %mul3A_411 : i32
      %add3A_413 = arith.constant 0 : i32
      %add3A_414 = arith.addi %add3A_413, %mul3A_412 : i32
      %mul3A_415 = arith.constant 128 : i32
      %mul3A_416 = arith.muli %add3A_414, %mul3A_415 : i32
      %add3A_417 = arith.addi %mul3A_416, %shift_right_arithmetic3A_1 : i32
      %mul3A_418 = arith.constant 16 : i32
      %mul3A_419 = arith.muli %mul3A_418, %add3A_414 : i32
      %add3A_420 = vector.broadcast %mul3A_419 : i32 to vector<16xi32>
      %add3A_421 = arith.addi %add3A_420, %shift_right_arithmetic3A_9 : vector<16xi32>
      %add3A_422 = arith.constant 0 : i32
      %add3A_423 = arith.addi %add3A_417, %add3A_422 : i32
      %add3A_424 = vector.broadcast %add3A_423 : i32 to vector<16xi32>
      %add3A_425 = arith.addi %add3A_424, %iota3A : vector<16xi32>
      %gather3A = tpu.vector_load_idx %arg5[%add3A_425] : memref<16392xf32, #tpu.memory_space<vmem>>[vector<16xi32>], vector<16xf32>,
      %add3A_426 = arith.constant 0 : i32
      %add3A_427 = vector.broadcast %add3A_426 : i32 to vector<16xi32>
      %add3A_428 = arith.addi %add3A_421, %add3A_427 : vector<16xi32>
      tpu.vector_store_idx %arg7[%add3A_428, %and3A_12], %gather3A : memref<2048x8xf32, #tpu.memory_space<vmem>>[vector<16xi32>, vector<16xi32>], vector<16xf32>,
      %add3A_429 = arith.constant 16 : i32
      %add3A_430 = arith.addi %add3A_417, %add3A_429 : i32
      %add3A_431 = vector.broadcast %add3A_430 : i32 to vector<16xi32>
      %add3A_432 = arith.addi %add3A_431, %iota3A : vector<16xi32>
      %gather3A_433 = tpu.vector_load_idx %arg5[%add3A_432] : memref<16392xf32, #tpu.memory_space<vmem>>[vector<16xi32>], vector<16xf32>,
      %add3A_434 = arith.constant 2 : i32
      %add3A_435 = vector.broadcast %add3A_434 : i32 to vector<16xi32>
      %add3A_436 = arith.addi %add3A_421, %add3A_435 : vector<16xi32>
      tpu.vector_store_idx %arg7[%add3A_436, %and3A_12], %gather3A_433 : memref<2048x8xf32, #tpu.memory_space<vmem>>[vector<16xi32>, vector<16xi32>], vector<16xf32>,
      %add3A_437 = arith.constant 32 : i32
      %add3A_438 = arith.addi %add3A_417, %add3A_437 : i32
      %add3A_439 = vector.broadcast %add3A_438 : i32 to vector<16xi32>
      %add3A_440 = arith.addi %add3A_439, %iota3A : vector<16xi32>
      %gather3A_441 = tpu.vector_load_idx %arg5[%add3A_440] : memref<16392xf32, #tpu.memory_space<vmem>>[vector<16xi32>], vector<16xf32>,
      %add3A_442 = arith.constant 4 : i32
      %add3A_443 = vector.broadcast %add3A_442 : i32 to vector<16xi32>
      %add3A_444 = arith.addi %add3A_421, %add3A_443 : vector<16xi32>
      tpu.vector_store_idx %arg7[%add3A_444, %and3A_12], %gather3A_441 : memref<2048x8xf32, #tpu.memory_space<vmem>>[vector<16xi32>, vector<16xi32>], vector<16xf32>,
      %add3A_445 = arith.constant 48 : i32
      %add3A_446 = arith.addi %add3A_417, %add3A_445 : i32
      %add3A_447 = vector.broadcast %add3A_446 : i32 to vector<16xi32>
      %add3A_448 = arith.addi %add3A_447, %iota3A : vector<16xi32>
      %gather3A_449 = tpu.vector_load_idx %arg5[%add3A_448] : memref<16392xf32, #tpu.memory_space<vmem>>[vector<16xi32>], vector<16xf32>,
      %add3A_450 = arith.constant 6 : i32
      %add3A_451 = vector.broadcast %add3A_450 : i32 to vector<16xi32>
      %add3A_452 = arith.addi %add3A_421, %add3A_451 : vector<16xi32>
      tpu.vector_store_idx %arg7[%add3A_452, %and3A_12], %gather3A_449 : memref<2048x8xf32, #tpu.memory_space<vmem>>[vector<16xi32>, vector<16xi32>], vector<16xf32>,
      %add3A_453 = arith.constant 64 : i32
      %add3A_454 = arith.addi %add3A_417, %add3A_453 : i32
      %add3A_455 = vector.broadcast %add3A_454 : i32 to vector<16xi32>
      %add3A_456 = arith.addi %add3A_455, %iota3A : vector<16xi32>
      %gather3A_457 = tpu.vector_load_idx %arg5[%add3A_456] : memref<16392xf32, #tpu.memory_space<vmem>>[vector<16xi32>], vector<16xf32>,
      %add3A_458 = arith.constant 8 : i32
      %add3A_459 = vector.broadcast %add3A_458 : i32 to vector<16xi32>
      %add3A_460 = arith.addi %add3A_421, %add3A_459 : vector<16xi32>
      tpu.vector_store_idx %arg7[%add3A_460, %and3A_12], %gather3A_457 : memref<2048x8xf32, #tpu.memory_space<vmem>>[vector<16xi32>, vector<16xi32>], vector<16xf32>,
      %add3A_461 = arith.constant 80 : i32
      %add3A_462 = arith.addi %add3A_417, %add3A_461 : i32
      %add3A_463 = vector.broadcast %add3A_462 : i32 to vector<16xi32>
      %add3A_464 = arith.addi %add3A_463, %iota3A : vector<16xi32>
      %gather3A_465 = tpu.vector_load_idx %arg5[%add3A_464] : memref<16392xf32, #tpu.memory_space<vmem>>[vector<16xi32>], vector<16xf32>,
      %add3A_466 = arith.constant 10 : i32
      %add3A_467 = vector.broadcast %add3A_466 : i32 to vector<16xi32>
      %add3A_468 = arith.addi %add3A_421, %add3A_467 : vector<16xi32>
      tpu.vector_store_idx %arg7[%add3A_468, %and3A_12], %gather3A_465 : memref<2048x8xf32, #tpu.memory_space<vmem>>[vector<16xi32>, vector<16xi32>], vector<16xf32>,
      %add3A_469 = arith.constant 96 : i32
      %add3A_470 = arith.addi %add3A_417, %add3A_469 : i32
      %add3A_471 = vector.broadcast %add3A_470 : i32 to vector<16xi32>
      %add3A_472 = arith.addi %add3A_471, %iota3A : vector<16xi32>
      %gather3A_473 = tpu.vector_load_idx %arg5[%add3A_472] : memref<16392xf32, #tpu.memory_space<vmem>>[vector<16xi32>], vector<16xf32>,
      %add3A_474 = arith.constant 12 : i32
      %add3A_475 = vector.broadcast %add3A_474 : i32 to vector<16xi32>
      %add3A_476 = arith.addi %add3A_421, %add3A_475 : vector<16xi32>
      tpu.vector_store_idx %arg7[%add3A_476, %and3A_12], %gather3A_473 : memref<2048x8xf32, #tpu.memory_space<vmem>>[vector<16xi32>, vector<16xi32>], vector<16xf32>,
      %add3A_477 = arith.constant 112 : i32
      %add3A_478 = arith.addi %add3A_417, %add3A_477 : i32
      %add3A_479 = vector.broadcast %add3A_478 : i32 to vector<16xi32>
      %add3A_480 = arith.addi %add3A_479, %iota3A : vector<16xi32>
      %gather3A_481 = tpu.vector_load_idx %arg5[%add3A_480] : memref<16392xf32, #tpu.memory_space<vmem>>[vector<16xi32>], vector<16xf32>,
      %add3A_482 = arith.constant 14 : i32
      %add3A_483 = vector.broadcast %add3A_482 : i32 to vector<16xi32>
      %add3A_484 = arith.addi %add3A_421, %add3A_483 : vector<16xi32>
      tpu.vector_store_idx %arg7[%add3A_484, %and3A_12], %gather3A_481 : memref<2048x8xf32, #tpu.memory_space<vmem>>[vector<16xi32>, vector<16xi32>], vector<16xf32>,
    }
    %scan3A_345 = arith.constant 128 : i32
    %add3A_346 = arith.constant 26624 : i32
    %add3A_347 = arith.addi %mul3A_6, %add3A_346 : i32
    %dma_start3A_348 = arith.constant 0 : i32
    %dma_start3A_349 = tpu.memref_slice %arg3[%add3A_347, %dma_start3A_348] : memref<1048576x8xf32, #tpu.memory_space<hbm>> -> memref<2048x8xf32, #tpu.memory_space<hbm>>
    %dma_start3A_350 = arith.constant 0 : i32
    %dma_start3A_351 = tpu.memref_slice %arg3[%add3A_347, %dma_start3A_350] : memref<1048576x8xf32, #tpu.memory_space<hbm>> -> memref<2048x8xf32, #tpu.memory_space<hbm>>
    tpu.enqueue_dma source(%arg7 : memref<2048x8xf32, #tpu.memory_space<vmem>>) target(%dma_start3A_351 : memref<2048x8xf32, #tpu.memory_space<hbm>>) target_semaphore(%arg9 : memref<!tpu.dma_semaphore, #tpu.memory_space<semaphore_mem>>)
    %add3A_352 = arith.constant 229376 : i32
    %add3A_353 = arith.addi %mul3A_4, %add3A_352 : i32
    %dma_wait3A_354 = tpu.memref_slice %arg2[%add3A_353] : memref<1048584xf32, #tpu.memory_space<hbm>> -> memref<16392xf32, #tpu.memory_space<hbm>>
    %dma_wait3A_355 = tpu.memref_slice %arg2[%add3A_353] : memref<1048584xf32, #tpu.memory_space<hbm>> -> memref<16392xf32, #tpu.memory_space<hbm>>
    tpu.wait_dma2 semaphore(%arg8 : memref<!tpu.dma_semaphore, #tpu.memory_space<semaphore_mem>>) src(%dma_wait3A_355 : memref<16392xf32, #tpu.memory_space<hbm>>) dst(%arg4 : memref<16392xf32, #tpu.memory_space<vmem>>)
    %add3A_356 = arith.constant 245760 : i32
    %add3A_357 = arith.addi %mul3A_4, %add3A_356 : i32
    %dma_start3A_358 = tpu.memref_slice %arg2[%add3A_357] : memref<1048584xf32, #tpu.memory_space<hbm>> -> memref<16392xf32, #tpu.memory_space<hbm>>
    %dma_start3A_359 = tpu.memref_slice %arg2[%add3A_357] : memref<1048584xf32, #tpu.memory_space<hbm>> -> memref<16392xf32, #tpu.memory_space<hbm>>
    tpu.enqueue_dma source(%dma_start3A_359 : memref<16392xf32, #tpu.memory_space<hbm>>) target(%arg5 : memref<16392xf32, #tpu.memory_space<vmem>>) target_semaphore(%arg8 : memref<!tpu.dma_semaphore, #tpu.memory_space<semaphore_mem>>)
    %add3A_360 = arith.constant 24576 : i32
    %add3A_361 = arith.addi %mul3A_6, %add3A_360 : i32
    %dma_wait3A_362 = arith.constant 0 : i32
    %dma_wait3A_363 = tpu.memref_slice %arg3[%add3A_361, %dma_wait3A_362] : memref<1048576x8xf32, #tpu.memory_space<hbm>> -> memref<2048x8xf32, #tpu.memory_space<hbm>>
    %dma_wait3A_364 = arith.constant 0 : i32
    %dma_wait3A_365 = tpu.memref_slice %arg3[%add3A_361, %dma_wait3A_364] : memref<1048576x8xf32, #tpu.memory_space<hbm>> -> memref<2048x8xf32, #tpu.memory_space<hbm>>
    tpu.wait_dma2 semaphore(%arg9 : memref<!tpu.dma_semaphore, #tpu.memory_space<semaphore_mem>>) src(%arg6 : memref<2048x8xf32, #tpu.memory_space<vmem>>) dst(%dma_wait3A_365 : memref<2048x8xf32, #tpu.memory_space<hbm>>)
    %scan3A_366 = arith.constant 0 : i32
    %scan3A_367 = arith.constant 128 : i32
    %scan3A_368 = arith.addi %scan3A_366, %scan3A_367 : i32
    %scan3A_369 = arith.constant 1 : i32
    scf.for %scan3A_410 = %scan3A_366 to %scan3A_368 step %scan3A_369  : i32 {
      %mul3A_411 = arith.constant 1 : i32
      %mul3A_412 = arith.muli %scan3A_410, %mul3A_411 : i32
      %add3A_413 = arith.constant 0 : i32
      %add3A_414 = arith.addi %add3A_413, %mul3A_412 : i32
      %mul3A_415 = arith.constant 128 : i32
      %mul3A_416 = arith.muli %add3A_414, %mul3A_415 : i32
      %add3A_417 = arith.addi %mul3A_416, %shift_right_arithmetic3A_1 : i32
      %mul3A_418 = arith.constant 16 : i32
      %mul3A_419 = arith.muli %mul3A_418, %add3A_414 : i32
      %add3A_420 = vector.broadcast %mul3A_419 : i32 to vector<16xi32>
      %add3A_421 = arith.addi %add3A_420, %shift_right_arithmetic3A_9 : vector<16xi32>
      %add3A_422 = arith.constant 0 : i32
      %add3A_423 = arith.addi %add3A_417, %add3A_422 : i32
      %add3A_424 = vector.broadcast %add3A_423 : i32 to vector<16xi32>
      %add3A_425 = arith.addi %add3A_424, %iota3A : vector<16xi32>
      %gather3A = tpu.vector_load_idx %arg4[%add3A_425] : memref<16392xf32, #tpu.memory_space<vmem>>[vector<16xi32>], vector<16xf32>,
      %add3A_426 = arith.constant 0 : i32
      %add3A_427 = vector.broadcast %add3A_426 : i32 to vector<16xi32>
      %add3A_428 = arith.addi %add3A_421, %add3A_427 : vector<16xi32>
      tpu.vector_store_idx %arg6[%add3A_428, %and3A_12], %gather3A : memref<2048x8xf32, #tpu.memory_space<vmem>>[vector<16xi32>, vector<16xi32>], vector<16xf32>,
      %add3A_429 = arith.constant 16 : i32
      %add3A_430 = arith.addi %add3A_417, %add3A_429 : i32
      %add3A_431 = vector.broadcast %add3A_430 : i32 to vector<16xi32>
      %add3A_432 = arith.addi %add3A_431, %iota3A : vector<16xi32>
      %gather3A_433 = tpu.vector_load_idx %arg4[%add3A_432] : memref<16392xf32, #tpu.memory_space<vmem>>[vector<16xi32>], vector<16xf32>,
      %add3A_434 = arith.constant 2 : i32
      %add3A_435 = vector.broadcast %add3A_434 : i32 to vector<16xi32>
      %add3A_436 = arith.addi %add3A_421, %add3A_435 : vector<16xi32>
      tpu.vector_store_idx %arg6[%add3A_436, %and3A_12], %gather3A_433 : memref<2048x8xf32, #tpu.memory_space<vmem>>[vector<16xi32>, vector<16xi32>], vector<16xf32>,
      %add3A_437 = arith.constant 32 : i32
      %add3A_438 = arith.addi %add3A_417, %add3A_437 : i32
      %add3A_439 = vector.broadcast %add3A_438 : i32 to vector<16xi32>
      %add3A_440 = arith.addi %add3A_439, %iota3A : vector<16xi32>
      %gather3A_441 = tpu.vector_load_idx %arg4[%add3A_440] : memref<16392xf32, #tpu.memory_space<vmem>>[vector<16xi32>], vector<16xf32>,
      %add3A_442 = arith.constant 4 : i32
      %add3A_443 = vector.broadcast %add3A_442 : i32 to vector<16xi32>
      %add3A_444 = arith.addi %add3A_421, %add3A_443 : vector<16xi32>
      tpu.vector_store_idx %arg6[%add3A_444, %and3A_12], %gather3A_441 : memref<2048x8xf32, #tpu.memory_space<vmem>>[vector<16xi32>, vector<16xi32>], vector<16xf32>,
      %add3A_445 = arith.constant 48 : i32
      %add3A_446 = arith.addi %add3A_417, %add3A_445 : i32
      %add3A_447 = vector.broadcast %add3A_446 : i32 to vector<16xi32>
      %add3A_448 = arith.addi %add3A_447, %iota3A : vector<16xi32>
      %gather3A_449 = tpu.vector_load_idx %arg4[%add3A_448] : memref<16392xf32, #tpu.memory_space<vmem>>[vector<16xi32>], vector<16xf32>,
      %add3A_450 = arith.constant 6 : i32
      %add3A_451 = vector.broadcast %add3A_450 : i32 to vector<16xi32>
      %add3A_452 = arith.addi %add3A_421, %add3A_451 : vector<16xi32>
      tpu.vector_store_idx %arg6[%add3A_452, %and3A_12], %gather3A_449 : memref<2048x8xf32, #tpu.memory_space<vmem>>[vector<16xi32>, vector<16xi32>], vector<16xf32>,
      %add3A_453 = arith.constant 64 : i32
      %add3A_454 = arith.addi %add3A_417, %add3A_453 : i32
      %add3A_455 = vector.broadcast %add3A_454 : i32 to vector<16xi32>
      %add3A_456 = arith.addi %add3A_455, %iota3A : vector<16xi32>
      %gather3A_457 = tpu.vector_load_idx %arg4[%add3A_456] : memref<16392xf32, #tpu.memory_space<vmem>>[vector<16xi32>], vector<16xf32>,
      %add3A_458 = arith.constant 8 : i32
      %add3A_459 = vector.broadcast %add3A_458 : i32 to vector<16xi32>
      %add3A_460 = arith.addi %add3A_421, %add3A_459 : vector<16xi32>
      tpu.vector_store_idx %arg6[%add3A_460, %and3A_12], %gather3A_457 : memref<2048x8xf32, #tpu.memory_space<vmem>>[vector<16xi32>, vector<16xi32>], vector<16xf32>,
      %add3A_461 = arith.constant 80 : i32
      %add3A_462 = arith.addi %add3A_417, %add3A_461 : i32
      %add3A_463 = vector.broadcast %add3A_462 : i32 to vector<16xi32>
      %add3A_464 = arith.addi %add3A_463, %iota3A : vector<16xi32>
      %gather3A_465 = tpu.vector_load_idx %arg4[%add3A_464] : memref<16392xf32, #tpu.memory_space<vmem>>[vector<16xi32>], vector<16xf32>,
      %add3A_466 = arith.constant 10 : i32
      %add3A_467 = vector.broadcast %add3A_466 : i32 to vector<16xi32>
      %add3A_468 = arith.addi %add3A_421, %add3A_467 : vector<16xi32>
      tpu.vector_store_idx %arg6[%add3A_468, %and3A_12], %gather3A_465 : memref<2048x8xf32, #tpu.memory_space<vmem>>[vector<16xi32>, vector<16xi32>], vector<16xf32>,
      %add3A_469 = arith.constant 96 : i32
      %add3A_470 = arith.addi %add3A_417, %add3A_469 : i32
      %add3A_471 = vector.broadcast %add3A_470 : i32 to vector<16xi32>
      %add3A_472 = arith.addi %add3A_471, %iota3A : vector<16xi32>
      %gather3A_473 = tpu.vector_load_idx %arg4[%add3A_472] : memref<16392xf32, #tpu.memory_space<vmem>>[vector<16xi32>], vector<16xf32>,
      %add3A_474 = arith.constant 12 : i32
      %add3A_475 = vector.broadcast %add3A_474 : i32 to vector<16xi32>
      %add3A_476 = arith.addi %add3A_421, %add3A_475 : vector<16xi32>
      tpu.vector_store_idx %arg6[%add3A_476, %and3A_12], %gather3A_473 : memref<2048x8xf32, #tpu.memory_space<vmem>>[vector<16xi32>, vector<16xi32>], vector<16xf32>,
      %add3A_477 = arith.constant 112 : i32
      %add3A_478 = arith.addi %add3A_417, %add3A_477 : i32
      %add3A_479 = vector.broadcast %add3A_478 : i32 to vector<16xi32>
      %add3A_480 = arith.addi %add3A_479, %iota3A : vector<16xi32>
      %gather3A_481 = tpu.vector_load_idx %arg4[%add3A_480] : memref<16392xf32, #tpu.memory_space<vmem>>[vector<16xi32>], vector<16xf32>,
      %add3A_482 = arith.constant 14 : i32
      %add3A_483 = vector.broadcast %add3A_482 : i32 to vector<16xi32>
      %add3A_484 = arith.addi %add3A_421, %add3A_483 : vector<16xi32>
      tpu.vector_store_idx %arg6[%add3A_484, %and3A_12], %gather3A_481 : memref<2048x8xf32, #tpu.memory_space<vmem>>[vector<16xi32>, vector<16xi32>], vector<16xf32>,
    }
    %scan3A_370 = arith.constant 128 : i32
    %add3A_371 = arith.constant 28672 : i32
    %add3A_372 = arith.addi %mul3A_6, %add3A_371 : i32
    %dma_start3A_373 = arith.constant 0 : i32
    %dma_start3A_374 = tpu.memref_slice %arg3[%add3A_372, %dma_start3A_373] : memref<1048576x8xf32, #tpu.memory_space<hbm>> -> memref<2048x8xf32, #tpu.memory_space<hbm>>
    %dma_start3A_375 = arith.constant 0 : i32
    %dma_start3A_376 = tpu.memref_slice %arg3[%add3A_372, %dma_start3A_375] : memref<1048576x8xf32, #tpu.memory_space<hbm>> -> memref<2048x8xf32, #tpu.memory_space<hbm>>
    tpu.enqueue_dma source(%arg6 : memref<2048x8xf32, #tpu.memory_space<vmem>>) target(%dma_start3A_376 : memref<2048x8xf32, #tpu.memory_space<hbm>>) target_semaphore(%arg9 : memref<!tpu.dma_semaphore, #tpu.memory_space<semaphore_mem>>)
    %add3A_377 = arith.constant 245760 : i32
    %add3A_378 = arith.addi %mul3A_4, %add3A_377 : i32
    %dma_wait3A_379 = tpu.memref_slice %arg2[%add3A_378] : memref<1048584xf32, #tpu.memory_space<hbm>> -> memref<16392xf32, #tpu.memory_space<hbm>>
    %dma_wait3A_380 = tpu.memref_slice %arg2[%add3A_378] : memref<1048584xf32, #tpu.memory_space<hbm>> -> memref<16392xf32, #tpu.memory_space<hbm>>
    tpu.wait_dma2 semaphore(%arg8 : memref<!tpu.dma_semaphore, #tpu.memory_space<semaphore_mem>>) src(%dma_wait3A_380 : memref<16392xf32, #tpu.memory_space<hbm>>) dst(%arg5 : memref<16392xf32, #tpu.memory_space<vmem>>)
    %add3A_381 = arith.constant 26624 : i32
    %add3A_382 = arith.addi %mul3A_6, %add3A_381 : i32
    %dma_wait3A_383 = arith.constant 0 : i32
    %dma_wait3A_384 = tpu.memref_slice %arg3[%add3A_382, %dma_wait3A_383] : memref<1048576x8xf32, #tpu.memory_space<hbm>> -> memref<2048x8xf32, #tpu.memory_space<hbm>>
    %dma_wait3A_385 = arith.constant 0 : i32
    %dma_wait3A_386 = tpu.memref_slice %arg3[%add3A_382, %dma_wait3A_385] : memref<1048576x8xf32, #tpu.memory_space<hbm>> -> memref<2048x8xf32, #tpu.memory_space<hbm>>
    tpu.wait_dma2 semaphore(%arg9 : memref<!tpu.dma_semaphore, #tpu.memory_space<semaphore_mem>>) src(%arg7 : memref<2048x8xf32, #tpu.memory_space<vmem>>) dst(%dma_wait3A_386 : memref<2048x8xf32, #tpu.memory_space<hbm>>)
    %scan3A_387 = arith.constant 0 : i32
    %scan3A_388 = arith.constant 128 : i32
    %scan3A_389 = arith.addi %scan3A_387, %scan3A_388 : i32
    %scan3A_390 = arith.constant 1 : i32
    scf.for %scan3A_410 = %scan3A_387 to %scan3A_389 step %scan3A_390  : i32 {
      %mul3A_411 = arith.constant 1 : i32
      %mul3A_412 = arith.muli %scan3A_410, %mul3A_411 : i32
      %add3A_413 = arith.constant 0 : i32
      %add3A_414 = arith.addi %add3A_413, %mul3A_412 : i32
      %mul3A_415 = arith.constant 128 : i32
      %mul3A_416 = arith.muli %add3A_414, %mul3A_415 : i32
      %add3A_417 = arith.addi %mul3A_416, %shift_right_arithmetic3A_1 : i32
      %mul3A_418 = arith.constant 16 : i32
      %mul3A_419 = arith.muli %mul3A_418, %add3A_414 : i32
      %add3A_420 = vector.broadcast %mul3A_419 : i32 to vector<16xi32>
      %add3A_421 = arith.addi %add3A_420, %shift_right_arithmetic3A_9 : vector<16xi32>
      %add3A_422 = arith.constant 0 : i32
      %add3A_423 = arith.addi %add3A_417, %add3A_422 : i32
      %add3A_424 = vector.broadcast %add3A_423 : i32 to vector<16xi32>
      %add3A_425 = arith.addi %add3A_424, %iota3A : vector<16xi32>
      %gather3A = tpu.vector_load_idx %arg5[%add3A_425] : memref<16392xf32, #tpu.memory_space<vmem>>[vector<16xi32>], vector<16xf32>,
      %add3A_426 = arith.constant 0 : i32
      %add3A_427 = vector.broadcast %add3A_426 : i32 to vector<16xi32>
      %add3A_428 = arith.addi %add3A_421, %add3A_427 : vector<16xi32>
      tpu.vector_store_idx %arg7[%add3A_428, %and3A_12], %gather3A : memref<2048x8xf32, #tpu.memory_space<vmem>>[vector<16xi32>, vector<16xi32>], vector<16xf32>,
      %add3A_429 = arith.constant 16 : i32
      %add3A_430 = arith.addi %add3A_417, %add3A_429 : i32
      %add3A_431 = vector.broadcast %add3A_430 : i32 to vector<16xi32>
      %add3A_432 = arith.addi %add3A_431, %iota3A : vector<16xi32>
      %gather3A_433 = tpu.vector_load_idx %arg5[%add3A_432] : memref<16392xf32, #tpu.memory_space<vmem>>[vector<16xi32>], vector<16xf32>,
      %add3A_434 = arith.constant 2 : i32
      %add3A_435 = vector.broadcast %add3A_434 : i32 to vector<16xi32>
      %add3A_436 = arith.addi %add3A_421, %add3A_435 : vector<16xi32>
      tpu.vector_store_idx %arg7[%add3A_436, %and3A_12], %gather3A_433 : memref<2048x8xf32, #tpu.memory_space<vmem>>[vector<16xi32>, vector<16xi32>], vector<16xf32>,
      %add3A_437 = arith.constant 32 : i32
      %add3A_438 = arith.addi %add3A_417, %add3A_437 : i32
      %add3A_439 = vector.broadcast %add3A_438 : i32 to vector<16xi32>
      %add3A_440 = arith.addi %add3A_439, %iota3A : vector<16xi32>
      %gather3A_441 = tpu.vector_load_idx %arg5[%add3A_440] : memref<16392xf32, #tpu.memory_space<vmem>>[vector<16xi32>], vector<16xf32>,
      %add3A_442 = arith.constant 4 : i32
      %add3A_443 = vector.broadcast %add3A_442 : i32 to vector<16xi32>
      %add3A_444 = arith.addi %add3A_421, %add3A_443 : vector<16xi32>
      tpu.vector_store_idx %arg7[%add3A_444, %and3A_12], %gather3A_441 : memref<2048x8xf32, #tpu.memory_space<vmem>>[vector<16xi32>, vector<16xi32>], vector<16xf32>,
      %add3A_445 = arith.constant 48 : i32
      %add3A_446 = arith.addi %add3A_417, %add3A_445 : i32
      %add3A_447 = vector.broadcast %add3A_446 : i32 to vector<16xi32>
      %add3A_448 = arith.addi %add3A_447, %iota3A : vector<16xi32>
      %gather3A_449 = tpu.vector_load_idx %arg5[%add3A_448] : memref<16392xf32, #tpu.memory_space<vmem>>[vector<16xi32>], vector<16xf32>,
      %add3A_450 = arith.constant 6 : i32
      %add3A_451 = vector.broadcast %add3A_450 : i32 to vector<16xi32>
      %add3A_452 = arith.addi %add3A_421, %add3A_451 : vector<16xi32>
      tpu.vector_store_idx %arg7[%add3A_452, %and3A_12], %gather3A_449 : memref<2048x8xf32, #tpu.memory_space<vmem>>[vector<16xi32>, vector<16xi32>], vector<16xf32>,
      %add3A_453 = arith.constant 64 : i32
      %add3A_454 = arith.addi %add3A_417, %add3A_453 : i32
      %add3A_455 = vector.broadcast %add3A_454 : i32 to vector<16xi32>
      %add3A_456 = arith.addi %add3A_455, %iota3A : vector<16xi32>
      %gather3A_457 = tpu.vector_load_idx %arg5[%add3A_456] : memref<16392xf32, #tpu.memory_space<vmem>>[vector<16xi32>], vector<16xf32>,
      %add3A_458 = arith.constant 8 : i32
      %add3A_459 = vector.broadcast %add3A_458 : i32 to vector<16xi32>
      %add3A_460 = arith.addi %add3A_421, %add3A_459 : vector<16xi32>
      tpu.vector_store_idx %arg7[%add3A_460, %and3A_12], %gather3A_457 : memref<2048x8xf32, #tpu.memory_space<vmem>>[vector<16xi32>, vector<16xi32>], vector<16xf32>,
      %add3A_461 = arith.constant 80 : i32
      %add3A_462 = arith.addi %add3A_417, %add3A_461 : i32
      %add3A_463 = vector.broadcast %add3A_462 : i32 to vector<16xi32>
      %add3A_464 = arith.addi %add3A_463, %iota3A : vector<16xi32>
      %gather3A_465 = tpu.vector_load_idx %arg5[%add3A_464] : memref<16392xf32, #tpu.memory_space<vmem>>[vector<16xi32>], vector<16xf32>,
      %add3A_466 = arith.constant 10 : i32
      %add3A_467 = vector.broadcast %add3A_466 : i32 to vector<16xi32>
      %add3A_468 = arith.addi %add3A_421, %add3A_467 : vector<16xi32>
      tpu.vector_store_idx %arg7[%add3A_468, %and3A_12], %gather3A_465 : memref<2048x8xf32, #tpu.memory_space<vmem>>[vector<16xi32>, vector<16xi32>], vector<16xf32>,
      %add3A_469 = arith.constant 96 : i32
      %add3A_470 = arith.addi %add3A_417, %add3A_469 : i32
      %add3A_471 = vector.broadcast %add3A_470 : i32 to vector<16xi32>
      %add3A_472 = arith.addi %add3A_471, %iota3A : vector<16xi32>
      %gather3A_473 = tpu.vector_load_idx %arg5[%add3A_472] : memref<16392xf32, #tpu.memory_space<vmem>>[vector<16xi32>], vector<16xf32>,
      %add3A_474 = arith.constant 12 : i32
      %add3A_475 = vector.broadcast %add3A_474 : i32 to vector<16xi32>
      %add3A_476 = arith.addi %add3A_421, %add3A_475 : vector<16xi32>
      tpu.vector_store_idx %arg7[%add3A_476, %and3A_12], %gather3A_473 : memref<2048x8xf32, #tpu.memory_space<vmem>>[vector<16xi32>, vector<16xi32>], vector<16xf32>,
      %add3A_477 = arith.constant 112 : i32
      %add3A_478 = arith.addi %add3A_417, %add3A_477 : i32
      %add3A_479 = vector.broadcast %add3A_478 : i32 to vector<16xi32>
      %add3A_480 = arith.addi %add3A_479, %iota3A : vector<16xi32>
      %gather3A_481 = tpu.vector_load_idx %arg5[%add3A_480] : memref<16392xf32, #tpu.memory_space<vmem>>[vector<16xi32>], vector<16xf32>,
      %add3A_482 = arith.constant 14 : i32
      %add3A_483 = vector.broadcast %add3A_482 : i32 to vector<16xi32>
      %add3A_484 = arith.addi %add3A_421, %add3A_483 : vector<16xi32>
      tpu.vector_store_idx %arg7[%add3A_484, %and3A_12], %gather3A_481 : memref<2048x8xf32, #tpu.memory_space<vmem>>[vector<16xi32>, vector<16xi32>], vector<16xf32>,
    }
    %scan3A_391 = arith.constant 128 : i32
    %add3A_392 = arith.constant 30720 : i32
    %add3A_393 = arith.addi %mul3A_6, %add3A_392 : i32
    %dma_start3A_394 = arith.constant 0 : i32
    %dma_start3A_395 = tpu.memref_slice %arg3[%add3A_393, %dma_start3A_394] : memref<1048576x8xf32, #tpu.memory_space<hbm>> -> memref<2048x8xf32, #tpu.memory_space<hbm>>
    %dma_start3A_396 = arith.constant 0 : i32
    %dma_start3A_397 = tpu.memref_slice %arg3[%add3A_393, %dma_start3A_396] : memref<1048576x8xf32, #tpu.memory_space<hbm>> -> memref<2048x8xf32, #tpu.memory_space<hbm>>
    tpu.enqueue_dma source(%arg7 : memref<2048x8xf32, #tpu.memory_space<vmem>>) target(%dma_start3A_397 : memref<2048x8xf32, #tpu.memory_space<hbm>>) target_semaphore(%arg9 : memref<!tpu.dma_semaphore, #tpu.memory_space<semaphore_mem>>)
    %add3A_398 = arith.constant 28672 : i32
    %add3A_399 = arith.addi %mul3A_6, %add3A_398 : i32
    %dma_wait3A_400 = arith.constant 0 : i32
    %dma_wait3A_401 = tpu.memref_slice %arg3[%add3A_399, %dma_wait3A_400] : memref<1048576x8xf32, #tpu.memory_space<hbm>> -> memref<2048x8xf32, #tpu.memory_space<hbm>>
    %dma_wait3A_402 = arith.constant 0 : i32
    %dma_wait3A_403 = tpu.memref_slice %arg3[%add3A_399, %dma_wait3A_402] : memref<1048576x8xf32, #tpu.memory_space<hbm>> -> memref<2048x8xf32, #tpu.memory_space<hbm>>
    tpu.wait_dma2 semaphore(%arg9 : memref<!tpu.dma_semaphore, #tpu.memory_space<semaphore_mem>>) src(%arg6 : memref<2048x8xf32, #tpu.memory_space<vmem>>) dst(%dma_wait3A_403 : memref<2048x8xf32, #tpu.memory_space<hbm>>)
    %add3A_404 = arith.constant 30720 : i32
    %add3A_405 = arith.addi %mul3A_6, %add3A_404 : i32
    %dma_wait3A_406 = arith.constant 0 : i32
    %dma_wait3A_407 = tpu.memref_slice %arg3[%add3A_405, %dma_wait3A_406] : memref<1048576x8xf32, #tpu.memory_space<hbm>> -> memref<2048x8xf32, #tpu.memory_space<hbm>>
    %dma_wait3A_408 = arith.constant 0 : i32
    %dma_wait3A_409 = tpu.memref_slice %arg3[%add3A_405, %dma_wait3A_408] : memref<1048576x8xf32, #tpu.memory_space<hbm>> -> memref<2048x8xf32, #tpu.memory_space<hbm>>
    tpu.wait_dma2 semaphore(%arg9 : memref<!tpu.dma_semaphore, #tpu.memory_space<semaphore_mem>>) src(%arg7 : memref<2048x8xf32, #tpu.memory_space<vmem>>) dst(%dma_wait3A_409 : memref<2048x8xf32, #tpu.memory_space<hbm>>)
    return
  }
}

#map = affine_map<(d0, d1) -> (0, 0)>
#map1 = affine_map<(d0, d1) -> (0)>
#map2 = affine_map<(d0, d1) -> (0, 0, 0)>
module attributes {stable_mosaic.version = 14 : i64} {
  func.func @_robe_sc(%arg0: i32, %arg1: i32, %arg2: memref<4096x26xi32, #tpu.memory_space<hbm>>, %arg3: memref<1048576x8xf32, #tpu.memory_space<hbm>>, %arg4: memref<16xi32, #tpu.memory_space<hbm>>, %arg5: memref<6656x128x8xf32, #tpu.memory_space<hbm>>, %arg6: memref<128x26xi32, #tpu.memory_space<vmem>>, %arg7: memref<16xi32, #tpu.memory_space<vmem>>, %arg8: memref<52x128xi32, #tpu.memory_space<vmem>>, %arg9: memref<52x128xi32, #tpu.memory_space<vmem>>, %arg10: memref<52x128x8xf32, #tpu.memory_space<vmem>>, %arg11: memref<52x128x8xf32, #tpu.memory_space<vmem>>, %arg12: memref<!tpu.dma_semaphore, #tpu.memory_space<semaphore_mem>>, %arg13: memref<!tpu.dma_semaphore, #tpu.memory_space<semaphore_mem>>) attributes {dimension_semantics = [#tpu.dimension_semantics<core_parallel>, #tpu.dimension_semantics<subcore_parallel>], iteration_bounds = array<i64: 2, 16>, scalar_prefetch = 0 : i64, scratch_operands = 8 : i64, tpu.core_type = #tpu.core_type<sc_vector_subcore>, window_params = [{transform_indices = #map}, {transform_indices = #map}, {transform_indices = #map1}, {transform_indices = #map2}]} {
    %mul3A = arith.constant 2 : i32
    %mul3A_0 = arith.muli %arg1, %mul3A : i32
    %add3A = arith.addi %mul3A_0, %arg0 : i32
    %mul3A_1 = arith.constant 128 : i32
    %mul3A_2 = arith.muli %add3A, %mul3A_1 : i32
    "tpu.region"() ({
      %run_scoped3A = tpu.sem_alloc : memref<!tpu.dma_semaphore, #tpu.memory_space<semaphore_mem>>
      %dma_start3A_130 = arith.constant 0 : i32
      %dma_start3A_131 = tpu.memref_slice %arg2[%mul3A_2, %dma_start3A_130] : memref<4096x26xi32, #tpu.memory_space<hbm>> -> memref<128x26xi32, #tpu.memory_space<hbm>>
      %dma_start3A_132 = arith.constant 0 : i32
      %dma_start3A_133 = tpu.memref_slice %arg2[%mul3A_2, %dma_start3A_132] : memref<4096x26xi32, #tpu.memory_space<hbm>> -> memref<128x26xi32, #tpu.memory_space<hbm>>
      tpu.enqueue_dma source(%dma_start3A_133 : memref<128x26xi32, #tpu.memory_space<hbm>>) target(%arg6 : memref<128x26xi32, #tpu.memory_space<vmem>>) target_semaphore(%run_scoped3A : memref<!tpu.dma_semaphore, #tpu.memory_space<semaphore_mem>>)
      %dma_wait3A_134 = arith.constant 0 : i32
      %dma_wait3A_135 = tpu.memref_slice %arg2[%mul3A_2, %dma_wait3A_134] : memref<4096x26xi32, #tpu.memory_space<hbm>> -> memref<128x26xi32, #tpu.memory_space<hbm>>
      %dma_wait3A_136 = arith.constant 0 : i32
      %dma_wait3A_137 = tpu.memref_slice %arg2[%mul3A_2, %dma_wait3A_136] : memref<4096x26xi32, #tpu.memory_space<hbm>> -> memref<128x26xi32, #tpu.memory_space<hbm>>
      tpu.wait_dma2 semaphore(%run_scoped3A : memref<!tpu.dma_semaphore, #tpu.memory_space<semaphore_mem>>) src(%dma_wait3A_137 : memref<128x26xi32, #tpu.memory_space<hbm>>) dst(%arg6 : memref<128x26xi32, #tpu.memory_space<vmem>>)
      tpu.yield
    }) : () -> ()
    "tpu.region"() ({
      %run_scoped3A = tpu.sem_alloc : memref<!tpu.dma_semaphore, #tpu.memory_space<semaphore_mem>>
      tpu.enqueue_dma source(%arg4 : memref<16xi32, #tpu.memory_space<hbm>>) target(%arg7 : memref<16xi32, #tpu.memory_space<vmem>>) target_semaphore(%run_scoped3A : memref<!tpu.dma_semaphore, #tpu.memory_space<semaphore_mem>>)
      tpu.wait_dma2 semaphore(%run_scoped3A : memref<!tpu.dma_semaphore, #tpu.memory_space<semaphore_mem>>) src(%arg4 : memref<16xi32, #tpu.memory_space<hbm>>) dst(%arg7 : memref<16xi32, #tpu.memory_space<vmem>>)
      tpu.yield
    }) : () -> ()
    %iota3A = tpu.iota {dimensions = array<i32: 0>} : vector<16xi32>
    %and3A = arith.constant 7 : i32
    %and3A_3 = vector.broadcast %and3A : i32 to vector<16xi32>
    %and3A_4 = arith.andi %iota3A, %and3A_3 : vector<16xi32>
    %gather3A = tpu.vector_load_idx %arg7[%and3A_4] : memref<16xi32, #tpu.memory_space<vmem>>[vector<16xi32>], vector<16xi32>,
    %add3A_5 = arith.constant 8 : i32
    %add3A_6 = vector.broadcast %add3A_5 : i32 to vector<16xi32>
    %add3A_7 = arith.addi %and3A_4, %add3A_6 : vector<16xi32>
    %gather3A_8 = tpu.vector_load_idx %arg7[%add3A_7] : memref<16xi32, #tpu.memory_space<vmem>>[vector<16xi32>], vector<16xi32>,
    %scan3A = arith.constant 0 : i32
    %scan3A_9 = arith.constant 32 : i32
    %scan3A_10 = arith.addi %scan3A, %scan3A_9 : i32
    %scan3A_11 = arith.constant 1 : i32
    scf.for %scan3A_130 = %scan3A to %scan3A_10 step %scan3A_11  : i32 {
      %mul3A_131 = arith.constant 1 : i32
      %mul3A_132 = arith.muli %scan3A_130, %mul3A_131 : i32
      %add3A_133 = arith.constant 0 : i32
      %add3A_134 = arith.addi %add3A_133, %mul3A_132 : i32
      %add3A_135 = arith.constant 0 : i32
      %add3A_136 = arith.addi %add3A_135, %add3A_134 : i32
      %scan3A_137 = arith.constant 0 : i32
      %scan3A_138 = arith.constant 13 : i32
      %scan3A_139 = arith.addi %scan3A_137, %scan3A_138 : i32
      %scan3A_140 = arith.constant 1 : i32
      scf.for %scan3A_142 = %scan3A_137 to %scan3A_139 step %scan3A_140  : i32 {
        %mul3A_143 = arith.constant 1 : i32
        %mul3A_144 = arith.muli %scan3A_142, %mul3A_143 : i32
        %add3A_145 = arith.constant 0 : i32
        %add3A_146 = arith.addi %add3A_145, %mul3A_144 : i32
        %mul3A_147 = arith.constant 16 : i32
        %mul3A_148 = arith.muli %add3A_146, %mul3A_147 : i32
        %add3A_149 = vector.broadcast %mul3A_148 : i32 to vector<16xi32>
        %add3A_150 = arith.addi %add3A_149, %iota3A : vector<16xi32>
        %shift_right_arithmetic3A = arith.constant 3 : i32
        %shift_right_arithmetic3A_151 = vector.broadcast %shift_right_arithmetic3A : i32 to vector<16xi32>
        %shift_right_arithmetic3A_152 = arith.shrsi %add3A_150, %shift_right_arithmetic3A_151 : vector<16xi32>
        %broadcast_in_dim3A = vector.broadcast %add3A_136 : i32 to vector<16xi32>
        %gather3A_153 = tpu.vector_load_idx %arg6[%broadcast_in_dim3A, %shift_right_arithmetic3A_152] : memref<128x26xi32, #tpu.memory_space<vmem>>[vector<16xi32>, vector<16xi32>], vector<16xi32>,
        %mul3A_154 = arith.muli %gather3A_153, %gather3A : vector<16xi32>
        %add3A_155 = arith.addi %mul3A_154, %gather3A_8 : vector<16xi32>
        %lt3A = arith.constant 0 : i32
        %lt3A_156 = vector.broadcast %lt3A : i32 to vector<16xi32>
        %lt3A_157 = arith.cmpi slt, %add3A_155, %lt3A_156 : vector<16xi32>
        %add3A_158 = arith.constant 2147483647 : i32
        %add3A_159 = vector.broadcast %add3A_158 : i32 to vector<16xi32>
        %add3A_160 = arith.addi %add3A_155, %add3A_159 : vector<16xi32>
        %select_n3A = arith.select %lt3A_157, %add3A_160, %add3A_155 : vector<16xi1>, vector<16xi32>
        %lt3A_161 = arith.constant 0 : i32
        %lt3A_162 = vector.broadcast %lt3A_161 : i32 to vector<16xi32>
        %lt3A_163 = arith.cmpi slt, %select_n3A, %lt3A_162 : vector<16xi32>
        %add3A_164 = arith.constant 2147483647 : i32
        %add3A_165 = vector.broadcast %add3A_164 : i32 to vector<16xi32>
        %add3A_166 = arith.addi %select_n3A, %add3A_165 : vector<16xi32>
        %select_n3A_167 = arith.select %lt3A_163, %add3A_166, %select_n3A : vector<16xi1>, vector<16xi32>
        %ge3A = arith.constant 2147483647 : i32
        %ge3A_168 = vector.broadcast %ge3A : i32 to vector<16xi32>
        %ge3A_169 = arith.cmpi sge, %select_n3A_167, %ge3A_168 : vector<16xi32>
        %sub3A = arith.constant 2147483647 : i32
        %sub3A_170 = vector.broadcast %sub3A : i32 to vector<16xi32>
        %sub3A_171 = arith.subi %select_n3A_167, %sub3A_170 : vector<16xi32>
        %select_n3A_172 = arith.select %ge3A_169, %sub3A_171, %select_n3A_167 : vector<16xi1>, vector<16xi32>
        %and3A_173 = arith.constant 1048575 : i32
        %and3A_174 = vector.broadcast %and3A_173 : i32 to vector<16xi32>
        %and3A_175 = arith.andi %select_n3A_172, %and3A_174 : vector<16xi32>
        %mul3A_176 = arith.constant 13 : i32
        %mul3A_177 = arith.muli %add3A_134, %mul3A_176 : i32
        %add3A_178 = arith.addi %mul3A_177, %add3A_146 : i32
        %and3A_179 = arith.constant 7 : i32
        %and3A_180 = vector.broadcast %and3A_179 : i32 to vector<16xi32>
        %and3A_181 = arith.andi %and3A_175, %and3A_180 : vector<16xi32>
        %shift_left3A = arith.constant 17 : i32
        %shift_left3A_182 = vector.broadcast %shift_left3A : i32 to vector<16xi32>
        %shift_left3A_183 = arith.shli %and3A_181, %shift_left3A_182 : vector<16xi32>
        %shift_right_arithmetic3A_184 = arith.constant 3 : i32
        %shift_right_arithmetic3A_185 = vector.broadcast %shift_right_arithmetic3A_184 : i32 to vector<16xi32>
        %shift_right_arithmetic3A_186 = arith.shrsi %and3A_175, %shift_right_arithmetic3A_185 : vector<16xi32>
        %add3A_187 = arith.addi %shift_left3A_183, %shift_right_arithmetic3A_186 : vector<16xi32>
        %shift_right_arithmetic3A_188 = arith.constant 3 : i32
        %shift_right_arithmetic3A_189 = arith.shrsi %add3A_178, %shift_right_arithmetic3A_188 : i32
        %and3A_190 = arith.constant 7 : i32
        %and3A_191 = arith.andi %add3A_178, %and3A_190 : i32
        %mul3A_192 = arith.constant 16 : i32
        %mul3A_193 = arith.muli %and3A_191, %mul3A_192 : i32
        %swap3A = arith.index_cast %shift_right_arithmetic3A_189 : i32 to index
        %swap3A_194 = arith.index_cast %mul3A_193 : i32 to index
        %swap3A_195 = tpu.vector_load %arg8[%swap3A, %swap3A_194] {strides = array<i32>} : memref<52x128xi32, #tpu.memory_space<vmem>>, vector<16xi32>,
        tpu.vector_store %arg8[%swap3A, %swap3A_194], %add3A_187 {strides = array<i32>} : memref<52x128xi32, #tpu.memory_space<vmem>>, vector<16xi32>,
      }
      %scan3A_141 = arith.constant 13 : i32
    }
    %scan3A_12 = arith.constant 32 : i32
    %scan3A_13 = arith.constant 0 : i32
    %scan3A_14 = arith.constant 52 : i32
    %scan3A_15 = arith.addi %scan3A_13, %scan3A_14 : i32
    %scan3A_16 = arith.constant 1 : i32
    scf.for %scan3A_130 = %scan3A_13 to %scan3A_15 step %scan3A_16  : i32 {
      %mul3A_131 = arith.constant 1 : i32
      %mul3A_132 = arith.muli %scan3A_130, %mul3A_131 : i32
      %add3A_133 = arith.constant 0 : i32
      %add3A_134 = arith.addi %add3A_133, %mul3A_132 : i32
      %dma_start3A_135 = arith.constant 0 : i32
      %dma_start3A_136 = arith.constant 0 : i32
      %dma_start3A_137 = tpu.memref_slice %arg10[%add3A_134, %dma_start3A_135, %dma_start3A_136] : memref<52x128x8xf32, #tpu.memory_space<vmem>> -> memref<1x128x8xf32, #tpu.memory_space<vmem>>
      %dma_start3A_138 = tpu.memref_squeeze %dma_start3A_137 : memref<1x128x8xf32, #tpu.memory_space<vmem>> -> memref<128x8xf32, #tpu.memory_space<vmem>>
      %dma_start3A_139 = arith.constant 0 : i32
      %dma_start3A_140 = tpu.memref_slice %arg8[%add3A_134, %dma_start3A_139] : memref<52x128xi32, #tpu.memory_space<vmem>> -> memref<1x128xi32, #tpu.memory_space<vmem>>
      %dma_start3A_141 = tpu.memref_squeeze %dma_start3A_140 : memref<1x128xi32, #tpu.memory_space<vmem>> -> memref<128xi32, #tpu.memory_space<vmem>>
      %dma_start3A_142 = arith.constant 0 : i32
      %dma_start3A_143 = arith.constant 0 : i32
      %dma_start3A_144 = tpu.memref_slice %arg3[%dma_start3A_142, %dma_start3A_143] : memref<1048576x8xf32, #tpu.memory_space<hbm>> -> memref<1048576x8xf32, #tpu.memory_space<hbm>>
      tpu.enqueue_indirect_dma source(%dma_start3A_144 : memref<1048576x8xf32, #tpu.memory_space<hbm>>) target(%dma_start3A_138 : memref<128x8xf32, #tpu.memory_space<vmem>>) offsets(%dma_start3A_141 : memref<128xi32, #tpu.memory_space<vmem>>) semaphore(%arg12 : memref<!tpu.dma_semaphore, #tpu.memory_space<semaphore_mem>>)
    }
    %scan3A_17 = arith.constant 52 : i32
    %scan3A_18 = arith.constant 0 : i32
    %scan3A_19 = arith.constant 32 : i32
    %scan3A_20 = arith.addi %scan3A_18, %scan3A_19 : i32
    %scan3A_21 = arith.constant 1 : i32
    scf.for %scan3A_130 = %scan3A_18 to %scan3A_20 step %scan3A_21  : i32 {
      %mul3A_131 = arith.constant 1 : i32
      %mul3A_132 = arith.muli %scan3A_130, %mul3A_131 : i32
      %add3A_133 = arith.constant 0 : i32
      %add3A_134 = arith.addi %add3A_133, %mul3A_132 : i32
      %add3A_135 = arith.constant 32 : i32
      %add3A_136 = arith.addi %add3A_135, %add3A_134 : i32
      %scan3A_137 = arith.constant 0 : i32
      %scan3A_138 = arith.constant 13 : i32
      %scan3A_139 = arith.addi %scan3A_137, %scan3A_138 : i32
      %scan3A_140 = arith.constant 1 : i32
      scf.for %scan3A_142 = %scan3A_137 to %scan3A_139 step %scan3A_140  : i32 {
        %mul3A_143 = arith.constant 1 : i32
        %mul3A_144 = arith.muli %scan3A_142, %mul3A_143 : i32
        %add3A_145 = arith.constant 0 : i32
        %add3A_146 = arith.addi %add3A_145, %mul3A_144 : i32
        %mul3A_147 = arith.constant 16 : i32
        %mul3A_148 = arith.muli %add3A_146, %mul3A_147 : i32
        %add3A_149 = vector.broadcast %mul3A_148 : i32 to vector<16xi32>
        %add3A_150 = arith.addi %add3A_149, %iota3A : vector<16xi32>
        %shift_right_arithmetic3A = arith.constant 3 : i32
        %shift_right_arithmetic3A_151 = vector.broadcast %shift_right_arithmetic3A : i32 to vector<16xi32>
        %shift_right_arithmetic3A_152 = arith.shrsi %add3A_150, %shift_right_arithmetic3A_151 : vector<16xi32>
        %broadcast_in_dim3A = vector.broadcast %add3A_136 : i32 to vector<16xi32>
        %gather3A_153 = tpu.vector_load_idx %arg6[%broadcast_in_dim3A, %shift_right_arithmetic3A_152] : memref<128x26xi32, #tpu.memory_space<vmem>>[vector<16xi32>, vector<16xi32>], vector<16xi32>,
        %mul3A_154 = arith.muli %gather3A_153, %gather3A : vector<16xi32>
        %add3A_155 = arith.addi %mul3A_154, %gather3A_8 : vector<16xi32>
        %lt3A = arith.constant 0 : i32
        %lt3A_156 = vector.broadcast %lt3A : i32 to vector<16xi32>
        %lt3A_157 = arith.cmpi slt, %add3A_155, %lt3A_156 : vector<16xi32>
        %add3A_158 = arith.constant 2147483647 : i32
        %add3A_159 = vector.broadcast %add3A_158 : i32 to vector<16xi32>
        %add3A_160 = arith.addi %add3A_155, %add3A_159 : vector<16xi32>
        %select_n3A = arith.select %lt3A_157, %add3A_160, %add3A_155 : vector<16xi1>, vector<16xi32>
        %lt3A_161 = arith.constant 0 : i32
        %lt3A_162 = vector.broadcast %lt3A_161 : i32 to vector<16xi32>
        %lt3A_163 = arith.cmpi slt, %select_n3A, %lt3A_162 : vector<16xi32>
        %add3A_164 = arith.constant 2147483647 : i32
        %add3A_165 = vector.broadcast %add3A_164 : i32 to vector<16xi32>
        %add3A_166 = arith.addi %select_n3A, %add3A_165 : vector<16xi32>
        %select_n3A_167 = arith.select %lt3A_163, %add3A_166, %select_n3A : vector<16xi1>, vector<16xi32>
        %ge3A = arith.constant 2147483647 : i32
        %ge3A_168 = vector.broadcast %ge3A : i32 to vector<16xi32>
        %ge3A_169 = arith.cmpi sge, %select_n3A_167, %ge3A_168 : vector<16xi32>
        %sub3A = arith.constant 2147483647 : i32
        %sub3A_170 = vector.broadcast %sub3A : i32 to vector<16xi32>
        %sub3A_171 = arith.subi %select_n3A_167, %sub3A_170 : vector<16xi32>
        %select_n3A_172 = arith.select %ge3A_169, %sub3A_171, %select_n3A_167 : vector<16xi1>, vector<16xi32>
        %and3A_173 = arith.constant 1048575 : i32
        %and3A_174 = vector.broadcast %and3A_173 : i32 to vector<16xi32>
        %and3A_175 = arith.andi %select_n3A_172, %and3A_174 : vector<16xi32>
        %mul3A_176 = arith.constant 13 : i32
        %mul3A_177 = arith.muli %add3A_134, %mul3A_176 : i32
        %add3A_178 = arith.addi %mul3A_177, %add3A_146 : i32
        %and3A_179 = arith.constant 7 : i32
        %and3A_180 = vector.broadcast %and3A_179 : i32 to vector<16xi32>
        %and3A_181 = arith.andi %and3A_175, %and3A_180 : vector<16xi32>
        %shift_left3A = arith.constant 17 : i32
        %shift_left3A_182 = vector.broadcast %shift_left3A : i32 to vector<16xi32>
        %shift_left3A_183 = arith.shli %and3A_181, %shift_left3A_182 : vector<16xi32>
        %shift_right_arithmetic3A_184 = arith.constant 3 : i32
        %shift_right_arithmetic3A_185 = vector.broadcast %shift_right_arithmetic3A_184 : i32 to vector<16xi32>
        %shift_right_arithmetic3A_186 = arith.shrsi %and3A_175, %shift_right_arithmetic3A_185 : vector<16xi32>
        %add3A_187 = arith.addi %shift_left3A_183, %shift_right_arithmetic3A_186 : vector<16xi32>
        %shift_right_arithmetic3A_188 = arith.constant 3 : i32
        %shift_right_arithmetic3A_189 = arith.shrsi %add3A_178, %shift_right_arithmetic3A_188 : i32
        %and3A_190 = arith.constant 7 : i32
        %and3A_191 = arith.andi %add3A_178, %and3A_190 : i32
        %mul3A_192 = arith.constant 16 : i32
        %mul3A_193 = arith.muli %and3A_191, %mul3A_192 : i32
        %swap3A = arith.index_cast %shift_right_arithmetic3A_189 : i32 to index
        %swap3A_194 = arith.index_cast %mul3A_193 : i32 to index
        %swap3A_195 = tpu.vector_load %arg9[%swap3A, %swap3A_194] {strides = array<i32>} : memref<52x128xi32, #tpu.memory_space<vmem>>, vector<16xi32>,
        tpu.vector_store %arg9[%swap3A, %swap3A_194], %add3A_187 {strides = array<i32>} : memref<52x128xi32, #tpu.memory_space<vmem>>, vector<16xi32>,
      }
      %scan3A_141 = arith.constant 13 : i32
    }
    %scan3A_22 = arith.constant 32 : i32
    %scan3A_23 = arith.constant 0 : i32
    %scan3A_24 = arith.constant 52 : i32
    %scan3A_25 = arith.addi %scan3A_23, %scan3A_24 : i32
    %scan3A_26 = arith.constant 1 : i32
    scf.for %scan3A_130 = %scan3A_23 to %scan3A_25 step %scan3A_26  : i32 {
      %mul3A_131 = arith.constant 1 : i32
      %mul3A_132 = arith.muli %scan3A_130, %mul3A_131 : i32
      %add3A_133 = arith.constant 0 : i32
      %add3A_134 = arith.addi %add3A_133, %mul3A_132 : i32
      %dma_wait3A_135 = arith.constant 0 : i32
      %dma_wait3A_136 = arith.constant 0 : i32
      %dma_wait3A_137 = tpu.memref_slice %arg10[%add3A_134, %dma_wait3A_135, %dma_wait3A_136] : memref<52x128x8xf32, #tpu.memory_space<vmem>> -> memref<1x128x8xf32, #tpu.memory_space<vmem>>
      %dma_wait3A_138 = tpu.memref_squeeze %dma_wait3A_137 : memref<1x128x8xf32, #tpu.memory_space<vmem>> -> memref<128x8xf32, #tpu.memory_space<vmem>>
      %dma_wait3A_139 = arith.constant 0 : i32
      %dma_wait3A_140 = tpu.memref_slice %arg8[%add3A_134, %dma_wait3A_139] : memref<52x128xi32, #tpu.memory_space<vmem>> -> memref<1x128xi32, #tpu.memory_space<vmem>>
      %dma_wait3A_141 = tpu.memref_squeeze %dma_wait3A_140 : memref<1x128xi32, #tpu.memory_space<vmem>> -> memref<128xi32, #tpu.memory_space<vmem>>
      %dma_wait3A_142 = arith.constant 0 : i32
      %dma_wait3A_143 = arith.constant 0 : i32
      %dma_wait3A_144 = tpu.memref_slice %arg3[%dma_wait3A_142, %dma_wait3A_143] : memref<1048576x8xf32, #tpu.memory_space<hbm>> -> memref<1048576x8xf32, #tpu.memory_space<hbm>>
      tpu.wait_indirect_dma semaphore(%arg12 : memref<!tpu.dma_semaphore, #tpu.memory_space<semaphore_mem>>) src(%dma_wait3A_144 : memref<1048576x8xf32, #tpu.memory_space<hbm>>) dst(%dma_wait3A_138 : memref<128x8xf32, #tpu.memory_space<vmem>>)
    }
    %scan3A_27 = arith.constant 52 : i32
    %mul3A_28 = arith.constant 208 : i32
    %mul3A_29 = arith.muli %add3A, %mul3A_28 : i32
    %add3A_30 = arith.constant 0 : i32
    %add3A_31 = arith.addi %mul3A_29, %add3A_30 : i32
    %dma_start3A = arith.constant 0 : i32
    %dma_start3A_32 = arith.constant 0 : i32
    %dma_start3A_33 = tpu.memref_slice %arg5[%add3A_31, %dma_start3A, %dma_start3A_32] : memref<6656x128x8xf32, #tpu.memory_space<hbm>> -> memref<52x128x8xf32, #tpu.memory_space<hbm>>
    %dma_start3A_34 = arith.constant 0 : i32
    %dma_start3A_35 = arith.constant 0 : i32
    %dma_start3A_36 = tpu.memref_slice %arg5[%add3A_31, %dma_start3A_34, %dma_start3A_35] : memref<6656x128x8xf32, #tpu.memory_space<hbm>> -> memref<52x128x8xf32, #tpu.memory_space<hbm>>
    tpu.enqueue_dma source(%arg10 : memref<52x128x8xf32, #tpu.memory_space<vmem>>) target(%dma_start3A_36 : memref<52x128x8xf32, #tpu.memory_space<hbm>>) target_semaphore(%arg13 : memref<!tpu.dma_semaphore, #tpu.memory_space<semaphore_mem>>)
    %scan3A_37 = arith.constant 0 : i32
    %scan3A_38 = arith.constant 52 : i32
    %scan3A_39 = arith.addi %scan3A_37, %scan3A_38 : i32
    %scan3A_40 = arith.constant 1 : i32
    scf.for %scan3A_130 = %scan3A_37 to %scan3A_39 step %scan3A_40  : i32 {
      %mul3A_131 = arith.constant 1 : i32
      %mul3A_132 = arith.muli %scan3A_130, %mul3A_131 : i32
      %add3A_133 = arith.constant 0 : i32
      %add3A_134 = arith.addi %add3A_133, %mul3A_132 : i32
      %dma_start3A_135 = arith.constant 0 : i32
      %dma_start3A_136 = arith.constant 0 : i32
      %dma_start3A_137 = tpu.memref_slice %arg11[%add3A_134, %dma_start3A_135, %dma_start3A_136] : memref<52x128x8xf32, #tpu.memory_space<vmem>> -> memref<1x128x8xf32, #tpu.memory_space<vmem>>
      %dma_start3A_138 = tpu.memref_squeeze %dma_start3A_137 : memref<1x128x8xf32, #tpu.memory_space<vmem>> -> memref<128x8xf32, #tpu.memory_space<vmem>>
      %dma_start3A_139 = arith.constant 0 : i32
      %dma_start3A_140 = tpu.memref_slice %arg9[%add3A_134, %dma_start3A_139] : memref<52x128xi32, #tpu.memory_space<vmem>> -> memref<1x128xi32, #tpu.memory_space<vmem>>
      %dma_start3A_141 = tpu.memref_squeeze %dma_start3A_140 : memref<1x128xi32, #tpu.memory_space<vmem>> -> memref<128xi32, #tpu.memory_space<vmem>>
      %dma_start3A_142 = arith.constant 0 : i32
      %dma_start3A_143 = arith.constant 0 : i32
      %dma_start3A_144 = tpu.memref_slice %arg3[%dma_start3A_142, %dma_start3A_143] : memref<1048576x8xf32, #tpu.memory_space<hbm>> -> memref<1048576x8xf32, #tpu.memory_space<hbm>>
      tpu.enqueue_indirect_dma source(%dma_start3A_144 : memref<1048576x8xf32, #tpu.memory_space<hbm>>) target(%dma_start3A_138 : memref<128x8xf32, #tpu.memory_space<vmem>>) offsets(%dma_start3A_141 : memref<128xi32, #tpu.memory_space<vmem>>) semaphore(%arg12 : memref<!tpu.dma_semaphore, #tpu.memory_space<semaphore_mem>>)
    }
    %scan3A_41 = arith.constant 52 : i32
    %scan3A_42 = arith.constant 0 : i32
    %scan3A_43 = arith.constant 32 : i32
    %scan3A_44 = arith.addi %scan3A_42, %scan3A_43 : i32
    %scan3A_45 = arith.constant 1 : i32
    scf.for %scan3A_130 = %scan3A_42 to %scan3A_44 step %scan3A_45  : i32 {
      %mul3A_131 = arith.constant 1 : i32
      %mul3A_132 = arith.muli %scan3A_130, %mul3A_131 : i32
      %add3A_133 = arith.constant 0 : i32
      %add3A_134 = arith.addi %add3A_133, %mul3A_132 : i32
      %add3A_135 = arith.constant 64 : i32
      %add3A_136 = arith.addi %add3A_135, %add3A_134 : i32
      %scan3A_137 = arith.constant 0 : i32
      %scan3A_138 = arith.constant 13 : i32
      %scan3A_139 = arith.addi %scan3A_137, %scan3A_138 : i32
      %scan3A_140 = arith.constant 1 : i32
      scf.for %scan3A_142 = %scan3A_137 to %scan3A_139 step %scan3A_140  : i32 {
        %mul3A_143 = arith.constant 1 : i32
        %mul3A_144 = arith.muli %scan3A_142, %mul3A_143 : i32
        %add3A_145 = arith.constant 0 : i32
        %add3A_146 = arith.addi %add3A_145, %mul3A_144 : i32
        %mul3A_147 = arith.constant 16 : i32
        %mul3A_148 = arith.muli %add3A_146, %mul3A_147 : i32
        %add3A_149 = vector.broadcast %mul3A_148 : i32 to vector<16xi32>
        %add3A_150 = arith.addi %add3A_149, %iota3A : vector<16xi32>
        %shift_right_arithmetic3A = arith.constant 3 : i32
        %shift_right_arithmetic3A_151 = vector.broadcast %shift_right_arithmetic3A : i32 to vector<16xi32>
        %shift_right_arithmetic3A_152 = arith.shrsi %add3A_150, %shift_right_arithmetic3A_151 : vector<16xi32>
        %broadcast_in_dim3A = vector.broadcast %add3A_136 : i32 to vector<16xi32>
        %gather3A_153 = tpu.vector_load_idx %arg6[%broadcast_in_dim3A, %shift_right_arithmetic3A_152] : memref<128x26xi32, #tpu.memory_space<vmem>>[vector<16xi32>, vector<16xi32>], vector<16xi32>,
        %mul3A_154 = arith.muli %gather3A_153, %gather3A : vector<16xi32>
        %add3A_155 = arith.addi %mul3A_154, %gather3A_8 : vector<16xi32>
        %lt3A = arith.constant 0 : i32
        %lt3A_156 = vector.broadcast %lt3A : i32 to vector<16xi32>
        %lt3A_157 = arith.cmpi slt, %add3A_155, %lt3A_156 : vector<16xi32>
        %add3A_158 = arith.constant 2147483647 : i32
        %add3A_159 = vector.broadcast %add3A_158 : i32 to vector<16xi32>
        %add3A_160 = arith.addi %add3A_155, %add3A_159 : vector<16xi32>
        %select_n3A = arith.select %lt3A_157, %add3A_160, %add3A_155 : vector<16xi1>, vector<16xi32>
        %lt3A_161 = arith.constant 0 : i32
        %lt3A_162 = vector.broadcast %lt3A_161 : i32 to vector<16xi32>
        %lt3A_163 = arith.cmpi slt, %select_n3A, %lt3A_162 : vector<16xi32>
        %add3A_164 = arith.constant 2147483647 : i32
        %add3A_165 = vector.broadcast %add3A_164 : i32 to vector<16xi32>
        %add3A_166 = arith.addi %select_n3A, %add3A_165 : vector<16xi32>
        %select_n3A_167 = arith.select %lt3A_163, %add3A_166, %select_n3A : vector<16xi1>, vector<16xi32>
        %ge3A = arith.constant 2147483647 : i32
        %ge3A_168 = vector.broadcast %ge3A : i32 to vector<16xi32>
        %ge3A_169 = arith.cmpi sge, %select_n3A_167, %ge3A_168 : vector<16xi32>
        %sub3A = arith.constant 2147483647 : i32
        %sub3A_170 = vector.broadcast %sub3A : i32 to vector<16xi32>
        %sub3A_171 = arith.subi %select_n3A_167, %sub3A_170 : vector<16xi32>
        %select_n3A_172 = arith.select %ge3A_169, %sub3A_171, %select_n3A_167 : vector<16xi1>, vector<16xi32>
        %and3A_173 = arith.constant 1048575 : i32
        %and3A_174 = vector.broadcast %and3A_173 : i32 to vector<16xi32>
        %and3A_175 = arith.andi %select_n3A_172, %and3A_174 : vector<16xi32>
        %mul3A_176 = arith.constant 13 : i32
        %mul3A_177 = arith.muli %add3A_134, %mul3A_176 : i32
        %add3A_178 = arith.addi %mul3A_177, %add3A_146 : i32
        %and3A_179 = arith.constant 7 : i32
        %and3A_180 = vector.broadcast %and3A_179 : i32 to vector<16xi32>
        %and3A_181 = arith.andi %and3A_175, %and3A_180 : vector<16xi32>
        %shift_left3A = arith.constant 17 : i32
        %shift_left3A_182 = vector.broadcast %shift_left3A : i32 to vector<16xi32>
        %shift_left3A_183 = arith.shli %and3A_181, %shift_left3A_182 : vector<16xi32>
        %shift_right_arithmetic3A_184 = arith.constant 3 : i32
        %shift_right_arithmetic3A_185 = vector.broadcast %shift_right_arithmetic3A_184 : i32 to vector<16xi32>
        %shift_right_arithmetic3A_186 = arith.shrsi %and3A_175, %shift_right_arithmetic3A_185 : vector<16xi32>
        %add3A_187 = arith.addi %shift_left3A_183, %shift_right_arithmetic3A_186 : vector<16xi32>
        %shift_right_arithmetic3A_188 = arith.constant 3 : i32
        %shift_right_arithmetic3A_189 = arith.shrsi %add3A_178, %shift_right_arithmetic3A_188 : i32
        %and3A_190 = arith.constant 7 : i32
        %and3A_191 = arith.andi %add3A_178, %and3A_190 : i32
        %mul3A_192 = arith.constant 16 : i32
        %mul3A_193 = arith.muli %and3A_191, %mul3A_192 : i32
        %swap3A = arith.index_cast %shift_right_arithmetic3A_189 : i32 to index
        %swap3A_194 = arith.index_cast %mul3A_193 : i32 to index
        %swap3A_195 = tpu.vector_load %arg8[%swap3A, %swap3A_194] {strides = array<i32>} : memref<52x128xi32, #tpu.memory_space<vmem>>, vector<16xi32>,
        tpu.vector_store %arg8[%swap3A, %swap3A_194], %add3A_187 {strides = array<i32>} : memref<52x128xi32, #tpu.memory_space<vmem>>, vector<16xi32>,
      }
      %scan3A_141 = arith.constant 13 : i32
    }
    %scan3A_46 = arith.constant 32 : i32
    %scan3A_47 = arith.constant 0 : i32
    %scan3A_48 = arith.constant 52 : i32
    %scan3A_49 = arith.addi %scan3A_47, %scan3A_48 : i32
    %scan3A_50 = arith.constant 1 : i32
    scf.for %scan3A_130 = %scan3A_47 to %scan3A_49 step %scan3A_50  : i32 {
      %mul3A_131 = arith.constant 1 : i32
      %mul3A_132 = arith.muli %scan3A_130, %mul3A_131 : i32
      %add3A_133 = arith.constant 0 : i32
      %add3A_134 = arith.addi %add3A_133, %mul3A_132 : i32
      %dma_wait3A_135 = arith.constant 0 : i32
      %dma_wait3A_136 = arith.constant 0 : i32
      %dma_wait3A_137 = tpu.memref_slice %arg11[%add3A_134, %dma_wait3A_135, %dma_wait3A_136] : memref<52x128x8xf32, #tpu.memory_space<vmem>> -> memref<1x128x8xf32, #tpu.memory_space<vmem>>
      %dma_wait3A_138 = tpu.memref_squeeze %dma_wait3A_137 : memref<1x128x8xf32, #tpu.memory_space<vmem>> -> memref<128x8xf32, #tpu.memory_space<vmem>>
      %dma_wait3A_139 = arith.constant 0 : i32
      %dma_wait3A_140 = tpu.memref_slice %arg9[%add3A_134, %dma_wait3A_139] : memref<52x128xi32, #tpu.memory_space<vmem>> -> memref<1x128xi32, #tpu.memory_space<vmem>>
      %dma_wait3A_141 = tpu.memref_squeeze %dma_wait3A_140 : memref<1x128xi32, #tpu.memory_space<vmem>> -> memref<128xi32, #tpu.memory_space<vmem>>
      %dma_wait3A_142 = arith.constant 0 : i32
      %dma_wait3A_143 = arith.constant 0 : i32
      %dma_wait3A_144 = tpu.memref_slice %arg3[%dma_wait3A_142, %dma_wait3A_143] : memref<1048576x8xf32, #tpu.memory_space<hbm>> -> memref<1048576x8xf32, #tpu.memory_space<hbm>>
      tpu.wait_indirect_dma semaphore(%arg12 : memref<!tpu.dma_semaphore, #tpu.memory_space<semaphore_mem>>) src(%dma_wait3A_144 : memref<1048576x8xf32, #tpu.memory_space<hbm>>) dst(%dma_wait3A_138 : memref<128x8xf32, #tpu.memory_space<vmem>>)
    }
    %scan3A_51 = arith.constant 52 : i32
    %mul3A_52 = arith.constant 208 : i32
    %mul3A_53 = arith.muli %add3A, %mul3A_52 : i32
    %add3A_54 = arith.constant 52 : i32
    %add3A_55 = arith.addi %mul3A_53, %add3A_54 : i32
    %dma_start3A_56 = arith.constant 0 : i32
    %dma_start3A_57 = arith.constant 0 : i32
    %dma_start3A_58 = tpu.memref_slice %arg5[%add3A_55, %dma_start3A_56, %dma_start3A_57] : memref<6656x128x8xf32, #tpu.memory_space<hbm>> -> memref<52x128x8xf32, #tpu.memory_space<hbm>>
    %dma_start3A_59 = arith.constant 0 : i32
    %dma_start3A_60 = arith.constant 0 : i32
    %dma_start3A_61 = tpu.memref_slice %arg5[%add3A_55, %dma_start3A_59, %dma_start3A_60] : memref<6656x128x8xf32, #tpu.memory_space<hbm>> -> memref<52x128x8xf32, #tpu.memory_space<hbm>>
    tpu.enqueue_dma source(%arg11 : memref<52x128x8xf32, #tpu.memory_space<vmem>>) target(%dma_start3A_61 : memref<52x128x8xf32, #tpu.memory_space<hbm>>) target_semaphore(%arg13 : memref<!tpu.dma_semaphore, #tpu.memory_space<semaphore_mem>>)
    %mul3A_62 = arith.constant 208 : i32
    %mul3A_63 = arith.muli %add3A, %mul3A_62 : i32
    %add3A_64 = arith.constant 0 : i32
    %add3A_65 = arith.addi %mul3A_63, %add3A_64 : i32
    %dma_wait3A = arith.constant 0 : i32
    %dma_wait3A_66 = arith.constant 0 : i32
    %dma_wait3A_67 = tpu.memref_slice %arg5[%add3A_65, %dma_wait3A, %dma_wait3A_66] : memref<6656x128x8xf32, #tpu.memory_space<hbm>> -> memref<52x128x8xf32, #tpu.memory_space<hbm>>
    %dma_wait3A_68 = arith.constant 0 : i32
    %dma_wait3A_69 = arith.constant 0 : i32
    %dma_wait3A_70 = tpu.memref_slice %arg5[%add3A_65, %dma_wait3A_68, %dma_wait3A_69] : memref<6656x128x8xf32, #tpu.memory_space<hbm>> -> memref<52x128x8xf32, #tpu.memory_space<hbm>>
    tpu.wait_dma2 semaphore(%arg13 : memref<!tpu.dma_semaphore, #tpu.memory_space<semaphore_mem>>) src(%arg10 : memref<52x128x8xf32, #tpu.memory_space<vmem>>) dst(%dma_wait3A_70 : memref<52x128x8xf32, #tpu.memory_space<hbm>>)
    %scan3A_71 = arith.constant 0 : i32
    %scan3A_72 = arith.constant 52 : i32
    %scan3A_73 = arith.addi %scan3A_71, %scan3A_72 : i32
    %scan3A_74 = arith.constant 1 : i32
    scf.for %scan3A_130 = %scan3A_71 to %scan3A_73 step %scan3A_74  : i32 {
      %mul3A_131 = arith.constant 1 : i32
      %mul3A_132 = arith.muli %scan3A_130, %mul3A_131 : i32
      %add3A_133 = arith.constant 0 : i32
      %add3A_134 = arith.addi %add3A_133, %mul3A_132 : i32
      %dma_start3A_135 = arith.constant 0 : i32
      %dma_start3A_136 = arith.constant 0 : i32
      %dma_start3A_137 = tpu.memref_slice %arg10[%add3A_134, %dma_start3A_135, %dma_start3A_136] : memref<52x128x8xf32, #tpu.memory_space<vmem>> -> memref<1x128x8xf32, #tpu.memory_space<vmem>>
      %dma_start3A_138 = tpu.memref_squeeze %dma_start3A_137 : memref<1x128x8xf32, #tpu.memory_space<vmem>> -> memref<128x8xf32, #tpu.memory_space<vmem>>
      %dma_start3A_139 = arith.constant 0 : i32
      %dma_start3A_140 = tpu.memref_slice %arg8[%add3A_134, %dma_start3A_139] : memref<52x128xi32, #tpu.memory_space<vmem>> -> memref<1x128xi32, #tpu.memory_space<vmem>>
      %dma_start3A_141 = tpu.memref_squeeze %dma_start3A_140 : memref<1x128xi32, #tpu.memory_space<vmem>> -> memref<128xi32, #tpu.memory_space<vmem>>
      %dma_start3A_142 = arith.constant 0 : i32
      %dma_start3A_143 = arith.constant 0 : i32
      %dma_start3A_144 = tpu.memref_slice %arg3[%dma_start3A_142, %dma_start3A_143] : memref<1048576x8xf32, #tpu.memory_space<hbm>> -> memref<1048576x8xf32, #tpu.memory_space<hbm>>
      tpu.enqueue_indirect_dma source(%dma_start3A_144 : memref<1048576x8xf32, #tpu.memory_space<hbm>>) target(%dma_start3A_138 : memref<128x8xf32, #tpu.memory_space<vmem>>) offsets(%dma_start3A_141 : memref<128xi32, #tpu.memory_space<vmem>>) semaphore(%arg12 : memref<!tpu.dma_semaphore, #tpu.memory_space<semaphore_mem>>)
    }
    %scan3A_75 = arith.constant 52 : i32
    %scan3A_76 = arith.constant 0 : i32
    %scan3A_77 = arith.constant 32 : i32
    %scan3A_78 = arith.addi %scan3A_76, %scan3A_77 : i32
    %scan3A_79 = arith.constant 1 : i32
    scf.for %scan3A_130 = %scan3A_76 to %scan3A_78 step %scan3A_79  : i32 {
      %mul3A_131 = arith.constant 1 : i32
      %mul3A_132 = arith.muli %scan3A_130, %mul3A_131 : i32
      %add3A_133 = arith.constant 0 : i32
      %add3A_134 = arith.addi %add3A_133, %mul3A_132 : i32
      %add3A_135 = arith.constant 96 : i32
      %add3A_136 = arith.addi %add3A_135, %add3A_134 : i32
      %scan3A_137 = arith.constant 0 : i32
      %scan3A_138 = arith.constant 13 : i32
      %scan3A_139 = arith.addi %scan3A_137, %scan3A_138 : i32
      %scan3A_140 = arith.constant 1 : i32
      scf.for %scan3A_142 = %scan3A_137 to %scan3A_139 step %scan3A_140  : i32 {
        %mul3A_143 = arith.constant 1 : i32
        %mul3A_144 = arith.muli %scan3A_142, %mul3A_143 : i32
        %add3A_145 = arith.constant 0 : i32
        %add3A_146 = arith.addi %add3A_145, %mul3A_144 : i32
        %mul3A_147 = arith.constant 16 : i32
        %mul3A_148 = arith.muli %add3A_146, %mul3A_147 : i32
        %add3A_149 = vector.broadcast %mul3A_148 : i32 to vector<16xi32>
        %add3A_150 = arith.addi %add3A_149, %iota3A : vector<16xi32>
        %shift_right_arithmetic3A = arith.constant 3 : i32
        %shift_right_arithmetic3A_151 = vector.broadcast %shift_right_arithmetic3A : i32 to vector<16xi32>
        %shift_right_arithmetic3A_152 = arith.shrsi %add3A_150, %shift_right_arithmetic3A_151 : vector<16xi32>
        %broadcast_in_dim3A = vector.broadcast %add3A_136 : i32 to vector<16xi32>
        %gather3A_153 = tpu.vector_load_idx %arg6[%broadcast_in_dim3A, %shift_right_arithmetic3A_152] : memref<128x26xi32, #tpu.memory_space<vmem>>[vector<16xi32>, vector<16xi32>], vector<16xi32>,
        %mul3A_154 = arith.muli %gather3A_153, %gather3A : vector<16xi32>
        %add3A_155 = arith.addi %mul3A_154, %gather3A_8 : vector<16xi32>
        %lt3A = arith.constant 0 : i32
        %lt3A_156 = vector.broadcast %lt3A : i32 to vector<16xi32>
        %lt3A_157 = arith.cmpi slt, %add3A_155, %lt3A_156 : vector<16xi32>
        %add3A_158 = arith.constant 2147483647 : i32
        %add3A_159 = vector.broadcast %add3A_158 : i32 to vector<16xi32>
        %add3A_160 = arith.addi %add3A_155, %add3A_159 : vector<16xi32>
        %select_n3A = arith.select %lt3A_157, %add3A_160, %add3A_155 : vector<16xi1>, vector<16xi32>
        %lt3A_161 = arith.constant 0 : i32
        %lt3A_162 = vector.broadcast %lt3A_161 : i32 to vector<16xi32>
        %lt3A_163 = arith.cmpi slt, %select_n3A, %lt3A_162 : vector<16xi32>
        %add3A_164 = arith.constant 2147483647 : i32
        %add3A_165 = vector.broadcast %add3A_164 : i32 to vector<16xi32>
        %add3A_166 = arith.addi %select_n3A, %add3A_165 : vector<16xi32>
        %select_n3A_167 = arith.select %lt3A_163, %add3A_166, %select_n3A : vector<16xi1>, vector<16xi32>
        %ge3A = arith.constant 2147483647 : i32
        %ge3A_168 = vector.broadcast %ge3A : i32 to vector<16xi32>
        %ge3A_169 = arith.cmpi sge, %select_n3A_167, %ge3A_168 : vector<16xi32>
        %sub3A = arith.constant 2147483647 : i32
        %sub3A_170 = vector.broadcast %sub3A : i32 to vector<16xi32>
        %sub3A_171 = arith.subi %select_n3A_167, %sub3A_170 : vector<16xi32>
        %select_n3A_172 = arith.select %ge3A_169, %sub3A_171, %select_n3A_167 : vector<16xi1>, vector<16xi32>
        %and3A_173 = arith.constant 1048575 : i32
        %and3A_174 = vector.broadcast %and3A_173 : i32 to vector<16xi32>
        %and3A_175 = arith.andi %select_n3A_172, %and3A_174 : vector<16xi32>
        %mul3A_176 = arith.constant 13 : i32
        %mul3A_177 = arith.muli %add3A_134, %mul3A_176 : i32
        %add3A_178 = arith.addi %mul3A_177, %add3A_146 : i32
        %and3A_179 = arith.constant 7 : i32
        %and3A_180 = vector.broadcast %and3A_179 : i32 to vector<16xi32>
        %and3A_181 = arith.andi %and3A_175, %and3A_180 : vector<16xi32>
        %shift_left3A = arith.constant 17 : i32
        %shift_left3A_182 = vector.broadcast %shift_left3A : i32 to vector<16xi32>
        %shift_left3A_183 = arith.shli %and3A_181, %shift_left3A_182 : vector<16xi32>
        %shift_right_arithmetic3A_184 = arith.constant 3 : i32
        %shift_right_arithmetic3A_185 = vector.broadcast %shift_right_arithmetic3A_184 : i32 to vector<16xi32>
        %shift_right_arithmetic3A_186 = arith.shrsi %and3A_175, %shift_right_arithmetic3A_185 : vector<16xi32>
        %add3A_187 = arith.addi %shift_left3A_183, %shift_right_arithmetic3A_186 : vector<16xi32>
        %shift_right_arithmetic3A_188 = arith.constant 3 : i32
        %shift_right_arithmetic3A_189 = arith.shrsi %add3A_178, %shift_right_arithmetic3A_188 : i32
        %and3A_190 = arith.constant 7 : i32
        %and3A_191 = arith.andi %add3A_178, %and3A_190 : i32
        %mul3A_192 = arith.constant 16 : i32
        %mul3A_193 = arith.muli %and3A_191, %mul3A_192 : i32
        %swap3A = arith.index_cast %shift_right_arithmetic3A_189 : i32 to index
        %swap3A_194 = arith.index_cast %mul3A_193 : i32 to index
        %swap3A_195 = tpu.vector_load %arg9[%swap3A, %swap3A_194] {strides = array<i32>} : memref<52x128xi32, #tpu.memory_space<vmem>>, vector<16xi32>,
        tpu.vector_store %arg9[%swap3A, %swap3A_194], %add3A_187 {strides = array<i32>} : memref<52x128xi32, #tpu.memory_space<vmem>>, vector<16xi32>,
      }
      %scan3A_141 = arith.constant 13 : i32
    }
    %scan3A_80 = arith.constant 32 : i32
    %scan3A_81 = arith.constant 0 : i32
    %scan3A_82 = arith.constant 52 : i32
    %scan3A_83 = arith.addi %scan3A_81, %scan3A_82 : i32
    %scan3A_84 = arith.constant 1 : i32
    scf.for %scan3A_130 = %scan3A_81 to %scan3A_83 step %scan3A_84  : i32 {
      %mul3A_131 = arith.constant 1 : i32
      %mul3A_132 = arith.muli %scan3A_130, %mul3A_131 : i32
      %add3A_133 = arith.constant 0 : i32
      %add3A_134 = arith.addi %add3A_133, %mul3A_132 : i32
      %dma_wait3A_135 = arith.constant 0 : i32
      %dma_wait3A_136 = arith.constant 0 : i32
      %dma_wait3A_137 = tpu.memref_slice %arg10[%add3A_134, %dma_wait3A_135, %dma_wait3A_136] : memref<52x128x8xf32, #tpu.memory_space<vmem>> -> memref<1x128x8xf32, #tpu.memory_space<vmem>>
      %dma_wait3A_138 = tpu.memref_squeeze %dma_wait3A_137 : memref<1x128x8xf32, #tpu.memory_space<vmem>> -> memref<128x8xf32, #tpu.memory_space<vmem>>
      %dma_wait3A_139 = arith.constant 0 : i32
      %dma_wait3A_140 = tpu.memref_slice %arg8[%add3A_134, %dma_wait3A_139] : memref<52x128xi32, #tpu.memory_space<vmem>> -> memref<1x128xi32, #tpu.memory_space<vmem>>
      %dma_wait3A_141 = tpu.memref_squeeze %dma_wait3A_140 : memref<1x128xi32, #tpu.memory_space<vmem>> -> memref<128xi32, #tpu.memory_space<vmem>>
      %dma_wait3A_142 = arith.constant 0 : i32
      %dma_wait3A_143 = arith.constant 0 : i32
      %dma_wait3A_144 = tpu.memref_slice %arg3[%dma_wait3A_142, %dma_wait3A_143] : memref<1048576x8xf32, #tpu.memory_space<hbm>> -> memref<1048576x8xf32, #tpu.memory_space<hbm>>
      tpu.wait_indirect_dma semaphore(%arg12 : memref<!tpu.dma_semaphore, #tpu.memory_space<semaphore_mem>>) src(%dma_wait3A_144 : memref<1048576x8xf32, #tpu.memory_space<hbm>>) dst(%dma_wait3A_138 : memref<128x8xf32, #tpu.memory_space<vmem>>)
    }
    %scan3A_85 = arith.constant 52 : i32
    %mul3A_86 = arith.constant 208 : i32
    %mul3A_87 = arith.muli %add3A, %mul3A_86 : i32
    %add3A_88 = arith.constant 104 : i32
    %add3A_89 = arith.addi %mul3A_87, %add3A_88 : i32
    %dma_start3A_90 = arith.constant 0 : i32
    %dma_start3A_91 = arith.constant 0 : i32
    %dma_start3A_92 = tpu.memref_slice %arg5[%add3A_89, %dma_start3A_90, %dma_start3A_91] : memref<6656x128x8xf32, #tpu.memory_space<hbm>> -> memref<52x128x8xf32, #tpu.memory_space<hbm>>
    %dma_start3A_93 = arith.constant 0 : i32
    %dma_start3A_94 = arith.constant 0 : i32
    %dma_start3A_95 = tpu.memref_slice %arg5[%add3A_89, %dma_start3A_93, %dma_start3A_94] : memref<6656x128x8xf32, #tpu.memory_space<hbm>> -> memref<52x128x8xf32, #tpu.memory_space<hbm>>
    tpu.enqueue_dma source(%arg10 : memref<52x128x8xf32, #tpu.memory_space<vmem>>) target(%dma_start3A_95 : memref<52x128x8xf32, #tpu.memory_space<hbm>>) target_semaphore(%arg13 : memref<!tpu.dma_semaphore, #tpu.memory_space<semaphore_mem>>)
    %mul3A_96 = arith.constant 208 : i32
    %mul3A_97 = arith.muli %add3A, %mul3A_96 : i32
    %add3A_98 = arith.constant 52 : i32
    %add3A_99 = arith.addi %mul3A_97, %add3A_98 : i32
    %dma_wait3A_100 = arith.constant 0 : i32
    %dma_wait3A_101 = arith.constant 0 : i32
    %dma_wait3A_102 = tpu.memref_slice %arg5[%add3A_99, %dma_wait3A_100, %dma_wait3A_101] : memref<6656x128x8xf32, #tpu.memory_space<hbm>> -> memref<52x128x8xf32, #tpu.memory_space<hbm>>
    %dma_wait3A_103 = arith.constant 0 : i32
    %dma_wait3A_104 = arith.constant 0 : i32
    %dma_wait3A_105 = tpu.memref_slice %arg5[%add3A_99, %dma_wait3A_103, %dma_wait3A_104] : memref<6656x128x8xf32, #tpu.memory_space<hbm>> -> memref<52x128x8xf32, #tpu.memory_space<hbm>>
    tpu.wait_dma2 semaphore(%arg13 : memref<!tpu.dma_semaphore, #tpu.memory_space<semaphore_mem>>) src(%arg11 : memref<52x128x8xf32, #tpu.memory_space<vmem>>) dst(%dma_wait3A_105 : memref<52x128x8xf32, #tpu.memory_space<hbm>>)
    %scan3A_106 = arith.constant 0 : i32
    %scan3A_107 = arith.constant 52 : i32
    %scan3A_108 = arith.addi %scan3A_106, %scan3A_107 : i32
    %scan3A_109 = arith.constant 1 : i32
    scf.for %scan3A_130 = %scan3A_106 to %scan3A_108 step %scan3A_109  : i32 {
      %mul3A_131 = arith.constant 1 : i32
      %mul3A_132 = arith.muli %scan3A_130, %mul3A_131 : i32
      %add3A_133 = arith.constant 0 : i32
      %add3A_134 = arith.addi %add3A_133, %mul3A_132 : i32
      %dma_start3A_135 = arith.constant 0 : i32
      %dma_start3A_136 = arith.constant 0 : i32
      %dma_start3A_137 = tpu.memref_slice %arg11[%add3A_134, %dma_start3A_135, %dma_start3A_136] : memref<52x128x8xf32, #tpu.memory_space<vmem>> -> memref<1x128x8xf32, #tpu.memory_space<vmem>>
      %dma_start3A_138 = tpu.memref_squeeze %dma_start3A_137 : memref<1x128x8xf32, #tpu.memory_space<vmem>> -> memref<128x8xf32, #tpu.memory_space<vmem>>
      %dma_start3A_139 = arith.constant 0 : i32
      %dma_start3A_140 = tpu.memref_slice %arg9[%add3A_134, %dma_start3A_139] : memref<52x128xi32, #tpu.memory_space<vmem>> -> memref<1x128xi32, #tpu.memory_space<vmem>>
      %dma_start3A_141 = tpu.memref_squeeze %dma_start3A_140 : memref<1x128xi32, #tpu.memory_space<vmem>> -> memref<128xi32, #tpu.memory_space<vmem>>
      %dma_start3A_142 = arith.constant 0 : i32
      %dma_start3A_143 = arith.constant 0 : i32
      %dma_start3A_144 = tpu.memref_slice %arg3[%dma_start3A_142, %dma_start3A_143] : memref<1048576x8xf32, #tpu.memory_space<hbm>> -> memref<1048576x8xf32, #tpu.memory_space<hbm>>
      tpu.enqueue_indirect_dma source(%dma_start3A_144 : memref<1048576x8xf32, #tpu.memory_space<hbm>>) target(%dma_start3A_138 : memref<128x8xf32, #tpu.memory_space<vmem>>) offsets(%dma_start3A_141 : memref<128xi32, #tpu.memory_space<vmem>>) semaphore(%arg12 : memref<!tpu.dma_semaphore, #tpu.memory_space<semaphore_mem>>)
    }
    %scan3A_110 = arith.constant 52 : i32
    %scan3A_111 = arith.constant 0 : i32
    %scan3A_112 = arith.constant 52 : i32
    %scan3A_113 = arith.addi %scan3A_111, %scan3A_112 : i32
    %scan3A_114 = arith.constant 1 : i32
    scf.for %scan3A_130 = %scan3A_111 to %scan3A_113 step %scan3A_114  : i32 {
      %mul3A_131 = arith.constant 1 : i32
      %mul3A_132 = arith.muli %scan3A_130, %mul3A_131 : i32
      %add3A_133 = arith.constant 0 : i32
      %add3A_134 = arith.addi %add3A_133, %mul3A_132 : i32
      %dma_wait3A_135 = arith.constant 0 : i32
      %dma_wait3A_136 = arith.constant 0 : i32
      %dma_wait3A_137 = tpu.memref_slice %arg11[%add3A_134, %dma_wait3A_135, %dma_wait3A_136] : memref<52x128x8xf32, #tpu.memory_space<vmem>> -> memref<1x128x8xf32, #tpu.memory_space<vmem>>
      %dma_wait3A_138 = tpu.memref_squeeze %dma_wait3A_137 : memref<1x128x8xf32, #tpu.memory_space<vmem>> -> memref<128x8xf32, #tpu.memory_space<vmem>>
      %dma_wait3A_139 = arith.constant 0 : i32
      %dma_wait3A_140 = tpu.memref_slice %arg9[%add3A_134, %dma_wait3A_139] : memref<52x128xi32, #tpu.memory_space<vmem>> -> memref<1x128xi32, #tpu.memory_space<vmem>>
      %dma_wait3A_141 = tpu.memref_squeeze %dma_wait3A_140 : memref<1x128xi32, #tpu.memory_space<vmem>> -> memref<128xi32, #tpu.memory_space<vmem>>
      %dma_wait3A_142 = arith.constant 0 : i32
      %dma_wait3A_143 = arith.constant 0 : i32
      %dma_wait3A_144 = tpu.memref_slice %arg3[%dma_wait3A_142, %dma_wait3A_143] : memref<1048576x8xf32, #tpu.memory_space<hbm>> -> memref<1048576x8xf32, #tpu.memory_space<hbm>>
      tpu.wait_indirect_dma semaphore(%arg12 : memref<!tpu.dma_semaphore, #tpu.memory_space<semaphore_mem>>) src(%dma_wait3A_144 : memref<1048576x8xf32, #tpu.memory_space<hbm>>) dst(%dma_wait3A_138 : memref<128x8xf32, #tpu.memory_space<vmem>>)
    }
    %scan3A_115 = arith.constant 52 : i32
    %mul3A_116 = arith.constant 208 : i32
    %mul3A_117 = arith.muli %add3A, %mul3A_116 : i32
    %add3A_118 = arith.constant 104 : i32
    %add3A_119 = arith.addi %mul3A_117, %add3A_118 : i32
    %dma_wait3A_120 = arith.constant 0 : i32
    %dma_wait3A_121 = arith.constant 0 : i32
    %dma_wait3A_122 = tpu.memref_slice %arg5[%add3A_119, %dma_wait3A_120, %dma_wait3A_121] : memref<6656x128x8xf32, #tpu.memory_space<hbm>> -> memref<52x128x8xf32, #tpu.memory_space<hbm>>
    %dma_wait3A_123 = arith.constant 0 : i32
    %dma_wait3A_124 = arith.constant 0 : i32
    %dma_wait3A_125 = tpu.memref_slice %arg5[%add3A_119, %dma_wait3A_123, %dma_wait3A_124] : memref<6656x128x8xf32, #tpu.memory_space<hbm>> -> memref<52x128x8xf32, #tpu.memory_space<hbm>>
    tpu.wait_dma2 semaphore(%arg13 : memref<!tpu.dma_semaphore, #tpu.memory_space<semaphore_mem>>) src(%arg11 : memref<52x128x8xf32, #tpu.memory_space<vmem>>) dst(%dma_wait3A_125 : memref<52x128x8xf32, #tpu.memory_space<hbm>>)
    %mul3A_126 = arith.constant 208 : i32
    %mul3A_127 = arith.muli %add3A, %mul3A_126 : i32
    %add3A_128 = arith.constant 156 : i32
    %add3A_129 = arith.addi %mul3A_127, %add3A_128 : i32
    "tpu.region"() ({
      %run_scoped3A = tpu.sem_alloc : memref<!tpu.dma_semaphore, #tpu.memory_space<semaphore_mem>>
      %dma_start3A_130 = arith.constant 0 : i32
      %dma_start3A_131 = arith.constant 0 : i32
      %dma_start3A_132 = tpu.memref_slice %arg5[%add3A_129, %dma_start3A_130, %dma_start3A_131] : memref<6656x128x8xf32, #tpu.memory_space<hbm>> -> memref<52x128x8xf32, #tpu.memory_space<hbm>>
      %dma_start3A_133 = arith.constant 0 : i32
      %dma_start3A_134 = arith.constant 0 : i32
      %dma_start3A_135 = tpu.memref_slice %arg5[%add3A_129, %dma_start3A_133, %dma_start3A_134] : memref<6656x128x8xf32, #tpu.memory_space<hbm>> -> memref<52x128x8xf32, #tpu.memory_space<hbm>>
      tpu.enqueue_dma source(%arg11 : memref<52x128x8xf32, #tpu.memory_space<vmem>>) target(%dma_start3A_135 : memref<52x128x8xf32, #tpu.memory_space<hbm>>) target_semaphore(%run_scoped3A : memref<!tpu.dma_semaphore, #tpu.memory_space<semaphore_mem>>)
      %dma_wait3A_136 = arith.constant 0 : i32
      %dma_wait3A_137 = arith.constant 0 : i32
      %dma_wait3A_138 = tpu.memref_slice %arg5[%add3A_129, %dma_wait3A_136, %dma_wait3A_137] : memref<6656x128x8xf32, #tpu.memory_space<hbm>> -> memref<52x128x8xf32, #tpu.memory_space<hbm>>
      %dma_wait3A_139 = arith.constant 0 : i32
      %dma_wait3A_140 = arith.constant 0 : i32
      %dma_wait3A_141 = tpu.memref_slice %arg5[%add3A_129, %dma_wait3A_139, %dma_wait3A_140] : memref<6656x128x8xf32, #tpu.memory_space<hbm>> -> memref<52x128x8xf32, #tpu.memory_space<hbm>>
      tpu.wait_dma2 semaphore(%run_scoped3A : memref<!tpu.dma_semaphore, #tpu.memory_space<semaphore_mem>>) src(%arg11 : memref<52x128x8xf32, #tpu.memory_space<vmem>>) dst(%dma_wait3A_141 : memref<52x128x8xf32, #tpu.memory_space<hbm>>)
      tpu.yield
    }) : () -> ()
    return
  }
}

</mosaic_0001>

<sc_bundles>
// kernel: kernel.4.cloned.1.call-start
scs
__scs_entry_jumppad:
0x0: {  	(pc) =	sbr.rel $0x88, $3  }
0x1: {  	(tag) =	ssettag $0x0;
	lr =	simm.s32 $0x1  }
0x2: {  	[smem:$0x3F9D] =	sst lr;
	_ =	strace $0xD0000000  }
0x3: {  	_ = 	snop  }
0x4: {  	_ = 	snop  }
0x5: {  	_ = 	snop  }
0x6: {  	_ = 	snop  }
0x7: {  	_ = 	snop  }
__scs_overlays_trampoline_lowered:
0x8: {  	[smem:$0x3FAC] =	sst s0  }
0x9: {  	[smem:$0x3FAD] =	sst s1  }
0xa: {  	[smem:$0x3FAE] =	sst s2  }
0xb: {  	[smem:$0x3FAF] =	sst s3  }
0xc: {  	[smem:$0x3FB0] =	sst s4  }
0xd: {  	[smem:$0x3FB1] =	sst s5  }
0xe: {  	[smem:$0x3FB2] =	sst s6  }
0xf: {  	[smem:$0x3FB3] =	sst s7  }
0x10: {  	[smem:$0x3FB4] =	sst s8  }
0x11: {  	[smem:$0x3FB5] =	sst s9;
	s0 =	simm.s32 @!p0 $0x0  }
0x12: {  	s1 =	sld [smem:$0x3F9B];
	s0 =	simm.s32 @p0 $0x1  }
0x13: {  	[smem:$0x3FB6] =	sst s0;
	s0 =	simm.s32 @!p1 $0x0  }
0x14: {  	s2 =	sld [smem:$0x3F9A];
	s0 =	simm.s32 @p1 $0x1  }
0x15: {  	[smem:$0x3FB7] =	sst s0;
	s0 =	simm.s32 @!p2 $0x0  }
0x16: {  	s3 =	sld [smem:$0x3FDB];
	s0 =	simm.s32 @p2 $0x1  }
0x17: {  	s4 =	simm.s32 $0x1BF5;
	[smem:$0x3FB9] =	sst s0  }
0x18: {  	s0 =	sld [smem:$0x3F9C];
	_ =	swait.ge [sflag:s4], $0x0  }
0x19: {  	s7 =	sld [smem:$0x3F9D]  }
0x1a: {  	s8 =	sadd.s32 $0xFFFFE003, lr  }
0x1b: {  	s9 =	sadd.s32 $0xFFFFFEF7, lr;
	s5 =	simm.s32 $0xFFFFFFFF;
	p2 =	slt.u32 s8, $0xFFFFF086  }
0x1c: {  	p1 =	slt.u32 s9, $0xF7A;
	s5 =	simm.s32 @!p2 $0x0  }
0x1d: {  	s5 =	simm.s32 @p1 $0x1;
	p0 =	seq.s32 s7, s2  }
0x1e: {  	s7 =	smul.u32 @!p0 $0xF7A, s2;
	p2 =	seq.s32 @!p0 s5, $0x0  }
0x1f: {  	s9 =	smul.u32 $0xF7A, s1;
	s8 =	simm.s32 @!p0 $0x1BF5;
	p2 =	por !p2, p0  }
0x20: {  	[sflag:s8] =	ssyncset.s32 @!p0 $0xFFFFF086;
	s6 =	sadd.s32 @!p0 s3, s7;
	s7 =	simm.s32 @!p0 $0x108  }
0x21: {  	s3 =	sadd.s32 s3, s9;
	s6 =	sadd.s32 @!p0 $0x88, s6;
	s7 =	simm.s32 @p2 $0x1082  }
0x22: {  	[simem:s7], [sflag:s8] =	dma.local @!p0 [hbm:s6], $0xF7A  }
0x23: {  	s9 =	sor.u32 $0xD0000000, s2;
	s6 =	simm.s32 $0x108;
	_ =	swait.ge @!p0 [sflag:s8], $0x0  }
0x24: {  	s3 =	sadd.s32 $0x88, s3;
	s6 =	simm.s32 @!p1 $0x1082;
	[sflag:s4] =	ssyncset.s32 $0xFFFFF086  }
0x25: {  	[simem:s6], [sflag:s4] =	dma.local [hbm:s3], $0xF7A  }
0x26: {  	[smem:$0x3F9D] =	sst s1;
	(tag) =	ssettag s2;
	_ =	strace s9  }
0x27: {  	s1 =	sld [smem:$0x3FAD]  }
0x28: {  	s2 =	sld [smem:$0x3FAE]  }
0x29: {  	s4 =	sld [smem:$0x3FB0]  }
0x2a: {  	p0 =	seq.s32 s5, $0x0;
	s5 =	sld [smem:$0x3FB1]  }
0x2b: {  	s6 =	sld [smem:$0x3FB2]  }
0x2c: {  	s7 =	sld [smem:$0x3FB3]  }
0x2d: {  	s3 =	simm.s32 $0x108;
	s8 =	sld [smem:$0x3FB4]  }
0x2e: {  	s3 =	simm.s32 @!p0 $0x1082;
	s9 =	sld [smem:$0x3FB5]  }
0x2f: {  	lr =	sadd.s32 s0, s3;
	s0 =	sld [smem:$0x3FAC]  }
0x30: {  	s3 =	sld [smem:$0x3FAF]  }
0x31: {  	[smem:$0x3FB8] =	sst s10  }
0x32: {  	s10 =	sld [smem:$0x3FB6];
	_ =	sdelay $0x3  }
0x33: {  	p0 =	seq.s32 s10, $0x1;
	s10 =	sld [smem:$0x3FB8];
	_ =	sdelay $0x3  }
0x34: {  	[smem:$0x3FB8] =	sst s10  }
0x35: {  	s10 =	sld [smem:$0x3FB7];
	_ =	sdelay $0x3  }
0x36: {  	p1 =	seq.s32 s10, $0x1;
	s10 =	sld [smem:$0x3FB8];
	_ =	sdelay $0x3  }
0x37: {  	[smem:$0x3FB8] =	sst s10  }
0x38: {  	s10 =	sld [smem:$0x3FB9]  }
0x39: {  	_ = 	snop;
	(pc) =	sbr.ind lr, $3  }
0x3a: {  	_ = 	snop  }
0x3b: {  	_ = 	snop  }
0x3c: {  	p2 =	seq.s32 s10, $0x1;
	s10 =	sld [smem:$0x3FB8]  }
0x3d: {  	_ =	shalt  }
0x3e: {  	_ =	shalt  }
0x3f: {  	_ =	shalt  }
0x40: {  	_ =	shalt  }
0x41: {  	_ =	shalt  }
0x42: {  	_ =	shalt  }
0x43: {  	_ =	shalt  }
0x44: {  	_ =	shalt  }
0x45: {  	_ =	shalt  }
0x46: {  	_ =	shalt  }
0x47: {  	_ =	shalt  }
0x48: {  	_ =	shalt  }
0x49: {  	_ =	shalt  }
0x4a: {  	_ =	shalt  }
0x4b: {  	_ =	shalt  }
0x4c: {  	_ =	shalt  }
0x4d: {  	_ =	shalt  }
0x4e: {  	_ =	shalt  }
0x4f: {  	_ =	shalt  }
0x50: {  	_ =	shalt  }
0x51: {  	_ =	shalt  }
0x52: {  	_ =	shalt  }
0x53: {  	_ =	shalt  }
0x54: {  	_ =	shalt  }
0x55: {  	_ =	shalt  }
0x56: {  	_ =	shalt  }
0x57: {  	_ =	shalt  }
0x58: {  	_ =	shalt  }
0x59: {  	_ =	shalt  }
0x5a: {  	_ =	shalt  }
0x5b: {  	_ =	shalt  }
0x5c: {  	_ =	shalt  }
0x5d: {  	_ =	shalt  }
0x5e: {  	_ =	shalt  }
0x5f: {  	_ =	shalt  }
0x60: {  	_ =	shalt  }
0x61: {  	_ =	shalt  }
0x62: {  	_ =	shalt  }
0x63: {  	_ =	shalt  }
0x64: {  	_ =	shalt  }
0x65: {  	_ =	shalt  }
0x66: {  	_ =	shalt  }
0x67: {  	_ =	shalt  }
0x68: {  	_ =	shalt  }
0x69: {  	_ =	shalt  }
0x6a: {  	_ =	shalt  }
0x6b: {  	_ =	shalt  }
0x6c: {  	_ =	shalt  }
0x6d: {  	_ =	shalt  }
0x6e: {  	_ =	shalt  }
0x6f: {  	_ =	shalt  }
0x70: {  	_ =	shalt  }
0x71: {  	_ =	shalt  }
0x72: {  	_ =	shalt  }
0x73: {  	_ =	shalt  }
0x74: {  	_ =	shalt  }
0x75: {  	_ =	shalt  }
0x76: {  	_ =	shalt  }
0x77: {  	_ =	shalt  }
0x78: {  	_ =	shalt  }
0x79: {  	_ =	shalt  }
0x7a: {  	_ =	shalt  }
0x7b: {  	_ =	shalt  }
0x7c: {  	_ =	shalt  }
0x7d: {  	_ =	shalt  }
0x7e: {  	_ =	shalt  }
0x7f: {  	_ =	shalt  }
0x80: {  	_ =	shalt  }
0x81: {  	_ =	shalt  }
0x82: {  	_ =	shalt  }
0x83: {  	_ =	shalt  }
0x84: {  	_ =	shalt  }
0x85: {  	_ =	shalt  }
0x86: {  	_ =	shalt  }
0x87: {  	_ =	shalt  }
.Lfunc_end0:
.L_simem_size_0:
called_computation_lowered:
.L_overlay_start_0:
0x88: {  	s2 =	sld [smem:$0x3FD9]  }
0x89: {  	s3 =	sld [smem:$0x3FFE];
	_ =	sdelay $0x1  }
0x8a: {  	s1 =	srdreg.scid  }
0x8b: {  	s0 =	sand.u32 $0x1, s1  }
0x8c: {  	s17 =	sshll.u32 s0, $0xA;
	s2 =	sadd.s32 s3, s2  }
0x8d: {  	s2 =	sadd.s32 s2, s17  }
0x8e: {  	[smem:$0x3FC4] =	sst s2  }
0x8f: {  	_ = 	snop  }
0x90: {  	s2 =	sld [smem:$0x3FD0];
	(tm) =	ssettm $0x1  }
0x91: {  	s18 =	sld [smem:$0x3FFB];
	_ =	sdelay $0x3  }
0x92: {  	_ =	strace s18  }
0x93: {  	s3 =	sld [smem:$0x3FFC];
	_ =	sdelay $0x3  }
0x94: {  	_ =	strace s3  }
0x95: {  	s3 =	sld [smem:$0x3FFD];
	_ =	sdelay $0x3  }
0x96: {  	_ =	strace s3  }
0x97: {  	_ =	strace $0x8FFFFFFF  }
0x98: {  	s19 =	sld [smem:$0x3FDB];
	_ =	sdelay $0x1  }
0x99: {  	s4 =	simm.s32 $_scs_section_size  }
0x9a: {  	s5 =	simm.s32 $_size__tile_overlayer_lowered;
	s6 =	simm.s32 $_tile_overlayer_lowered  }
0x9b: {  	s22 =	simm.s32 $0x1BFF;
	s21 =	sshll.u32 s6, $0x1;
	s3 =	sadd.s32 s4, s19  }
0x9c: {  	s7 =	simm.s32 $0x0;
	s20 =	sshll.u32 s5, $0x1;
	s5 =	sadd.s32 s21, s3  }
0x9d: {  	[timem:s7], [sflag:s22] =	dma.local [hbm:s5], s20  }
0x9e: {  	_ =	swait.ge [sflag:s22], s20  }
0x9f: {  	s4 =	ssub.s32 $0x0, s20;
	[sflag:s22] =	ssyncset.done $0x0  }
0xa0: {  	[sflag:s22] =	ssyncadd.s32 s4;
	_ =	sdelay $0x1  }
0xa1: {  	s23 =	simm.s32 $0x1B8B  }
0xa2: {  	_ =	swait.ge [sflag:s23], $0x1  }
0xa3: {  	[sflag:s23] =	ssyncset.done $0x0  }
0xa4: {  	s25 =	simm.s32 $0x1B8E;
	s24 =	sld [smem:$0x3FFE];
	[sflag:s23] =	ssyncadd.s32 $0xFFFFFFFF  }
0xa5: {  	s26 =	simm.s32 $execute0_lowered;
	[smem:$0x3FD2] =	sst s25  }
0xa6: {  	s5 =	sshll.u32 s26, $0x1;
	_ =	strace $0x80000046;
	[dreg:$0x1] =	wrdreg $0xFFFFFFFF  }
0xa7: {  	s28 =	simm.s32 $_size_execute0_lowered;
	s3 =	sadd.s32 s3, s5;
	[dreg:$0x0] =	wrdreg $0x0  }
0xa8: {  	s5 =	sshll.u32 s28, $0x1;
	[dreg:$0x2] =	wrdreg s3  }
0xa9: {  	[dreg:$0x3] =	wrdreg s5  }
0xaa: {  	[dreg:$0x4] =	wrdreg $0xC0  }
0xab: {  	_ =	task [dreg:s7], $0x5FFFF  }
0xac: {  	[dreg:$0x1] =	wrdreg $0xFFFFFFFF  }
0xad: {  	[dreg:$0x0] =	wrdreg $0x60  }
0xae: {  	[dreg:$0x2] =	wrdreg s2  }
0xaf: {  	[dreg:$0x3] =	wrdreg s24  }
0xb0: {  	[dreg:$0x4] =	wrdreg $0x9  }
0xb1: {  	_ =	task.clear_ibuf [dreg:s7], $0x5FFFF;
	_ =	strace $0x90000046  }
0xb2: {  	s29 =	simm.s32 $0x9;
	_ =	strace $0x80000048  }
0xb3: {  	_ =	swait.ge [sflag:s29], $0x1  }
0xb4: {  	[sflag:s29] =	ssyncadd.s32 $0xFFFFFFFF  }
0xb5: {  	_ =	strace $0x90000048  }
0xb6: {  	_ =	sfence  }
0xb7: {  	s30 =	sld [smem:$0x0];
	_ =	sdelay $0x2  }
0xb8: {  	s31 =	sshll.u32 s1, $0xD;
	s1 =	sshrl.u32 s1, $0x2  }
0xb9: {  	s3 =	sand.u32 $0x4000, s31;
	s1 =	sadd.s32 s1, s30  }
0xba: {  	s0 =	sor.u32 s3, s0;
	s1 =	sshll.u32 s1, $0x11  }
0xbb: {  	s0 =	sor.u32 s1, s0  }
0xbc: {  	s0 =	sadd.s32 $0x8F2B, s0  }
0xbd: {  	[sflag:s0] =	ssyncadd.remote.s32 $0x1  }
0xbe: {  	_ =	sfence.sel $0xFFFF  }
0xbf: {  	[dreg:$0x0] =	wrdreg $0xFFFFFFFF;
	(pc) =	sbr.abs _section_cstart, $3  }
0xc0: {  	[dreg:$0x1] =	wrdreg $0xFFFFFFFF  }
0xc1: {  	_ =	task.clear_ibuf [dreg:s7], $0x2FFFF;
	_ =	strace $0x9FFFFFFF  }
0xc2: {  	(tm) =	ssettm $0x7FFFFFFF  }
0xc3: {  	_ =	shalt  }
tec
execute0_lowered:
.L_overlay_start_1:
0x0: {  	(tag) =	ssettag $0x1  }
0x1: {  	s0 =	rddreg [dreg:$0x0]  }
0x2: {  	s1 =	rddreg [dreg:$0x1]  }
0x3: {  	s2 =	srdreg.scid;
	s7 =	stileid.u32  }
0x4: {  	s9 =	simm.s32 $0x1;
	s10 =	simm.s32 $0x4008;
	s3 =	sand.u32 $0x1, s2  }
0x5: {  	s11 =	simm.s32 $0x8010;
	s4 =	sshll.u32 s7, $0x10;
	s5 =	sshll.u32 s3, $0xF  }
0x6: {  	s12 =	simm.s32 $0xC010;
	s2 =	simm.s32 $0x0;
	s4 =	sor.u32 s5, s4  }
0x7: {  	[smem:$0x7FF] =	sst s2;
	s3 =	ssub.s32 $0x2, s3;
	s1 =	sadd.s32 s4, s1  }
0x8: {  	_ =	strace $0x80000047;
	s13 =	sshrl.u32 s3, $0x1;
	s14 =	sadd.s32 $0xE00, s1  }
0x9: {  	s6 =	sand.u32 $0x18000, s4;
	s16 =	sadd.s32 $0x1600, s1;
	[dreg:$0x4] =	wrdreg s14  }
0xa: {  	s5 =	ssub.s32 s3, s13;
	s18 =	sadd.s32 $0x1E00, s1;
	[dreg:$0x6] =	wrdreg s16  }
0xb: {  	s4 =	sshrl.u32 s7, $0x1;
	s20 =	sadd.s32 $0x2600, s1;
	[dreg:$0x8] =	wrdreg s18  }
0xc: {  	s13 =	simm.s32 $0x2;
	s21 =	sadd.s32 $0x2E00, s1;
	[dreg:$0xa] =	wrdreg s20  }
0xd: {  	s3 =	sadd.s32 s0, s6;
	s22 =	sadd.s32 $0x3600, s1;
	[dreg:$0xb] =	wrdreg s21  }
0xe: {  	s23 =	sadd.s32 $0x3E00, s1;
	s24 =	sadd.s32 $0x4600, s1;
	[dreg:$0xc] =	wrdreg s22  }
0xf: {  	s25 =	sadd.s32 $0x4E00, s1;
	s26 =	sadd.s32 $0x5600, s1;
	[dreg:$0xd] =	wrdreg s23  }
0x10: {  	s0 =	sadd.s32 $0x800, s3;
	s15 =	sadd.s32 $0x1000, s3;
	[dreg:$0xe] =	wrdreg s24  }
0x11: {  	s17 =	sadd.s32 $0x1800, s3;
	s19 =	sadd.s32 $0x2000, s3;
	[dreg:$0xf] =	wrdreg s25  }
0x12: {  	[dreg:$0x10] =	wrdreg s26;
	s20 =	sadd.s32 $0x6600, s1;
	s21 =	sadd.s32 $0x6E00, s1  }
0x13: {  	v0 =	vlaneseq.u32;
	s22 =	sadd.s32 $0x7600, s1;
	s23 =	sadd.s32 $0x7E00, s1;
	s24 =	sadd.s32 $0x8600, s1  }
0x14: {  	v1 =	vshrl.u32 v0, $0x3;
	s25 =	smax.u32 s5, $0x1;
	s26 =	sadd.s32 $0x2800, s3;
	s28 =	sadd.s32 $0x3000, s3  }
0x15: {  	v1 =	vmul.u32 $0x8, v1;
	s29 =	sadd.s32 $0x3800, s3;
	s30 =	sadd.s32 $0x4000, s3;
	[dreg:$0x3] =	wrdreg s0  }
0x16: {  	s31 =	sadd.s32 $0x4800, s3;
	s5 =	sadd.s32 $0x6000, s3;
	[dreg:$0x5] =	wrdreg s15  }
0x17: {  	v9 =	vand.u32 $0x7, v0;
	v2 =	vor.u32 $0x70, v1;
	s6 =	sadd.s32 $0x6800, s3;
	s7 =	sadd.s32 $0x7000, s3;
	[dreg:$0x7] =	wrdreg s17  }
0x18: {  	v3 =	vor.u32 $0x60, v1;
	v4 =	vor.u32 $0x50, v1;
	v5 =	vor.u32 $0x40, v1;
	s8 =	sadd.s32 $0x7800, s3;
	s14 =	simm.s32 $0x0;
	[dreg:$0x9] =	wrdreg s19  }
0x19: {  	v6 =	vor.u32 $0x30, v1;
	v7 =	vor.u32 $0x20, v1;
	v8 =	vor.u32 $0x10, v1;
	s19 =	sadd.s32 $0x5E00, s1;
	s0 =	sadd.s32 $0x5000, s3;
	s1 =	sadd.s32 $0x5800, s3  }
.LBB2_1:
0x1a: {  	s15 =	sadd.s32 $0x0, s4  }
0x1b: {  	[tilespmem:s2], [sflag:$0x1] =	stream.linear.gather [hbm4b:s3+s2], $0x4008, $0x38;
	v10 =	vadd.s32 s15, v0;
	[tilespmem:$0x10010] =	vst v63  }
0x1c: {  	_ =	swait.ge [sflag:s9], $0x4008  }
0x1d: {  	v11 =	vmov s2;
	[sflag:s9] =	ssyncset.done $0x0  }
0x1e: {  	v11 =	vshll.u32 v11, $0x3;
	s16 =	rddreg [dreg:$0x3];
	[sflag:s9] =	ssyncadd.s32 $0xFFFFBFF8  }
0x1f: {  	v12 =	vor.u32 v1, v11;
	[tilespmem:s10], [sflag:$0x1] =	stream.linear.gather [hbm4b:s16+s2], $0x4008, $0x38;
	[tilespmem:$0x10010] =	vst v63  }
0x20: {  	s17 =	sadd.s32 $0x10, s15;
	v12 =	vor.u32 v9, v12;
	v10 =	vld.idx.msk [tilespmem:v10+s2+$0x0], $0xffff  }
0x21: {  	v13 =	vadd.s32 s17, v0;
	_ =	sdelay $0x3  }
0x22: {  	[tilespmem:v12+s11+$0x0] =	vst.idx.msk $0xffff, v10;
	v10 =	vor.u32 v8, v11  }
0x23: {  	s18 =	sadd.s32 $0x20, s15;
	v12 =	vld.idx.msk [tilespmem:v13+s2+$0x0], $0xffff;
	v10 =	vor.u32 v9, v10  }
0x24: {  	v58 =	vadd.s32 s18, v0;
	_ =	sdelay $0x3  }
0x25: {  	[tilespmem:v10+s11+$0x0] =	vst.idx.msk $0xffff, v12;
	v10 =	vor.u32 v7, v11  }
0x26: {  	s17 =	sadd.s32 $0x30, s15;
	v12 =	vld.idx.msk [tilespmem:v58+s2+$0x0], $0xffff;
	v10 =	vor.u32 v9, v10  }
0x27: {  	v59 =	vadd.s32 s17, v0;
	_ =	sdelay $0x3  }
0x28: {  	[tilespmem:v10+s11+$0x0] =	vst.idx.msk $0xffff, v12;
	v10 =	vor.u32 v6, v11  }
0x29: {  	s18 =	sadd.s32 $0x40, s15;
	v12 =	vld.idx.msk [tilespmem:v59+s2+$0x0], $0xffff;
	v10 =	vor.u32 v9, v10  }
0x2a: {  	v60 =	vadd.s32 s18, v0;
	_ =	sdelay $0x3  }
0x2b: {  	[tilespmem:v10+s11+$0x0] =	vst.idx.msk $0xffff, v12;
	v10 =	vor.u32 v5, v11  }
0x2c: {  	s17 =	sadd.s32 $0x50, s15;
	v12 =	vld.idx.msk [tilespmem:v60+s2+$0x0], $0xffff;
	v10 =	vor.u32 v9, v10  }
0x2d: {  	v61 =	vadd.s32 s17, v0;
	_ =	sdelay $0x3  }
0x2e: {  	[tilespmem:v10+s11+$0x0] =	vst.idx.msk $0xffff, v12;
	v10 =	vor.u32 v4, v11  }
0x2f: {  	s18 =	sadd.s32 $0x60, s15;
	v12 =	vld.idx.msk [tilespmem:v61+s2+$0x0], $0xffff;
	v10 =	vor.u32 v9, v10  }
0x30: {  	v62 =	vadd.s32 s18, v0;
	_ =	sdelay $0x3  }
0x31: {  	[tilespmem:v10+s11+$0x0] =	vst.idx.msk $0xffff, v12;
	v10 =	vor.u32 v3, v11  }
0x32: {  	s15 =	sadd.s32 $0x70, s15;
	v12 =	vld.idx.msk [tilespmem:v62+s2+$0x0], $0xffff;
	v10 =	vor.u32 v9, v10  }
0x33: {  	v63 =	vadd.s32 s15, v0;
	_ =	sdelay $0x3  }
0x34: {  	v11 =	vor.u32 v2, v11;
	[tilespmem:v10+s11+$0x0] =	vst.idx.msk $0xffff, v12  }
0x35: {  	s15 =	sadd.s32 $0x80, s4;
	s17 =	simm.s32 $0x100;
	s16 =	simm.s32 $0x0;
	v11 =	vor.u32 v9, v11;
	v10 =	vld.idx.msk [tilespmem:v63+s2+$0x0], $0xffff  }
.LBB2_2:
0x36: {  	p0 =	sne.s32 s17, $0x3F80;
	v12 =	vadd.s32 s15, v0;
	_ =	sdelay $0x1  }
0x37: {  	s16 =	sadd.s32 $0x10, s16  }
0x38: {  	v13 =	vmov s16  }
0x39: {  	v13 =	vshll.u32 v13, $0x3;
	[tilespmem:v11+s11+$0x0] =	vst.idx.msk $0xffff, v10  }
0x3a: {  	v11 =	vor.u32 v1, v13;
	v10 =	vld.idx.msk [tilespmem:v12+s2+$0x0], $0xffff  }
0x3b: {  	s18 =	sadd.s32 $0x10, s15;
	v11 =	vor.u32 v9, v11  }
0x3c: {  	v12 =	vadd.s32 s18, v0;
	_ =	sdelay $0x3  }
0x3d: {  	[tilespmem:v11+s11+$0x0] =	vst.idx.msk $0xffff, v10  }
0x3e: {  	v11 =	vor.u32 v8, v13;
	v10 =	vld.idx.msk [tilespmem:v12+s2+$0x0], $0xffff  }
0x3f: {  	s18 =	sadd.s32 $0x20, s15;
	v11 =	vor.u32 v9, v11  }
0x40: {  	v12 =	vadd.s32 s18, v0;
	_ =	sdelay $0x3  }
0x41: {  	[tilespmem:v11+s11+$0x0] =	vst.idx.msk $0xffff, v10  }
0x42: {  	v11 =	vor.u32 v7, v13;
	v10 =	vld.idx.msk [tilespmem:v12+s2+$0x0], $0xffff  }
0x43: {  	s18 =	sadd.s32 $0x30, s15;
	v11 =	vor.u32 v9, v11  }
0x44: {  	v12 =	vadd.s32 s18, v0;
	_ =	sdelay $0x3  }
0x45: {  	[tilespmem:v11+s11+$0x0] =	vst.idx.msk $0xffff, v10  }
0x46: {  	v11 =	vor.u32 v6, v13;
	v10 =	vld.idx.msk [tilespmem:v12+s2+$0x0], $0xffff  }
0x47: {  	s18 =	sadd.s32 $0x40, s15;
	v11 =	vor.u32 v9, v11  }
0x48: {  	v12 =	vadd.s32 s18, v0;
	_ =	sdelay $0x3  }
0x49: {  	[tilespmem:v11+s11+$0x0] =	vst.idx.msk $0xffff, v10  }
0x4a: {  	v11 =	vor.u32 v5, v13;
	v10 =	vld.idx.msk [tilespmem:v12+s2+$0x0], $0xffff  }
0x4b: {  	s18 =	sadd.s32 $0x50, s15;
	v11 =	vor.u32 v9, v11  }
0x4c: {  	v12 =	vadd.s32 s18, v0;
	_ =	sdelay $0x3  }
0x4d: {  	[tilespmem:v11+s11+$0x0] =	vst.idx.msk $0xffff, v10  }
0x4e: {  	v11 =	vor.u32 v4, v13;
	v10 =	vld.idx.msk [tilespmem:v12+s2+$0x0], $0xffff  }
0x4f: {  	s18 =	sadd.s32 $0x60, s15;
	v11 =	vor.u32 v9, v11  }
0x50: {  	v12 =	vadd.s32 s18, v0;
	_ =	sdelay $0x3  }
0x51: {  	[tilespmem:v11+s11+$0x0] =	vst.idx.msk $0xffff, v10  }
0x52: {  	v11 =	vor.u32 v3, v13;
	v10 =	vld.idx.msk [tilespmem:v12+s2+$0x0], $0xffff  }
0x53: {  	s15 =	sadd.s32 $0x70, s15;
	v11 =	vor.u32 v9, v11  }
0x54: {  	v12 =	vadd.s32 s15, v0;
	_ =	sdelay $0x1  }
.Ltmp0:
0x55: {  	(pc) =	sbr.rel @p0 .LBB2_2-.Ltmp0, $4  }
0x56: {  	_ = 	snop  }
0x57: {  	[tilespmem:v11+s11+$0x0] =	vst.idx.msk $0xffff, v10  }
0x58: {  	v11 =	vor.u32 v2, v13;
	v10 =	vld.idx.msk [tilespmem:v12+s2+$0x0], $0xffff  }
0x59: {  	s15 =	sadd.s32 s17, s4;
	s17 =	sadd.s32 $0x80, s17;
	v11 =	vor.u32 v9, v11  }
0x5a: {  	v12 =	vadd.s32 s15, v0  }
0x5b: {  	s16 =	sadd.s32 $0x10, s16  }
0x5c: {  	v13 =	vmov s16  }
0x5d: {  	v13 =	vshll.u32 v13, $0x3  }
0x5e: {  	[tilespmem:v11+s11+$0x0] =	vst.idx.msk $0xffff, v10;
	v10 =	vor.u32 v1, v13  }
0x5f: {  	s17 =	sadd.s32 $0x10, s15;
	v10 =	vor.u32 v9, v10;
	v11 =	vld.idx.msk [tilespmem:v12+s2+$0x0], $0xffff  }
0x60: {  	v49 =	vadd.s32 s17, v0;
	_ =	sdelay $0x3  }
0x61: {  	[tilespmem:v10+s11+$0x0] =	vst.idx.msk $0xffff, v11;
	v10 =	vor.u32 v8, v13  }
0x62: {  	s18 =	sadd.s32 $0x20, s15;
	v11 =	vld.idx.msk [tilespmem:v49+s2+$0x0], $0xffff;
	v10 =	vor.u32 v9, v10  }
0x63: {  	v50 =	vadd.s32 s18, v0;
	_ =	sdelay $0x3  }
0x64: {  	[tilespmem:v10+s11+$0x0] =	vst.idx.msk $0xffff, v11;
	v10 =	vor.u32 v7, v13  }
0x65: {  	s17 =	sadd.s32 $0x30, s15;
	v11 =	vld.idx.msk [tilespmem:v50+s2+$0x0], $0xffff;
	v10 =	vor.u32 v9, v10  }
0x66: {  	v51 =	vadd.s32 s17, v0;
	_ =	sdelay $0x3  }
0x67: {  	[tilespmem:v10+s11+$0x0] =	vst.idx.msk $0xffff, v11;
	v10 =	vor.u32 v6, v13  }
0x68: {  	s18 =	sadd.s32 $0x40, s15;
	v11 =	vld.idx.msk [tilespmem:v51+s2+$0x0], $0xffff;
	v10 =	vor.u32 v9, v10  }
0x69: {  	v52 =	vadd.s32 s18, v0;
	_ =	sdelay $0x3  }
0x6a: {  	[tilespmem:v10+s11+$0x0] =	vst.idx.msk $0xffff, v11;
	v10 =	vor.u32 v5, v13  }
0x6b: {  	s17 =	sadd.s32 $0x50, s15;
	v11 =	vld.idx.msk [tilespmem:v52+s2+$0x0], $0xffff;
	v10 =	vor.u32 v9, v10  }
0x6c: {  	v53 =	vadd.s32 s17, v0;
	_ =	sdelay $0x3  }
0x6d: {  	[tilespmem:v10+s11+$0x0] =	vst.idx.msk $0xffff, v11;
	v10 =	vor.u32 v4, v13  }
0x6e: {  	s18 =	sadd.s32 $0x60, s15;
	v11 =	vld.idx.msk [tilespmem:v53+s2+$0x0], $0xffff;
	v10 =	vor.u32 v9, v10  }
0x6f: {  	v54 =	vadd.s32 s18, v0;
	_ =	sdelay $0x3  }
0x70: {  	[tilespmem:v10+s11+$0x0] =	vst.idx.msk $0xffff, v11;
	v10 =	vor.u32 v3, v13  }
0x71: {  	s17 =	sadd.s32 $0x70, s15;
	v11 =	vld.idx.msk [tilespmem:v54+s2+$0x0], $0xffff;
	v10 =	vor.u32 v9, v10  }
0x72: {  	v55 =	vadd.s32 s17, v0;
	_ =	sdelay $0x3  }
0x73: {  	[tilespmem:v10+s11+$0x0] =	vst.idx.msk $0xffff, v11;
	v10 =	vor.u32 v2, v13  }
0x74: {  	v11 =	vld.idx.msk [tilespmem:v55+s2+$0x0], $0xffff;
	v10 =	vor.u32 v9, v10;
	_ =	sdelay $0x4  }
0x75: {  	s16 =	sadd.s32 $0x0, s4;
	s15 =	simm.s32 $0x0;
	s17 =	rddreg [dreg:$0x4];
	[tilespmem:v10+s11+$0x0] =	vst.idx.msk $0xffff, v11  }
0x76: {  	v10 =	vadd.s32 s16, v0;
	[hbm4b:s17+s15] =	stream.linear.scatter [tilespmem:s11], [sflag:$0x2], $0x4000, $0x38;
	[tilespmem:$0x10010] =	vst v63  }
0x77: {  	_ =	swait.ge [sflag:s9], $0x4008  }
0x78: {  	v11 =	vmov s15;
	[sflag:s9] =	ssyncset.done $0x0  }
0x79: {  	v11 =	vshll.u32 v11, $0x3;
	s18 =	rddreg [dreg:$0x5];
	[sflag:s9] =	ssyncadd.s32 $0xFFFFBFF8  }
0x7a: {  	v56 =	vor.u32 v1, v11;
	[tilespmem:s15], [sflag:$0x1] =	stream.linear.gather [hbm4b:s18+s15], $0x4008, $0x38;
	[tilespmem:$0x10010] =	vst v63  }
0x7b: {  	v12 =	vor.u32 v9, v56;
	s18 =	sadd.s32 $0x10, s16;
	v10 =	vld.idx.msk [tilespmem:v10+s10+$0x0], $0xffff  }
0x7c: {  	v57 =	vadd.s32 s18, v0;
	_ =	sdelay $0x3  }
0x7d: {  	[tilespmem:v12+s12+$0x0] =	vst.idx.msk $0xffff, v10;
	v10 =	vor.u32 v8, v11  }
0x7e: {  	s18 =	sadd.s32 $0x20, s16;
	v12 =	vld.idx.msk [tilespmem:v57+s10+$0x0], $0xffff;
	v10 =	vor.u32 v9, v10  }
0x7f: {  	v58 =	vadd.s32 s18, v0;
	_ =	sdelay $0x3  }
0x80: {  	[tilespmem:v10+s12+$0x0] =	vst.idx.msk $0xffff, v12;
	v10 =	vor.u32 v7, v11  }
0x81: {  	s18 =	sadd.s32 $0x30, s16;
	v12 =	vld.idx.msk [tilespmem:v58+s10+$0x0], $0xffff;
	v10 =	vor.u32 v9, v10  }
0x82: {  	v59 =	vadd.s32 s18, v0;
	_ =	sdelay $0x3  }
0x83: {  	[tilespmem:v10+s12+$0x0] =	vst.idx.msk $0xffff, v12;
	v10 =	vor.u32 v6, v11  }
0x84: {  	s18 =	sadd.s32 $0x40, s16;
	v12 =	vld.idx.msk [tilespmem:v59+s10+$0x0], $0xffff;
	v10 =	vor.u32 v9, v10  }
0x85: {  	v60 =	vadd.s32 s18, v0;
	_ =	sdelay $0x3  }
0x86: {  	[tilespmem:v10+s12+$0x0] =	vst.idx.msk $0xffff, v12;
	v10 =	vor.u32 v5, v11  }
0x87: {  	s18 =	sadd.s32 $0x50, s16;
	v12 =	vld.idx.msk [tilespmem:v60+s10+$0x0], $0xffff;
	v10 =	vor.u32 v9, v10  }
0x88: {  	v61 =	vadd.s32 s18, v0;
	_ =	sdelay $0x3  }
0x89: {  	[tilespmem:v10+s12+$0x0] =	vst.idx.msk $0xffff, v12;
	v10 =	vor.u32 v4, v11  }
0x8a: {  	s18 =	sadd.s32 $0x60, s16;
	v12 =	vld.idx.msk [tilespmem:v61+s10+$0x0], $0xffff;
	v10 =	vor.u32 v9, v10  }
0x8b: {  	v62 =	vadd.s32 s18, v0;
	_ =	sdelay $0x3  }
0x8c: {  	[tilespmem:v10+s12+$0x0] =	vst.idx.msk $0xffff, v12;
	v10 =	vor.u32 v3, v11  }
0x8d: {  	s16 =	sadd.s32 $0x70, s16;
	v12 =	vld.idx.msk [tilespmem:v62+s10+$0x0], $0xffff;
	v10 =	vor.u32 v9, v10  }
0x8e: {  	v63 =	vadd.s32 s16, v0;
	_ =	sdelay $0x3  }
0x8f: {  	v11 =	vor.u32 v2, v11;
	[tilespmem:v10+s12+$0x0] =	vst.idx.msk $0xffff, v12  }
0x90: {  	s17 =	simm.s32 $0x100;
	s16 =	sadd.s32 $0x80, s4;
	v11 =	vor.u32 v9, v11;
	v10 =	vld.idx.msk [tilespmem:v63+s10+$0x0], $0xffff  }
.LBB2_4:
0x91: {  	p0 =	sne.s32 s17, $0x3F80;
	v12 =	vadd.s32 s16, v0;
	_ =	sdelay $0x1  }
0x92: {  	s15 =	sadd.s32 $0x10, s15  }
0x93: {  	v13 =	vmov s15  }
0x94: {  	v13 =	vshll.u32 v13, $0x3;
	[tilespmem:v11+s12+$0x0] =	vst.idx.msk $0xffff, v10  }
0x95: {  	v11 =	vor.u32 v1, v13;
	v10 =	vld.idx.msk [tilespmem:v12+s10+$0x0], $0xffff  }
0x96: {  	s18 =	sadd.s32 $0x10, s16;
	v11 =	vor.u32 v9, v11  }
0x97: {  	v12 =	vadd.s32 s18, v0;
	_ =	sdelay $0x3  }
0x98: {  	[tilespmem:v11+s12+$0x0] =	vst.idx.msk $0xffff, v10  }
0x99: {  	v11 =	vor.u32 v8, v13;
	v10 =	vld.idx.msk [tilespmem:v12+s10+$0x0], $0xffff  }
0x9a: {  	s18 =	sadd.s32 $0x20, s16;
	v11 =	vor.u32 v9, v11  }
0x9b: {  	v12 =	vadd.s32 s18, v0;
	_ =	sdelay $0x3  }
0x9c: {  	[tilespmem:v11+s12+$0x0] =	vst.idx.msk $0xffff, v10  }
0x9d: {  	v11 =	vor.u32 v7, v13;
	v10 =	vld.idx.msk [tilespmem:v12+s10+$0x0], $0xffff  }
0x9e: {  	s18 =	sadd.s32 $0x30, s16;
	v11 =	vor.u32 v9, v11  }
0x9f: {  	v12 =	vadd.s32 s18, v0;
	_ =	sdelay $0x3  }
0xa0: {  	[tilespmem:v11+s12+$0x0] =	vst.idx.msk $0xffff, v10  }
0xa1: {  	v11 =	vor.u32 v6, v13;
	v10 =	vld.idx.msk [tilespmem:v12+s10+$0x0], $0xffff  }
0xa2: {  	s18 =	sadd.s32 $0x40, s16;
	v11 =	vor.u32 v9, v11  }
0xa3: {  	v12 =	vadd.s32 s18, v0;
	_ =	sdelay $0x3  }
0xa4: {  	[tilespmem:v11+s12+$0x0] =	vst.idx.msk $0xffff, v10  }
0xa5: {  	v11 =	vor.u32 v5, v13;
	v10 =	vld.idx.msk [tilespmem:v12+s10+$0x0], $0xffff  }
0xa6: {  	s18 =	sadd.s32 $0x50, s16;
	v11 =	vor.u32 v9, v11  }
0xa7: {  	v12 =	vadd.s32 s18, v0;
	_ =	sdelay $0x3  }
0xa8: {  	[tilespmem:v11+s12+$0x0] =	vst.idx.msk $0xffff, v10  }
0xa9: {  	v11 =	vor.u32 v4, v13;
	v10 =	vld.idx.msk [tilespmem:v12+s10+$0x0], $0xffff  }
0xaa: {  	s18 =	sadd.s32 $0x60, s16;
	v11 =	vor.u32 v9, v11  }
0xab: {  	v12 =	vadd.s32 s18, v0;
	_ =	sdelay $0x3  }
0xac: {  	[tilespmem:v11+s12+$0x0] =	vst.idx.msk $0xffff, v10  }
0xad: {  	v11 =	vor.u32 v3, v13;
	v10 =	vld.idx.msk [tilespmem:v12+s10+$0x0], $0xffff  }
0xae: {  	s16 =	sadd.s32 $0x70, s16;
	v11 =	vor.u32 v9, v11  }
0xaf: {  	v12 =	vadd.s32 s16, v0;
	_ =	sdelay $0x1  }
.Ltmp1:
0xb0: {  	(pc) =	sbr.rel @p0 .LBB2_4-.Ltmp1, $4  }
0xb1: {  	_ = 	snop  }
0xb2: {  	[tilespmem:v11+s12+$0x0] =	vst.idx.msk $0xffff, v10  }
0xb3: {  	v11 =	vor.u32 v2, v13;
	v10 =	vld.idx.msk [tilespmem:v12+s10+$0x0], $0xffff  }
0xb4: {  	s16 =	sadd.s32 s17, s4;
	s17 =	sadd.s32 $0x80, s17;
	v11 =	vor.u32 v9, v11  }
0xb5: {  	v12 =	vadd.s32 s16, v0  }
0xb6: {  	s15 =	sadd.s32 $0x10, s15  }
0xb7: {  	v13 =	vmov s15  }
0xb8: {  	v13 =	vshll.u32 v13, $0x3  }
0xb9: {  	[tilespmem:v11+s12+$0x0] =	vst.idx.msk $0xffff, v10;
	v10 =	vor.u32 v1, v13  }
0xba: {  	s17 =	sadd.s32 $0x10, s16;
	v10 =	vor.u32 v9, v10;
	v11 =	vld.idx.msk [tilespmem:v12+s10+$0x0], $0xffff  }
0xbb: {  	v49 =	vadd.s32 s17, v0;
	_ =	sdelay $0x3  }
0xbc: {  	[tilespmem:v10+s12+$0x0] =	vst.idx.msk $0xffff, v11;
	v10 =	vor.u32 v8, v13  }
0xbd: {  	s18 =	sadd.s32 $0x20, s16;
	v11 =	vld.idx.msk [tilespmem:v49+s10+$0x0], $0xffff;
	v10 =	vor.u32 v9, v10  }
0xbe: {  	v50 =	vadd.s32 s18, v0;
	_ =	sdelay $0x3  }
0xbf: {  	[tilespmem:v10+s12+$0x0] =	vst.idx.msk $0xffff, v11;
	v10 =	vor.u32 v7, v13  }
0xc0: {  	s17 =	sadd.s32 $0x30, s16;
	v11 =	vld.idx.msk [tilespmem:v50+s10+$0x0], $0xffff;
	v10 =	vor.u32 v9, v10  }
0xc1: {  	v51 =	vadd.s32 s17, v0;
	_ =	sdelay $0x3  }
0xc2: {  	[tilespmem:v10+s12+$0x0] =	vst.idx.msk $0xffff, v11;
	v10 =	vor.u32 v6, v13  }
0xc3: {  	s18 =	sadd.s32 $0x40, s16;
	v11 =	vld.idx.msk [tilespmem:v51+s10+$0x0], $0xffff;
	v10 =	vor.u32 v9, v10  }
0xc4: {  	v52 =	vadd.s32 s18, v0;
	_ =	sdelay $0x3  }
0xc5: {  	[tilespmem:v10+s12+$0x0] =	vst.idx.msk $0xffff, v11;
	v10 =	vor.u32 v5, v13  }
0xc6: {  	s17 =	sadd.s32 $0x50, s16;
	v11 =	vld.idx.msk [tilespmem:v52+s10+$0x0], $0xffff;
	v10 =	vor.u32 v9, v10  }
0xc7: {  	v53 =	vadd.s32 s17, v0;
	_ =	sdelay $0x3  }
0xc8: {  	[tilespmem:v10+s12+$0x0] =	vst.idx.msk $0xffff, v11;
	v10 =	vor.u32 v4, v13  }
0xc9: {  	s18 =	sadd.s32 $0x60, s16;
	v11 =	vld.idx.msk [tilespmem:v53+s10+$0x0], $0xffff;
	v10 =	vor.u32 v9, v10  }
0xca: {  	v54 =	vadd.s32 s18, v0;
	_ =	sdelay $0x3  }
0xcb: {  	[tilespmem:v10+s12+$0x0] =	vst.idx.msk $0xffff, v11;
	v10 =	vor.u32 v3, v13  }
0xcc: {  	s16 =	sadd.s32 $0x70, s16;
	v11 =	vld.idx.msk [tilespmem:v54+s10+$0x0], $0xffff;
	v10 =	vor.u32 v9, v10  }
0xcd: {  	v55 =	vadd.s32 s16, v0;
	_ =	sdelay $0x3  }
0xce: {  	[tilespmem:v10+s12+$0x0] =	vst.idx.msk $0xffff, v11;
	v10 =	vor.u32 v2, v13  }
0xcf: {  	v11 =	vld.idx.msk [tilespmem:v55+s10+$0x0], $0xffff;
	v10 =	vor.u32 v9, v10;
	_ =	sdelay $0x4  }
0xd0: {  	s15 =	simm.s32 $0x0;
	s17 =	rddreg [dreg:$0x6];
	[tilespmem:v10+s12+$0x0] =	vst.idx.msk $0xffff, v11  }
0xd1: {  	[hbm4b:s17+s15] =	stream.linear.scatter [tilespmem:s12], [sflag:$0x2], $0x4000, $0x38;
	[tilespmem:$0x10010] =	vst v63  }
0xd2: {  	_ =	swait.ge [sflag:s9], $0x4008  }
0xd3: {  	s16 =	sadd.s32 $0x0, s4;
	[sflag:s9] =	ssyncset.done $0x0  }
0xd4: {  	v10 =	vadd.s32 s16, v0;
	s17 =	rddreg [dreg:$0x7];
	[sflag:s9] =	ssyncadd.s32 $0xFFFFBFF8  }
0xd5: {  	[tilespmem:s10], [sflag:$0x1] =	stream.linear.gather [hbm4b:s17+s15], $0x4008, $0x38;
	[tilespmem:$0x10010] =	vst v63  }
0xd6: {  	v11 =	vmov s15;
	_ =	swait.ge [sflag:s13], $0x4000  }
0xd7: {  	v11 =	vshll.u32 v11, $0x3;
	[sflag:s13] =	ssyncset.done $0x0  }
0xd8: {  	v56 =	vor.u32 v1, v11;
	[sflag:s13] =	ssyncadd.s32 $0xFFFFC000  }
0xd9: {  	s18 =	sadd.s32 $0x10, s16;
	v12 =	vor.u32 v9, v56;
	v10 =	vld.idx.msk [tilespmem:v10+s2+$0x0], $0xffff  }
0xda: {  	v57 =	vadd.s32 s18, v0;
	_ =	sdelay $0x3  }
0xdb: {  	[tilespmem:v12+s11+$0x0] =	vst.idx.msk $0xffff, v10;
	v10 =	vor.u32 v8, v11  }
0xdc: {  	s18 =	sadd.s32 $0x20, s16;
	v12 =	vld.idx.msk [tilespmem:v57+s2+$0x0], $0xffff;
	v10 =	vor.u32 v9, v10  }
0xdd: {  	v58 =	vadd.s32 s18, v0;
	_ =	sdelay $0x3  }
0xde: {  	[tilespmem:v10+s11+$0x0] =	vst.idx.msk $0xffff, v12;
	v10 =	vor.u32 v7, v11  }
0xdf: {  	s18 =	sadd.s32 $0x30, s16;
	v12 =	vld.idx.msk [tilespmem:v58+s2+$0x0], $0xffff;
	v10 =	vor.u32 v9, v10  }
0xe0: {  	v59 =	vadd.s32 s18, v0;
	_ =	sdelay $0x3  }
0xe1: {  	[tilespmem:v10+s11+$0x0] =	vst.idx.msk $0xffff, v12;
	v10 =	vor.u32 v6, v11  }
0xe2: {  	s18 =	sadd.s32 $0x40, s16;
	v12 =	vld.idx.msk [tilespmem:v59+s2+$0x0], $0xffff;
	v10 =	vor.u32 v9, v10  }
0xe3: {  	v60 =	vadd.s32 s18, v0;
	_ =	sdelay $0x3  }
0xe4: {  	[tilespmem:v10+s11+$0x0] =	vst.idx.msk $0xffff, v12;
	v10 =	vor.u32 v5, v11  }
0xe5: {  	s18 =	sadd.s32 $0x50, s16;
	v12 =	vld.idx.msk [tilespmem:v60+s2+$0x0], $0xffff;
	v10 =	vor.u32 v9, v10  }
0xe6: {  	v61 =	vadd.s32 s18, v0;
	_ =	sdelay $0x3  }
0xe7: {  	[tilespmem:v10+s11+$0x0] =	vst.idx.msk $0xffff, v12;
	v10 =	vor.u32 v4, v11  }
0xe8: {  	s18 =	sadd.s32 $0x60, s16;
	v12 =	vld.idx.msk [tilespmem:v61+s2+$0x0], $0xffff;
	v10 =	vor.u32 v9, v10  }
0xe9: {  	v62 =	vadd.s32 s18, v0;
	_ =	sdelay $0x3  }
0xea: {  	[tilespmem:v10+s11+$0x0] =	vst.idx.msk $0xffff, v12;
	v10 =	vor.u32 v3, v11  }
0xeb: {  	s16 =	sadd.s32 $0x70, s16;
	v12 =	vld.idx.msk [tilespmem:v62+s2+$0x0], $0xffff;
	v10 =	vor.u32 v9, v10  }
0xec: {  	v63 =	vadd.s32 s16, v0;
	_ =	sdelay $0x3  }
0xed: {  	v11 =	vor.u32 v2, v11;
	[tilespmem:v10+s11+$0x0] =	vst.idx.msk $0xffff, v12  }
0xee: {  	s16 =	sadd.s32 $0x80, s4;
	s17 =	simm.s32 $0x100;
	v11 =	vor.u32 v9, v11;
	v10 =	vld.idx.msk [tilespmem:v63+s2+$0x0], $0xffff  }
.LBB2_6:
0xef: {  	p0 =	sne.s32 s17, $0x3F80;
	v12 =	vadd.s32 s16, v0;
	_ =	sdelay $0x1  }
0xf0: {  	s15 =	sadd.s32 $0x10, s15  }
0xf1: {  	v13 =	vmov s15  }
0xf2: {  	v13 =	vshll.u32 v13, $0x3;
	[tilespmem:v11+s11+$0x0] =	vst.idx.msk $0xffff, v10  }
0xf3: {  	v11 =	vor.u32 v1, v13;
	v10 =	vld.idx.msk [tilespmem:v12+s2+$0x0], $0xffff  }
0xf4: {  	s18 =	sadd.s32 $0x10, s16;
	v11 =	vor.u32 v9, v11  }
0xf5: {  	v12 =	vadd.s32 s18, v0;
	_ =	sdelay $0x3  }
0xf6: {  	[tilespmem:v11+s11+$0x0] =	vst.idx.msk $0xffff, v10  }
0xf7: {  	v11 =	vor.u32 v8, v13;
	v10 =	vld.idx.msk [tilespmem:v12+s2+$0x0], $0xffff  }
0xf8: {  	s18 =	sadd.s32 $0x20, s16;
	v11 =	vor.u32 v9, v11  }
0xf9: {  	v12 =	vadd.s32 s18, v0;
	_ =	sdelay $0x3  }
0xfa: {  	[tilespmem:v11+s11+$0x0] =	vst.idx.msk $0xffff, v10  }
0xfb: {  	v11 =	vor.u32 v7, v13;
	v10 =	vld.idx.msk [tilespmem:v12+s2+$0x0], $0xffff  }
0xfc: {  	s18 =	sadd.s32 $0x30, s16;
	v11 =	vor.u32 v9, v11  }
0xfd: {  	v12 =	vadd.s32 s18, v0;
	_ =	sdelay $0x3  }
0xfe: {  	[tilespmem:v11+s11+$0x0] =	vst.idx.msk $0xffff, v10  }
0xff: {  	v11 =	vor.u32 v6, v13;
	v10 =	vld.idx.msk [tilespmem:v12+s2+$0x0], $0xffff  }
0x100: {  	s18 =	sadd.s32 $0x40, s16;
	v11 =	vor.u32 v9, v11  }
0x101: {  	v12 =	vadd.s32 s18, v0;
	_ =	sdelay $0x3  }
0x102: {  	[tilespmem:v11+s11+$0x0] =	vst.idx.msk $0xffff, v10  }
0x103: {  	v11 =	vor.u32 v5, v13;
	v10 =	vld.idx.msk [tilespmem:v12+s2+$0x0], $0xffff  }
0x104: {  	s18 =	sadd.s32 $0x50, s16;
	v11 =	vor.u32 v9, v11  }
0x105: {  	v12 =	vadd.s32 s18, v0;
	_ =	sdelay $0x3  }
0x106: {  	[tilespmem:v11+s11+$0x0] =	vst.idx.msk $0xffff, v10  }
0x107: {  	v11 =	vor.u32 v4, v13;
	v10 =	vld.idx.msk [tilespmem:v12+s2+$0x0], $0xffff  }
0x108: {  	s18 =	sadd.s32 $0x60, s16;
	v11 =	vor.u32 v9, v11  }
0x109: {  	v12 =	vadd.s32 s18, v0;
	_ =	sdelay $0x3  }
0x10a: {  	[tilespmem:v11+s11+$0x0] =	vst.idx.msk $0xffff, v10  }
0x10b: {  	v11 =	vor.u32 v3, v13;
	v10 =	vld.idx.msk [tilespmem:v12+s2+$0x0], $0xffff  }
0x10c: {  	s16 =	sadd.s32 $0x70, s16;
	v11 =	vor.u32 v9, v11  }
0x10d: {  	v12 =	vadd.s32 s16, v0;
	_ =	sdelay $0x1  }
.Ltmp2:
0x10e: {  	(pc) =	sbr.rel @p0 .LBB2_6-.Ltmp2, $4  }
0x10f: {  	_ = 	snop  }
0x110: {  	[tilespmem:v11+s11+$0x0] =	vst.idx.msk $0xffff, v10  }
0x111: {  	v11 =	vor.u32 v2, v13;
	v10 =	vld.idx.msk [tilespmem:v12+s2+$0x0], $0xffff  }
0x112: {  	s16 =	sadd.s32 s17, s4;
	s17 =	sadd.s32 $0x80, s17;
	v11 =	vor.u32 v9, v11  }
0x113: {  	v12 =	vadd.s32 s16, v0  }
0x114: {  	s15 =	sadd.s32 $0x10, s15  }
0x115: {  	v13 =	vmov s15  }
0x116: {  	v13 =	vshll.u32 v13, $0x3  }
0x117: {  	[tilespmem:v11+s11+$0x0] =	vst.idx.msk $0xffff, v10;
	v10 =	vor.u32 v1, v13  }
0x118: {  	s17 =	sadd.s32 $0x10, s16;
	v10 =	vor.u32 v9, v10;
	v11 =	vld.idx.msk [tilespmem:v12+s2+$0x0], $0xffff  }
0x119: {  	v49 =	vadd.s32 s17, v0;
	_ =	sdelay $0x3  }
0x11a: {  	[tilespmem:v10+s11+$0x0] =	vst.idx.msk $0xffff, v11;
	v10 =	vor.u32 v8, v13  }
0x11b: {  	s18 =	sadd.s32 $0x20, s16;
	v11 =	vld.idx.msk [tilespmem:v49+s2+$0x0], $0xffff;
	v10 =	vor.u32 v9, v10  }
0x11c: {  	v50 =	vadd.s32 s18, v0;
	_ =	sdelay $0x3  }
0x11d: {  	[tilespmem:v10+s11+$0x0] =	vst.idx.msk $0xffff, v11;
	v10 =	vor.u32 v7, v13  }
0x11e: {  	s17 =	sadd.s32 $0x30, s16;
	v11 =	vld.idx.msk [tilespmem:v50+s2+$0x0], $0xffff;
	v10 =	vor.u32 v9, v10  }
0x11f: {  	v51 =	vadd.s32 s17, v0;
	_ =	sdelay $0x3  }
0x120: {  	[tilespmem:v10+s11+$0x0] =	vst.idx.msk $0xffff, v11;
	v10 =	vor.u32 v6, v13  }
0x121: {  	s18 =	sadd.s32 $0x40, s16;
	v11 =	vld.idx.msk [tilespmem:v51+s2+$0x0], $0xffff;
	v10 =	vor.u32 v9, v10  }
0x122: {  	v52 =	vadd.s32 s18, v0;
	_ =	sdelay $0x3  }
0x123: {  	[tilespmem:v10+s11+$0x0] =	vst.idx.msk $0xffff, v11;
	v10 =	vor.u32 v5, v13  }
0x124: {  	s17 =	sadd.s32 $0x50, s16;
	v11 =	vld.idx.msk [tilespmem:v52+s2+$0x0], $0xffff;
	v10 =	vor.u32 v9, v10  }
0x125: {  	v53 =	vadd.s32 s17, v0;
	_ =	sdelay $0x3  }
0x126: {  	[tilespmem:v10+s11+$0x0] =	vst.idx.msk $0xffff, v11;
	v10 =	vor.u32 v4, v13  }
0x127: {  	s18 =	sadd.s32 $0x60, s16;
	v11 =	vld.idx.msk [tilespmem:v53+s2+$0x0], $0xffff;
	v10 =	vor.u32 v9, v10  }
0x128: {  	v54 =	vadd.s32 s18, v0;
	_ =	sdelay $0x3  }
0x129: {  	[tilespmem:v10+s11+$0x0] =	vst.idx.msk $0xffff, v11;
	v10 =	vor.u32 v3, v13  }
0x12a: {  	s16 =	sadd.s32 $0x70, s16;
	v11 =	vld.idx.msk [tilespmem:v54+s2+$0x0], $0xffff;
	v10 =	vor.u32 v9, v10  }
0x12b: {  	v55 =	vadd.s32 s16, v0;
	_ =	sdelay $0x3  }
0x12c: {  	[tilespmem:v10+s11+$0x0] =	vst.idx.msk $0xffff, v11;
	v10 =	vor.u32 v2, v13  }
0x12d: {  	v11 =	vld.idx.msk [tilespmem:v55+s2+$0x0], $0xffff;
	v10 =	vor.u32 v9, v10;
	_ =	sdelay $0x4  }
0x12e: {  	s15 =	simm.s32 $0x0;
	s17 =	rddreg [dreg:$0x8];
	[tilespmem:v10+s11+$0x0] =	vst.idx.msk $0xffff, v11  }
0x12f: {  	[hbm4b:s17+s15] =	stream.linear.scatter [tilespmem:s11], [sflag:$0x2], $0x4000, $0x38;
	[tilespmem:$0x10010] =	vst v63  }
0x130: {  	_ =	swait.ge [sflag:s9], $0x4008  }
0x131: {  	s16 =	sadd.s32 $0x0, s4;
	[sflag:s9] =	ssyncset.done $0x0  }
0x132: {  	v10 =	vadd.s32 s16, v0;
	s17 =	rddreg [dreg:$0x9];
	[sflag:s9] =	ssyncadd.s32 $0xFFFFBFF8  }
0x133: {  	[tilespmem:s15], [sflag:$0x1] =	stream.linear.gather [hbm4b:s17+s15], $0x4008, $0x38;
	[tilespmem:$0x10010] =	vst v63  }
0x134: {  	v11 =	vmov s15;
	_ =	swait.ge [sflag:s13], $0x4000  }
0x135: {  	v11 =	vshll.u32 v11, $0x3;
	[sflag:s13] =	ssyncset.done $0x0  }
0x136: {  	v56 =	vor.u32 v1, v11;
	[sflag:s13] =	ssyncadd.s32 $0xFFFFC000  }
0x137: {  	s18 =	sadd.s32 $0x10, s16;
	v12 =	vor.u32 v9, v56;
	v10 =	vld.idx.msk [tilespmem:v10+s10+$0x0], $0xffff  }
0x138: {  	v57 =	vadd.s32 s18, v0;
	_ =	sdelay $0x3  }
0x139: {  	[tilespmem:v12+s12+$0x0] =	vst.idx.msk $0xffff, v10;
	v10 =	vor.u32 v8, v11  }
0x13a: {  	s18 =	sadd.s32 $0x20, s16;
	v12 =	vld.idx.msk [tilespmem:v57+s10+$0x0], $0xffff;
	v10 =	vor.u32 v9, v10  }
0x13b: {  	v58 =	vadd.s32 s18, v0;
	_ =	sdelay $0x3  }
0x13c: {  	[tilespmem:v10+s12+$0x0] =	vst.idx.msk $0xffff, v12;
	v10 =	vor.u32 v7, v11  }
0x13d: {  	s18 =	sadd.s32 $0x30, s16;
	v12 =	vld.idx.msk [tilespmem:v58+s10+$0x0], $0xffff;
	v10 =	vor.u32 v9, v10  }
0x13e: {  	v59 =	vadd.s32 s18, v0;
	_ =	sdelay $0x3  }
0x13f: {  	[tilespmem:v10+s12+$0x0] =	vst.idx.msk $0xffff, v12;
	v10 =	vor.u32 v6, v11  }
0x140: {  	s18 =	sadd.s32 $0x40, s16;
	v12 =	vld.idx.msk [tilespmem:v59+s10+$0x0], $0xffff;
	v10 =	vor.u32 v9, v10  }
0x141: {  	v60 =	vadd.s32 s18, v0;
	_ =	sdelay $0x3  }
0x142: {  	[tilespmem:v10+s12+$0x0] =	vst.idx.msk $0xffff, v12;
	v10 =	vor.u32 v5, v11  }
0x143: {  	s18 =	sadd.s32 $0x50, s16;
	v12 =	vld.idx.msk [tilespmem:v60+s10+$0x0], $0xffff;
	v10 =	vor.u32 v9, v10  }
0x144: {  	v61 =	vadd.s32 s18, v0;
	_ =	sdelay $0x3  }
0x145: {  	[tilespmem:v10+s12+$0x0] =	vst.idx.msk $0xffff, v12;
	v10 =	vor.u32 v4, v11  }
0x146: {  	s18 =	sadd.s32 $0x60, s16;
	v12 =	vld.idx.msk [tilespmem:v61+s10+$0x0], $0xffff;
	v10 =	vor.u32 v9, v10  }
0x147: {  	v62 =	vadd.s32 s18, v0;
	_ =	sdelay $0x3  }
0x148: {  	[tilespmem:v10+s12+$0x0] =	vst.idx.msk $0xffff, v12;
	v10 =	vor.u32 v3, v11  }
0x149: {  	s16 =	sadd.s32 $0x70, s16;
	v12 =	vld.idx.msk [tilespmem:v62+s10+$0x0], $0xffff;
	v10 =	vor.u32 v9, v10  }
0x14a: {  	v63 =	vadd.s32 s16, v0;
	_ =	sdelay $0x3  }
0x14b: {  	v11 =	vor.u32 v2, v11;
	[tilespmem:v10+s12+$0x0] =	vst.idx.msk $0xffff, v12  }
0x14c: {  	s16 =	sadd.s32 $0x80, s4;
	s17 =	simm.s32 $0x100;
	v11 =	vor.u32 v9, v11;
	v10 =	vld.idx.msk [tilespmem:v63+s10+$0x0], $0xffff  }
.LBB2_8:
0x14d: {  	p0 =	sne.s32 s17, $0x3F80;
	v12 =	vadd.s32 s16, v0;
	_ =	sdelay $0x1  }
0x14e: {  	s15 =	sadd.s32 $0x10, s15  }
0x14f: {  	v13 =	vmov s15  }
0x150: {  	v13 =	vshll.u32 v13, $0x3;
	[tilespmem:v11+s12+$0x0] =	vst.idx.msk $0xffff, v10  }
0x151: {  	v11 =	vor.u32 v1, v13;
	v10 =	vld.idx.msk [tilespmem:v12+s10+$0x0], $0xffff  }
0x152: {  	s18 =	sadd.s32 $0x10, s16;
	v11 =	vor.u32 v9, v11  }
0x153: {  	v12 =	vadd.s32 s18, v0;
	_ =	sdelay $0x3  }
0x154: {  	[tilespmem:v11+s12+$0x0] =	vst.idx.msk $0xffff, v10  }
0x155: {  	v11 =	vor.u32 v8, v13;
	v10 =	vld.idx.msk [tilespmem:v12+s10+$0x0], $0xffff  }
0x156: {  	s18 =	sadd.s32 $0x20, s16;
	v11 =	vor.u32 v9, v11  }
0x157: {  	v12 =	vadd.s32 s18, v0;
	_ =	sdelay $0x3  }
0x158: {  	[tilespmem:v11+s12+$0x0] =	vst.idx.msk $0xffff, v10  }
0x159: {  	v11 =	vor.u32 v7, v13;
	v10 =	vld.idx.msk [tilespmem:v12+s10+$0x0], $0xffff  }
0x15a: {  	s18 =	sadd.s32 $0x30, s16;
	v11 =	vor.u32 v9, v11  }
0x15b: {  	v12 =	vadd.s32 s18, v0;
	_ =	sdelay $0x3  }
0x15c: {  	[tilespmem:v11+s12+$0x0] =	vst.idx.msk $0xffff, v10  }
0x15d: {  	v11 =	vor.u32 v6, v13;
	v10 =	vld.idx.msk [tilespmem:v12+s10+$0x0], $0xffff  }
0x15e: {  	s18 =	sadd.s32 $0x40, s16;
	v11 =	vor.u32 v9, v11  }
0x15f: {  	v12 =	vadd.s32 s18, v0;
	_ =	sdelay $0x3  }
0x160: {  	[tilespmem:v11+s12+$0x0] =	vst.idx.msk $0xffff, v10  }
0x161: {  	v11 =	vor.u32 v5, v13;
	v10 =	vld.idx.msk [tilespmem:v12+s10+$0x0], $0xffff  }
0x162: {  	s18 =	sadd.s32 $0x50, s16;
	v11 =	vor.u32 v9, v11  }
0x163: {  	v12 =	vadd.s32 s18, v0;
	_ =	sdelay $0x3  }
0x164: {  	[tilespmem:v11+s12+$0x0] =	vst.idx.msk $0xffff, v10  }
0x165: {  	v11 =	vor.u32 v4, v13;
	v10 =	vld.idx.msk [tilespmem:v12+s10+$0x0], $0xffff  }
0x166: {  	s18 =	sadd.s32 $0x60, s16;
	v11 =	vor.u32 v9, v11  }
0x167: {  	v12 =	vadd.s32 s18, v0;
	_ =	sdelay $0x3  }
0x168: {  	[tilespmem:v11+s12+$0x0] =	vst.idx.msk $0xffff, v10  }
0x169: {  	v11 =	vor.u32 v3, v13;
	v10 =	vld.idx.msk [tilespmem:v12+s10+$0x0], $0xffff  }
0x16a: {  	s16 =	sadd.s32 $0x70, s16;
	v11 =	vor.u32 v9, v11  }
0x16b: {  	v12 =	vadd.s32 s16, v0;
	_ =	sdelay $0x1  }
.Ltmp3:
0x16c: {  	(pc) =	sbr.rel @p0 .LBB2_8-.Ltmp3, $4  }
0x16d: {  	_ = 	snop  }
0x16e: {  	[tilespmem:v11+s12+$0x0] =	vst.idx.msk $0xffff, v10  }
0x16f: {  	v11 =	vor.u32 v2, v13;
	v10 =	vld.idx.msk [tilespmem:v12+s10+$0x0], $0xffff  }
0x170: {  	s16 =	sadd.s32 s17, s4;
	s17 =	sadd.s32 $0x80, s17;
	v11 =	vor.u32 v9, v11  }
0x171: {  	v12 =	vadd.s32 s16, v0  }
0x172: {  	s15 =	sadd.s32 $0x10, s15  }
0x173: {  	v13 =	vmov s15  }
0x174: {  	v13 =	vshll.u32 v13, $0x3  }
0x175: {  	[tilespmem:v11+s12+$0x0] =	vst.idx.msk $0xffff, v10;
	v10 =	vor.u32 v1, v13  }
0x176: {  	s17 =	sadd.s32 $0x10, s16;
	v10 =	vor.u32 v9, v10;
	v11 =	vld.idx.msk [tilespmem:v12+s10+$0x0], $0xffff  }
0x177: {  	v49 =	vadd.s32 s17, v0;
	_ =	sdelay $0x3  }
0x178: {  	[tilespmem:v10+s12+$0x0] =	vst.idx.msk $0xffff, v11;
	v10 =	vor.u32 v8, v13  }
0x179: {  	s18 =	sadd.s32 $0x20, s16;
	v11 =	vld.idx.msk [tilespmem:v49+s10+$0x0], $0xffff;
	v10 =	vor.u32 v9, v10  }
0x17a: {  	v50 =	vadd.s32 s18, v0;
	_ =	sdelay $0x3  }
0x17b: {  	[tilespmem:v10+s12+$0x0] =	vst.idx.msk $0xffff, v11;
	v10 =	vor.u32 v7, v13  }
0x17c: {  	s17 =	sadd.s32 $0x30, s16;
	v11 =	vld.idx.msk [tilespmem:v50+s10+$0x0], $0xffff;
	v10 =	vor.u32 v9, v10  }
0x17d: {  	v51 =	vadd.s32 s17, v0;
	_ =	sdelay $0x3  }
0x17e: {  	[tilespmem:v10+s12+$0x0] =	vst.idx.msk $0xffff, v11;
	v10 =	vor.u32 v6, v13  }
0x17f: {  	s18 =	sadd.s32 $0x40, s16;
	v11 =	vld.idx.msk [tilespmem:v51+s10+$0x0], $0xffff;
	v10 =	vor.u32 v9, v10  }
0x180: {  	v52 =	vadd.s32 s18, v0;
	_ =	sdelay $0x3  }
0x181: {  	[tilespmem:v10+s12+$0x0] =	vst.idx.msk $0xffff, v11;
	v10 =	vor.u32 v5, v13  }
0x182: {  	s17 =	sadd.s32 $0x50, s16;
	v11 =	vld.idx.msk [tilespmem:v52+s10+$0x0], $0xffff;
	v10 =	vor.u32 v9, v10  }
0x183: {  	v53 =	vadd.s32 s17, v0;
	_ =	sdelay $0x3  }
0x184: {  	[tilespmem:v10+s12+$0x0] =	vst.idx.msk $0xffff, v11;
	v10 =	vor.u32 v4, v13  }
0x185: {  	s18 =	sadd.s32 $0x60, s16;
	v11 =	vld.idx.msk [tilespmem:v53+s10+$0x0], $0xffff;
	v10 =	vor.u32 v9, v10  }
0x186: {  	v54 =	vadd.s32 s18, v0;
	_ =	sdelay $0x3  }
0x187: {  	[tilespmem:v10+s12+$0x0] =	vst.idx.msk $0xffff, v11;
	v10 =	vor.u32 v3, v13  }
0x188: {  	s16 =	sadd.s32 $0x70, s16;
	v11 =	vld.idx.msk [tilespmem:v54+s10+$0x0], $0xffff;
	v10 =	vor.u32 v9, v10  }
0x189: {  	v55 =	vadd.s32 s16, v0;
	_ =	sdelay $0x3  }
0x18a: {  	[tilespmem:v10+s12+$0x0] =	vst.idx.msk $0xffff, v11;
	v10 =	vor.u32 v2, v13  }
0x18b: {  	v11 =	vld.idx.msk [tilespmem:v55+s10+$0x0], $0xffff;
	v10 =	vor.u32 v9, v10;
	_ =	sdelay $0x4  }
0x18c: {  	s15 =	simm.s32 $0x0;
	s17 =	rddreg [dreg:$0xa];
	[tilespmem:v10+s12+$0x0] =	vst.idx.msk $0xffff, v11  }
0x18d: {  	[hbm4b:s17+s15] =	stream.linear.scatter [tilespmem:s12], [sflag:$0x2], $0x4000, $0x38;
	[tilespmem:$0x10010] =	vst v63  }
0x18e: {  	_ =	swait.ge [sflag:s9], $0x4008  }
0x18f: {  	s16 =	sadd.s32 $0x0, s4;
	[sflag:s9] =	ssyncset.done $0x0  }
0x190: {  	v10 =	vadd.s32 s16, v0;
	[sflag:s9] =	ssyncadd.s32 $0xFFFFBFF8  }
0x191: {  	[tilespmem:s10], [sflag:$0x1] =	stream.linear.gather [hbm4b:s26+s15], $0x4008, $0x38;
	[tilespmem:$0x10010] =	vst v63  }
0x192: {  	v11 =	vmov s15;
	_ =	swait.ge [sflag:s13], $0x4000  }
0x193: {  	v11 =	vshll.u32 v11, $0x3;
	[sflag:s13] =	ssyncset.done $0x0  }
0x194: {  	v56 =	vor.u32 v1, v11;
	[sflag:s13] =	ssyncadd.s32 $0xFFFFC000  }
0x195: {  	s17 =	sadd.s32 $0x10, s16;
	v12 =	vor.u32 v9, v56;
	v10 =	vld.idx.msk [tilespmem:v10+s2+$0x0], $0xffff  }
0x196: {  	v57 =	vadd.s32 s17, v0;
	_ =	sdelay $0x3  }
0x197: {  	[tilespmem:v12+s11+$0x0] =	vst.idx.msk $0xffff, v10;
	v10 =	vor.u32 v8, v11  }
0x198: {  	s18 =	sadd.s32 $0x20, s16;
	v12 =	vld.idx.msk [tilespmem:v57+s2+$0x0], $0xffff;
	v10 =	vor.u32 v9, v10  }
0x199: {  	v58 =	vadd.s32 s18, v0;
	_ =	sdelay $0x3  }
0x19a: {  	[tilespmem:v10+s11+$0x0] =	vst.idx.msk $0xffff, v12;
	v10 =	vor.u32 v7, v11  }
0x19b: {  	s18 =	sadd.s32 $0x30, s16;
	v12 =	vld.idx.msk [tilespmem:v58+s2+$0x0], $0xffff;
	v10 =	vor.u32 v9, v10  }
0x19c: {  	v59 =	vadd.s32 s18, v0;
	_ =	sdelay $0x3  }
0x19d: {  	[tilespmem:v10+s11+$0x0] =	vst.idx.msk $0xffff, v12;
	v10 =	vor.u32 v6, v11  }
0x19e: {  	s18 =	sadd.s32 $0x40, s16;
	v12 =	vld.idx.msk [tilespmem:v59+s2+$0x0], $0xffff;
	v10 =	vor.u32 v9, v10  }
0x19f: {  	v60 =	vadd.s32 s18, v0;
	_ =	sdelay $0x3  }
0x1a0: {  	[tilespmem:v10+s11+$0x0] =	vst.idx.msk $0xffff, v12;
	v10 =	vor.u32 v5, v11  }
0x1a1: {  	s18 =	sadd.s32 $0x50, s16;
	v12 =	vld.idx.msk [tilespmem:v60+s2+$0x0], $0xffff;
	v10 =	vor.u32 v9, v10  }
0x1a2: {  	v61 =	vadd.s32 s18, v0;
	_ =	sdelay $0x3  }
0x1a3: {  	[tilespmem:v10+s11+$0x0] =	vst.idx.msk $0xffff, v12;
	v10 =	vor.u32 v4, v11  }
0x1a4: {  	s18 =	sadd.s32 $0x60, s16;
	v12 =	vld.idx.msk [tilespmem:v61+s2+$0x0], $0xffff;
	v10 =	vor.u32 v9, v10  }
0x1a5: {  	v62 =	vadd.s32 s18, v0;
	_ =	sdelay $0x3  }
0x1a6: {  	[tilespmem:v10+s11+$0x0] =	vst.idx.msk $0xffff, v12;
	v10 =	vor.u32 v3, v11  }
0x1a7: {  	s16 =	sadd.s32 $0x70, s16;
	v12 =	vld.idx.msk [tilespmem:v62+s2+$0x0], $0xffff;
	v10 =	vor.u32 v9, v10  }
0x1a8: {  	v63 =	vadd.s32 s16, v0;
	_ =	sdelay $0x3  }
0x1a9: {  	v11 =	vor.u32 v2, v11;
	[tilespmem:v10+s11+$0x0] =	vst.idx.msk $0xffff, v12  }
0x1aa: {  	s16 =	sadd.s32 $0x80, s4;
	s17 =	simm.s32 $0x100;
	v11 =	vor.u32 v9, v11;
	v10 =	vld.idx.msk [tilespmem:v63+s2+$0x0], $0xffff  }
.LBB2_10:
0x1ab: {  	p0 =	sne.s32 s17, $0x3F80;
	v12 =	vadd.s32 s16, v0;
	_ =	sdelay $0x1  }
0x1ac: {  	s15 =	sadd.s32 $0x10, s15  }
0x1ad: {  	v13 =	vmov s15  }
0x1ae: {  	v13 =	vshll.u32 v13, $0x3;
	[tilespmem:v11+s11+$0x0] =	vst.idx.msk $0xffff, v10  }
0x1af: {  	v11 =	vor.u32 v1, v13;
	v10 =	vld.idx.msk [tilespmem:v12+s2+$0x0], $0xffff  }
0x1b0: {  	s18 =	sadd.s32 $0x10, s16;
	v11 =	vor.u32 v9, v11  }
0x1b1: {  	v12 =	vadd.s32 s18, v0;
	_ =	sdelay $0x3  }
0x1b2: {  	[tilespmem:v11+s11+$0x0] =	vst.idx.msk $0xffff, v10  }
0x1b3: {  	v11 =	vor.u32 v8, v13;
	v10 =	vld.idx.msk [tilespmem:v12+s2+$0x0], $0xffff  }
0x1b4: {  	s18 =	sadd.s32 $0x20, s16;
	v11 =	vor.u32 v9, v11  }
0x1b5: {  	v12 =	vadd.s32 s18, v0;
	_ =	sdelay $0x3  }
0x1b6: {  	[tilespmem:v11+s11+$0x0] =	vst.idx.msk $0xffff, v10  }
0x1b7: {  	v11 =	vor.u32 v7, v13;
	v10 =	vld.idx.msk [tilespmem:v12+s2+$0x0], $0xffff  }
0x1b8: {  	s18 =	sadd.s32 $0x30, s16;
	v11 =	vor.u32 v9, v11  }
0x1b9: {  	v12 =	vadd.s32 s18, v0;
	_ =	sdelay $0x3  }
0x1ba: {  	[tilespmem:v11+s11+$0x0] =	vst.idx.msk $0xffff, v10  }
0x1bb: {  	v11 =	vor.u32 v6, v13;
	v10 =	vld.idx.msk [tilespmem:v12+s2+$0x0], $0xffff  }
0x1bc: {  	s18 =	sadd.s32 $0x40, s16;
	v11 =	vor.u32 v9, v11  }
0x1bd: {  	v12 =	vadd.s32 s18, v0;
	_ =	sdelay $0x3  }
0x1be: {  	[tilespmem:v11+s11+$0x0] =	vst.idx.msk $0xffff, v10  }
0x1bf: {  	v11 =	vor.u32 v5, v13;
	v10 =	vld.idx.msk [tilespmem:v12+s2+$0x0], $0xffff  }
0x1c0: {  	s18 =	sadd.s32 $0x50, s16;
	v11 =	vor.u32 v9, v11  }
0x1c1: {  	v12 =	vadd.s32 s18, v0;
	_ =	sdelay $0x3  }
0x1c2: {  	[tilespmem:v11+s11+$0x0] =	vst.idx.msk $0xffff, v10  }
0x1c3: {  	v11 =	vor.u32 v4, v13;
	v10 =	vld.idx.msk [tilespmem:v12+s2+$0x0], $0xffff  }
0x1c4: {  	s18 =	sadd.s32 $0x60, s16;
	v11 =	vor.u32 v9, v11  }
0x1c5: {  	v12 =	vadd.s32 s18, v0;
	_ =	sdelay $0x3  }
0x1c6: {  	[tilespmem:v11+s11+$0x0] =	vst.idx.msk $0xffff, v10  }
0x1c7: {  	v11 =	vor.u32 v3, v13;
	v10 =	vld.idx.msk [tilespmem:v12+s2+$0x0], $0xffff  }
0x1c8: {  	s16 =	sadd.s32 $0x70, s16;
	v11 =	vor.u32 v9, v11  }
0x1c9: {  	v12 =	vadd.s32 s16, v0;
	_ =	sdelay $0x1  }
.Ltmp4:
0x1ca: {  	(pc) =	sbr.rel @p0 .LBB2_10-.Ltmp4, $4  }
0x1cb: {  	_ = 	snop  }
0x1cc: {  	[tilespmem:v11+s11+$0x0] =	vst.idx.msk $0xffff, v10  }
0x1cd: {  	v11 =	vor.u32 v2, v13;
	v10 =	vld.idx.msk [tilespmem:v12+s2+$0x0], $0xffff  }
0x1ce: {  	s16 =	sadd.s32 s17, s4;
	s17 =	sadd.s32 $0x80, s17;
	v11 =	vor.u32 v9, v11  }
0x1cf: {  	v12 =	vadd.s32 s16, v0  }
0x1d0: {  	s15 =	sadd.s32 $0x10, s15  }
0x1d1: {  	v13 =	vmov s15  }
0x1d2: {  	v13 =	vshll.u32 v13, $0x3  }
0x1d3: {  	[tilespmem:v11+s11+$0x0] =	vst.idx.msk $0xffff, v10;
	v10 =	vor.u32 v1, v13  }
0x1d4: {  	s17 =	sadd.s32 $0x10, s16;
	v10 =	vor.u32 v9, v10;
	v11 =	vld.idx.msk [tilespmem:v12+s2+$0x0], $0xffff  }
0x1d5: {  	v49 =	vadd.s32 s17, v0;
	_ =	sdelay $0x3  }
0x1d6: {  	[tilespmem:v10+s11+$0x0] =	vst.idx.msk $0xffff, v11;
	v10 =	vor.u32 v8, v13  }
0x1d7: {  	s18 =	sadd.s32 $0x20, s16;
	v11 =	vld.idx.msk [tilespmem:v49+s2+$0x0], $0xffff;
	v10 =	vor.u32 v9, v10  }
0x1d8: {  	v50 =	vadd.s32 s18, v0;
	_ =	sdelay $0x3  }
0x1d9: {  	[tilespmem:v10+s11+$0x0] =	vst.idx.msk $0xffff, v11;
	v10 =	vor.u32 v7, v13  }
0x1da: {  	s17 =	sadd.s32 $0x30, s16;
	v11 =	vld.idx.msk [tilespmem:v50+s2+$0x0], $0xffff;
	v10 =	vor.u32 v9, v10  }
0x1db: {  	v51 =	vadd.s32 s17, v0;
	_ =	sdelay $0x3  }
0x1dc: {  	[tilespmem:v10+s11+$0x0] =	vst.idx.msk $0xffff, v11;
	v10 =	vor.u32 v6, v13  }
0x1dd: {  	s18 =	sadd.s32 $0x40, s16;
	v11 =	vld.idx.msk [tilespmem:v51+s2+$0x0], $0xffff;
	v10 =	vor.u32 v9, v10  }
0x1de: {  	v52 =	vadd.s32 s18, v0;
	_ =	sdelay $0x3  }
0x1df: {  	[tilespmem:v10+s11+$0x0] =	vst.idx.msk $0xffff, v11;
	v10 =	vor.u32 v5, v13  }
0x1e0: {  	s17 =	sadd.s32 $0x50, s16;
	v11 =	vld.idx.msk [tilespmem:v52+s2+$0x0], $0xffff;
	v10 =	vor.u32 v9, v10  }
0x1e1: {  	v53 =	vadd.s32 s17, v0;
	_ =	sdelay $0x3  }
0x1e2: {  	[tilespmem:v10+s11+$0x0] =	vst.idx.msk $0xffff, v11;
	v10 =	vor.u32 v4, v13  }
0x1e3: {  	s18 =	sadd.s32 $0x60, s16;
	v11 =	vld.idx.msk [tilespmem:v53+s2+$0x0], $0xffff;
	v10 =	vor.u32 v9, v10  }
0x1e4: {  	v54 =	vadd.s32 s18, v0;
	_ =	sdelay $0x3  }
0x1e5: {  	[tilespmem:v10+s11+$0x0] =	vst.idx.msk $0xffff, v11;
	v10 =	vor.u32 v3, v13  }
0x1e6: {  	s16 =	sadd.s32 $0x70, s16;
	v11 =	vld.idx.msk [tilespmem:v54+s2+$0x0], $0xffff;
	v10 =	vor.u32 v9, v10  }
0x1e7: {  	v55 =	vadd.s32 s16, v0;
	_ =	sdelay $0x3  }
0x1e8: {  	[tilespmem:v10+s11+$0x0] =	vst.idx.msk $0xffff, v11;
	v10 =	vor.u32 v2, v13  }
0x1e9: {  	v11 =	vld.idx.msk [tilespmem:v55+s2+$0x0], $0xffff;
	v10 =	vor.u32 v9, v10;
	_ =	sdelay $0x4  }
0x1ea: {  	s15 =	simm.s32 $0x0;
	s17 =	rddreg [dreg:$0xb];
	[tilespmem:v10+s11+$0x0] =	vst.idx.msk $0xffff, v11  }
0x1eb: {  	[hbm4b:s17+s15] =	stream.linear.scatter [tilespmem:s11], [sflag:$0x2], $0x4000, $0x38;
	[tilespmem:$0x10010] =	vst v63  }
0x1ec: {  	_ =	swait.ge [sflag:s9], $0x4008  }
0x1ed: {  	s16 =	sadd.s32 $0x0, s4;
	[sflag:s9] =	ssyncset.done $0x0  }
0x1ee: {  	v10 =	vadd.s32 s16, v0;
	[sflag:s9] =	ssyncadd.s32 $0xFFFFBFF8  }
0x1ef: {  	[tilespmem:s15], [sflag:$0x1] =	stream.linear.gather [hbm4b:s28+s15], $0x4008, $0x38;
	[tilespmem:$0x10010] =	vst v63  }
0x1f0: {  	v11 =	vmov s15;
	_ =	swait.ge [sflag:s13], $0x4000  }
0x1f1: {  	v11 =	vshll.u32 v11, $0x3;
	[sflag:s13] =	ssyncset.done $0x0  }
0x1f2: {  	v56 =	vor.u32 v1, v11;
	[sflag:s13] =	ssyncadd.s32 $0xFFFFC000  }
0x1f3: {  	s17 =	sadd.s32 $0x10, s16;
	v12 =	vor.u32 v9, v56;
	v10 =	vld.idx.msk [tilespmem:v10+s10+$0x0], $0xffff  }
0x1f4: {  	v57 =	vadd.s32 s17, v0;
	_ =	sdelay $0x3  }
0x1f5: {  	[tilespmem:v12+s12+$0x0] =	vst.idx.msk $0xffff, v10;
	v10 =	vor.u32 v8, v11  }
0x1f6: {  	s18 =	sadd.s32 $0x20, s16;
	v12 =	vld.idx.msk [tilespmem:v57+s10+$0x0], $0xffff;
	v10 =	vor.u32 v9, v10  }
0x1f7: {  	v58 =	vadd.s32 s18, v0;
	_ =	sdelay $0x3  }
0x1f8: {  	[tilespmem:v10+s12+$0x0] =	vst.idx.msk $0xffff, v12;
	v10 =	vor.u32 v7, v11  }
0x1f9: {  	s18 =	sadd.s32 $0x30, s16;
	v12 =	vld.idx.msk [tilespmem:v58+s10+$0x0], $0xffff;
	v10 =	vor.u32 v9, v10  }
0x1fa: {  	v59 =	vadd.s32 s18, v0;
	_ =	sdelay $0x3  }
0x1fb: {  	[tilespmem:v10+s12+$0x0] =	vst.idx.msk $0xffff, v12;
	v10 =	vor.u32 v6, v11  }
0x1fc: {  	s18 =	sadd.s32 $0x40, s16;
	v12 =	vld.idx.msk [tilespmem:v59+s10+$0x0], $0xffff;
	v10 =	vor.u32 v9, v10  }
0x1fd: {  	v60 =	vadd.s32 s18, v0;
	_ =	sdelay $0x3  }
0x1fe: {  	[tilespmem:v10+s12+$0x0] =	vst.idx.msk $0xffff, v12;
	v10 =	vor.u32 v5, v11  }
0x1ff: {  	s18 =	sadd.s32 $0x50, s16;
	v12 =	vld.idx.msk [tilespmem:v60+s10+$0x0], $0xffff;
	v10 =	vor.u32 v9, v10  }
0x200: {  	v61 =	vadd.s32 s18, v0;
	_ =	sdelay $0x3  }
0x201: {  	[tilespmem:v10+s12+$0x0] =	vst.idx.msk $0xffff, v12;
	v10 =	vor.u32 v4, v11  }
0x202: {  	s18 =	sadd.s32 $0x60, s16;
	v12 =	vld.idx.msk [tilespmem:v61+s10+$0x0], $0xffff;
	v10 =	vor.u32 v9, v10  }
0x203: {  	v62 =	vadd.s32 s18, v0;
	_ =	sdelay $0x3  }
0x204: {  	[tilespmem:v10+s12+$0x0] =	vst.idx.msk $0xffff, v12;
	v10 =	vor.u32 v3, v11  }
0x205: {  	s16 =	sadd.s32 $0x70, s16;
	v12 =	vld.idx.msk [tilespmem:v62+s10+$0x0], $0xffff;
	v10 =	vor.u32 v9, v10  }
0x206: {  	v63 =	vadd.s32 s16, v0;
	_ =	sdelay $0x3  }
0x207: {  	v11 =	vor.u32 v2, v11;
	[tilespmem:v10+s12+$0x0] =	vst.idx.msk $0xffff, v12  }
0x208: {  	s16 =	sadd.s32 $0x80, s4;
	s17 =	simm.s32 $0x100;
	v11 =	vor.u32 v9, v11;
	v10 =	vld.idx.msk [tilespmem:v63+s10+$0x0], $0xffff  }
.LBB2_12:
0x209: {  	p0 =	sne.s32 s17, $0x3F80;
	v12 =	vadd.s32 s16, v0;
	_ =	sdelay $0x1  }
0x20a: {  	s15 =	sadd.s32 $0x10, s15  }
0x20b: {  	v13 =	vmov s15  }
0x20c: {  	v13 =	vshll.u32 v13, $0x3;
	[tilespmem:v11+s12+$0x0] =	vst.idx.msk $0xffff, v10  }
0x20d: {  	v11 =	vor.u32 v1, v13;
	v10 =	vld.idx.msk [tilespmem:v12+s10+$0x0], $0xffff  }
0x20e: {  	s18 =	sadd.s32 $0x10, s16;
	v11 =	vor.u32 v9, v11  }
0x20f: {  	v12 =	vadd.s32 s18, v0;
	_ =	sdelay $0x3  }
0x210: {  	[tilespmem:v11+s12+$0x0] =	vst.idx.msk $0xffff, v10  }
0x211: {  	v11 =	vor.u32 v8, v13;
	v10 =	vld.idx.msk [tilespmem:v12+s10+$0x0], $0xffff  }
0x212: {  	s18 =	sadd.s32 $0x20, s16;
	v11 =	vor.u32 v9, v11  }
0x213: {  	v12 =	vadd.s32 s18, v0;
	_ =	sdelay $0x3  }
0x214: {  	[tilespmem:v11+s12+$0x0] =	vst.idx.msk $0xffff, v10  }
0x215: {  	v11 =	vor.u32 v7, v13;
	v10 =	vld.idx.msk [tilespmem:v12+s10+$0x0], $0xffff  }
0x216: {  	s18 =	sadd.s32 $0x30, s16;
	v11 =	vor.u32 v9, v11  }
0x217: {  	v12 =	vadd.s32 s18, v0;
	_ =	sdelay $0x3  }
0x218: {  	[tilespmem:v11+s12+$0x0] =	vst.idx.msk $0xffff, v10  }
0x219: {  	v11 =	vor.u32 v6, v13;
	v10 =	vld.idx.msk [tilespmem:v12+s10+$0x0], $0xffff  }
0x21a: {  	s18 =	sadd.s32 $0x40, s16;
	v11 =	vor.u32 v9, v11  }
0x21b: {  	v12 =	vadd.s32 s18, v0;
	_ =	sdelay $0x3  }
0x21c: {  	[tilespmem:v11+s12+$0x0] =	vst.idx.msk $0xffff, v10  }
0x21d: {  	v11 =	vor.u32 v5, v13;
	v10 =	vld.idx.msk [tilespmem:v12+s10+$0x0], $0xffff  }
0x21e: {  	s18 =	sadd.s32 $0x50, s16;
	v11 =	vor.u32 v9, v11  }
0x21f: {  	v12 =	vadd.s32 s18, v0;
	_ =	sdelay $0x3  }
0x220: {  	[tilespmem:v11+s12+$0x0] =	vst.idx.msk $0xffff, v10  }
0x221: {  	v11 =	vor.u32 v4, v13;
	v10 =	vld.idx.msk [tilespmem:v12+s10+$0x0], $0xffff  }
0x222: {  	s18 =	sadd.s32 $0x60, s16;
	v11 =	vor.u32 v9, v11  }
0x223: {  	v12 =	vadd.s32 s18, v0;
	_ =	sdelay $0x3  }
0x224: {  	[tilespmem:v11+s12+$0x0] =	vst.idx.msk $0xffff, v10  }
0x225: {  	v11 =	vor.u32 v3, v13;
	v10 =	vld.idx.msk [tilespmem:v12+s10+$0x0], $0xffff  }
0x226: {  	s16 =	sadd.s32 $0x70, s16;
	v11 =	vor.u32 v9, v11  }
0x227: {  	v12 =	vadd.s32 s16, v0;
	_ =	sdelay $0x1  }
.Ltmp5:
0x228: {  	(pc) =	sbr.rel @p0 .LBB2_12-.Ltmp5, $4  }
0x229: {  	_ = 	snop  }
0x22a: {  	[tilespmem:v11+s12+$0x0] =	vst.idx.msk $0xffff, v10  }
0x22b: {  	v11 =	vor.u32 v2, v13;
	v10 =	vld.idx.msk [tilespmem:v12+s10+$0x0], $0xffff  }
0x22c: {  	s16 =	sadd.s32 s17, s4;
	s17 =	sadd.s32 $0x80, s17;
	v11 =	vor.u32 v9, v11  }
0x22d: {  	v12 =	vadd.s32 s16, v0  }
0x22e: {  	s15 =	sadd.s32 $0x10, s15  }
0x22f: {  	v13 =	vmov s15  }
0x230: {  	v13 =	vshll.u32 v13, $0x3  }
0x231: {  	[tilespmem:v11+s12+$0x0] =	vst.idx.msk $0xffff, v10;
	v10 =	vor.u32 v1, v13  }
0x232: {  	s17 =	sadd.s32 $0x10, s16;
	v10 =	vor.u32 v9, v10;
	v11 =	vld.idx.msk [tilespmem:v12+s10+$0x0], $0xffff  }
0x233: {  	v49 =	vadd.s32 s17, v0;
	_ =	sdelay $0x3  }
0x234: {  	[tilespmem:v10+s12+$0x0] =	vst.idx.msk $0xffff, v11;
	v10 =	vor.u32 v8, v13  }
0x235: {  	s18 =	sadd.s32 $0x20, s16;
	v11 =	vld.idx.msk [tilespmem:v49+s10+$0x0], $0xffff;
	v10 =	vor.u32 v9, v10  }
0x236: {  	v50 =	vadd.s32 s18, v0;
	_ =	sdelay $0x3  }
0x237: {  	[tilespmem:v10+s12+$0x0] =	vst.idx.msk $0xffff, v11;
	v10 =	vor.u32 v7, v13  }
0x238: {  	s17 =	sadd.s32 $0x30, s16;
	v11 =	vld.idx.msk [tilespmem:v50+s10+$0x0], $0xffff;
	v10 =	vor.u32 v9, v10  }
0x239: {  	v51 =	vadd.s32 s17, v0;
	_ =	sdelay $0x3  }
0x23a: {  	[tilespmem:v10+s12+$0x0] =	vst.idx.msk $0xffff, v11;
	v10 =	vor.u32 v6, v13  }
0x23b: {  	s18 =	sadd.s32 $0x40, s16;
	v11 =	vld.idx.msk [tilespmem:v51+s10+$0x0], $0xffff;
	v10 =	vor.u32 v9, v10  }
0x23c: {  	v52 =	vadd.s32 s18, v0;
	_ =	sdelay $0x3  }
0x23d: {  	[tilespmem:v10+s12+$0x0] =	vst.idx.msk $0xffff, v11;
	v10 =	vor.u32 v5, v13  }
0x23e: {  	s17 =	sadd.s32 $0x50, s16;
	v11 =	vld.idx.msk [tilespmem:v52+s10+$0x0], $0xffff;
	v10 =	vor.u32 v9, v10  }
0x23f: {  	v53 =	vadd.s32 s17, v0;
	_ =	sdelay $0x3  }
0x240: {  	[tilespmem:v10+s12+$0x0] =	vst.idx.msk $0xffff, v11;
	v10 =	vor.u32 v4, v13  }
0x241: {  	s18 =	sadd.s32 $0x60, s16;
	v11 =	vld.idx.msk [tilespmem:v53+s10+$0x0], $0xffff;
	v10 =	vor.u32 v9, v10  }
0x242: {  	v54 =	vadd.s32 s18, v0;
	_ =	sdelay $0x3  }
0x243: {  	[tilespmem:v10+s12+$0x0] =	vst.idx.msk $0xffff, v11;
	v10 =	vor.u32 v3, v13  }
0x244: {  	s16 =	sadd.s32 $0x70, s16;
	v11 =	vld.idx.msk [tilespmem:v54+s10+$0x0], $0xffff;
	v10 =	vor.u32 v9, v10  }
0x245: {  	v55 =	vadd.s32 s16, v0;
	_ =	sdelay $0x3  }
0x246: {  	[tilespmem:v10+s12+$0x0] =	vst.idx.msk $0xffff, v11;
	v10 =	vor.u32 v2, v13  }
0x247: {  	v11 =	vld.idx.msk [tilespmem:v55+s10+$0x0], $0xffff;
	v10 =	vor.u32 v9, v10;
	_ =	sdelay $0x4  }
0x248: {  	s15 =	simm.s32 $0x0;
	s17 =	rddreg [dreg:$0xc];
	[tilespmem:v10+s12+$0x0] =	vst.idx.msk $0xffff, v11  }
0x249: {  	[hbm4b:s17+s15] =	stream.linear.scatter [tilespmem:s12], [sflag:$0x2], $0x4000, $0x38;
	[tilespmem:$0x10010] =	vst v63  }
0x24a: {  	_ =	swait.ge [sflag:s9], $0x4008  }
0x24b: {  	s16 =	sadd.s32 $0x0, s4;
	[sflag:s9] =	ssyncset.done $0x0  }
0x24c: {  	v10 =	vadd.s32 s16, v0;
	[sflag:s9] =	ssyncadd.s32 $0xFFFFBFF8  }
0x24d: {  	[tilespmem:s10], [sflag:$0x1] =	stream.linear.gather [hbm4b:s29+s15], $0x4008, $0x38;
	[tilespmem:$0x10010] =	vst v63  }
0x24e: {  	v11 =	vmov s15;
	_ =	swait.ge [sflag:s13], $0x4000  }
0x24f: {  	v11 =	vshll.u32 v11, $0x3;
	[sflag:s13] =	ssyncset.done $0x0  }
0x250: {  	v56 =	vor.u32 v1, v11;
	[sflag:s13] =	ssyncadd.s32 $0xFFFFC000  }
0x251: {  	s17 =	sadd.s32 $0x10, s16;
	v12 =	vor.u32 v9, v56;
	v10 =	vld.idx.msk [tilespmem:v10+s2+$0x0], $0xffff  }
0x252: {  	v57 =	vadd.s32 s17, v0;
	_ =	sdelay $0x3  }
0x253: {  	[tilespmem:v12+s11+$0x0] =	vst.idx.msk $0xffff, v10;
	v10 =	vor.u32 v8, v11  }
0x254: {  	s18 =	sadd.s32 $0x20, s16;
	v12 =	vld.idx.msk [tilespmem:v57+s2+$0x0], $0xffff;
	v10 =	vor.u32 v9, v10  }
0x255: {  	v58 =	vadd.s32 s18, v0;
	_ =	sdelay $0x3  }
0x256: {  	[tilespmem:v10+s11+$0x0] =	vst.idx.msk $0xffff, v12;
	v10 =	vor.u32 v7, v11  }
0x257: {  	s18 =	sadd.s32 $0x30, s16;
	v12 =	vld.idx.msk [tilespmem:v58+s2+$0x0], $0xffff;
	v10 =	vor.u32 v9, v10  }
0x258: {  	v59 =	vadd.s32 s18, v0;
	_ =	sdelay $0x3  }
0x259: {  	[tilespmem:v10+s11+$0x0] =	vst.idx.msk $0xffff, v12;
	v10 =	vor.u32 v6, v11  }
0x25a: {  	s18 =	sadd.s32 $0x40, s16;
	v12 =	vld.idx.msk [tilespmem:v59+s2+$0x0], $0xffff;
	v10 =	vor.u32 v9, v10  }
0x25b: {  	v60 =	vadd.s32 s18, v0;
	_ =	sdelay $0x3  }
0x25c: {  	[tilespmem:v10+s11+$0x0] =	vst.idx.msk $0xffff, v12;
	v10 =	vor.u32 v5, v11  }
0x25d: {  	s18 =	sadd.s32 $0x50, s16;
	v12 =	vld.idx.msk [tilespmem:v60+s2+$0x0], $0xffff;
	v10 =	vor.u32 v9, v10  }
0x25e: {  	v61 =	vadd.s32 s18, v0;
	_ =	sdelay $0x3  }
0x25f: {  	[tilespmem:v10+s11+$0x0] =	vst.idx.msk $0xffff, v12;
	v10 =	vor.u32 v4, v11  }
0x260: {  	s18 =	sadd.s32 $0x60, s16;
	v12 =	vld.idx.msk [tilespmem:v61+s2+$0x0], $0xffff;
	v10 =	vor.u32 v9, v10  }
0x261: {  	v62 =	vadd.s32 s18, v0;
	_ =	sdelay $0x3  }
0x262: {  	[tilespmem:v10+s11+$0x0] =	vst.idx.msk $0xffff, v12;
	v10 =	vor.u32 v3, v11  }
0x263: {  	s16 =	sadd.s32 $0x70, s16;
	v12 =	vld.idx.msk [tilespmem:v62+s2+$0x0], $0xffff;
	v10 =	vor.u32 v9, v10  }
0x264: {  	v63 =	vadd.s32 s16, v0;
	_ =	sdelay $0x3  }
0x265: {  	v11 =	vor.u32 v2, v11;
	[tilespmem:v10+s11+$0x0] =	vst.idx.msk $0xffff, v12  }
0x266: {  	s16 =	sadd.s32 $0x80, s4;
	s17 =	simm.s32 $0x100;
	v11 =	vor.u32 v9, v11;
	v10 =	vld.idx.msk [tilespmem:v63+s2+$0x0], $0xffff  }
.LBB2_14:
0x267: {  	p0 =	sne.s32 s17, $0x3F80;
	v12 =	vadd.s32 s16, v0;
	_ =	sdelay $0x1  }
0x268: {  	s15 =	sadd.s32 $0x10, s15  }
0x269: {  	v13 =	vmov s15  }
0x26a: {  	v13 =	vshll.u32 v13, $0x3;
	[tilespmem:v11+s11+$0x0] =	vst.idx.msk $0xffff, v10  }
0x26b: {  	v11 =	vor.u32 v1, v13;
	v10 =	vld.idx.msk [tilespmem:v12+s2+$0x0], $0xffff  }
0x26c: {  	s18 =	sadd.s32 $0x10, s16;
	v11 =	vor.u32 v9, v11  }
0x26d: {  	v12 =	vadd.s32 s18, v0;
	_ =	sdelay $0x3  }
0x26e: {  	[tilespmem:v11+s11+$0x0] =	vst.idx.msk $0xffff, v10  }
0x26f: {  	v11 =	vor.u32 v8, v13;
	v10 =	vld.idx.msk [tilespmem:v12+s2+$0x0], $0xffff  }
0x270: {  	s18 =	sadd.s32 $0x20, s16;
	v11 =	vor.u32 v9, v11  }
0x271: {  	v12 =	vadd.s32 s18, v0;
	_ =	sdelay $0x3  }
0x272: {  	[tilespmem:v11+s11+$0x0] =	vst.idx.msk $0xffff, v10  }
0x273: {  	v11 =	vor.u32 v7, v13;
	v10 =	vld.idx.msk [tilespmem:v12+s2+$0x0], $0xffff  }
0x274: {  	s18 =	sadd.s32 $0x30, s16;
	v11 =	vor.u32 v9, v11  }
0x275: {  	v12 =	vadd.s32 s18, v0;
	_ =	sdelay $0x3  }
0x276: {  	[tilespmem:v11+s11+$0x0] =	vst.idx.msk $0xffff, v10  }
0x277: {  	v11 =	vor.u32 v6, v13;
	v10 =	vld.idx.msk [tilespmem:v12+s2+$0x0], $0xffff  }
0x278: {  	s18 =	sadd.s32 $0x40, s16;
	v11 =	vor.u32 v9, v11  }
0x279: {  	v12 =	vadd.s32 s18, v0;
	_ =	sdelay $0x3  }
0x27a: {  	[tilespmem:v11+s11+$0x0] =	vst.idx.msk $0xffff, v10  }
0x27b: {  	v11 =	vor.u32 v5, v13;
	v10 =	vld.idx.msk [tilespmem:v12+s2+$0x0], $0xffff  }
0x27c: {  	s18 =	sadd.s32 $0x50, s16;
	v11 =	vor.u32 v9, v11  }
0x27d: {  	v12 =	vadd.s32 s18, v0;
	_ =	sdelay $0x3  }
0x27e: {  	[tilespmem:v11+s11+$0x0] =	vst.idx.msk $0xffff, v10  }
0x27f: {  	v11 =	vor.u32 v4, v13;
	v10 =	vld.idx.msk [tilespmem:v12+s2+$0x0], $0xffff  }
0x280: {  	s18 =	sadd.s32 $0x60, s16;
	v11 =	vor.u32 v9, v11  }
0x281: {  	v12 =	vadd.s32 s18, v0;
	_ =	sdelay $0x3  }
0x282: {  	[tilespmem:v11+s11+$0x0] =	vst.idx.msk $0xffff, v10  }
0x283: {  	v11 =	vor.u32 v3, v13;
	v10 =	vld.idx.msk [tilespmem:v12+s2+$0x0], $0xffff  }
0x284: {  	s16 =	sadd.s32 $0x70, s16;
	v11 =	vor.u32 v9, v11  }
0x285: {  	v12 =	vadd.s32 s16, v0;
	_ =	sdelay $0x1  }
.Ltmp6:
0x286: {  	(pc) =	sbr.rel @p0 .LBB2_14-.Ltmp6, $4  }
0x287: {  	_ = 	snop  }
0x288: {  	[tilespmem:v11+s11+$0x0] =	vst.idx.msk $0xffff, v10  }
0x289: {  	v11 =	vor.u32 v2, v13;
	v10 =	vld.idx.msk [tilespmem:v12+s2+$0x0], $0xffff  }
0x28a: {  	s16 =	sadd.s32 s17, s4;
	s17 =	sadd.s32 $0x80, s17;
	v11 =	vor.u32 v9, v11  }
0x28b: {  	v12 =	vadd.s32 s16, v0  }
0x28c: {  	s15 =	sadd.s32 $0x10, s15  }
0x28d: {  	v13 =	vmov s15  }
0x28e: {  	v13 =	vshll.u32 v13, $0x3  }
0x28f: {  	[tilespmem:v11+s11+$0x0] =	vst.idx.msk $0xffff, v10;
	v10 =	vor.u32 v1, v13  }
0x290: {  	s17 =	sadd.s32 $0x10, s16;
	v10 =	vor.u32 v9, v10;
	v11 =	vld.idx.msk [tilespmem:v12+s2+$0x0], $0xffff  }
0x291: {  	v49 =	vadd.s32 s17, v0;
	_ =	sdelay $0x3  }
0x292: {  	[tilespmem:v10+s11+$0x0] =	vst.idx.msk $0xffff, v11;
	v10 =	vor.u32 v8, v13  }
0x293: {  	s18 =	sadd.s32 $0x20, s16;
	v11 =	vld.idx.msk [tilespmem:v49+s2+$0x0], $0xffff;
	v10 =	vor.u32 v9, v10  }
0x294: {  	v50 =	vadd.s32 s18, v0;
	_ =	sdelay $0x3  }
0x295: {  	[tilespmem:v10+s11+$0x0] =	vst.idx.msk $0xffff, v11;
	v10 =	vor.u32 v7, v13  }
0x296: {  	s17 =	sadd.s32 $0x30, s16;
	v11 =	vld.idx.msk [tilespmem:v50+s2+$0x0], $0xffff;
	v10 =	vor.u32 v9, v10  }
0x297: {  	v51 =	vadd.s32 s17, v0;
	_ =	sdelay $0x3  }
0x298: {  	[tilespmem:v10+s11+$0x0] =	vst.idx.msk $0xffff, v11;
	v10 =	vor.u32 v6, v13  }
0x299: {  	s18 =	sadd.s32 $0x40, s16;
	v11 =	vld.idx.msk [tilespmem:v51+s2+$0x0], $0xffff;
	v10 =	vor.u32 v9, v10  }
0x29a: {  	v52 =	vadd.s32 s18, v0;
	_ =	sdelay $0x3  }
0x29b: {  	[tilespmem:v10+s11+$0x0] =	vst.idx.msk $0xffff, v11;
	v10 =	vor.u32 v5, v13  }
0x29c: {  	s17 =	sadd.s32 $0x50, s16;
	v11 =	vld.idx.msk [tilespmem:v52+s2+$0x0], $0xffff;
	v10 =	vor.u32 v9, v10  }
0x29d: {  	v53 =	vadd.s32 s17, v0;
	_ =	sdelay $0x3  }
0x29e: {  	[tilespmem:v10+s11+$0x0] =	vst.idx.msk $0xffff, v11;
	v10 =	vor.u32 v4, v13  }
0x29f: {  	s18 =	sadd.s32 $0x60, s16;
	v11 =	vld.idx.msk [tilespmem:v53+s2+$0x0], $0xffff;
	v10 =	vor.u32 v9, v10  }
0x2a0: {  	v54 =	vadd.s32 s18, v0;
	_ =	sdelay $0x3  }
0x2a1: {  	[tilespmem:v10+s11+$0x0] =	vst.idx.msk $0xffff, v11;
	v10 =	vor.u32 v3, v13  }
0x2a2: {  	s16 =	sadd.s32 $0x70, s16;
	v11 =	vld.idx.msk [tilespmem:v54+s2+$0x0], $0xffff;
	v10 =	vor.u32 v9, v10  }
0x2a3: {  	v55 =	vadd.s32 s16, v0;
	_ =	sdelay $0x3  }
0x2a4: {  	[tilespmem:v10+s11+$0x0] =	vst.idx.msk $0xffff, v11;
	v10 =	vor.u32 v2, v13  }
0x2a5: {  	v11 =	vld.idx.msk [tilespmem:v55+s2+$0x0], $0xffff;
	v10 =	vor.u32 v9, v10;
	_ =	sdelay $0x4  }
0x2a6: {  	s15 =	simm.s32 $0x0;
	s17 =	rddreg [dreg:$0xd];
	[tilespmem:v10+s11+$0x0] =	vst.idx.msk $0xffff, v11  }
0x2a7: {  	[hbm4b:s17+s15] =	stream.linear.scatter [tilespmem:s11], [sflag:$0x2], $0x4000, $0x38;
	[tilespmem:$0x10010] =	vst v63  }
0x2a8: {  	_ =	swait.ge [sflag:s9], $0x4008  }
0x2a9: {  	s16 =	sadd.s32 $0x0, s4;
	[sflag:s9] =	ssyncset.done $0x0  }
0x2aa: {  	v10 =	vadd.s32 s16, v0;
	[sflag:s9] =	ssyncadd.s32 $0xFFFFBFF8  }
0x2ab: {  	[tilespmem:s15], [sflag:$0x1] =	stream.linear.gather [hbm4b:s30+s15], $0x4008, $0x38;
	[tilespmem:$0x10010] =	vst v63  }
0x2ac: {  	v11 =	vmov s15;
	_ =	swait.ge [sflag:s13], $0x4000  }
0x2ad: {  	v11 =	vshll.u32 v11, $0x3;
	[sflag:s13] =	ssyncset.done $0x0  }
0x2ae: {  	v56 =	vor.u32 v1, v11;
	[sflag:s13] =	ssyncadd.s32 $0xFFFFC000  }
0x2af: {  	s17 =	sadd.s32 $0x10, s16;
	v12 =	vor.u32 v9, v56;
	v10 =	vld.idx.msk [tilespmem:v10+s10+$0x0], $0xffff  }
0x2b0: {  	v57 =	vadd.s32 s17, v0;
	_ =	sdelay $0x3  }
0x2b1: {  	[tilespmem:v12+s12+$0x0] =	vst.idx.msk $0xffff, v10;
	v10 =	vor.u32 v8, v11  }
0x2b2: {  	s18 =	sadd.s32 $0x20, s16;
	v12 =	vld.idx.msk [tilespmem:v57+s10+$0x0], $0xffff;
	v10 =	vor.u32 v9, v10  }
0x2b3: {  	v58 =	vadd.s32 s18, v0;
	_ =	sdelay $0x3  }
0x2b4: {  	[tilespmem:v10+s12+$0x0] =	vst.idx.msk $0xffff, v12;
	v10 =	vor.u32 v7, v11  }
0x2b5: {  	s18 =	sadd.s32 $0x30, s16;
	v12 =	vld.idx.msk [tilespmem:v58+s10+$0x0], $0xffff;
	v10 =	vor.u32 v9, v10  }
0x2b6: {  	v59 =	vadd.s32 s18, v0;
	_ =	sdelay $0x3  }
0x2b7: {  	[tilespmem:v10+s12+$0x0] =	vst.idx.msk $0xffff, v12;
	v10 =	vor.u32 v6, v11  }
0x2b8: {  	s18 =	sadd.s32 $0x40, s16;
	v12 =	vld.idx.msk [tilespmem:v59+s10+$0x0], $0xffff;
	v10 =	vor.u32 v9, v10  }
0x2b9: {  	v60 =	vadd.s32 s18, v0;
	_ =	sdelay $0x3  }
0x2ba: {  	[tilespmem:v10+s12+$0x0] =	vst.idx.msk $0xffff, v12;
	v10 =	vor.u32 v5, v11  }
0x2bb: {  	s18 =	sadd.s32 $0x50, s16;
	v12 =	vld.idx.msk [tilespmem:v60+s10+$0x0], $0xffff;
	v10 =	vor.u32 v9, v10  }
0x2bc: {  	v61 =	vadd.s32 s18, v0;
	_ =	sdelay $0x3  }
0x2bd: {  	[tilespmem:v10+s12+$0x0] =	vst.idx.msk $0xffff, v12;
	v10 =	vor.u32 v4, v11  }
0x2be: {  	s18 =	sadd.s32 $0x60, s16;
	v12 =	vld.idx.msk [tilespmem:v61+s10+$0x0], $0xffff;
	v10 =	vor.u32 v9, v10  }
0x2bf: {  	v62 =	vadd.s32 s18, v0;
	_ =	sdelay $0x3  }
0x2c0: {  	[tilespmem:v10+s12+$0x0] =	vst.idx.msk $0xffff, v12;
	v10 =	vor.u32 v3, v11  }
0x2c1: {  	s16 =	sadd.s32 $0x70, s16;
	v12 =	vld.idx.msk [tilespmem:v62+s10+$0x0], $0xffff;
	v10 =	vor.u32 v9, v10  }
0x2c2: {  	v63 =	vadd.s32 s16, v0;
	_ =	sdelay $0x3  }
0x2c3: {  	v11 =	vor.u32 v2, v11;
	[tilespmem:v10+s12+$0x0] =	vst.idx.msk $0xffff, v12  }
0x2c4: {  	s16 =	sadd.s32 $0x80, s4;
	s17 =	simm.s32 $0x100;
	v11 =	vor.u32 v9, v11;
	v10 =	vld.idx.msk [tilespmem:v63+s10+$0x0], $0xffff  }
.LBB2_16:
0x2c5: {  	p0 =	sne.s32 s17, $0x3F80;
	v12 =	vadd.s32 s16, v0;
	_ =	sdelay $0x1  }
0x2c6: {  	s15 =	sadd.s32 $0x10, s15  }
0x2c7: {  	v13 =	vmov s15  }
0x2c8: {  	v13 =	vshll.u32 v13, $0x3;
	[tilespmem:v11+s12+$0x0] =	vst.idx.msk $0xffff, v10  }
0x2c9: {  	v11 =	vor.u32 v1, v13;
	v10 =	vld.idx.msk [tilespmem:v12+s10+$0x0], $0xffff  }
0x2ca: {  	s18 =	sadd.s32 $0x10, s16;
	v11 =	vor.u32 v9, v11  }
0x2cb: {  	v12 =	vadd.s32 s18, v0;
	_ =	sdelay $0x3  }
0x2cc: {  	[tilespmem:v11+s12+$0x0] =	vst.idx.msk $0xffff, v10  }
0x2cd: {  	v11 =	vor.u32 v8, v13;
	v10 =	vld.idx.msk [tilespmem:v12+s10+$0x0], $0xffff  }
0x2ce: {  	s18 =	sadd.s32 $0x20, s16;
	v11 =	vor.u32 v9, v11  }
0x2cf: {  	v12 =	vadd.s32 s18, v0;
	_ =	sdelay $0x3  }
0x2d0: {  	[tilespmem:v11+s12+$0x0] =	vst.idx.msk $0xffff, v10  }
0x2d1: {  	v11 =	vor.u32 v7, v13;
	v10 =	vld.idx.msk [tilespmem:v12+s10+$0x0], $0xffff  }
0x2d2: {  	s18 =	sadd.s32 $0x30, s16;
	v11 =	vor.u32 v9, v11  }
0x2d3: {  	v12 =	vadd.s32 s18, v0;
	_ =	sdelay $0x3  }
0x2d4: {  	[tilespmem:v11+s12+$0x0] =	vst.idx.msk $0xffff, v10  }
0x2d5: {  	v11 =	vor.u32 v6, v13;
	v10 =	vld.idx.msk [tilespmem:v12+s10+$0x0], $0xffff  }
0x2d6: {  	s18 =	sadd.s32 $0x40, s16;
	v11 =	vor.u32 v9, v11  }
0x2d7: {  	v12 =	vadd.s32 s18, v0;
	_ =	sdelay $0x3  }
0x2d8: {  	[tilespmem:v11+s12+$0x0] =	vst.idx.msk $0xffff, v10  }
0x2d9: {  	v11 =	vor.u32 v5, v13;
	v10 =	vld.idx.msk [tilespmem:v12+s10+$0x0], $0xffff  }
0x2da: {  	s18 =	sadd.s32 $0x50, s16;
	v11 =	vor.u32 v9, v11  }
0x2db: {  	v12 =	vadd.s32 s18, v0;
	_ =	sdelay $0x3  }
0x2dc: {  	[tilespmem:v11+s12+$0x0] =	vst.idx.msk $0xffff, v10  }
0x2dd: {  	v11 =	vor.u32 v4, v13;
	v10 =	vld.idx.msk [tilespmem:v12+s10+$0x0], $0xffff  }
0x2de: {  	s18 =	sadd.s32 $0x60, s16;
	v11 =	vor.u32 v9, v11  }
0x2df: {  	v12 =	vadd.s32 s18, v0;
	_ =	sdelay $0x3  }
0x2e0: {  	[tilespmem:v11+s12+$0x0] =	vst.idx.msk $0xffff, v10  }
0x2e1: {  	v11 =	vor.u32 v3, v13;
	v10 =	vld.idx.msk [tilespmem:v12+s10+$0x0], $0xffff  }
0x2e2: {  	s16 =	sadd.s32 $0x70, s16;
	v11 =	vor.u32 v9, v11  }
0x2e3: {  	v12 =	vadd.s32 s16, v0;
	_ =	sdelay $0x1  }
.Ltmp7:
0x2e4: {  	(pc) =	sbr.rel @p0 .LBB2_16-.Ltmp7, $4  }
0x2e5: {  	_ = 	snop  }
0x2e6: {  	[tilespmem:v11+s12+$0x0] =	vst.idx.msk $0xffff, v10  }
0x2e7: {  	v11 =	vor.u32 v2, v13;
	v10 =	vld.idx.msk [tilespmem:v12+s10+$0x0], $0xffff  }
0x2e8: {  	s16 =	sadd.s32 s17, s4;
	s17 =	sadd.s32 $0x80, s17;
	v11 =	vor.u32 v9, v11  }
0x2e9: {  	v12 =	vadd.s32 s16, v0  }
0x2ea: {  	s15 =	sadd.s32 $0x10, s15  }
0x2eb: {  	v13 =	vmov s15  }
0x2ec: {  	v13 =	vshll.u32 v13, $0x3  }
0x2ed: {  	[tilespmem:v11+s12+$0x0] =	vst.idx.msk $0xffff, v10;
	v10 =	vor.u32 v1, v13  }
0x2ee: {  	s17 =	sadd.s32 $0x10, s16;
	v10 =	vor.u32 v9, v10;
	v11 =	vld.idx.msk [tilespmem:v12+s10+$0x0], $0xffff  }
0x2ef: {  	v49 =	vadd.s32 s17, v0;
	_ =	sdelay $0x3  }
0x2f0: {  	[tilespmem:v10+s12+$0x0] =	vst.idx.msk $0xffff, v11;
	v10 =	vor.u32 v8, v13  }
0x2f1: {  	s18 =	sadd.s32 $0x20, s16;
	v11 =	vld.idx.msk [tilespmem:v49+s10+$0x0], $0xffff;
	v10 =	vor.u32 v9, v10  }
0x2f2: {  	v50 =	vadd.s32 s18, v0;
	_ =	sdelay $0x3  }
0x2f3: {  	[tilespmem:v10+s12+$0x0] =	vst.idx.msk $0xffff, v11;
	v10 =	vor.u32 v7, v13  }
0x2f4: {  	s17 =	sadd.s32 $0x30, s16;
	v11 =	vld.idx.msk [tilespmem:v50+s10+$0x0], $0xffff;
	v10 =	vor.u32 v9, v10  }
0x2f5: {  	v51 =	vadd.s32 s17, v0;
	_ =	sdelay $0x3  }
0x2f6: {  	[tilespmem:v10+s12+$0x0] =	vst.idx.msk $0xffff, v11;
	v10 =	vor.u32 v6, v13  }
0x2f7: {  	s18 =	sadd.s32 $0x40, s16;
	v11 =	vld.idx.msk [tilespmem:v51+s10+$0x0], $0xffff;
	v10 =	vor.u32 v9, v10  }
0x2f8: {  	v52 =	vadd.s32 s18, v0;
	_ =	sdelay $0x3  }
0x2f9: {  	[tilespmem:v10+s12+$0x0] =	vst.idx.msk $0xffff, v11;
	v10 =	vor.u32 v5, v13  }
0x2fa: {  	s17 =	sadd.s32 $0x50, s16;
	v11 =	vld.idx.msk [tilespmem:v52+s10+$0x0], $0xffff;
	v10 =	vor.u32 v9, v10  }
0x2fb: {  	v53 =	vadd.s32 s17, v0;
	_ =	sdelay $0x3  }
0x2fc: {  	[tilespmem:v10+s12+$0x0] =	vst.idx.msk $0xffff, v11;
	v10 =	vor.u32 v4, v13  }
0x2fd: {  	s18 =	sadd.s32 $0x60, s16;
	v11 =	vld.idx.msk [tilespmem:v53+s10+$0x0], $0xffff;
	v10 =	vor.u32 v9, v10  }
0x2fe: {  	v54 =	vadd.s32 s18, v0;
	_ =	sdelay $0x3  }
0x2ff: {  	[tilespmem:v10+s12+$0x0] =	vst.idx.msk $0xffff, v11;
	v10 =	vor.u32 v3, v13  }
0x300: {  	s16 =	sadd.s32 $0x70, s16;
	v11 =	vld.idx.msk [tilespmem:v54+s10+$0x0], $0xffff;
	v10 =	vor.u32 v9, v10  }
0x301: {  	v55 =	vadd.s32 s16, v0;
	_ =	sdelay $0x3  }
0x302: {  	[tilespmem:v10+s12+$0x0] =	vst.idx.msk $0xffff, v11;
	v10 =	vor.u32 v2, v13  }
0x303: {  	v11 =	vld.idx.msk [tilespmem:v55+s10+$0x0], $0xffff;
	v10 =	vor.u32 v9, v10;
	_ =	sdelay $0x4  }
0x304: {  	s15 =	simm.s32 $0x0;
	s17 =	rddreg [dreg:$0xe];
	[tilespmem:v10+s12+$0x0] =	vst.idx.msk $0xffff, v11  }
0x305: {  	[hbm4b:s17+s15] =	stream.linear.scatter [tilespmem:s12], [sflag:$0x2], $0x4000, $0x38;
	[tilespmem:$0x10010] =	vst v63  }
0x306: {  	_ =	swait.ge [sflag:s9], $0x4008  }
0x307: {  	s16 =	sadd.s32 $0x0, s4;
	[sflag:s9] =	ssyncset.done $0x0  }
0x308: {  	v10 =	vadd.s32 s16, v0;
	[sflag:s9] =	ssyncadd.s32 $0xFFFFBFF8  }
0x309: {  	[tilespmem:s10], [sflag:$0x1] =	stream.linear.gather [hbm4b:s31+s15], $0x4008, $0x38;
	[tilespmem:$0x10010] =	vst v63  }
0x30a: {  	v11 =	vmov s15;
	_ =	swait.ge [sflag:s13], $0x4000  }
0x30b: {  	v11 =	vshll.u32 v11, $0x3;
	[sflag:s13] =	ssyncset.done $0x0  }
0x30c: {  	v56 =	vor.u32 v1, v11;
	[sflag:s13] =	ssyncadd.s32 $0xFFFFC000  }
0x30d: {  	s17 =	sadd.s32 $0x10, s16;
	v12 =	vor.u32 v9, v56;
	v10 =	vld.idx.msk [tilespmem:v10+s2+$0x0], $0xffff  }
0x30e: {  	v57 =	vadd.s32 s17, v0;
	_ =	sdelay $0x3  }
0x30f: {  	[tilespmem:v12+s11+$0x0] =	vst.idx.msk $0xffff, v10;
	v10 =	vor.u32 v8, v11  }
0x310: {  	s18 =	sadd.s32 $0x20, s16;
	v12 =	vld.idx.msk [tilespmem:v57+s2+$0x0], $0xffff;
	v10 =	vor.u32 v9, v10  }
0x311: {  	v58 =	vadd.s32 s18, v0;
	_ =	sdelay $0x3  }
0x312: {  	[tilespmem:v10+s11+$0x0] =	vst.idx.msk $0xffff, v12;
	v10 =	vor.u32 v7, v11  }
0x313: {  	s18 =	sadd.s32 $0x30, s16;
	v12 =	vld.idx.msk [tilespmem:v58+s2+$0x0], $0xffff;
	v10 =	vor.u32 v9, v10  }
0x314: {  	v59 =	vadd.s32 s18, v0;
	_ =	sdelay $0x3  }
0x315: {  	[tilespmem:v10+s11+$0x0] =	vst.idx.msk $0xffff, v12;
	v10 =	vor.u32 v6, v11  }
0x316: {  	s18 =	sadd.s32 $0x40, s16;
	v12 =	vld.idx.msk [tilespmem:v59+s2+$0x0], $0xffff;
	v10 =	vor.u32 v9, v10  }
0x317: {  	v60 =	vadd.s32 s18, v0;
	_ =	sdelay $0x3  }
0x318: {  	[tilespmem:v10+s11+$0x0] =	vst.idx.msk $0xffff, v12;
	v10 =	vor.u32 v5, v11  }
0x319: {  	s18 =	sadd.s32 $0x50, s16;
	v12 =	vld.idx.msk [tilespmem:v60+s2+$0x0], $0xffff;
	v10 =	vor.u32 v9, v10  }
0x31a: {  	v61 =	vadd.s32 s18, v0;
	_ =	sdelay $0x3  }
0x31b: {  	[tilespmem:v10+s11+$0x0] =	vst.idx.msk $0xffff, v12;
	v10 =	vor.u32 v4, v11  }
0x31c: {  	s18 =	sadd.s32 $0x60, s16;
	v12 =	vld.idx.msk [tilespmem:v61+s2+$0x0], $0xffff;
	v10 =	vor.u32 v9, v10  }
0x31d: {  	v62 =	vadd.s32 s18, v0;
	_ =	sdelay $0x3  }
0x31e: {  	[tilespmem:v10+s11+$0x0] =	vst.idx.msk $0xffff, v12;
	v10 =	vor.u32 v3, v11  }
0x31f: {  	s16 =	sadd.s32 $0x70, s16;
	v12 =	vld.idx.msk [tilespmem:v62+s2+$0x0], $0xffff;
	v10 =	vor.u32 v9, v10  }
0x320: {  	v63 =	vadd.s32 s16, v0;
	_ =	sdelay $0x3  }
0x321: {  	v11 =	vor.u32 v2, v11;
	[tilespmem:v10+s11+$0x0] =	vst.idx.msk $0xffff, v12  }
0x322: {  	s16 =	sadd.s32 $0x80, s4;
	s17 =	simm.s32 $0x100;
	v11 =	vor.u32 v9, v11;
	v10 =	vld.idx.msk [tilespmem:v63+s2+$0x0], $0xffff  }
.LBB2_18:
0x323: {  	p0 =	sne.s32 s17, $0x3F80;
	v12 =	vadd.s32 s16, v0;
	_ =	sdelay $0x1  }
0x324: {  	s15 =	sadd.s32 $0x10, s15  }
0x325: {  	v13 =	vmov s15  }
0x326: {  	v13 =	vshll.u32 v13, $0x3;
	[tilespmem:v11+s11+$0x0] =	vst.idx.msk $0xffff, v10  }
0x327: {  	v11 =	vor.u32 v1, v13;
	v10 =	vld.idx.msk [tilespmem:v12+s2+$0x0], $0xffff  }
0x328: {  	s18 =	sadd.s32 $0x10, s16;
	v11 =	vor.u32 v9, v11  }
0x329: {  	v12 =	vadd.s32 s18, v0;
	_ =	sdelay $0x3  }
0x32a: {  	[tilespmem:v11+s11+$0x0] =	vst.idx.msk $0xffff, v10  }
0x32b: {  	v11 =	vor.u32 v8, v13;
	v10 =	vld.idx.msk [tilespmem:v12+s2+$0x0], $0xffff  }
0x32c: {  	s18 =	sadd.s32 $0x20, s16;
	v11 =	vor.u32 v9, v11  }
0x32d: {  	v12 =	vadd.s32 s18, v0;
	_ =	sdelay $0x3  }
0x32e: {  	[tilespmem:v11+s11+$0x0] =	vst.idx.msk $0xffff, v10  }
0x32f: {  	v11 =	vor.u32 v7, v13;
	v10 =	vld.idx.msk [tilespmem:v12+s2+$0x0], $0xffff  }
0x330: {  	s18 =	sadd.s32 $0x30, s16;
	v11 =	vor.u32 v9, v11  }
0x331: {  	v12 =	vadd.s32 s18, v0;
	_ =	sdelay $0x3  }
0x332: {  	[tilespmem:v11+s11+$0x0] =	vst.idx.msk $0xffff, v10  }
0x333: {  	v11 =	vor.u32 v6, v13;
	v10 =	vld.idx.msk [tilespmem:v12+s2+$0x0], $0xffff  }
0x334: {  	s18 =	sadd.s32 $0x40, s16;
	v11 =	vor.u32 v9, v11  }
0x335: {  	v12 =	vadd.s32 s18, v0;
	_ =	sdelay $0x3  }
0x336: {  	[tilespmem:v11+s11+$0x0] =	vst.idx.msk $0xffff, v10  }
0x337: {  	v11 =	vor.u32 v5, v13;
	v10 =	vld.idx.msk [tilespmem:v12+s2+$0x0], $0xffff  }
0x338: {  	s18 =	sadd.s32 $0x50, s16;
	v11 =	vor.u32 v9, v11  }
0x339: {  	v12 =	vadd.s32 s18, v0;
	_ =	sdelay $0x3  }
0x33a: {  	[tilespmem:v11+s11+$0x0] =	vst.idx.msk $0xffff, v10  }
0x33b: {  	v11 =	vor.u32 v4, v13;
	v10 =	vld.idx.msk [tilespmem:v12+s2+$0x0], $0xffff  }
0x33c: {  	s18 =	sadd.s32 $0x60, s16;
	v11 =	vor.u32 v9, v11  }
0x33d: {  	v12 =	vadd.s32 s18, v0;
	_ =	sdelay $0x3  }
0x33e: {  	[tilespmem:v11+s11+$0x0] =	vst.idx.msk $0xffff, v10  }
0x33f: {  	v11 =	vor.u32 v3, v13;
	v10 =	vld.idx.msk [tilespmem:v12+s2+$0x0], $0xffff  }
0x340: {  	s16 =	sadd.s32 $0x70, s16;
	v11 =	vor.u32 v9, v11  }
0x341: {  	v12 =	vadd.s32 s16, v0;
	_ =	sdelay $0x1  }
.Ltmp8:
0x342: {  	(pc) =	sbr.rel @p0 .LBB2_18-.Ltmp8, $4  }
0x343: {  	_ = 	snop  }
0x344: {  	[tilespmem:v11+s11+$0x0] =	vst.idx.msk $0xffff, v10  }
0x345: {  	v11 =	vor.u32 v2, v13;
	v10 =	vld.idx.msk [tilespmem:v12+s2+$0x0], $0xffff  }
0x346: {  	s16 =	sadd.s32 s17, s4;
	s17 =	sadd.s32 $0x80, s17;
	v11 =	vor.u32 v9, v11  }
0x347: {  	v12 =	vadd.s32 s16, v0  }
0x348: {  	s15 =	sadd.s32 $0x10, s15  }
0x349: {  	v13 =	vmov s15  }
0x34a: {  	v13 =	vshll.u32 v13, $0x3  }
0x34b: {  	[tilespmem:v11+s11+$0x0] =	vst.idx.msk $0xffff, v10;
	v10 =	vor.u32 v1, v13  }
0x34c: {  	s17 =	sadd.s32 $0x10, s16;
	v10 =	vor.u32 v9, v10;
	v11 =	vld.idx.msk [tilespmem:v12+s2+$0x0], $0xffff  }
0x34d: {  	v49 =	vadd.s32 s17, v0;
	_ =	sdelay $0x3  }
0x34e: {  	[tilespmem:v10+s11+$0x0] =	vst.idx.msk $0xffff, v11;
	v10 =	vor.u32 v8, v13  }
0x34f: {  	s18 =	sadd.s32 $0x20, s16;
	v11 =	vld.idx.msk [tilespmem:v49+s2+$0x0], $0xffff;
	v10 =	vor.u32 v9, v10  }
0x350: {  	v50 =	vadd.s32 s18, v0;
	_ =	sdelay $0x3  }
0x351: {  	[tilespmem:v10+s11+$0x0] =	vst.idx.msk $0xffff, v11;
	v10 =	vor.u32 v7, v13  }
0x352: {  	s17 =	sadd.s32 $0x30, s16;
	v11 =	vld.idx.msk [tilespmem:v50+s2+$0x0], $0xffff;
	v10 =	vor.u32 v9, v10  }
0x353: {  	v51 =	vadd.s32 s17, v0;
	_ =	sdelay $0x3  }
0x354: {  	[tilespmem:v10+s11+$0x0] =	vst.idx.msk $0xffff, v11;
	v10 =	vor.u32 v6, v13  }
0x355: {  	s18 =	sadd.s32 $0x40, s16;
	v11 =	vld.idx.msk [tilespmem:v51+s2+$0x0], $0xffff;
	v10 =	vor.u32 v9, v10  }
0x356: {  	v52 =	vadd.s32 s18, v0;
	_ =	sdelay $0x3  }
0x357: {  	[tilespmem:v10+s11+$0x0] =	vst.idx.msk $0xffff, v11;
	v10 =	vor.u32 v5, v13  }
0x358: {  	s17 =	sadd.s32 $0x50, s16;
	v11 =	vld.idx.msk [tilespmem:v52+s2+$0x0], $0xffff;
	v10 =	vor.u32 v9, v10  }
0x359: {  	v53 =	vadd.s32 s17, v0;
	_ =	sdelay $0x3  }
0x35a: {  	[tilespmem:v10+s11+$0x0] =	vst.idx.msk $0xffff, v11;
	v10 =	vor.u32 v4, v13  }
0x35b: {  	s18 =	sadd.s32 $0x60, s16;
	v11 =	vld.idx.msk [tilespmem:v53+s2+$0x0], $0xffff;
	v10 =	vor.u32 v9, v10  }
0x35c: {  	v54 =	vadd.s32 s18, v0;
	_ =	sdelay $0x3  }
0x35d: {  	[tilespmem:v10+s11+$0x0] =	vst.idx.msk $0xffff, v11;
	v10 =	vor.u32 v3, v13  }
0x35e: {  	s16 =	sadd.s32 $0x70, s16;
	v11 =	vld.idx.msk [tilespmem:v54+s2+$0x0], $0xffff;
	v10 =	vor.u32 v9, v10  }
0x35f: {  	v55 =	vadd.s32 s16, v0;
	_ =	sdelay $0x3  }
0x360: {  	[tilespmem:v10+s11+$0x0] =	vst.idx.msk $0xffff, v11;
	v10 =	vor.u32 v2, v13  }
0x361: {  	v11 =	vld.idx.msk [tilespmem:v55+s2+$0x0], $0xffff;
	v10 =	vor.u32 v9, v10;
	_ =	sdelay $0x4  }
0x362: {  	s15 =	simm.s32 $0x0;
	s17 =	rddreg [dreg:$0xf];
	[tilespmem:v10+s11+$0x0] =	vst.idx.msk $0xffff, v11  }
0x363: {  	[hbm4b:s17+s15] =	stream.linear.scatter [tilespmem:s11], [sflag:$0x2], $0x4000, $0x38;
	[tilespmem:$0x10010] =	vst v63  }
0x364: {  	_ =	swait.ge [sflag:s9], $0x4008  }
0x365: {  	s16 =	sadd.s32 $0x0, s4;
	[sflag:s9] =	ssyncset.done $0x0  }
0x366: {  	v10 =	vadd.s32 s16, v0;
	[sflag:s9] =	ssyncadd.s32 $0xFFFFBFF8  }
0x367: {  	[tilespmem:s15], [sflag:$0x1] =	stream.linear.gather [hbm4b:s0+s15], $0x4008, $0x38;
	[tilespmem:$0x10010] =	vst v63  }
0x368: {  	v11 =	vmov s15;
	_ =	swait.ge [sflag:s13], $0x4000  }
0x369: {  	v11 =	vshll.u32 v11, $0x3;
	[sflag:s13] =	ssyncset.done $0x0  }
0x36a: {  	v56 =	vor.u32 v1, v11;
	[sflag:s13] =	ssyncadd.s32 $0xFFFFC000  }
0x36b: {  	s17 =	sadd.s32 $0x10, s16;
	v12 =	vor.u32 v9, v56;
	v10 =	vld.idx.msk [tilespmem:v10+s10+$0x0], $0xffff  }
0x36c: {  	v57 =	vadd.s32 s17, v0;
	_ =	sdelay $0x3  }
0x36d: {  	[tilespmem:v12+s12+$0x0] =	vst.idx.msk $0xffff, v10;
	v10 =	vor.u32 v8, v11  }
0x36e: {  	s18 =	sadd.s32 $0x20, s16;
	v12 =	vld.idx.msk [tilespmem:v57+s10+$0x0], $0xffff;
	v10 =	vor.u32 v9, v10  }
0x36f: {  	v58 =	vadd.s32 s18, v0;
	_ =	sdelay $0x3  }
0x370: {  	[tilespmem:v10+s12+$0x0] =	vst.idx.msk $0xffff, v12;
	v10 =	vor.u32 v7, v11  }
0x371: {  	s18 =	sadd.s32 $0x30, s16;
	v12 =	vld.idx.msk [tilespmem:v58+s10+$0x0], $0xffff;
	v10 =	vor.u32 v9, v10  }
0x372: {  	v59 =	vadd.s32 s18, v0;
	_ =	sdelay $0x3  }
0x373: {  	[tilespmem:v10+s12+$0x0] =	vst.idx.msk $0xffff, v12;
	v10 =	vor.u32 v6, v11  }
0x374: {  	s18 =	sadd.s32 $0x40, s16;
	v12 =	vld.idx.msk [tilespmem:v59+s10+$0x0], $0xffff;
	v10 =	vor.u32 v9, v10  }
0x375: {  	v60 =	vadd.s32 s18, v0;
	_ =	sdelay $0x3  }
0x376: {  	[tilespmem:v10+s12+$0x0] =	vst.idx.msk $0xffff, v12;
	v10 =	vor.u32 v5, v11  }
0x377: {  	s18 =	sadd.s32 $0x50, s16;
	v12 =	vld.idx.msk [tilespmem:v60+s10+$0x0], $0xffff;
	v10 =	vor.u32 v9, v10  }
0x378: {  	v61 =	vadd.s32 s18, v0;
	_ =	sdelay $0x3  }
0x379: {  	[tilespmem:v10+s12+$0x0] =	vst.idx.msk $0xffff, v12;
	v10 =	vor.u32 v4, v11  }
0x37a: {  	s18 =	sadd.s32 $0x60, s16;
	v12 =	vld.idx.msk [tilespmem:v61+s10+$0x0], $0xffff;
	v10 =	vor.u32 v9, v10  }
0x37b: {  	v62 =	vadd.s32 s18, v0;
	_ =	sdelay $0x3  }
0x37c: {  	[tilespmem:v10+s12+$0x0] =	vst.idx.msk $0xffff, v12;
	v10 =	vor.u32 v3, v11  }
0x37d: {  	s16 =	sadd.s32 $0x70, s16;
	v12 =	vld.idx.msk [tilespmem:v62+s10+$0x0], $0xffff;
	v10 =	vor.u32 v9, v10  }
0x37e: {  	v63 =	vadd.s32 s16, v0;
	_ =	sdelay $0x3  }
0x37f: {  	v11 =	vor.u32 v2, v11;
	[tilespmem:v10+s12+$0x0] =	vst.idx.msk $0xffff, v12  }
0x380: {  	s16 =	sadd.s32 $0x80, s4;
	s17 =	simm.s32 $0x100;
	v11 =	vor.u32 v9, v11;
	v10 =	vld.idx.msk [tilespmem:v63+s10+$0x0], $0xffff  }
.LBB2_20:
0x381: {  	p0 =	sne.s32 s17, $0x3F80;
	v12 =	vadd.s32 s16, v0;
	_ =	sdelay $0x1  }
0x382: {  	s15 =	sadd.s32 $0x10, s15  }
0x383: {  	v13 =	vmov s15  }
0x384: {  	v13 =	vshll.u32 v13, $0x3;
	[tilespmem:v11+s12+$0x0] =	vst.idx.msk $0xffff, v10  }
0x385: {  	v11 =	vor.u32 v1, v13;
	v10 =	vld.idx.msk [tilespmem:v12+s10+$0x0], $0xffff  }
0x386: {  	s18 =	sadd.s32 $0x10, s16;
	v11 =	vor.u32 v9, v11  }
0x387: {  	v12 =	vadd.s32 s18, v0;
	_ =	sdelay $0x3  }
0x388: {  	[tilespmem:v11+s12+$0x0] =	vst.idx.msk $0xffff, v10  }
0x389: {  	v11 =	vor.u32 v8, v13;
	v10 =	vld.idx.msk [tilespmem:v12+s10+$0x0], $0xffff  }
0x38a: {  	s18 =	sadd.s32 $0x20, s16;
	v11 =	vor.u32 v9, v11  }
0x38b: {  	v12 =	vadd.s32 s18, v0;
	_ =	sdelay $0x3  }
0x38c: {  	[tilespmem:v11+s12+$0x0] =	vst.idx.msk $0xffff, v10  }
0x38d: {  	v11 =	vor.u32 v7, v13;
	v10 =	vld.idx.msk [tilespmem:v12+s10+$0x0], $0xffff  }
0x38e: {  	s18 =	sadd.s32 $0x30, s16;
	v11 =	vor.u32 v9, v11  }
0x38f: {  	v12 =	vadd.s32 s18, v0;
	_ =	sdelay $0x3  }
0x390: {  	[tilespmem:v11+s12+$0x0] =	vst.idx.msk $0xffff, v10  }
0x391: {  	v11 =	vor.u32 v6, v13;
	v10 =	vld.idx.msk [tilespmem:v12+s10+$0x0], $0xffff  }
0x392: {  	s18 =	sadd.s32 $0x40, s16;
	v11 =	vor.u32 v9, v11  }
0x393: {  	v12 =	vadd.s32 s18, v0;
	_ =	sdelay $0x3  }
0x394: {  	[tilespmem:v11+s12+$0x0] =	vst.idx.msk $0xffff, v10  }
0x395: {  	v11 =	vor.u32 v5, v13;
	v10 =	vld.idx.msk [tilespmem:v12+s10+$0x0], $0xffff  }
0x396: {  	s18 =	sadd.s32 $0x50, s16;
	v11 =	vor.u32 v9, v11  }
0x397: {  	v12 =	vadd.s32 s18, v0;
	_ =	sdelay $0x3  }
0x398: {  	[tilespmem:v11+s12+$0x0] =	vst.idx.msk $0xffff, v10  }
0x399: {  	v11 =	vor.u32 v4, v13;
	v10 =	vld.idx.msk [tilespmem:v12+s10+$0x0], $0xffff  }
0x39a: {  	s18 =	sadd.s32 $0x60, s16;
	v11 =	vor.u32 v9, v11  }
0x39b: {  	v12 =	vadd.s32 s18, v0;
	_ =	sdelay $0x3  }
0x39c: {  	[tilespmem:v11+s12+$0x0] =	vst.idx.msk $0xffff, v10  }
0x39d: {  	v11 =	vor.u32 v3, v13;
	v10 =	vld.idx.msk [tilespmem:v12+s10+$0x0], $0xffff  }
0x39e: {  	s16 =	sadd.s32 $0x70, s16;
	v11 =	vor.u32 v9, v11  }
0x39f: {  	v12 =	vadd.s32 s16, v0;
	_ =	sdelay $0x1  }
.Ltmp9:
0x3a0: {  	(pc) =	sbr.rel @p0 .LBB2_20-.Ltmp9, $4  }
0x3a1: {  	_ = 	snop  }
0x3a2: {  	[tilespmem:v11+s12+$0x0] =	vst.idx.msk $0xffff, v10  }
0x3a3: {  	v11 =	vor.u32 v2, v13;
	v10 =	vld.idx.msk [tilespmem:v12+s10+$0x0], $0xffff  }
0x3a4: {  	s16 =	sadd.s32 s17, s4;
	s17 =	sadd.s32 $0x80, s17;
	v11 =	vor.u32 v9, v11  }
0x3a5: {  	v12 =	vadd.s32 s16, v0  }
0x3a6: {  	s15 =	sadd.s32 $0x10, s15  }
0x3a7: {  	v13 =	vmov s15  }
0x3a8: {  	v13 =	vshll.u32 v13, $0x3  }
0x3a9: {  	[tilespmem:v11+s12+$0x0] =	vst.idx.msk $0xffff, v10;
	v10 =	vor.u32 v1, v13  }
0x3aa: {  	s17 =	sadd.s32 $0x10, s16;
	v10 =	vor.u32 v9, v10;
	v11 =	vld.idx.msk [tilespmem:v12+s10+$0x0], $0xffff  }
0x3ab: {  	v49 =	vadd.s32 s17, v0;
	_ =	sdelay $0x3  }
0x3ac: {  	[tilespmem:v10+s12+$0x0] =	vst.idx.msk $0xffff, v11;
	v10 =	vor.u32 v8, v13  }
0x3ad: {  	s18 =	sadd.s32 $0x20, s16;
	v11 =	vld.idx.msk [tilespmem:v49+s10+$0x0], $0xffff;
	v10 =	vor.u32 v9, v10  }
0x3ae: {  	v50 =	vadd.s32 s18, v0;
	_ =	sdelay $0x3  }
0x3af: {  	[tilespmem:v10+s12+$0x0] =	vst.idx.msk $0xffff, v11;
	v10 =	vor.u32 v7, v13  }
0x3b0: {  	s17 =	sadd.s32 $0x30, s16;
	v11 =	vld.idx.msk [tilespmem:v50+s10+$0x0], $0xffff;
	v10 =	vor.u32 v9, v10  }
0x3b1: {  	v51 =	vadd.s32 s17, v0;
	_ =	sdelay $0x3  }
0x3b2: {  	[tilespmem:v10+s12+$0x0] =	vst.idx.msk $0xffff, v11;
	v10 =	vor.u32 v6, v13  }
0x3b3: {  	s18 =	sadd.s32 $0x40, s16;
	v11 =	vld.idx.msk [tilespmem:v51+s10+$0x0], $0xffff;
	v10 =	vor.u32 v9, v10  }
0x3b4: {  	v52 =	vadd.s32 s18, v0;
	_ =	sdelay $0x3  }
0x3b5: {  	[tilespmem:v10+s12+$0x0] =	vst.idx.msk $0xffff, v11;
	v10 =	vor.u32 v5, v13  }
0x3b6: {  	s17 =	sadd.s32 $0x50, s16;
	v11 =	vld.idx.msk [tilespmem:v52+s10+$0x0], $0xffff;
	v10 =	vor.u32 v9, v10  }
0x3b7: {  	v53 =	vadd.s32 s17, v0;
	_ =	sdelay $0x3  }
0x3b8: {  	[tilespmem:v10+s12+$0x0] =	vst.idx.msk $0xffff, v11;
	v10 =	vor.u32 v4, v13  }
0x3b9: {  	s18 =	sadd.s32 $0x60, s16;
	v11 =	vld.idx.msk [tilespmem:v53+s10+$0x0], $0xffff;
	v10 =	vor.u32 v9, v10  }
0x3ba: {  	v54 =	vadd.s32 s18, v0;
	_ =	sdelay $0x3  }
0x3bb: {  	[tilespmem:v10+s12+$0x0] =	vst.idx.msk $0xffff, v11;
	v10 =	vor.u32 v3, v13  }
0x3bc: {  	s16 =	sadd.s32 $0x70, s16;
	v11 =	vld.idx.msk [tilespmem:v54+s10+$0x0], $0xffff;
	v10 =	vor.u32 v9, v10  }
0x3bd: {  	v55 =	vadd.s32 s16, v0;
	_ =	sdelay $0x3  }
0x3be: {  	[tilespmem:v10+s12+$0x0] =	vst.idx.msk $0xffff, v11;
	v10 =	vor.u32 v2, v13  }
0x3bf: {  	v11 =	vld.idx.msk [tilespmem:v55+s10+$0x0], $0xffff;
	v10 =	vor.u32 v9, v10;
	_ =	sdelay $0x4  }
0x3c0: {  	s15 =	simm.s32 $0x0;
	s17 =	rddreg [dreg:$0x10];
	[tilespmem:v10+s12+$0x0] =	vst.idx.msk $0xffff, v11  }
0x3c1: {  	[hbm4b:s17+s15] =	stream.linear.scatter [tilespmem:s12], [sflag:$0x2], $0x4000, $0x38;
	[tilespmem:$0x10010] =	vst v63  }
0x3c2: {  	_ =	swait.ge [sflag:s9], $0x4008  }
0x3c3: {  	s16 =	sadd.s32 $0x0, s4;
	[sflag:s9] =	ssyncset.done $0x0  }
0x3c4: {  	v10 =	vadd.s32 s16, v0;
	[sflag:s9] =	ssyncadd.s32 $0xFFFFBFF8  }
0x3c5: {  	[tilespmem:s10], [sflag:$0x1] =	stream.linear.gather [hbm4b:s1+s15], $0x4008, $0x38;
	[tilespmem:$0x10010] =	vst v63  }
0x3c6: {  	v11 =	vmov s15;
	_ =	swait.ge [sflag:s13], $0x4000  }
0x3c7: {  	v11 =	vshll.u32 v11, $0x3;
	[sflag:s13] =	ssyncset.done $0x0  }
0x3c8: {  	v56 =	vor.u32 v1, v11;
	[sflag:s13] =	ssyncadd.s32 $0xFFFFC000  }
0x3c9: {  	s17 =	sadd.s32 $0x10, s16;
	v12 =	vor.u32 v9, v56;
	v10 =	vld.idx.msk [tilespmem:v10+s2+$0x0], $0xffff  }
0x3ca: {  	v57 =	vadd.s32 s17, v0;
	_ =	sdelay $0x3  }
0x3cb: {  	[tilespmem:v12+s11+$0x0] =	vst.idx.msk $0xffff, v10;
	v10 =	vor.u32 v8, v11  }
0x3cc: {  	s18 =	sadd.s32 $0x20, s16;
	v12 =	vld.idx.msk [tilespmem:v57+s2+$0x0], $0xffff;
	v10 =	vor.u32 v9, v10  }
0x3cd: {  	v58 =	vadd.s32 s18, v0;
	_ =	sdelay $0x3  }
0x3ce: {  	[tilespmem:v10+s11+$0x0] =	vst.idx.msk $0xffff, v12;
	v10 =	vor.u32 v7, v11  }
0x3cf: {  	s18 =	sadd.s32 $0x30, s16;
	v12 =	vld.idx.msk [tilespmem:v58+s2+$0x0], $0xffff;
	v10 =	vor.u32 v9, v10  }
0x3d0: {  	v59 =	vadd.s32 s18, v0;
	_ =	sdelay $0x3  }
0x3d1: {  	[tilespmem:v10+s11+$0x0] =	vst.idx.msk $0xffff, v12;
	v10 =	vor.u32 v6, v11  }
0x3d2: {  	s18 =	sadd.s32 $0x40, s16;
	v12 =	vld.idx.msk [tilespmem:v59+s2+$0x0], $0xffff;
	v10 =	vor.u32 v9, v10  }
0x3d3: {  	v60 =	vadd.s32 s18, v0;
	_ =	sdelay $0x3  }
0x3d4: {  	[tilespmem:v10+s11+$0x0] =	vst.idx.msk $0xffff, v12;
	v10 =	vor.u32 v5, v11  }
0x3d5: {  	s18 =	sadd.s32 $0x50, s16;
	v12 =	vld.idx.msk [tilespmem:v60+s2+$0x0], $0xffff;
	v10 =	vor.u32 v9, v10  }
0x3d6: {  	v61 =	vadd.s32 s18, v0;
	_ =	sdelay $0x3  }
0x3d7: {  	[tilespmem:v10+s11+$0x0] =	vst.idx.msk $0xffff, v12;
	v10 =	vor.u32 v4, v11  }
0x3d8: {  	s18 =	sadd.s32 $0x60, s16;
	v12 =	vld.idx.msk [tilespmem:v61+s2+$0x0], $0xffff;
	v10 =	vor.u32 v9, v10  }
0x3d9: {  	v62 =	vadd.s32 s18, v0;
	_ =	sdelay $0x3  }
0x3da: {  	[tilespmem:v10+s11+$0x0] =	vst.idx.msk $0xffff, v12;
	v10 =	vor.u32 v3, v11  }
0x3db: {  	s16 =	sadd.s32 $0x70, s16;
	v12 =	vld.idx.msk [tilespmem:v62+s2+$0x0], $0xffff;
	v10 =	vor.u32 v9, v10  }
0x3dc: {  	v63 =	vadd.s32 s16, v0;
	_ =	sdelay $0x3  }
0x3dd: {  	v11 =	vor.u32 v2, v11;
	[tilespmem:v10+s11+$0x0] =	vst.idx.msk $0xffff, v12  }
0x3de: {  	s16 =	sadd.s32 $0x80, s4;
	s17 =	simm.s32 $0x100;
	v11 =	vor.u32 v9, v11;
	v10 =	vld.idx.msk [tilespmem:v63+s2+$0x0], $0xffff  }
.LBB2_22:
0x3df: {  	p0 =	sne.s32 s17, $0x3F80;
	v12 =	vadd.s32 s16, v0;
	_ =	sdelay $0x1  }
0x3e0: {  	s15 =	sadd.s32 $0x10, s15  }
0x3e1: {  	v13 =	vmov s15  }
0x3e2: {  	v13 =	vshll.u32 v13, $0x3;
	[tilespmem:v11+s11+$0x0] =	vst.idx.msk $0xffff, v10  }
0x3e3: {  	v11 =	vor.u32 v1, v13;
	v10 =	vld.idx.msk [tilespmem:v12+s2+$0x0], $0xffff  }
0x3e4: {  	s18 =	sadd.s32 $0x10, s16;
	v11 =	vor.u32 v9, v11  }
0x3e5: {  	v12 =	vadd.s32 s18, v0;
	_ =	sdelay $0x3  }
0x3e6: {  	[tilespmem:v11+s11+$0x0] =	vst.idx.msk $0xffff, v10  }
0x3e7: {  	v11 =	vor.u32 v8, v13;
	v10 =	vld.idx.msk [tilespmem:v12+s2+$0x0], $0xffff  }
0x3e8: {  	s18 =	sadd.s32 $0x20, s16;
	v11 =	vor.u32 v9, v11  }
0x3e9: {  	v12 =	vadd.s32 s18, v0;
	_ =	sdelay $0x3  }
0x3ea: {  	[tilespmem:v11+s11+$0x0] =	vst.idx.msk $0xffff, v10  }
0x3eb: {  	v11 =	vor.u32 v7, v13;
	v10 =	vld.idx.msk [tilespmem:v12+s2+$0x0], $0xffff  }
0x3ec: {  	s18 =	sadd.s32 $0x30, s16;
	v11 =	vor.u32 v9, v11  }
0x3ed: {  	v12 =	vadd.s32 s18, v0;
	_ =	sdelay $0x3  }
0x3ee: {  	[tilespmem:v11+s11+$0x0] =	vst.idx.msk $0xffff, v10  }
0x3ef: {  	v11 =	vor.u32 v6, v13;
	v10 =	vld.idx.msk [tilespmem:v12+s2+$0x0], $0xffff  }
0x3f0: {  	s18 =	sadd.s32 $0x40, s16;
	v11 =	vor.u32 v9, v11  }
0x3f1: {  	v12 =	vadd.s32 s18, v0;
	_ =	sdelay $0x3  }
0x3f2: {  	[tilespmem:v11+s11+$0x0] =	vst.idx.msk $0xffff, v10  }
0x3f3: {  	v11 =	vor.u32 v5, v13;
	v10 =	vld.idx.msk [tilespmem:v12+s2+$0x0], $0xffff  }
0x3f4: {  	s18 =	sadd.s32 $0x50, s16;
	v11 =	vor.u32 v9, v11  }
0x3f5: {  	v12 =	vadd.s32 s18, v0;
	_ =	sdelay $0x3  }
0x3f6: {  	[tilespmem:v11+s11+$0x0] =	vst.idx.msk $0xffff, v10  }
0x3f7: {  	v11 =	vor.u32 v4, v13;
	v10 =	vld.idx.msk [tilespmem:v12+s2+$0x0], $0xffff  }
0x3f8: {  	s18 =	sadd.s32 $0x60, s16;
	v11 =	vor.u32 v9, v11  }
0x3f9: {  	v12 =	vadd.s32 s18, v0;
	_ =	sdelay $0x3  }
0x3fa: {  	[tilespmem:v11+s11+$0x0] =	vst.idx.msk $0xffff, v10  }
0x3fb: {  	v11 =	vor.u32 v3, v13;
	v10 =	vld.idx.msk [tilespmem:v12+s2+$0x0], $0xffff  }
0x3fc: {  	s16 =	sadd.s32 $0x70, s16;
	v11 =	vor.u32 v9, v11  }
0x3fd: {  	v12 =	vadd.s32 s16, v0;
	_ =	sdelay $0x1  }
.Ltmp10:
0x3fe: {  	(pc) =	sbr.rel @p0 .LBB2_22-.Ltmp10, $4  }
0x3ff: {  	_ = 	snop  }
0x400: {  	[tilespmem:v11+s11+$0x0] =	vst.idx.msk $0xffff, v10  }
0x401: {  	v11 =	vor.u32 v2, v13;
	v10 =	vld.idx.msk [tilespmem:v12+s2+$0x0], $0xffff  }
0x402: {  	s16 =	sadd.s32 s17, s4;
	s17 =	sadd.s32 $0x80, s17;
	v11 =	vor.u32 v9, v11  }
0x403: {  	v12 =	vadd.s32 s16, v0  }
0x404: {  	s15 =	sadd.s32 $0x10, s15  }
0x405: {  	v13 =	vmov s15  }
0x406: {  	v13 =	vshll.u32 v13, $0x3  }
0x407: {  	[tilespmem:v11+s11+$0x0] =	vst.idx.msk $0xffff, v10;
	v10 =	vor.u32 v1, v13  }
0x408: {  	s17 =	sadd.s32 $0x10, s16;
	v10 =	vor.u32 v9, v10;
	v11 =	vld.idx.msk [tilespmem:v12+s2+$0x0], $0xffff  }
0x409: {  	v49 =	vadd.s32 s17, v0;
	_ =	sdelay $0x3  }
0x40a: {  	[tilespmem:v10+s11+$0x0] =	vst.idx.msk $0xffff, v11;
	v10 =	vor.u32 v8, v13  }
0x40b: {  	s18 =	sadd.s32 $0x20, s16;
	v11 =	vld.idx.msk [tilespmem:v49+s2+$0x0], $0xffff;
	v10 =	vor.u32 v9, v10  }
0x40c: {  	v50 =	vadd.s32 s18, v0;
	_ =	sdelay $0x3  }
0x40d: {  	[tilespmem:v10+s11+$0x0] =	vst.idx.msk $0xffff, v11;
	v10 =	vor.u32 v7, v13  }
0x40e: {  	s17 =	sadd.s32 $0x30, s16;
	v11 =	vld.idx.msk [tilespmem:v50+s2+$0x0], $0xffff;
	v10 =	vor.u32 v9, v10  }
0x40f: {  	v51 =	vadd.s32 s17, v0;
	_ =	sdelay $0x3  }
0x410: {  	[tilespmem:v10+s11+$0x0] =	vst.idx.msk $0xffff, v11;
	v10 =	vor.u32 v6, v13  }
0x411: {  	s18 =	sadd.s32 $0x40, s16;
	v11 =	vld.idx.msk [tilespmem:v51+s2+$0x0], $0xffff;
	v10 =	vor.u32 v9, v10  }
0x412: {  	v52 =	vadd.s32 s18, v0;
	_ =	sdelay $0x3  }
0x413: {  	[tilespmem:v10+s11+$0x0] =	vst.idx.msk $0xffff, v11;
	v10 =	vor.u32 v5, v13  }
0x414: {  	s17 =	sadd.s32 $0x50, s16;
	v11 =	vld.idx.msk [tilespmem:v52+s2+$0x0], $0xffff;
	v10 =	vor.u32 v9, v10  }
0x415: {  	v53 =	vadd.s32 s17, v0;
	_ =	sdelay $0x3  }
0x416: {  	[tilespmem:v10+s11+$0x0] =	vst.idx.msk $0xffff, v11;
	v10 =	vor.u32 v4, v13  }
0x417: {  	s18 =	sadd.s32 $0x60, s16;
	v11 =	vld.idx.msk [tilespmem:v53+s2+$0x0], $0xffff;
	v10 =	vor.u32 v9, v10  }
0x418: {  	v54 =	vadd.s32 s18, v0;
	_ =	sdelay $0x3  }
0x419: {  	[tilespmem:v10+s11+$0x0] =	vst.idx.msk $0xffff, v11;
	v10 =	vor.u32 v3, v13  }
0x41a: {  	s17 =	sadd.s32 $0x70, s16;
	v11 =	vld.idx.msk [tilespmem:v54+s2+$0x0], $0xffff;
	v10 =	vor.u32 v9, v10  }
0x41b: {  	v55 =	vadd.s32 s17, v0;
	_ =	sdelay $0x3  }
0x41c: {  	[tilespmem:v10+s11+$0x0] =	vst.idx.msk $0xffff, v11;
	v10 =	vor.u32 v2, v13  }
0x41d: {  	v11 =	vld.idx.msk [tilespmem:v55+s2+$0x0], $0xffff;
	v10 =	vor.u32 v9, v10;
	_ =	sdelay $0x4  }
0x41e: {  	s15 =	simm.s32 $0x0;
	[tilespmem:v10+s11+$0x0] =	vst.idx.msk $0xffff, v11  }
0x41f: {  	[hbm4b:s19+s15] =	stream.linear.scatter [tilespmem:s11], [sflag:$0x2], $0x4000, $0x38;
	[tilespmem:$0x10010] =	vst v63  }
0x420: {  	_ =	swait.ge [sflag:s9], $0x4008  }
0x421: {  	s16 =	sadd.s32 $0x0, s4;
	[sflag:s9] =	ssyncset.done $0x0  }
0x422: {  	v10 =	vadd.s32 s16, v0;
	[sflag:s9] =	ssyncadd.s32 $0xFFFFBFF8  }
0x423: {  	[tilespmem:s15], [sflag:$0x1] =	stream.linear.gather [hbm4b:s5+s15], $0x4008, $0x38;
	[tilespmem:$0x10010] =	vst v63  }
0x424: {  	v11 =	vmov s15;
	_ =	swait.ge [sflag:s13], $0x4000  }
0x425: {  	v11 =	vshll.u32 v11, $0x3;
	[sflag:s13] =	ssyncset.done $0x0  }
0x426: {  	v56 =	vor.u32 v1, v11;
	[sflag:s13] =	ssyncadd.s32 $0xFFFFC000  }
0x427: {  	s17 =	sadd.s32 $0x10, s16;
	v12 =	vor.u32 v9, v56;
	v10 =	vld.idx.msk [tilespmem:v10+s10+$0x0], $0xffff  }
0x428: {  	v57 =	vadd.s32 s17, v0;
	_ =	sdelay $0x3  }
0x429: {  	[tilespmem:v12+s12+$0x0] =	vst.idx.msk $0xffff, v10;
	v10 =	vor.u32 v8, v11  }
0x42a: {  	s18 =	sadd.s32 $0x20, s16;
	v12 =	vld.idx.msk [tilespmem:v57+s10+$0x0], $0xffff;
	v10 =	vor.u32 v9, v10  }
0x42b: {  	v58 =	vadd.s32 s18, v0;
	_ =	sdelay $0x3  }
0x42c: {  	[tilespmem:v10+s12+$0x0] =	vst.idx.msk $0xffff, v12;
	v10 =	vor.u32 v7, v11  }
0x42d: {  	s18 =	sadd.s32 $0x30, s16;
	v12 =	vld.idx.msk [tilespmem:v58+s10+$0x0], $0xffff;
	v10 =	vor.u32 v9, v10  }
0x42e: {  	v59 =	vadd.s32 s18, v0;
	_ =	sdelay $0x3  }
0x42f: {  	[tilespmem:v10+s12+$0x0] =	vst.idx.msk $0xffff, v12;
	v10 =	vor.u32 v6, v11  }
0x430: {  	s18 =	sadd.s32 $0x40, s16;
	v12 =	vld.idx.msk [tilespmem:v59+s10+$0x0], $0xffff;
	v10 =	vor.u32 v9, v10  }
0x431: {  	v60 =	vadd.s32 s18, v0;
	_ =	sdelay $0x3  }
0x432: {  	[tilespmem:v10+s12+$0x0] =	vst.idx.msk $0xffff, v12;
	v10 =	vor.u32 v5, v11  }
0x433: {  	s18 =	sadd.s32 $0x50, s16;
	v12 =	vld.idx.msk [tilespmem:v60+s10+$0x0], $0xffff;
	v10 =	vor.u32 v9, v10  }
0x434: {  	v61 =	vadd.s32 s18, v0;
	_ =	sdelay $0x3  }
0x435: {  	[tilespmem:v10+s12+$0x0] =	vst.idx.msk $0xffff, v12;
	v10 =	vor.u32 v4, v11  }
0x436: {  	s18 =	sadd.s32 $0x60, s16;
	v12 =	vld.idx.msk [tilespmem:v61+s10+$0x0], $0xffff;
	v10 =	vor.u32 v9, v10  }
0x437: {  	v62 =	vadd.s32 s18, v0;
	_ =	sdelay $0x3  }
0x438: {  	[tilespmem:v10+s12+$0x0] =	vst.idx.msk $0xffff, v12;
	v10 =	vor.u32 v3, v11  }
0x439: {  	s16 =	sadd.s32 $0x70, s16;
	v12 =	vld.idx.msk [tilespmem:v62+s10+$0x0], $0xffff;
	v10 =	vor.u32 v9, v10  }
0x43a: {  	v63 =	vadd.s32 s16, v0;
	_ =	sdelay $0x3  }
0x43b: {  	v11 =	vor.u32 v2, v11;
	[tilespmem:v10+s12+$0x0] =	vst.idx.msk $0xffff, v12  }
0x43c: {  	s17 =	simm.s32 $0x100;
	s16 =	sadd.s32 $0x80, s4;
	v11 =	vor.u32 v9, v11;
	v10 =	vld.idx.msk [tilespmem:v63+s10+$0x0], $0xffff  }
.LBB2_24:
0x43d: {  	p0 =	sne.s32 s17, $0x3F80;
	v12 =	vadd.s32 s16, v0;
	_ =	sdelay $0x1  }
0x43e: {  	s15 =	sadd.s32 $0x10, s15  }
0x43f: {  	v13 =	vmov s15  }
0x440: {  	v13 =	vshll.u32 v13, $0x3;
	[tilespmem:v11+s12+$0x0] =	vst.idx.msk $0xffff, v10  }
0x441: {  	v11 =	vor.u32 v1, v13;
	v10 =	vld.idx.msk [tilespmem:v12+s10+$0x0], $0xffff  }
0x442: {  	s18 =	sadd.s32 $0x10, s16;
	v11 =	vor.u32 v9, v11  }
0x443: {  	v12 =	vadd.s32 s18, v0;
	_ =	sdelay $0x3  }
0x444: {  	[tilespmem:v11+s12+$0x0] =	vst.idx.msk $0xffff, v10  }
0x445: {  	v11 =	vor.u32 v8, v13;
	v10 =	vld.idx.msk [tilespmem:v12+s10+$0x0], $0xffff  }
0x446: {  	s18 =	sadd.s32 $0x20, s16;
	v11 =	vor.u32 v9, v11  }
0x447: {  	v12 =	vadd.s32 s18, v0;
	_ =	sdelay $0x3  }
0x448: {  	[tilespmem:v11+s12+$0x0] =	vst.idx.msk $0xffff, v10  }
0x449: {  	v11 =	vor.u32 v7, v13;
	v10 =	vld.idx.msk [tilespmem:v12+s10+$0x0], $0xffff  }
0x44a: {  	s18 =	sadd.s32 $0x30, s16;
	v11 =	vor.u32 v9, v11  }
0x44b: {  	v12 =	vadd.s32 s18, v0;
	_ =	sdelay $0x3  }
0x44c: {  	[tilespmem:v11+s12+$0x0] =	vst.idx.msk $0xffff, v10  }
0x44d: {  	v11 =	vor.u32 v6, v13;
	v10 =	vld.idx.msk [tilespmem:v12+s10+$0x0], $0xffff  }
0x44e: {  	s18 =	sadd.s32 $0x40, s16;
	v11 =	vor.u32 v9, v11  }
0x44f: {  	v12 =	vadd.s32 s18, v0;
	_ =	sdelay $0x3  }
0x450: {  	[tilespmem:v11+s12+$0x0] =	vst.idx.msk $0xffff, v10  }
0x451: {  	v11 =	vor.u32 v5, v13;
	v10 =	vld.idx.msk [tilespmem:v12+s10+$0x0], $0xffff  }
0x452: {  	s18 =	sadd.s32 $0x50, s16;
	v11 =	vor.u32 v9, v11  }
0x453: {  	v12 =	vadd.s32 s18, v0;
	_ =	sdelay $0x3  }
0x454: {  	[tilespmem:v11+s12+$0x0] =	vst.idx.msk $0xffff, v10  }
0x455: {  	v11 =	vor.u32 v4, v13;
	v10 =	vld.idx.msk [tilespmem:v12+s10+$0x0], $0xffff  }
0x456: {  	s18 =	sadd.s32 $0x60, s16;
	v11 =	vor.u32 v9, v11  }
0x457: {  	v12 =	vadd.s32 s18, v0;
	_ =	sdelay $0x3  }
0x458: {  	[tilespmem:v11+s12+$0x0] =	vst.idx.msk $0xffff, v10  }
0x459: {  	v11 =	vor.u32 v3, v13;
	v10 =	vld.idx.msk [tilespmem:v12+s10+$0x0], $0xffff  }
0x45a: {  	s16 =	sadd.s32 $0x70, s16;
	v11 =	vor.u32 v9, v11  }
0x45b: {  	v12 =	vadd.s32 s16, v0;
	_ =	sdelay $0x1  }
.Ltmp11:
0x45c: {  	(pc) =	sbr.rel @p0 .LBB2_24-.Ltmp11, $4  }
0x45d: {  	_ = 	snop  }
0x45e: {  	[tilespmem:v11+s12+$0x0] =	vst.idx.msk $0xffff, v10  }
0x45f: {  	v11 =	vor.u32 v2, v13;
	v10 =	vld.idx.msk [tilespmem:v12+s10+$0x0], $0xffff  }
0x460: {  	s16 =	sadd.s32 s17, s4;
	s17 =	sadd.s32 $0x80, s17;
	v11 =	vor.u32 v9, v11  }
0x461: {  	v12 =	vadd.s32 s16, v0  }
0x462: {  	s15 =	sadd.s32 $0x10, s15  }
0x463: {  	v13 =	vmov s15  }
0x464: {  	v13 =	vshll.u32 v13, $0x3  }
0x465: {  	[tilespmem:v11+s12+$0x0] =	vst.idx.msk $0xffff, v10;
	v10 =	vor.u32 v1, v13  }
0x466: {  	s17 =	sadd.s32 $0x10, s16;
	v10 =	vor.u32 v9, v10;
	v11 =	vld.idx.msk [tilespmem:v12+s10+$0x0], $0xffff  }
0x467: {  	v49 =	vadd.s32 s17, v0;
	_ =	sdelay $0x3  }
0x468: {  	[tilespmem:v10+s12+$0x0] =	vst.idx.msk $0xffff, v11;
	v10 =	vor.u32 v8, v13  }
0x469: {  	s18 =	sadd.s32 $0x20, s16;
	v11 =	vld.idx.msk [tilespmem:v49+s10+$0x0], $0xffff;
	v10 =	vor.u32 v9, v10  }
0x46a: {  	v50 =	vadd.s32 s18, v0;
	_ =	sdelay $0x3  }
0x46b: {  	[tilespmem:v10+s12+$0x0] =	vst.idx.msk $0xffff, v11;
	v10 =	vor.u32 v7, v13  }
0x46c: {  	s17 =	sadd.s32 $0x30, s16;
	v11 =	vld.idx.msk [tilespmem:v50+s10+$0x0], $0xffff;
	v10 =	vor.u32 v9, v10  }
0x46d: {  	v51 =	vadd.s32 s17, v0;
	_ =	sdelay $0x3  }
0x46e: {  	[tilespmem:v10+s12+$0x0] =	vst.idx.msk $0xffff, v11;
	v10 =	vor.u32 v6, v13  }
0x46f: {  	s18 =	sadd.s32 $0x40, s16;
	v11 =	vld.idx.msk [tilespmem:v51+s10+$0x0], $0xffff;
	v10 =	vor.u32 v9, v10  }
0x470: {  	v52 =	vadd.s32 s18, v0;
	_ =	sdelay $0x3  }
0x471: {  	[tilespmem:v10+s12+$0x0] =	vst.idx.msk $0xffff, v11;
	v10 =	vor.u32 v5, v13  }
0x472: {  	s17 =	sadd.s32 $0x50, s16;
	v11 =	vld.idx.msk [tilespmem:v52+s10+$0x0], $0xffff;
	v10 =	vor.u32 v9, v10  }
0x473: {  	v53 =	vadd.s32 s17, v0;
	_ =	sdelay $0x3  }
0x474: {  	[tilespmem:v10+s12+$0x0] =	vst.idx.msk $0xffff, v11;
	v10 =	vor.u32 v4, v13  }
0x475: {  	s18 =	sadd.s32 $0x60, s16;
	v11 =	vld.idx.msk [tilespmem:v53+s10+$0x0], $0xffff;
	v10 =	vor.u32 v9, v10  }
0x476: {  	v54 =	vadd.s32 s18, v0;
	_ =	sdelay $0x3  }
0x477: {  	[tilespmem:v10+s12+$0x0] =	vst.idx.msk $0xffff, v11;
	v10 =	vor.u32 v3, v13  }
0x478: {  	s17 =	sadd.s32 $0x70, s16;
	v11 =	vld.idx.msk [tilespmem:v54+s10+$0x0], $0xffff;
	v10 =	vor.u32 v9, v10  }
0x479: {  	v55 =	vadd.s32 s17, v0;
	_ =	sdelay $0x3  }
0x47a: {  	[tilespmem:v10+s12+$0x0] =	vst.idx.msk $0xffff, v11;
	v10 =	vor.u32 v2, v13  }
0x47b: {  	v11 =	vld.idx.msk [tilespmem:v55+s10+$0x0], $0xffff;
	v10 =	vor.u32 v9, v10;
	_ =	sdelay $0x4  }
0x47c: {  	s15 =	simm.s32 $0x0;
	[tilespmem:v10+s12+$0x0] =	vst.idx.msk $0xffff, v11  }
0x47d: {  	[hbm4b:s20+s15] =	stream.linear.scatter [tilespmem:s12], [sflag:$0x2], $0x4000, $0x38;
	[tilespmem:$0x10010] =	vst v63  }
0x47e: {  	_ =	swait.ge [sflag:s9], $0x4008  }
0x47f: {  	s16 =	sadd.s32 $0x0, s4;
	[sflag:s9] =	ssyncset.done $0x0  }
0x480: {  	v10 =	vadd.s32 s16, v0;
	[sflag:s9] =	ssyncadd.s32 $0xFFFFBFF8  }
0x481: {  	[tilespmem:s10], [sflag:$0x1] =	stream.linear.gather [hbm4b:s6+s15], $0x4008, $0x38;
	[tilespmem:$0x10010] =	vst v63  }
0x482: {  	v11 =	vmov s15;
	_ =	swait.ge [sflag:s13], $0x4000  }
0x483: {  	v11 =	vshll.u32 v11, $0x3;
	[sflag:s13] =	ssyncset.done $0x0  }
0x484: {  	v56 =	vor.u32 v1, v11;
	[sflag:s13] =	ssyncadd.s32 $0xFFFFC000  }
0x485: {  	s17 =	sadd.s32 $0x10, s16;
	v12 =	vor.u32 v9, v56;
	v10 =	vld.idx.msk [tilespmem:v10+s2+$0x0], $0xffff  }
0x486: {  	v57 =	vadd.s32 s17, v0;
	_ =	sdelay $0x3  }
0x487: {  	[tilespmem:v12+s11+$0x0] =	vst.idx.msk $0xffff, v10;
	v10 =	vor.u32 v8, v11  }
0x488: {  	s18 =	sadd.s32 $0x20, s16;
	v12 =	vld.idx.msk [tilespmem:v57+s2+$0x0], $0xffff;
	v10 =	vor.u32 v9, v10  }
0x489: {  	v58 =	vadd.s32 s18, v0;
	_ =	sdelay $0x3  }
0x48a: {  	[tilespmem:v10+s11+$0x0] =	vst.idx.msk $0xffff, v12;
	v10 =	vor.u32 v7, v11  }
0x48b: {  	s18 =	sadd.s32 $0x30, s16;
	v12 =	vld.idx.msk [tilespmem:v58+s2+$0x0], $0xffff;
	v10 =	vor.u32 v9, v10  }
0x48c: {  	v59 =	vadd.s32 s18, v0;
	_ =	sdelay $0x3  }
0x48d: {  	[tilespmem:v10+s11+$0x0] =	vst.idx.msk $0xffff, v12;
	v10 =	vor.u32 v6, v11  }
0x48e: {  	s18 =	sadd.s32 $0x40, s16;
	v12 =	vld.idx.msk [tilespmem:v59+s2+$0x0], $0xffff;
	v10 =	vor.u32 v9, v10  }
0x48f: {  	v60 =	vadd.s32 s18, v0;
	_ =	sdelay $0x3  }
0x490: {  	[tilespmem:v10+s11+$0x0] =	vst.idx.msk $0xffff, v12;
	v10 =	vor.u32 v5, v11  }
0x491: {  	s18 =	sadd.s32 $0x50, s16;
	v12 =	vld.idx.msk [tilespmem:v60+s2+$0x0], $0xffff;
	v10 =	vor.u32 v9, v10  }
0x492: {  	v61 =	vadd.s32 s18, v0;
	_ =	sdelay $0x3  }
0x493: {  	[tilespmem:v10+s11+$0x0] =	vst.idx.msk $0xffff, v12;
	v10 =	vor.u32 v4, v11  }
0x494: {  	s18 =	sadd.s32 $0x60, s16;
	v12 =	vld.idx.msk [tilespmem:v61+s2+$0x0], $0xffff;
	v10 =	vor.u32 v9, v10  }
0x495: {  	v62 =	vadd.s32 s18, v0;
	_ =	sdelay $0x3  }
0x496: {  	[tilespmem:v10+s11+$0x0] =	vst.idx.msk $0xffff, v12;
	v10 =	vor.u32 v3, v11  }
0x497: {  	s16 =	sadd.s32 $0x70, s16;
	v12 =	vld.idx.msk [tilespmem:v62+s2+$0x0], $0xffff;
	v10 =	vor.u32 v9, v10  }
0x498: {  	v63 =	vadd.s32 s16, v0;
	_ =	sdelay $0x3  }
0x499: {  	v11 =	vor.u32 v2, v11;
	[tilespmem:v10+s11+$0x0] =	vst.idx.msk $0xffff, v12  }
0x49a: {  	s17 =	simm.s32 $0x100;
	s16 =	sadd.s32 $0x80, s4;
	v11 =	vor.u32 v9, v11;
	v10 =	vld.idx.msk [tilespmem:v63+s2+$0x0], $0xffff  }
.LBB2_26:
0x49b: {  	p0 =	sne.s32 s17, $0x3F80;
	v12 =	vadd.s32 s16, v0;
	_ =	sdelay $0x1  }
0x49c: {  	s15 =	sadd.s32 $0x10, s15  }
0x49d: {  	v13 =	vmov s15  }
0x49e: {  	v13 =	vshll.u32 v13, $0x3;
	[tilespmem:v11+s11+$0x0] =	vst.idx.msk $0xffff, v10  }
0x49f: {  	v11 =	vor.u32 v1, v13;
	v10 =	vld.idx.msk [tilespmem:v12+s2+$0x0], $0xffff  }
0x4a0: {  	s18 =	sadd.s32 $0x10, s16;
	v11 =	vor.u32 v9, v11  }
0x4a1: {  	v12 =	vadd.s32 s18, v0;
	_ =	sdelay $0x3  }
0x4a2: {  	[tilespmem:v11+s11+$0x0] =	vst.idx.msk $0xffff, v10  }
0x4a3: {  	v11 =	vor.u32 v8, v13;
	v10 =	vld.idx.msk [tilespmem:v12+s2+$0x0], $0xffff  }
0x4a4: {  	s18 =	sadd.s32 $0x20, s16;
	v11 =	vor.u32 v9, v11  }
0x4a5: {  	v12 =	vadd.s32 s18, v0;
	_ =	sdelay $0x3  }
0x4a6: {  	[tilespmem:v11+s11+$0x0] =	vst.idx.msk $0xffff, v10  }
0x4a7: {  	v11 =	vor.u32 v7, v13;
	v10 =	vld.idx.msk [tilespmem:v12+s2+$0x0], $0xffff  }
0x4a8: {  	s18 =	sadd.s32 $0x30, s16;
	v11 =	vor.u32 v9, v11  }
0x4a9: {  	v12 =	vadd.s32 s18, v0;
	_ =	sdelay $0x3  }
0x4aa: {  	[tilespmem:v11+s11+$0x0] =	vst.idx.msk $0xffff, v10  }
0x4ab: {  	v11 =	vor.u32 v6, v13;
	v10 =	vld.idx.msk [tilespmem:v12+s2+$0x0], $0xffff  }
0x4ac: {  	s18 =	sadd.s32 $0x40, s16;
	v11 =	vor.u32 v9, v11  }
0x4ad: {  	v12 =	vadd.s32 s18, v0;
	_ =	sdelay $0x3  }
0x4ae: {  	[tilespmem:v11+s11+$0x0] =	vst.idx.msk $0xffff, v10  }
0x4af: {  	v11 =	vor.u32 v5, v13;
	v10 =	vld.idx.msk [tilespmem:v12+s2+$0x0], $0xffff  }
0x4b0: {  	s18 =	sadd.s32 $0x50, s16;
	v11 =	vor.u32 v9, v11  }
0x4b1: {  	v12 =	vadd.s32 s18, v0;
	_ =	sdelay $0x3  }
0x4b2: {  	[tilespmem:v11+s11+$0x0] =	vst.idx.msk $0xffff, v10  }
0x4b3: {  	v11 =	vor.u32 v4, v13;
	v10 =	vld.idx.msk [tilespmem:v12+s2+$0x0], $0xffff  }
0x4b4: {  	s18 =	sadd.s32 $0x60, s16;
	v11 =	vor.u32 v9, v11  }
0x4b5: {  	v12 =	vadd.s32 s18, v0;
	_ =	sdelay $0x3  }
0x4b6: {  	[tilespmem:v11+s11+$0x0] =	vst.idx.msk $0xffff, v10  }
0x4b7: {  	v11 =	vor.u32 v3, v13;
	v10 =	vld.idx.msk [tilespmem:v12+s2+$0x0], $0xffff  }
0x4b8: {  	s16 =	sadd.s32 $0x70, s16;
	v11 =	vor.u32 v9, v11  }
0x4b9: {  	v12 =	vadd.s32 s16, v0;
	_ =	sdelay $0x1  }
.Ltmp12:
0x4ba: {  	(pc) =	sbr.rel @p0 .LBB2_26-.Ltmp12, $4  }
0x4bb: {  	_ = 	snop  }
0x4bc: {  	[tilespmem:v11+s11+$0x0] =	vst.idx.msk $0xffff, v10  }
0x4bd: {  	v11 =	vor.u32 v2, v13;
	v10 =	vld.idx.msk [tilespmem:v12+s2+$0x0], $0xffff  }
0x4be: {  	s16 =	sadd.s32 s17, s4;
	s17 =	sadd.s32 $0x80, s17;
	v11 =	vor.u32 v9, v11  }
0x4bf: {  	v12 =	vadd.s32 s16, v0  }
0x4c0: {  	s15 =	sadd.s32 $0x10, s15  }
0x4c1: {  	v13 =	vmov s15  }
0x4c2: {  	v13 =	vshll.u32 v13, $0x3  }
0x4c3: {  	[tilespmem:v11+s11+$0x0] =	vst.idx.msk $0xffff, v10;
	v10 =	vor.u32 v1, v13  }
0x4c4: {  	s17 =	sadd.s32 $0x10, s16;
	v10 =	vor.u32 v9, v10;
	v11 =	vld.idx.msk [tilespmem:v12+s2+$0x0], $0xffff  }
0x4c5: {  	v49 =	vadd.s32 s17, v0;
	_ =	sdelay $0x3  }
0x4c6: {  	[tilespmem:v10+s11+$0x0] =	vst.idx.msk $0xffff, v11;
	v10 =	vor.u32 v8, v13  }
0x4c7: {  	s18 =	sadd.s32 $0x20, s16;
	v11 =	vld.idx.msk [tilespmem:v49+s2+$0x0], $0xffff;
	v10 =	vor.u32 v9, v10  }
0x4c8: {  	v50 =	vadd.s32 s18, v0;
	_ =	sdelay $0x3  }
0x4c9: {  	[tilespmem:v10+s11+$0x0] =	vst.idx.msk $0xffff, v11;
	v10 =	vor.u32 v7, v13  }
0x4ca: {  	s17 =	sadd.s32 $0x30, s16;
	v11 =	vld.idx.msk [tilespmem:v50+s2+$0x0], $0xffff;
	v10 =	vor.u32 v9, v10  }
0x4cb: {  	v51 =	vadd.s32 s17, v0;
	_ =	sdelay $0x3  }
0x4cc: {  	[tilespmem:v10+s11+$0x0] =	vst.idx.msk $0xffff, v11;
	v10 =	vor.u32 v6, v13  }
0x4cd: {  	s18 =	sadd.s32 $0x40, s16;
	v11 =	vld.idx.msk [tilespmem:v51+s2+$0x0], $0xffff;
	v10 =	vor.u32 v9, v10  }
0x4ce: {  	v52 =	vadd.s32 s18, v0;
	_ =	sdelay $0x3  }
0x4cf: {  	[tilespmem:v10+s11+$0x0] =	vst.idx.msk $0xffff, v11;
	v10 =	vor.u32 v5, v13  }
0x4d0: {  	s17 =	sadd.s32 $0x50, s16;
	v11 =	vld.idx.msk [tilespmem:v52+s2+$0x0], $0xffff;
	v10 =	vor.u32 v9, v10  }
0x4d1: {  	v53 =	vadd.s32 s17, v0;
	_ =	sdelay $0x3  }
0x4d2: {  	[tilespmem:v10+s11+$0x0] =	vst.idx.msk $0xffff, v11;
	v10 =	vor.u32 v4, v13  }
0x4d3: {  	s18 =	sadd.s32 $0x60, s16;
	v11 =	vld.idx.msk [tilespmem:v53+s2+$0x0], $0xffff;
	v10 =	vor.u32 v9, v10  }
0x4d4: {  	v54 =	vadd.s32 s18, v0;
	_ =	sdelay $0x3  }
0x4d5: {  	[tilespmem:v10+s11+$0x0] =	vst.idx.msk $0xffff, v11;
	v10 =	vor.u32 v3, v13  }
0x4d6: {  	s17 =	sadd.s32 $0x70, s16;
	v11 =	vld.idx.msk [tilespmem:v54+s2+$0x0], $0xffff;
	v10 =	vor.u32 v9, v10  }
0x4d7: {  	v55 =	vadd.s32 s17, v0;
	_ =	sdelay $0x3  }
0x4d8: {  	[tilespmem:v10+s11+$0x0] =	vst.idx.msk $0xffff, v11;
	v10 =	vor.u32 v2, v13  }
0x4d9: {  	v11 =	vld.idx.msk [tilespmem:v55+s2+$0x0], $0xffff;
	v10 =	vor.u32 v9, v10;
	_ =	sdelay $0x4  }
0x4da: {  	s15 =	simm.s32 $0x0;
	[tilespmem:v10+s11+$0x0] =	vst.idx.msk $0xffff, v11  }
0x4db: {  	[hbm4b:s21+s15] =	stream.linear.scatter [tilespmem:s11], [sflag:$0x2], $0x4000, $0x38;
	[tilespmem:$0x10010] =	vst v63  }
0x4dc: {  	_ =	swait.ge [sflag:s9], $0x4008  }
0x4dd: {  	s16 =	sadd.s32 $0x0, s4;
	[sflag:s9] =	ssyncset.done $0x0  }
0x4de: {  	v10 =	vadd.s32 s16, v0;
	[sflag:s9] =	ssyncadd.s32 $0xFFFFBFF8  }
0x4df: {  	[tilespmem:s15], [sflag:$0x1] =	stream.linear.gather [hbm4b:s7+s15], $0x4008, $0x38;
	[tilespmem:$0x10010] =	vst v63  }
0x4e0: {  	v11 =	vmov s15;
	_ =	swait.ge [sflag:s13], $0x4000  }
0x4e1: {  	v11 =	vshll.u32 v11, $0x3;
	[sflag:s13] =	ssyncset.done $0x0  }
0x4e2: {  	v56 =	vor.u32 v1, v11;
	[sflag:s13] =	ssyncadd.s32 $0xFFFFC000  }
0x4e3: {  	s17 =	sadd.s32 $0x10, s16;
	v12 =	vor.u32 v9, v56;
	v10 =	vld.idx.msk [tilespmem:v10+s10+$0x0], $0xffff  }
0x4e4: {  	v57 =	vadd.s32 s17, v0;
	_ =	sdelay $0x3  }
0x4e5: {  	[tilespmem:v12+s12+$0x0] =	vst.idx.msk $0xffff, v10;
	v10 =	vor.u32 v8, v11  }
0x4e6: {  	s18 =	sadd.s32 $0x20, s16;
	v12 =	vld.idx.msk [tilespmem:v57+s10+$0x0], $0xffff;
	v10 =	vor.u32 v9, v10  }
0x4e7: {  	v58 =	vadd.s32 s18, v0;
	_ =	sdelay $0x3  }
0x4e8: {  	[tilespmem:v10+s12+$0x0] =	vst.idx.msk $0xffff, v12;
	v10 =	vor.u32 v7, v11  }
0x4e9: {  	s18 =	sadd.s32 $0x30, s16;
	v12 =	vld.idx.msk [tilespmem:v58+s10+$0x0], $0xffff;
	v10 =	vor.u32 v9, v10  }
0x4ea: {  	v59 =	vadd.s32 s18, v0;
	_ =	sdelay $0x3  }
0x4eb: {  	[tilespmem:v10+s12+$0x0] =	vst.idx.msk $0xffff, v12;
	v10 =	vor.u32 v6, v11  }
0x4ec: {  	s18 =	sadd.s32 $0x40, s16;
	v12 =	vld.idx.msk [tilespmem:v59+s10+$0x0], $0xffff;
	v10 =	vor.u32 v9, v10  }
0x4ed: {  	v60 =	vadd.s32 s18, v0;
	_ =	sdelay $0x3  }
0x4ee: {  	[tilespmem:v10+s12+$0x0] =	vst.idx.msk $0xffff, v12;
	v10 =	vor.u32 v5, v11  }
0x4ef: {  	s18 =	sadd.s32 $0x50, s16;
	v12 =	vld.idx.msk [tilespmem:v60+s10+$0x0], $0xffff;
	v10 =	vor.u32 v9, v10  }
0x4f0: {  	v61 =	vadd.s32 s18, v0;
	_ =	sdelay $0x3  }
0x4f1: {  	[tilespmem:v10+s12+$0x0] =	vst.idx.msk $0xffff, v12;
	v10 =	vor.u32 v4, v11  }
0x4f2: {  	s18 =	sadd.s32 $0x60, s16;
	v12 =	vld.idx.msk [tilespmem:v61+s10+$0x0], $0xffff;
	v10 =	vor.u32 v9, v10  }
0x4f3: {  	v62 =	vadd.s32 s18, v0;
	_ =	sdelay $0x3  }
0x4f4: {  	[tilespmem:v10+s12+$0x0] =	vst.idx.msk $0xffff, v12;
	v10 =	vor.u32 v3, v11  }
0x4f5: {  	s16 =	sadd.s32 $0x70, s16;
	v12 =	vld.idx.msk [tilespmem:v62+s10+$0x0], $0xffff;
	v10 =	vor.u32 v9, v10  }
0x4f6: {  	v63 =	vadd.s32 s16, v0;
	_ =	sdelay $0x3  }
0x4f7: {  	v11 =	vor.u32 v2, v11;
	[tilespmem:v10+s12+$0x0] =	vst.idx.msk $0xffff, v12  }
0x4f8: {  	s17 =	simm.s32 $0x100;
	s16 =	sadd.s32 $0x80, s4;
	v11 =	vor.u32 v9, v11;
	v10 =	vld.idx.msk [tilespmem:v63+s10+$0x0], $0xffff  }
.LBB2_28:
0x4f9: {  	p0 =	sne.s32 s17, $0x3F80;
	v12 =	vadd.s32 s16, v0;
	_ =	sdelay $0x1  }
0x4fa: {  	s15 =	sadd.s32 $0x10, s15  }
0x4fb: {  	v13 =	vmov s15  }
0x4fc: {  	v13 =	vshll.u32 v13, $0x3;
	[tilespmem:v11+s12+$0x0] =	vst.idx.msk $0xffff, v10  }
0x4fd: {  	v11 =	vor.u32 v1, v13;
	v10 =	vld.idx.msk [tilespmem:v12+s10+$0x0], $0xffff  }
0x4fe: {  	s18 =	sadd.s32 $0x10, s16;
	v11 =	vor.u32 v9, v11  }
0x4ff: {  	v12 =	vadd.s32 s18, v0;
	_ =	sdelay $0x3  }
0x500: {  	[tilespmem:v11+s12+$0x0] =	vst.idx.msk $0xffff, v10  }
0x501: {  	v11 =	vor.u32 v8, v13;
	v10 =	vld.idx.msk [tilespmem:v12+s10+$0x0], $0xffff  }
0x502: {  	s18 =	sadd.s32 $0x20, s16;
	v11 =	vor.u32 v9, v11  }
0x503: {  	v12 =	vadd.s32 s18, v0;
	_ =	sdelay $0x3  }
0x504: {  	[tilespmem:v11+s12+$0x0] =	vst.idx.msk $0xffff, v10  }
0x505: {  	v11 =	vor.u32 v7, v13;
	v10 =	vld.idx.msk [tilespmem:v12+s10+$0x0], $0xffff  }
0x506: {  	s18 =	sadd.s32 $0x30, s16;
	v11 =	vor.u32 v9, v11  }
0x507: {  	v12 =	vadd.s32 s18, v0;
	_ =	sdelay $0x3  }
0x508: {  	[tilespmem:v11+s12+$0x0] =	vst.idx.msk $0xffff, v10  }
0x509: {  	v11 =	vor.u32 v6, v13;
	v10 =	vld.idx.msk [tilespmem:v12+s10+$0x0], $0xffff  }
0x50a: {  	s18 =	sadd.s32 $0x40, s16;
	v11 =	vor.u32 v9, v11  }
0x50b: {  	v12 =	vadd.s32 s18, v0;
	_ =	sdelay $0x3  }
0x50c: {  	[tilespmem:v11+s12+$0x0] =	vst.idx.msk $0xffff, v10  }
0x50d: {  	v11 =	vor.u32 v5, v13;
	v10 =	vld.idx.msk [tilespmem:v12+s10+$0x0], $0xffff  }
0x50e: {  	s18 =	sadd.s32 $0x50, s16;
	v11 =	vor.u32 v9, v11  }
0x50f: {  	v12 =	vadd.s32 s18, v0;
	_ =	sdelay $0x3  }
0x510: {  	[tilespmem:v11+s12+$0x0] =	vst.idx.msk $0xffff, v10  }
0x511: {  	v11 =	vor.u32 v4, v13;
	v10 =	vld.idx.msk [tilespmem:v12+s10+$0x0], $0xffff  }
0x512: {  	s18 =	sadd.s32 $0x60, s16;
	v11 =	vor.u32 v9, v11  }
0x513: {  	v12 =	vadd.s32 s18, v0;
	_ =	sdelay $0x3  }
0x514: {  	[tilespmem:v11+s12+$0x0] =	vst.idx.msk $0xffff, v10  }
0x515: {  	v11 =	vor.u32 v3, v13;
	v10 =	vld.idx.msk [tilespmem:v12+s10+$0x0], $0xffff  }
0x516: {  	s16 =	sadd.s32 $0x70, s16;
	v11 =	vor.u32 v9, v11  }
0x517: {  	v12 =	vadd.s32 s16, v0;
	_ =	sdelay $0x1  }
.Ltmp13:
0x518: {  	(pc) =	sbr.rel @p0 .LBB2_28-.Ltmp13, $4  }
0x519: {  	_ = 	snop  }
0x51a: {  	[tilespmem:v11+s12+$0x0] =	vst.idx.msk $0xffff, v10  }
0x51b: {  	v11 =	vor.u32 v2, v13;
	v10 =	vld.idx.msk [tilespmem:v12+s10+$0x0], $0xffff  }
0x51c: {  	s16 =	sadd.s32 s17, s4;
	s17 =	sadd.s32 $0x80, s17;
	v11 =	vor.u32 v9, v11  }
0x51d: {  	v12 =	vadd.s32 s16, v0  }
0x51e: {  	s15 =	sadd.s32 $0x10, s15  }
0x51f: {  	v13 =	vmov s15  }
0x520: {  	v13 =	vshll.u32 v13, $0x3  }
0x521: {  	[tilespmem:v11+s12+$0x0] =	vst.idx.msk $0xffff, v10;
	v10 =	vor.u32 v1, v13  }
0x522: {  	s17 =	sadd.s32 $0x10, s16;
	v10 =	vor.u32 v9, v10;
	v11 =	vld.idx.msk [tilespmem:v12+s10+$0x0], $0xffff  }
0x523: {  	v49 =	vadd.s32 s17, v0;
	_ =	sdelay $0x3  }
0x524: {  	[tilespmem:v10+s12+$0x0] =	vst.idx.msk $0xffff, v11;
	v10 =	vor.u32 v8, v13  }
0x525: {  	s18 =	sadd.s32 $0x20, s16;
	v11 =	vld.idx.msk [tilespmem:v49+s10+$0x0], $0xffff;
	v10 =	vor.u32 v9, v10  }
0x526: {  	v50 =	vadd.s32 s18, v0;
	_ =	sdelay $0x3  }
0x527: {  	[tilespmem:v10+s12+$0x0] =	vst.idx.msk $0xffff, v11;
	v10 =	vor.u32 v7, v13  }
0x528: {  	s17 =	sadd.s32 $0x30, s16;
	v11 =	vld.idx.msk [tilespmem:v50+s10+$0x0], $0xffff;
	v10 =	vor.u32 v9, v10  }
0x529: {  	v51 =	vadd.s32 s17, v0;
	_ =	sdelay $0x3  }
0x52a: {  	[tilespmem:v10+s12+$0x0] =	vst.idx.msk $0xffff, v11;
	v10 =	vor.u32 v6, v13  }
0x52b: {  	s18 =	sadd.s32 $0x40, s16;
	v11 =	vld.idx.msk [tilespmem:v51+s10+$0x0], $0xffff;
	v10 =	vor.u32 v9, v10  }
0x52c: {  	v52 =	vadd.s32 s18, v0;
	_ =	sdelay $0x3  }
0x52d: {  	[tilespmem:v10+s12+$0x0] =	vst.idx.msk $0xffff, v11;
	v10 =	vor.u32 v5, v13  }
0x52e: {  	s17 =	sadd.s32 $0x50, s16;
	v11 =	vld.idx.msk [tilespmem:v52+s10+$0x0], $0xffff;
	v10 =	vor.u32 v9, v10  }
0x52f: {  	v53 =	vadd.s32 s17, v0;
	_ =	sdelay $0x3  }
0x530: {  	[tilespmem:v10+s12+$0x0] =	vst.idx.msk $0xffff, v11;
	v10 =	vor.u32 v4, v13  }
0x531: {  	s18 =	sadd.s32 $0x60, s16;
	v11 =	vld.idx.msk [tilespmem:v53+s10+$0x0], $0xffff;
	v10 =	vor.u32 v9, v10  }
0x532: {  	v54 =	vadd.s32 s18, v0;
	_ =	sdelay $0x3  }
0x533: {  	[tilespmem:v10+s12+$0x0] =	vst.idx.msk $0xffff, v11;
	v10 =	vor.u32 v3, v13  }
0x534: {  	s17 =	sadd.s32 $0x70, s16;
	v11 =	vld.idx.msk [tilespmem:v54+s10+$0x0], $0xffff;
	v10 =	vor.u32 v9, v10  }
0x535: {  	v55 =	vadd.s32 s17, v0;
	_ =	sdelay $0x3  }
0x536: {  	[tilespmem:v10+s12+$0x0] =	vst.idx.msk $0xffff, v11;
	v10 =	vor.u32 v2, v13  }
0x537: {  	v11 =	vld.idx.msk [tilespmem:v55+s10+$0x0], $0xffff;
	v10 =	vor.u32 v9, v10;
	_ =	sdelay $0x4  }
0x538: {  	s15 =	simm.s32 $0x0;
	[tilespmem:v10+s12+$0x0] =	vst.idx.msk $0xffff, v11  }
0x539: {  	[hbm4b:s22+s15] =	stream.linear.scatter [tilespmem:s12], [sflag:$0x2], $0x4000, $0x38;
	[tilespmem:$0x10010] =	vst v63  }
0x53a: {  	_ =	swait.ge [sflag:s9], $0x4008  }
0x53b: {  	s16 =	sadd.s32 $0x0, s4;
	[sflag:s9] =	ssyncset.done $0x0  }
0x53c: {  	v10 =	vadd.s32 s16, v0;
	[sflag:s9] =	ssyncadd.s32 $0xFFFFBFF8  }
0x53d: {  	[tilespmem:s10], [sflag:$0x1] =	stream.linear.gather [hbm4b:s8+s15], $0x4008, $0x38;
	[tilespmem:$0x10010] =	vst v63  }
0x53e: {  	v11 =	vmov s15;
	_ =	swait.ge [sflag:s13], $0x4000  }
0x53f: {  	v11 =	vshll.u32 v11, $0x3;
	[sflag:s13] =	ssyncset.done $0x0  }
0x540: {  	v56 =	vor.u32 v1, v11;
	[sflag:s13] =	ssyncadd.s32 $0xFFFFC000  }
0x541: {  	s17 =	sadd.s32 $0x10, s16;
	v12 =	vor.u32 v9, v56;
	v10 =	vld.idx.msk [tilespmem:v10+s2+$0x0], $0xffff  }
0x542: {  	v57 =	vadd.s32 s17, v0;
	_ =	sdelay $0x3  }
0x543: {  	[tilespmem:v12+s11+$0x0] =	vst.idx.msk $0xffff, v10;
	v10 =	vor.u32 v8, v11  }
0x544: {  	s18 =	sadd.s32 $0x20, s16;
	v12 =	vld.idx.msk [tilespmem:v57+s2+$0x0], $0xffff;
	v10 =	vor.u32 v9, v10  }
0x545: {  	v58 =	vadd.s32 s18, v0;
	_ =	sdelay $0x3  }
0x546: {  	[tilespmem:v10+s11+$0x0] =	vst.idx.msk $0xffff, v12;
	v10 =	vor.u32 v7, v11  }
0x547: {  	s18 =	sadd.s32 $0x30, s16;
	v12 =	vld.idx.msk [tilespmem:v58+s2+$0x0], $0xffff;
	v10 =	vor.u32 v9, v10  }
0x548: {  	v59 =	vadd.s32 s18, v0;
	_ =	sdelay $0x3  }
0x549: {  	[tilespmem:v10+s11+$0x0] =	vst.idx.msk $0xffff, v12;
	v10 =	vor.u32 v6, v11  }
0x54a: {  	s18 =	sadd.s32 $0x40, s16;
	v12 =	vld.idx.msk [tilespmem:v59+s2+$0x0], $0xffff;
	v10 =	vor.u32 v9, v10  }
0x54b: {  	v60 =	vadd.s32 s18, v0;
	_ =	sdelay $0x3  }
0x54c: {  	[tilespmem:v10+s11+$0x0] =	vst.idx.msk $0xffff, v12;
	v10 =	vor.u32 v5, v11  }
0x54d: {  	s18 =	sadd.s32 $0x50, s16;
	v12 =	vld.idx.msk [tilespmem:v60+s2+$0x0], $0xffff;
	v10 =	vor.u32 v9, v10  }
0x54e: {  	v61 =	vadd.s32 s18, v0;
	_ =	sdelay $0x3  }
0x54f: {  	[tilespmem:v10+s11+$0x0] =	vst.idx.msk $0xffff, v12;
	v10 =	vor.u32 v4, v11  }
0x550: {  	s18 =	sadd.s32 $0x60, s16;
	v12 =	vld.idx.msk [tilespmem:v61+s2+$0x0], $0xffff;
	v10 =	vor.u32 v9, v10  }
0x551: {  	v62 =	vadd.s32 s18, v0;
	_ =	sdelay $0x3  }
0x552: {  	[tilespmem:v10+s11+$0x0] =	vst.idx.msk $0xffff, v12;
	v10 =	vor.u32 v3, v11  }
0x553: {  	s16 =	sadd.s32 $0x70, s16;
	v12 =	vld.idx.msk [tilespmem:v62+s2+$0x0], $0xffff;
	v10 =	vor.u32 v9, v10  }
0x554: {  	v63 =	vadd.s32 s16, v0;
	_ =	sdelay $0x3  }
0x555: {  	v11 =	vor.u32 v2, v11;
	[tilespmem:v10+s11+$0x0] =	vst.idx.msk $0xffff, v12  }
0x556: {  	s17 =	simm.s32 $0x100;
	s16 =	sadd.s32 $0x80, s4;
	v11 =	vor.u32 v9, v11;
	v10 =	vld.idx.msk [tilespmem:v63+s2+$0x0], $0xffff  }
.LBB2_30:
0x557: {  	p0 =	sne.s32 s17, $0x3F80;
	v12 =	vadd.s32 s16, v0;
	_ =	sdelay $0x1  }
0x558: {  	s15 =	sadd.s32 $0x10, s15  }
0x559: {  	v13 =	vmov s15  }
0x55a: {  	v13 =	vshll.u32 v13, $0x3;
	[tilespmem:v11+s11+$0x0] =	vst.idx.msk $0xffff, v10  }
0x55b: {  	v11 =	vor.u32 v1, v13;
	v10 =	vld.idx.msk [tilespmem:v12+s2+$0x0], $0xffff  }
0x55c: {  	s18 =	sadd.s32 $0x10, s16;
	v11 =	vor.u32 v9, v11  }
0x55d: {  	v12 =	vadd.s32 s18, v0;
	_ =	sdelay $0x3  }
0x55e: {  	[tilespmem:v11+s11+$0x0] =	vst.idx.msk $0xffff, v10  }
0x55f: {  	v11 =	vor.u32 v8, v13;
	v10 =	vld.idx.msk [tilespmem:v12+s2+$0x0], $0xffff  }
0x560: {  	s18 =	sadd.s32 $0x20, s16;
	v11 =	vor.u32 v9, v11  }
0x561: {  	v12 =	vadd.s32 s18, v0;
	_ =	sdelay $0x3  }
0x562: {  	[tilespmem:v11+s11+$0x0] =	vst.idx.msk $0xffff, v10  }
0x563: {  	v11 =	vor.u32 v7, v13;
	v10 =	vld.idx.msk [tilespmem:v12+s2+$0x0], $0xffff  }
0x564: {  	s18 =	sadd.s32 $0x30, s16;
	v11 =	vor.u32 v9, v11  }
0x565: {  	v12 =	vadd.s32 s18, v0;
	_ =	sdelay $0x3  }
0x566: {  	[tilespmem:v11+s11+$0x0] =	vst.idx.msk $0xffff, v10  }
0x567: {  	v11 =	vor.u32 v6, v13;
	v10 =	vld.idx.msk [tilespmem:v12+s2+$0x0], $0xffff  }
0x568: {  	s18 =	sadd.s32 $0x40, s16;
	v11 =	vor.u32 v9, v11  }
0x569: {  	v12 =	vadd.s32 s18, v0;
	_ =	sdelay $0x3  }
0x56a: {  	[tilespmem:v11+s11+$0x0] =	vst.idx.msk $0xffff, v10  }
0x56b: {  	v11 =	vor.u32 v5, v13;
	v10 =	vld.idx.msk [tilespmem:v12+s2+$0x0], $0xffff  }
0x56c: {  	s18 =	sadd.s32 $0x50, s16;
	v11 =	vor.u32 v9, v11  }
0x56d: {  	v12 =	vadd.s32 s18, v0;
	_ =	sdelay $0x3  }
0x56e: {  	[tilespmem:v11+s11+$0x0] =	vst.idx.msk $0xffff, v10  }
0x56f: {  	v11 =	vor.u32 v4, v13;
	v10 =	vld.idx.msk [tilespmem:v12+s2+$0x0], $0xffff  }
0x570: {  	s18 =	sadd.s32 $0x60, s16;
	v11 =	vor.u32 v9, v11  }
0x571: {  	v12 =	vadd.s32 s18, v0;
	_ =	sdelay $0x3  }
0x572: {  	[tilespmem:v11+s11+$0x0] =	vst.idx.msk $0xffff, v10  }
0x573: {  	v11 =	vor.u32 v3, v13;
	v10 =	vld.idx.msk [tilespmem:v12+s2+$0x0], $0xffff  }
0x574: {  	s16 =	sadd.s32 $0x70, s16;
	v11 =	vor.u32 v9, v11  }
0x575: {  	v12 =	vadd.s32 s16, v0;
	_ =	sdelay $0x1  }
.Ltmp14:
0x576: {  	(pc) =	sbr.rel @p0 .LBB2_30-.Ltmp14, $4  }
0x577: {  	_ = 	snop  }
0x578: {  	[tilespmem:v11+s11+$0x0] =	vst.idx.msk $0xffff, v10  }
0x579: {  	v11 =	vor.u32 v2, v13;
	v10 =	vld.idx.msk [tilespmem:v12+s2+$0x0], $0xffff  }
0x57a: {  	s16 =	sadd.s32 s17, s4;
	s17 =	sadd.s32 $0x80, s17;
	v11 =	vor.u32 v9, v11  }
0x57b: {  	v12 =	vadd.s32 s16, v0  }
0x57c: {  	s15 =	sadd.s32 $0x10, s15  }
0x57d: {  	v13 =	vmov s15  }
0x57e: {  	v13 =	vshll.u32 v13, $0x3  }
0x57f: {  	[tilespmem:v11+s11+$0x0] =	vst.idx.msk $0xffff, v10;
	v10 =	vor.u32 v1, v13  }
0x580: {  	s17 =	sadd.s32 $0x10, s16;
	v10 =	vor.u32 v9, v10;
	v11 =	vld.idx.msk [tilespmem:v12+s2+$0x0], $0xffff  }
0x581: {  	v49 =	vadd.s32 s17, v0;
	_ =	sdelay $0x3  }
0x582: {  	[tilespmem:v10+s11+$0x0] =	vst.idx.msk $0xffff, v11;
	v10 =	vor.u32 v8, v13  }
0x583: {  	s18 =	sadd.s32 $0x20, s16;
	v11 =	vld.idx.msk [tilespmem:v49+s2+$0x0], $0xffff;
	v10 =	vor.u32 v9, v10  }
0x584: {  	v50 =	vadd.s32 s18, v0;
	_ =	sdelay $0x3  }
0x585: {  	[tilespmem:v10+s11+$0x0] =	vst.idx.msk $0xffff, v11;
	v10 =	vor.u32 v7, v13  }
0x586: {  	s17 =	sadd.s32 $0x30, s16;
	v11 =	vld.idx.msk [tilespmem:v50+s2+$0x0], $0xffff;
	v10 =	vor.u32 v9, v10  }
0x587: {  	v51 =	vadd.s32 s17, v0;
	_ =	sdelay $0x3  }
0x588: {  	[tilespmem:v10+s11+$0x0] =	vst.idx.msk $0xffff, v11;
	v10 =	vor.u32 v6, v13  }
0x589: {  	s18 =	sadd.s32 $0x40, s16;
	v11 =	vld.idx.msk [tilespmem:v51+s2+$0x0], $0xffff;
	v10 =	vor.u32 v9, v10  }
0x58a: {  	v52 =	vadd.s32 s18, v0;
	_ =	sdelay $0x3  }
0x58b: {  	[tilespmem:v10+s11+$0x0] =	vst.idx.msk $0xffff, v11;
	v10 =	vor.u32 v5, v13  }
0x58c: {  	s17 =	sadd.s32 $0x50, s16;
	v11 =	vld.idx.msk [tilespmem:v52+s2+$0x0], $0xffff;
	v10 =	vor.u32 v9, v10  }
0x58d: {  	v53 =	vadd.s32 s17, v0;
	_ =	sdelay $0x3  }
0x58e: {  	[tilespmem:v10+s11+$0x0] =	vst.idx.msk $0xffff, v11;
	v10 =	vor.u32 v4, v13  }
0x58f: {  	s18 =	sadd.s32 $0x60, s16;
	v11 =	vld.idx.msk [tilespmem:v53+s2+$0x0], $0xffff;
	v10 =	vor.u32 v9, v10  }
0x590: {  	v54 =	vadd.s32 s18, v0;
	_ =	sdelay $0x3  }
0x591: {  	[tilespmem:v10+s11+$0x0] =	vst.idx.msk $0xffff, v11;
	v10 =	vor.u32 v3, v13  }
0x592: {  	s17 =	sadd.s32 $0x70, s16;
	v11 =	vld.idx.msk [tilespmem:v54+s2+$0x0], $0xffff;
	v10 =	vor.u32 v9, v10  }
0x593: {  	v55 =	vadd.s32 s17, v0;
	_ =	sdelay $0x3  }
0x594: {  	[tilespmem:v10+s11+$0x0] =	vst.idx.msk $0xffff, v11;
	v10 =	vor.u32 v2, v13  }
0x595: {  	v11 =	vld.idx.msk [tilespmem:v55+s2+$0x0], $0xffff;
	v10 =	vor.u32 v9, v10;
	_ =	sdelay $0x4  }
0x596: {  	s15 =	simm.s32 $0x0;
	[tilespmem:v10+s11+$0x0] =	vst.idx.msk $0xffff, v11  }
0x597: {  	[hbm4b:s23+s15] =	stream.linear.scatter [tilespmem:s11], [sflag:$0x2], $0x4000, $0x38;
	[tilespmem:$0x10010] =	vst v63  }
0x598: {  	s16 =	sadd.s32 $0x0, s4;
	_ =	swait.ge [sflag:s9], $0x4008  }
0x599: {  	v10 =	vadd.s32 s16, v0;
	[sflag:s9] =	ssyncset.done $0x0  }
0x59a: {  	[sflag:s9] =	ssyncadd.s32 $0xFFFFBFF8  }
0x59b: {  	v11 =	vmov s15;
	_ =	swait.ge [sflag:s13], $0x4000  }
0x59c: {  	v11 =	vshll.u32 v11, $0x3;
	[sflag:s13] =	ssyncset.done $0x0  }
0x59d: {  	v56 =	vor.u32 v1, v11;
	[sflag:s13] =	ssyncadd.s32 $0xFFFFC000  }
0x59e: {  	s17 =	sadd.s32 $0x10, s16;
	v12 =	vor.u32 v9, v56;
	v10 =	vld.idx.msk [tilespmem:v10+s10+$0x0], $0xffff  }
0x59f: {  	v57 =	vadd.s32 s17, v0;
	_ =	sdelay $0x3  }
0x5a0: {  	[tilespmem:v12+s12+$0x0] =	vst.idx.msk $0xffff, v10;
	v10 =	vor.u32 v8, v11  }
0x5a1: {  	s18 =	sadd.s32 $0x20, s16;
	v12 =	vld.idx.msk [tilespmem:v57+s10+$0x0], $0xffff;
	v10 =	vor.u32 v9, v10  }
0x5a2: {  	v58 =	vadd.s32 s18, v0;
	_ =	sdelay $0x3  }
0x5a3: {  	[tilespmem:v10+s12+$0x0] =	vst.idx.msk $0xffff, v12;
	v10 =	vor.u32 v7, v11  }
0x5a4: {  	s18 =	sadd.s32 $0x30, s16;
	v12 =	vld.idx.msk [tilespmem:v58+s10+$0x0], $0xffff;
	v10 =	vor.u32 v9, v10  }
0x5a5: {  	v59 =	vadd.s32 s18, v0;
	_ =	sdelay $0x3  }
0x5a6: {  	[tilespmem:v10+s12+$0x0] =	vst.idx.msk $0xffff, v12;
	v10 =	vor.u32 v6, v11  }
0x5a7: {  	s18 =	sadd.s32 $0x40, s16;
	v12 =	vld.idx.msk [tilespmem:v59+s10+$0x0], $0xffff;
	v10 =	vor.u32 v9, v10  }
0x5a8: {  	v60 =	vadd.s32 s18, v0;
	_ =	sdelay $0x3  }
0x5a9: {  	[tilespmem:v10+s12+$0x0] =	vst.idx.msk $0xffff, v12;
	v10 =	vor.u32 v5, v11  }
0x5aa: {  	s18 =	sadd.s32 $0x50, s16;
	v12 =	vld.idx.msk [tilespmem:v60+s10+$0x0], $0xffff;
	v10 =	vor.u32 v9, v10  }
0x5ab: {  	v61 =	vadd.s32 s18, v0;
	_ =	sdelay $0x3  }
0x5ac: {  	[tilespmem:v10+s12+$0x0] =	vst.idx.msk $0xffff, v12;
	v10 =	vor.u32 v4, v11  }
0x5ad: {  	s18 =	sadd.s32 $0x60, s16;
	v12 =	vld.idx.msk [tilespmem:v61+s10+$0x0], $0xffff;
	v10 =	vor.u32 v9, v10  }
0x5ae: {  	v62 =	vadd.s32 s18, v0;
	_ =	sdelay $0x3  }
0x5af: {  	[tilespmem:v10+s12+$0x0] =	vst.idx.msk $0xffff, v12;
	v10 =	vor.u32 v3, v11  }
0x5b0: {  	s16 =	sadd.s32 $0x70, s16;
	v12 =	vld.idx.msk [tilespmem:v62+s10+$0x0], $0xffff;
	v10 =	vor.u32 v9, v10  }
0x5b1: {  	v63 =	vadd.s32 s16, v0;
	_ =	sdelay $0x3  }
0x5b2: {  	v11 =	vor.u32 v2, v11;
	[tilespmem:v10+s12+$0x0] =	vst.idx.msk $0xffff, v12  }
0x5b3: {  	s17 =	simm.s32 $0x100;
	s16 =	sadd.s32 $0x80, s4;
	v11 =	vor.u32 v9, v11;
	v10 =	vld.idx.msk [tilespmem:v63+s10+$0x0], $0xffff  }
.LBB2_32:
0x5b4: {  	p0 =	sne.s32 s17, $0x3F80;
	v12 =	vadd.s32 s16, v0;
	_ =	sdelay $0x1  }
0x5b5: {  	s15 =	sadd.s32 $0x10, s15  }
0x5b6: {  	v13 =	vmov s15  }
0x5b7: {  	v13 =	vshll.u32 v13, $0x3;
	[tilespmem:v11+s12+$0x0] =	vst.idx.msk $0xffff, v10  }
0x5b8: {  	v11 =	vor.u32 v1, v13;
	v10 =	vld.idx.msk [tilespmem:v12+s10+$0x0], $0xffff  }
0x5b9: {  	s18 =	sadd.s32 $0x10, s16;
	v11 =	vor.u32 v9, v11  }
0x5ba: {  	v12 =	vadd.s32 s18, v0;
	_ =	sdelay $0x3  }
0x5bb: {  	[tilespmem:v11+s12+$0x0] =	vst.idx.msk $0xffff, v10  }
0x5bc: {  	v11 =	vor.u32 v8, v13;
	v10 =	vld.idx.msk [tilespmem:v12+s10+$0x0], $0xffff  }
0x5bd: {  	s18 =	sadd.s32 $0x20, s16;
	v11 =	vor.u32 v9, v11  }
0x5be: {  	v12 =	vadd.s32 s18, v0;
	_ =	sdelay $0x3  }
0x5bf: {  	[tilespmem:v11+s12+$0x0] =	vst.idx.msk $0xffff, v10  }
0x5c0: {  	v11 =	vor.u32 v7, v13;
	v10 =	vld.idx.msk [tilespmem:v12+s10+$0x0], $0xffff  }
0x5c1: {  	s18 =	sadd.s32 $0x30, s16;
	v11 =	vor.u32 v9, v11  }
0x5c2: {  	v12 =	vadd.s32 s18, v0;
	_ =	sdelay $0x3  }
0x5c3: {  	[tilespmem:v11+s12+$0x0] =	vst.idx.msk $0xffff, v10  }
0x5c4: {  	v11 =	vor.u32 v6, v13;
	v10 =	vld.idx.msk [tilespmem:v12+s10+$0x0], $0xffff  }
0x5c5: {  	s18 =	sadd.s32 $0x40, s16;
	v11 =	vor.u32 v9, v11  }
0x5c6: {  	v12 =	vadd.s32 s18, v0;
	_ =	sdelay $0x3  }
0x5c7: {  	[tilespmem:v11+s12+$0x0] =	vst.idx.msk $0xffff, v10  }
0x5c8: {  	v11 =	vor.u32 v5, v13;
	v10 =	vld.idx.msk [tilespmem:v12+s10+$0x0], $0xffff  }
0x5c9: {  	s18 =	sadd.s32 $0x50, s16;
	v11 =	vor.u32 v9, v11  }
0x5ca: {  	v12 =	vadd.s32 s18, v0;
	_ =	sdelay $0x3  }
0x5cb: {  	[tilespmem:v11+s12+$0x0] =	vst.idx.msk $0xffff, v10  }
0x5cc: {  	v11 =	vor.u32 v4, v13;
	v10 =	vld.idx.msk [tilespmem:v12+s10+$0x0], $0xffff  }
0x5cd: {  	s18 =	sadd.s32 $0x60, s16;
	v11 =	vor.u32 v9, v11  }
0x5ce: {  	v12 =	vadd.s32 s18, v0;
	_ =	sdelay $0x3  }
0x5cf: {  	[tilespmem:v11+s12+$0x0] =	vst.idx.msk $0xffff, v10  }
0x5d0: {  	v11 =	vor.u32 v3, v13;
	v10 =	vld.idx.msk [tilespmem:v12+s10+$0x0], $0xffff  }
0x5d1: {  	s16 =	sadd.s32 $0x70, s16;
	v11 =	vor.u32 v9, v11  }
0x5d2: {  	v12 =	vadd.s32 s16, v0;
	_ =	sdelay $0x1  }
.Ltmp15:
0x5d3: {  	(pc) =	sbr.rel @p0 .LBB2_32-.Ltmp15, $4  }
0x5d4: {  	_ = 	snop  }
0x5d5: {  	[tilespmem:v11+s12+$0x0] =	vst.idx.msk $0xffff, v10  }
0x5d6: {  	v11 =	vor.u32 v2, v13;
	v10 =	vld.idx.msk [tilespmem:v12+s10+$0x0], $0xffff  }
0x5d7: {  	s16 =	sadd.s32 s17, s4;
	s17 =	sadd.s32 $0x80, s17;
	v11 =	vor.u32 v9, v11  }
0x5d8: {  	v12 =	vadd.s32 s16, v0  }
0x5d9: {  	s15 =	sadd.s32 $0x10, s15  }
0x5da: {  	v13 =	vmov s15  }
0x5db: {  	v13 =	vshll.u32 v13, $0x3  }
0x5dc: {  	[tilespmem:v11+s12+$0x0] =	vst.idx.msk $0xffff, v10;
	v10 =	vor.u32 v1, v13  }
0x5dd: {  	s18 =	sadd.s32 $0x10, s16;
	v10 =	vor.u32 v9, v10;
	v11 =	vld.idx.msk [tilespmem:v12+s10+$0x0], $0xffff  }
0x5de: {  	v57 =	vadd.s32 s18, v0;
	_ =	sdelay $0x3  }
0x5df: {  	[tilespmem:v10+s12+$0x0] =	vst.idx.msk $0xffff, v11;
	v10 =	vor.u32 v8, v13  }
0x5e0: {  	s17 =	sadd.s32 $0x20, s16;
	v11 =	vld.idx.msk [tilespmem:v57+s10+$0x0], $0xffff;
	v10 =	vor.u32 v9, v10  }
0x5e1: {  	v58 =	vadd.s32 s17, v0;
	_ =	sdelay $0x3  }
0x5e2: {  	[tilespmem:v10+s12+$0x0] =	vst.idx.msk $0xffff, v11;
	v10 =	vor.u32 v7, v13  }
0x5e3: {  	s18 =	sadd.s32 $0x30, s16;
	v11 =	vld.idx.msk [tilespmem:v58+s10+$0x0], $0xffff;
	v10 =	vor.u32 v9, v10  }
0x5e4: {  	v59 =	vadd.s32 s18, v0;
	_ =	sdelay $0x3  }
0x5e5: {  	[tilespmem:v10+s12+$0x0] =	vst.idx.msk $0xffff, v11;
	v10 =	vor.u32 v6, v13  }
0x5e6: {  	s17 =	sadd.s32 $0x40, s16;
	v11 =	vld.idx.msk [tilespmem:v59+s10+$0x0], $0xffff;
	v10 =	vor.u32 v9, v10  }
0x5e7: {  	v60 =	vadd.s32 s17, v0;
	_ =	sdelay $0x3  }
0x5e8: {  	[tilespmem:v10+s12+$0x0] =	vst.idx.msk $0xffff, v11;
	v10 =	vor.u32 v5, v13  }
0x5e9: {  	s18 =	sadd.s32 $0x50, s16;
	v11 =	vld.idx.msk [tilespmem:v60+s10+$0x0], $0xffff;
	v10 =	vor.u32 v9, v10  }
0x5ea: {  	v61 =	vadd.s32 s18, v0;
	_ =	sdelay $0x3  }
0x5eb: {  	[tilespmem:v10+s12+$0x0] =	vst.idx.msk $0xffff, v11;
	v10 =	vor.u32 v4, v13  }
0x5ec: {  	s17 =	sadd.s32 $0x60, s16;
	v11 =	vld.idx.msk [tilespmem:v61+s10+$0x0], $0xffff;
	v10 =	vor.u32 v9, v10  }
0x5ed: {  	v62 =	vadd.s32 s17, v0;
	_ =	sdelay $0x3  }
0x5ee: {  	[tilespmem:v10+s12+$0x0] =	vst.idx.msk $0xffff, v11;
	v10 =	vor.u32 v3, v13  }
0x5ef: {  	s18 =	sadd.s32 $0x70, s16;
	v11 =	vld.idx.msk [tilespmem:v62+s10+$0x0], $0xffff;
	v10 =	vor.u32 v9, v10  }
0x5f0: {  	v63 =	vadd.s32 s18, v0;
	_ =	sdelay $0x3  }
0x5f1: {  	[tilespmem:v10+s12+$0x0] =	vst.idx.msk $0xffff, v11;
	v10 =	vor.u32 v2, v13  }
0x5f2: {  	v11 =	vld.idx.msk [tilespmem:v63+s10+$0x0], $0xffff;
	v10 =	vor.u32 v9, v10;
	_ =	sdelay $0x4  }
0x5f3: {  	s14 =	sadd.s32 $0x1, s14;
	[tilespmem:v10+s12+$0x0] =	vst.idx.msk $0xffff, v11  }
0x5f4: {  	[hbm4b:s24+s2] =	stream.linear.scatter [tilespmem:s12], [sflag:$0x2], $0x4000, $0x38;
	[tilespmem:$0x10010] =	vst v63  }
0x5f5: {  	p0 =	sne.s32 s14, s25;
	_ =	swait.ge [sflag:s13], $0x4000  }
.Ltmp16:
0x5f6: {  	[sflag:s13] =	ssyncset.done $0x0;
	(pc) =	sbr.rel @p0 .LBB2_1-.Ltmp16, $4  }
0x5f7: {  	[sflag:s13] =	ssyncadd.s32 $0xFFFFC000  }
0x5f8: {  	_ =	swait.ge [sflag:s13], $0x4000  }
0x5f9: {  	[sflag:s13] =	ssyncset.done $0x0  }
0x5fa: {  	[sflag:s13] =	ssyncadd.s32 $0xFFFFC000  }
0x5fb: {  	_ =	sfence.sel $0x180000  }
0x5fc: {  	[bflag:$0x0] =	sbarrier.arrive $0xFFFF  }
0x5fd: {  	_ =	strace $0x90000047  }
0x5fe: {  	s0 =	stileid.u32;
	[bflag:$0x2] =	sbarrier.arrive $0xFFFF  }
0x5ff: {  	p0 =	sne.s32 s0, $0x0;
	s0 =	rddreg [dreg:$0x2]  }
0x600: {  	s0 =	sadd.s32 @!p0 $0x100000, s0  }
0x601: {  	[sflag:s0] =	ssyncadd.tile.s32 @!p0 $0x1;
	_ =	shalt  }
.Lfunc_end2:
_tile_overlayer_lowered:
.L_overlay_start_2:
0x602: {  	(tag) =	ssettag $0x2  }
0x603: {  	s0 =	rddreg [dreg:$0x0];
	s2 =	stileid.u32  }
0x604: {  	s1 =	rddreg [dreg:$0x1];
	p0 =	sne.s32 s2, $0x0  }
0x605: {  	s3 =	rddreg [dreg:$0x2];
	[bflag:$0x3] =	sbarrier.arrive $0xFFFF;
	s2 =	simm.s32 @!p0 $0x1C03  }
0x606: {  	[timem:s3], [sflag:s2] =	dma.local @!p0 [hbm:s0], s1  }
0x607: {  	s0 =	simm.s32 @!p0 $0x3  }
0x608: {  	_ =	swait.ge @!p0 [sflag:s0], s1  }
0x609: {  	s1 =	ssub.s32 @!p0 $0x0, s1;
	[sflag:s0] =	ssyncset.done @!p0 $0x0  }
0x60a: {  	[sflag:s0] =	ssyncadd.s32 @!p0 s1  }
0x60b: {  	[bflag:$0x3] =	sbarrier.arrive $0xFFFF  }
0x60c: {  	_ =	shalt  }

// kernel: kernel.7.cloned.1.call-start
scs
__scs_entry_jumppad:
0x0: {  	(pc) =	sbr.rel $0x88, $3  }
0x1: {  	(tag) =	ssettag $0x0;
	lr =	simm.s32 $0x1  }
0x2: {  	[smem:$0x3F9D] =	sst lr;
	_ =	strace $0xD0000000  }
0x3: {  	_ = 	snop  }
0x4: {  	_ = 	snop  }
0x5: {  	_ = 	snop  }
0x6: {  	_ = 	snop  }
0x7: {  	_ = 	snop  }
__scs_overlays_trampoline_lowered:
0x8: {  	[smem:$0x3FAC] =	sst s0  }
0x9: {  	[smem:$0x3FAD] =	sst s1  }
0xa: {  	[smem:$0x3FAE] =	sst s2  }
0xb: {  	[smem:$0x3FAF] =	sst s3  }
0xc: {  	[smem:$0x3FB0] =	sst s4  }
0xd: {  	[smem:$0x3FB1] =	sst s5  }
0xe: {  	[smem:$0x3FB2] =	sst s6  }
0xf: {  	[smem:$0x3FB3] =	sst s7  }
0x10: {  	[smem:$0x3FB4] =	sst s8  }
0x11: {  	[smem:$0x3FB5] =	sst s9;
	s0 =	simm.s32 @!p0 $0x0  }
0x12: {  	s1 =	sld [smem:$0x3F9B];
	s0 =	simm.s32 @p0 $0x1  }
0x13: {  	[smem:$0x3FB6] =	sst s0;
	s0 =	simm.s32 @!p1 $0x0  }
0x14: {  	s2 =	sld [smem:$0x3F9A];
	s0 =	simm.s32 @p1 $0x1  }
0x15: {  	[smem:$0x3FB7] =	sst s0;
	s0 =	simm.s32 @!p2 $0x0  }
0x16: {  	s3 =	sld [smem:$0x3FDB];
	s0 =	simm.s32 @p2 $0x1  }
0x17: {  	s4 =	simm.s32 $0x1BF5;
	[smem:$0x3FB9] =	sst s0  }
0x18: {  	s0 =	sld [smem:$0x3F9C];
	_ =	swait.ge [sflag:s4], $0x0  }
0x19: {  	s7 =	sld [smem:$0x3F9D]  }
0x1a: {  	s8 =	sadd.s32 $0xFFFFE003, lr  }
0x1b: {  	s9 =	sadd.s32 $0xFFFFFEF7, lr;
	s5 =	simm.s32 $0xFFFFFFFF;
	p2 =	slt.u32 s8, $0xFFFFF086  }
0x1c: {  	p1 =	slt.u32 s9, $0xF7A;
	s5 =	simm.s32 @!p2 $0x0  }
0x1d: {  	s5 =	simm.s32 @p1 $0x1;
	p0 =	seq.s32 s7, s2  }
0x1e: {  	s7 =	smul.u32 @!p0 $0xF7A, s2;
	p2 =	seq.s32 @!p0 s5, $0x0  }
0x1f: {  	s9 =	smul.u32 $0xF7A, s1;
	s8 =	simm.s32 @!p0 $0x1BF5;
	p2 =	por !p2, p0  }
0x20: {  	[sflag:s8] =	ssyncset.s32 @!p0 $0xFFFFF086;
	s6 =	sadd.s32 @!p0 s3, s7;
	s7 =	simm.s32 @!p0 $0x108  }
0x21: {  	s3 =	sadd.s32 s3, s9;
	s6 =	sadd.s32 @!p0 $0x88, s6;
	s7 =	simm.s32 @p2 $0x1082  }
0x22: {  	[simem:s7], [sflag:s8] =	dma.local @!p0 [hbm:s6], $0xF7A  }
0x23: {  	s9 =	sor.u32 $0xD0000000, s2;
	s6 =	simm.s32 $0x108;
	_ =	swait.ge @!p0 [sflag:s8], $0x0  }
0x24: {  	s3 =	sadd.s32 $0x88, s3;
	s6 =	simm.s32 @!p1 $0x1082;
	[sflag:s4] =	ssyncset.s32 $0xFFFFF086  }
0x25: {  	[simem:s6], [sflag:s4] =	dma.local [hbm:s3], $0xF7A  }
0x26: {  	[smem:$0x3F9D] =	sst s1;
	(tag) =	ssettag s2;
	_ =	strace s9  }
0x27: {  	s1 =	sld [smem:$0x3FAD]  }
0x28: {  	s2 =	sld [smem:$0x3FAE]  }
0x29: {  	s4 =	sld [smem:$0x3FB0]  }
0x2a: {  	p0 =	seq.s32 s5, $0x0;
	s5 =	sld [smem:$0x3FB1]  }
0x2b: {  	s6 =	sld [smem:$0x3FB2]  }
0x2c: {  	s7 =	sld [smem:$0x3FB3]  }
0x2d: {  	s3 =	simm.s32 $0x108;
	s8 =	sld [smem:$0x3FB4]  }
0x2e: {  	s3 =	simm.s32 @!p0 $0x1082;
	s9 =	sld [smem:$0x3FB5]  }
0x2f: {  	lr =	sadd.s32 s0, s3;
	s0 =	sld [smem:$0x3FAC]  }
0x30: {  	s3 =	sld [smem:$0x3FAF]  }
0x31: {  	[smem:$0x3FB8] =	sst s10  }
0x32: {  	s10 =	sld [smem:$0x3FB6];
	_ =	sdelay $0x3  }
0x33: {  	p0 =	seq.s32 s10, $0x1;
	s10 =	sld [smem:$0x3FB8];
	_ =	sdelay $0x3  }
0x34: {  	[smem:$0x3FB8] =	sst s10  }
0x35: {  	s10 =	sld [smem:$0x3FB7];
	_ =	sdelay $0x3  }
0x36: {  	p1 =	seq.s32 s10, $0x1;
	s10 =	sld [smem:$0x3FB8];
	_ =	sdelay $0x3  }
0x37: {  	[smem:$0x3FB8] =	sst s10  }
0x38: {  	s10 =	sld [smem:$0x3FB9]  }
0x39: {  	_ = 	snop;
	(pc) =	sbr.ind lr, $3  }
0x3a: {  	_ = 	snop  }
0x3b: {  	_ = 	snop  }
0x3c: {  	p2 =	seq.s32 s10, $0x1;
	s10 =	sld [smem:$0x3FB8]  }
0x3d: {  	_ =	shalt  }
0x3e: {  	_ =	shalt  }
0x3f: {  	_ =	shalt  }
0x40: {  	_ =	shalt  }
0x41: {  	_ =	shalt  }
0x42: {  	_ =	shalt  }
0x43: {  	_ =	shalt  }
0x44: {  	_ =	shalt  }
0x45: {  	_ =	shalt  }
0x46: {  	_ =	shalt  }
0x47: {  	_ =	shalt  }
0x48: {  	_ =	shalt  }
0x49: {  	_ =	shalt  }
0x4a: {  	_ =	shalt  }
0x4b: {  	_ =	shalt  }
0x4c: {  	_ =	shalt  }
0x4d: {  	_ =	shalt  }
0x4e: {  	_ =	shalt  }
0x4f: {  	_ =	shalt  }
0x50: {  	_ =	shalt  }
0x51: {  	_ =	shalt  }
0x52: {  	_ =	shalt  }
0x53: {  	_ =	shalt  }
0x54: {  	_ =	shalt  }
0x55: {  	_ =	shalt  }
0x56: {  	_ =	shalt  }
0x57: {  	_ =	shalt  }
0x58: {  	_ =	shalt  }
0x59: {  	_ =	shalt  }
0x5a: {  	_ =	shalt  }
0x5b: {  	_ =	shalt  }
0x5c: {  	_ =	shalt  }
0x5d: {  	_ =	shalt  }
0x5e: {  	_ =	shalt  }
0x5f: {  	_ =	shalt  }
0x60: {  	_ =	shalt  }
0x61: {  	_ =	shalt  }
0x62: {  	_ =	shalt  }
0x63: {  	_ =	shalt  }
0x64: {  	_ =	shalt  }
0x65: {  	_ =	shalt  }
0x66: {  	_ =	shalt  }
0x67: {  	_ =	shalt  }
0x68: {  	_ =	shalt  }
0x69: {  	_ =	shalt  }
0x6a: {  	_ =	shalt  }
0x6b: {  	_ =	shalt  }
0x6c: {  	_ =	shalt  }
0x6d: {  	_ =	shalt  }
0x6e: {  	_ =	shalt  }
0x6f: {  	_ =	shalt  }
0x70: {  	_ =	shalt  }
0x71: {  	_ =	shalt  }
0x72: {  	_ =	shalt  }
0x73: {  	_ =	shalt  }
0x74: {  	_ =	shalt  }
0x75: {  	_ =	shalt  }
0x76: {  	_ =	shalt  }
0x77: {  	_ =	shalt  }
0x78: {  	_ =	shalt  }
0x79: {  	_ =	shalt  }
0x7a: {  	_ =	shalt  }
0x7b: {  	_ =	shalt  }
0x7c: {  	_ =	shalt  }
0x7d: {  	_ =	shalt  }
0x7e: {  	_ =	shalt  }
0x7f: {  	_ =	shalt  }
0x80: {  	_ =	shalt  }
0x81: {  	_ =	shalt  }
0x82: {  	_ =	shalt  }
0x83: {  	_ =	shalt  }
0x84: {  	_ =	shalt  }
0x85: {  	_ =	shalt  }
0x86: {  	_ =	shalt  }
0x87: {  	_ =	shalt  }
.Lfunc_end0:
.L_simem_size_0:
called_computation.1_lowered:
.L_overlay_start_0:
0x88: {  	s2 =	sld [smem:$0x3FD9]  }
0x89: {  	s3 =	sld [smem:$0x3FFE];
	_ =	sdelay $0x1  }
0x8a: {  	s1 =	srdreg.scid  }
0x8b: {  	s0 =	sand.u32 $0x1, s1  }
0x8c: {  	s17 =	sshll.u32 s0, $0xA;
	s2 =	sadd.s32 s3, s2  }
0x8d: {  	s2 =	sadd.s32 s2, s17  }
0x8e: {  	[smem:$0x3FC4] =	sst s2  }
0x8f: {  	_ = 	snop  }
0x90: {  	s2 =	sld [smem:$0x3FD0];
	(tm) =	ssettm $0x1  }
0x91: {  	s18 =	sld [smem:$0x3FFB];
	_ =	sdelay $0x3  }
0x92: {  	_ =	strace s18  }
0x93: {  	s3 =	sld [smem:$0x3FFC];
	_ =	sdelay $0x3  }
0x94: {  	_ =	strace s3  }
0x95: {  	s3 =	sld [smem:$0x3FFD];
	_ =	sdelay $0x3  }
0x96: {  	_ =	strace s3  }
0x97: {  	_ =	strace $0x8FFFFFFF  }
0x98: {  	s19 =	sld [smem:$0x3FDB];
	_ =	sdelay $0x1  }
0x99: {  	s4 =	simm.s32 $_scs_section_size  }
0x9a: {  	s5 =	simm.s32 $_size__tile_overlayer_lowered;
	s6 =	simm.s32 $_tile_overlayer_lowered  }
0x9b: {  	s22 =	simm.s32 $0x1BFF;
	s21 =	sshll.u32 s6, $0x1;
	s3 =	sadd.s32 s4, s19  }
0x9c: {  	s7 =	simm.s32 $0x0;
	s20 =	sshll.u32 s5, $0x1;
	s5 =	sadd.s32 s21, s3  }
0x9d: {  	[timem:s7], [sflag:s22] =	dma.local [hbm:s5], s20  }
0x9e: {  	_ =	swait.ge [sflag:s22], s20  }
0x9f: {  	s4 =	ssub.s32 $0x0, s20;
	[sflag:s22] =	ssyncset.done $0x0  }
0xa0: {  	[sflag:s22] =	ssyncadd.s32 s4;
	_ =	sdelay $0x1  }
0xa1: {  	s23 =	simm.s32 $0x1B8B  }
0xa2: {  	_ =	swait.ge [sflag:s23], $0x1  }
0xa3: {  	[sflag:s23] =	ssyncset.done $0x0  }
0xa4: {  	s25 =	simm.s32 $0x1B8E;
	s24 =	sld [smem:$0x3FFE];
	[sflag:s23] =	ssyncadd.s32 $0xFFFFFFFF  }
0xa5: {  	s26 =	simm.s32 $execute0_lowered;
	[smem:$0x3FD2] =	sst s25  }
0xa6: {  	s5 =	sshll.u32 s26, $0x1;
	_ =	strace $0x80000049;
	[dreg:$0x1] =	wrdreg $0xFFFFFFFF  }
0xa7: {  	s28 =	simm.s32 $_size_execute0_lowered;
	s3 =	sadd.s32 s3, s5;
	[dreg:$0x0] =	wrdreg $0x0  }
0xa8: {  	s5 =	sshll.u32 s28, $0x1;
	[dreg:$0x2] =	wrdreg s3  }
0xa9: {  	[dreg:$0x3] =	wrdreg s5  }
0xaa: {  	[dreg:$0x4] =	wrdreg $0xC0  }
0xab: {  	_ =	task [dreg:s7], $0x5FFFF  }
0xac: {  	[dreg:$0x1] =	wrdreg $0xFFFFFFFF  }
0xad: {  	[dreg:$0x0] =	wrdreg $0x60  }
0xae: {  	[dreg:$0x2] =	wrdreg s24  }
0xaf: {  	[dreg:$0x3] =	wrdreg s2  }
0xb0: {  	[dreg:$0x4] =	wrdreg $0x9  }
0xb1: {  	_ =	task.clear_ibuf [dreg:s7], $0x5FFFF;
	_ =	strace $0x90000049  }
0xb2: {  	s29 =	simm.s32 $0x9;
	_ =	strace $0x8000004B  }
0xb3: {  	_ =	swait.ge [sflag:s29], $0x1  }
0xb4: {  	[sflag:s29] =	ssyncadd.s32 $0xFFFFFFFF  }
0xb5: {  	_ =	strace $0x9000004B  }
0xb6: {  	_ =	sfence  }
0xb7: {  	s30 =	sld [smem:$0x0];
	_ =	sdelay $0x2  }
0xb8: {  	s31 =	sshll.u32 s1, $0xD;
	s1 =	sshrl.u32 s1, $0x2  }
0xb9: {  	s3 =	sand.u32 $0x4000, s31;
	s1 =	sadd.s32 s1, s30  }
0xba: {  	s0 =	sor.u32 s3, s0;
	s1 =	sshll.u32 s1, $0x11  }
0xbb: {  	s0 =	sor.u32 s1, s0  }
0xbc: {  	s0 =	sadd.s32 $0x8F2B, s0  }
0xbd: {  	[sflag:s0] =	ssyncadd.remote.s32 $0x1  }
0xbe: {  	_ =	sfence.sel $0xFFFF  }
0xbf: {  	[dreg:$0x0] =	wrdreg $0xFFFFFFFF;
	(pc) =	sbr.abs _section_cstart, $3  }
0xc0: {  	[dreg:$0x1] =	wrdreg $0xFFFFFFFF  }
0xc1: {  	_ =	task.clear_ibuf [dreg:s7], $0x2FFFF;
	_ =	strace $0x9FFFFFFF  }
0xc2: {  	(tm) =	ssettm $0x7FFFFFFF  }
0xc3: {  	_ =	shalt  }
tec
execute0_lowered:
.L_overlay_start_1:
0x0: {  	(tag) =	ssettag $0x1  }
0x1: {  	s4 =	rddreg [dreg:$0x0]  }
0x2: {  	s7 =	rddreg [dreg:$0x1]  }
0x3: {  	s0 =	rddreg [dreg:$0x2]  }
0x4: {  	s3 =	srdreg.scid;
	s1 =	stileid.u32;
	s2 =	simm.s32 $0x0  }
0x5: {  	s12 =	simm.s32 $0x1000;
	s13 =	simm.s32 $0x80;
	s14 =	simm.s32 $0x1  }
0x6: {  	s15 =	simm.s32 $0x4410;
	s16 =	simm.s32 $0x11410;
	s17 =	simm.s32 $0x2  }
0x7: {  	s3 =	sand.u32 $0x1, s3;
	s5 =	sshll.u32 s1, $0x1;
	[smem:$0x7FF] =	sst s2  }
0x8: {  	s18 =	simm.s32 $0x0;
	s5 =	sor.u32 s3, s5;
	_ =	strace $0x8000004A  }
0x9: {  	s8 =	ssub.s32 $0x2, s3;
	s3 =	sadd.s32 $0xE00, s4;
	s9 =	smul.u32 $0x34000, s5  }
0xa: {  	s6 =	sshll.u32 s5, $0x9;
	s10 =	sshrl.u32 s8, $0x1;
	s11 =	smul.u32 $0x6800, s5  }
0xb: {  	s6 =	sadd.s32 s6, s4;
	s4 =	sadd.s32 $0x104E00, s4;
	s10 =	ssub.s32 s8, s10  }
0xc: {  	s31 =	sshrl.u32 s9, $0x3;
	s5 =	sadd.s32 $0x100E00, s6;
	s6 =	sadd.s32 s7, s11  }
0xd: {  	v0 =	vlaneseq.u32;
	s10 =	smax.u32 s10, $0x1;
	s11 =	simm.s32 $0x3;
	s9 =	sadd.s32 s7, s31  }
0xe: {  	v1 =	vand.u32 $0x7, v0;
	v2 =	vor.u32 $0x8, v0;
	s7 =	sadd.s32 $0x1A00, s9;
	s8 =	sadd.s32 $0x3400, s9;
	s9 =	sadd.s32 $0x4E00, s9  }
.LBB2_1:
0xf: {  	[tilespmem:s2], [sflag:$0x3] =	stream.linear.gather [hbm4b:s5+s2], $0x1000, $0x38;
	[tilespmem:$0x1E410] =	vst v63  }
0x10: {  	_ =	swait.ge [sflag:s11], $0x1000  }
0x11: {  	[sflag:s11] =	ssyncset.done $0x0  }
0x12: {  	[sflag:s11] =	ssyncadd.s32 $0xFFFFF000  }
0x13: {  	[tilespmem:s12], [sflag:$0x3] =	stream.linear.gather [hbm4b:s4+s2], $0x10, $0x38;
	[tilespmem:$0x1E410] =	vst v63  }
0x14: {  	_ =	swait.ge [sflag:s11], $0x10  }
0x15: {  	[sflag:s11] =	ssyncset.done $0x0  }
0x16: {  	[sflag:s11] =	ssyncadd.s32 $0xFFFFFFF0  }
0x17: {  	v3 =	vld.idx.msk [tilespmem:v1+s12+$0x0], $0xffff  }
0x18: {  	s19 =	simm.s32 $0x0;
	s20 =	simm.s32 $0x0;
	v4 =	vld.idx.msk [tilespmem:v2+s12+$0x0], $0xffff  }
.LBB2_2:
0x19: {  	s22 =	simm.s32 $0x0  }
0x1a: {  	s21 =	sshll.u32 s20, $0x5;
	v6 =	vor.u32 s22, v0  }
0x1b: {  	v5 =	vmov s21;
	v6 =	vshrl.u32 v6, $0x3  }
0x1c: {  	v6 =	vor.u32 v5, v6;
	_ =	sdelay $0x4  }
0x1d: {  	v6 =	vld.idx.msk [tilespmem:v6+s2+$0x0], $0xffff;
	_ =	sdelay $0x4  }
0x1e: {  	v6 =	vmul.u32 v3, v6;
	_ =	sdelay $0x1  }
0x1f: {  	v6 =	vadd.s32 v4, v6  }
0x20: {  	vm0 =	vlt.s32 v6, $0x0;
	v7 =	vadd.s32 $0x7FFFFFFF, v6  }
0x21: {  	v7 =	vsel vm0, v7, v6  }
0x22: {  	s21 =	simm.s32 $0x10;
	vm0 =	vlt.s32 v7, $0x0;
	v8 =	vadd.s32 $0x7FFFFFFF, v7  }
0x23: {  	s23 =	simm.s32 $0x20;
	v6 =	vor.u32 s21, v0;
	v7 =	vsel vm0, v8, v7  }
.LBB2_3:
0x24: {  	p0 =	sne.s32 s23, $0xC0;
	v6 =	vshrl.u32 v6, $0x3;
	vm0 =	veq.s32 v7, $0x7FFFFFFF;
	v7 =	vand.u32 $0xFFFFF, v7  }
0x25: {  	v6 =	vor.u32 v5, v6;
	v7 =	vsel vm0, $0x0, v7  }
0x26: {  	v8 =	vshll.u32 v7, $0x11  }
0x27: {  	s24 =	sadd.s32 s22, s19;
	s22 =	smov.u32 s21;
	s21 =	smov.u32 s23;
	v7 =	vshrl.u32 v7, $0x3;
	v8 =	vand.u32 $0xE0000, v8  }
0x28: {  	s24 =	sand.u32 $0x3FF0, s24;
	v7 =	vor.u32 v7, v8  }
0x29: {  	[tilespmem:s24+$0x1010] =	vst v7  }
0x2a: {  	v6 =	vld.idx.msk [tilespmem:v6+s2+$0x0], $0xffff;
	_ =	sdelay $0x5  }
0x2b: {  	v6 =	vmul.u32 v3, v6;
	_ =	sdelay $0x1  }
.Ltmp0:
0x2c: {  	v6 =	vadd.s32 v4, v6;
	(pc) =	sbr.rel @p0 .LBB2_3-.Ltmp0, $4  }
0x2d: {  	vm0 =	vlt.s32 v6, $0x0;
	v7 =	vadd.s32 $0x7FFFFFFF, v6  }
0x2e: {  	v7 =	vsel vm0, v7, v6  }
0x2f: {  	vm0 =	vlt.s32 v7, $0x0;
	v8 =	vadd.s32 $0x7FFFFFFF, v7  }
0x30: {  	s23 =	sadd.s32 $0x10, s23;
	v6 =	vor.u32 s21, v0;
	v7 =	vsel vm0, v8, v7  }
0x31: {  	v6 =	vshrl.u32 v6, $0x3;
	vm0 =	veq.s32 v7, $0x7FFFFFFF;
	v7 =	vand.u32 $0xFFFFF, v7  }
0x32: {  	v5 =	vor.u32 v5, v6;
	v6 =	vsel vm0, $0x0, v7  }
0x33: {  	v7 =	vshll.u32 v6, $0x11  }
0x34: {  	s22 =	sadd.s32 s22, s19;
	v6 =	vshrl.u32 v6, $0x3;
	v7 =	vand.u32 $0xE0000, v7  }
0x35: {  	s22 =	sand.u32 $0x3FF0, s22;
	v6 =	vor.u32 v6, v7  }
0x36: {  	[tilespmem:s22+$0x1010] =	vst v6  }
0x37: {  	v5 =	vld.idx.msk [tilespmem:v5+s2+$0x0], $0xffff;
	_ =	sdelay $0x4  }
0x38: {  	v5 =	vmul.u32 v3, v5;
	_ =	sdelay $0x1  }
0x39: {  	v5 =	vadd.s32 v4, v5  }
0x3a: {  	vm15 =	vlt.s32 v5, $0x0;
	v6 =	vadd.s32 $0x7FFFFFFF, v5  }
0x3b: {  	v5 =	vsel vm15, v6, v5  }
0x3c: {  	vm0 =	vlt.s32 v5, $0x0;
	v6 =	vadd.s32 $0x7FFFFFFF, v5  }
0x3d: {  	s20 =	sadd.s32 $0x1, s20;
	v5 =	vsel vm0, v6, v5  }
0x3e: {  	p0 =	sne.s32 s20, $0x20;
	vm0 =	veq.s32 v5, $0x7FFFFFFF;
	v5 =	vand.u32 $0xFFFFF, v5  }
.Ltmp1:
0x3f: {  	v5 =	vsel vm0, $0x0, v5;
	(pc) =	sbr.rel @p0 .LBB2_2-.Ltmp1, $4  }
0x40: {  	v6 =	vshll.u32 v5, $0x11  }
0x41: {  	s21 =	sadd.s32 s21, s19;
	v5 =	vshrl.u32 v5, $0x3;
	v6 =	vand.u32 $0xE0000, v6  }
0x42: {  	s21 =	sand.u32 $0x3FF0, s21;
	v5 =	vor.u32 v5, v6  }
0x43: {  	s19 =	sadd.s32 $0xD0, s19;
	[tilespmem:s21+$0x1010] =	vst v5  }
0x44: {  	s20 =	simm.s32 $0x4410;
	s19 =	simm.s32 $0x1010  }
0x45: {  	[tilespmem:s20], [sflag:$0x1] =	stream.indirect.gather [hbm4b:s3+s13], $0x8, s19, s13, $0xb8;
	[tilespmem:$0x1E410] =	vst v63  }
0x46: {  	s21 =	simm.s32 $0x200;
	s19 =	simm.s32 $0x0  }
.LBB2_6:
0x47: {  	p0 =	sne.s32 s21, $0x6600  }
.Ltmp2:
0x48: {  	_ = 	snop;
	(pc) =	sbr.rel @p0 .LBB2_6-.Ltmp2, $4  }
0x49: {  	_ = 	snop  }
0x4a: {  	s22 =	sshra.s32 s21, $0x2;
	s21 =	sadd.s32 $0x200, s21  }
0x4b: {  	s20 =	sadd.s32 $0x400, s20;
	s22 =	sadd.s32 $0x1010, s22  }
0x4c: {  	[tilespmem:s20], [sflag:$0x1] =	stream.indirect.gather [hbm4b:s3+s13], $0x8, s22, s13, $0xb8;
	[tilespmem:$0x1E410] =	vst v63  }
0x4d: {  	s20 =	simm.s32 $0x0  }
.LBB2_8:
0x4e: {  	s21 =	sshll.u32 s20, $0x5;
	s22 =	simm.s32 $0x0  }
0x4f: {  	s21 =	sor.u32 $0x400, s21;
	v6 =	vor.u32 s22, v0  }
0x50: {  	v5 =	vmov s21;
	v6 =	vshrl.u32 v6, $0x3  }
0x51: {  	v6 =	vor.u32 v5, v6;
	_ =	sdelay $0x4  }
0x52: {  	v6 =	vld.idx.msk [tilespmem:v6+s2+$0x0], $0xffff;
	_ =	sdelay $0x4  }
0x53: {  	v6 =	vmul.u32 v3, v6;
	_ =	sdelay $0x1  }
0x54: {  	v6 =	vadd.s32 v4, v6  }
0x55: {  	vm0 =	vlt.s32 v6, $0x0;
	v7 =	vadd.s32 $0x7FFFFFFF, v6  }
0x56: {  	v7 =	vsel vm0, v7, v6  }
0x57: {  	s21 =	simm.s32 $0x10;
	vm0 =	vlt.s32 v7, $0x0;
	v8 =	vadd.s32 $0x7FFFFFFF, v7  }
0x58: {  	s23 =	simm.s32 $0x20;
	v6 =	vor.u32 s21, v0;
	v7 =	vsel vm0, v8, v7  }
.LBB2_9:
0x59: {  	p0 =	sne.s32 s23, $0xC0;
	v6 =	vshrl.u32 v6, $0x3;
	vm0 =	veq.s32 v7, $0x7FFFFFFF;
	v7 =	vand.u32 $0xFFFFF, v7  }
0x5a: {  	v6 =	vor.u32 v5, v6;
	v7 =	vsel vm0, $0x0, v7  }
0x5b: {  	v8 =	vshll.u32 v7, $0x11  }
0x5c: {  	s24 =	sadd.s32 s22, s19;
	s22 =	smov.u32 s21;
	s21 =	smov.u32 s23;
	v7 =	vshrl.u32 v7, $0x3;
	v8 =	vand.u32 $0xE0000, v8  }
0x5d: {  	s24 =	sand.u32 $0x3FF0, s24;
	v7 =	vor.u32 v7, v8  }
0x5e: {  	[tilespmem:s24+$0x2A10] =	vst v7  }
0x5f: {  	v6 =	vld.idx.msk [tilespmem:v6+s2+$0x0], $0xffff;
	_ =	sdelay $0x5  }
0x60: {  	v6 =	vmul.u32 v3, v6;
	_ =	sdelay $0x1  }
.Ltmp3:
0x61: {  	v6 =	vadd.s32 v4, v6;
	(pc) =	sbr.rel @p0 .LBB2_9-.Ltmp3, $4  }
0x62: {  	vm0 =	vlt.s32 v6, $0x0;
	v7 =	vadd.s32 $0x7FFFFFFF, v6  }
0x63: {  	v7 =	vsel vm0, v7, v6  }
0x64: {  	vm0 =	vlt.s32 v7, $0x0;
	v8 =	vadd.s32 $0x7FFFFFFF, v7  }
0x65: {  	s23 =	sadd.s32 $0x10, s23;
	v6 =	vor.u32 s21, v0;
	v7 =	vsel vm0, v8, v7  }
0x66: {  	v6 =	vshrl.u32 v6, $0x3;
	vm0 =	veq.s32 v7, $0x7FFFFFFF;
	v7 =	vand.u32 $0xFFFFF, v7  }
0x67: {  	v5 =	vor.u32 v5, v6;
	v6 =	vsel vm0, $0x0, v7  }
0x68: {  	v7 =	vshll.u32 v6, $0x11  }
0x69: {  	s22 =	sadd.s32 s22, s19;
	v6 =	vshrl.u32 v6, $0x3;
	v7 =	vand.u32 $0xE0000, v7  }
0x6a: {  	s22 =	sand.u32 $0x3FF0, s22;
	v6 =	vor.u32 v6, v7  }
0x6b: {  	[tilespmem:s22+$0x2A10] =	vst v6  }
0x6c: {  	v5 =	vld.idx.msk [tilespmem:v5+s2+$0x0], $0xffff;
	_ =	sdelay $0x4  }
0x6d: {  	v5 =	vmul.u32 v3, v5;
	_ =	sdelay $0x1  }
0x6e: {  	v5 =	vadd.s32 v4, v5  }
0x6f: {  	vm15 =	vlt.s32 v5, $0x0;
	v6 =	vadd.s32 $0x7FFFFFFF, v5  }
0x70: {  	v5 =	vsel vm15, v6, v5  }
0x71: {  	vm0 =	vlt.s32 v5, $0x0;
	v6 =	vadd.s32 $0x7FFFFFFF, v5  }
0x72: {  	s20 =	sadd.s32 $0x1, s20;
	v5 =	vsel vm0, v6, v5  }
0x73: {  	p0 =	sne.s32 s20, $0x20;
	vm0 =	veq.s32 v5, $0x7FFFFFFF;
	v5 =	vand.u32 $0xFFFFF, v5  }
.Ltmp4:
0x74: {  	v5 =	vsel vm0, $0x0, v5;
	(pc) =	sbr.rel @p0 .LBB2_8-.Ltmp4, $4  }
0x75: {  	v6 =	vshll.u32 v5, $0x11  }
0x76: {  	s21 =	sadd.s32 s21, s19;
	v5 =	vshrl.u32 v5, $0x3;
	v6 =	vand.u32 $0xE0000, v6  }
0x77: {  	s21 =	sand.u32 $0x3FF0, s21;
	v5 =	vor.u32 v5, v6  }
0x78: {  	s19 =	sadd.s32 $0xD0, s19;
	[tilespmem:s21+$0x2A10] =	vst v5  }
0x79: {  	_ =	swait.ge [sflag:s14], $0x400  }
0x7a: {  	s19 =	simm.s32 $0x33;
	[sflag:s14] =	ssyncset.done $0x0  }
.LBB2_12:
0x7b: {  	p0 =	sne.s32 s19, $0x1;
	s19 =	sadd.s32 $0xFFFFFFFF, s19;
	[sflag:s14] =	ssyncadd.s32 $0xFFFFFC00  }
.Ltmp5:
0x7c: {  	(pc) =	sbr.rel @p0 .LBB2_12-.Ltmp5, $3  }
0x7d: {  	_ =	sdelay $0x1  }
0x7e: {  	_ =	swait.ge [sflag:s14], $0x400  }
0x7f: {  	[sflag:s14] =	ssyncset.done $0x0  }
0x80: {  	[sflag:s14] =	ssyncadd.s32 $0xFFFFFC00;
	s19 =	simm.s32 $0x0  }
0x81: {  	[hbm4b:s6+s19] =	stream.linear.scatter [tilespmem:s15], [sflag:$0x2], $0xD000, $0x38;
	[tilespmem:$0x1E410] =	vst v63  }
0x82: {  	s20 =	simm.s32 $0x11410;
	s21 =	simm.s32 $0x2A10  }
0x83: {  	[tilespmem:s20], [sflag:$0x1] =	stream.indirect.gather [hbm4b:s3+s13], $0x8, s21, s13, $0xb8;
	[tilespmem:$0x1E410] =	vst v63  }
0x84: {  	s21 =	simm.s32 $0x200  }
.LBB2_14:
0x85: {  	p0 =	sne.s32 s21, $0x6600  }
.Ltmp6:
0x86: {  	_ = 	snop;
	(pc) =	sbr.rel @p0 .LBB2_14-.Ltmp6, $4  }
0x87: {  	_ = 	snop  }
0x88: {  	s22 =	sshra.s32 s21, $0x2;
	s21 =	sadd.s32 $0x200, s21  }
0x89: {  	s20 =	sadd.s32 $0x400, s20;
	s22 =	sadd.s32 $0x2A10, s22  }
0x8a: {  	[tilespmem:s20], [sflag:$0x1] =	stream.indirect.gather [hbm4b:s3+s13], $0x8, s22, s13, $0xb8;
	[tilespmem:$0x1E410] =	vst v63  }
0x8b: {  	s20 =	simm.s32 $0x0  }
.LBB2_16:
0x8c: {  	s21 =	sshll.u32 s20, $0x5;
	s22 =	simm.s32 $0x0  }
0x8d: {  	s21 =	sor.u32 $0x800, s21;
	v6 =	vor.u32 s22, v0  }
0x8e: {  	v5 =	vmov s21;
	v6 =	vshrl.u32 v6, $0x3  }
0x8f: {  	v6 =	vor.u32 v5, v6;
	_ =	sdelay $0x4  }
0x90: {  	v6 =	vld.idx.msk [tilespmem:v6+s2+$0x0], $0xffff;
	_ =	sdelay $0x4  }
0x91: {  	v6 =	vmul.u32 v3, v6;
	_ =	sdelay $0x1  }
0x92: {  	v6 =	vadd.s32 v4, v6  }
0x93: {  	vm0 =	vlt.s32 v6, $0x0;
	v7 =	vadd.s32 $0x7FFFFFFF, v6  }
0x94: {  	v7 =	vsel vm0, v7, v6  }
0x95: {  	s21 =	simm.s32 $0x10;
	vm0 =	vlt.s32 v7, $0x0;
	v8 =	vadd.s32 $0x7FFFFFFF, v7  }
0x96: {  	s23 =	simm.s32 $0x20;
	v6 =	vor.u32 s21, v0;
	v7 =	vsel vm0, v8, v7  }
.LBB2_17:
0x97: {  	p0 =	sne.s32 s23, $0xC0;
	v6 =	vshrl.u32 v6, $0x3;
	vm0 =	veq.s32 v7, $0x7FFFFFFF;
	v7 =	vand.u32 $0xFFFFF, v7  }
0x98: {  	v6 =	vor.u32 v5, v6;
	v7 =	vsel vm0, $0x0, v7  }
0x99: {  	v8 =	vshll.u32 v7, $0x11  }
0x9a: {  	s24 =	sadd.s32 s22, s19;
	s22 =	smov.u32 s21;
	s21 =	smov.u32 s23;
	v7 =	vshrl.u32 v7, $0x3;
	v8 =	vand.u32 $0xE0000, v8  }
0x9b: {  	s24 =	sand.u32 $0x3FF0, s24;
	v7 =	vor.u32 v7, v8  }
0x9c: {  	[tilespmem:s24+$0x1010] =	vst v7  }
0x9d: {  	v6 =	vld.idx.msk [tilespmem:v6+s2+$0x0], $0xffff;
	_ =	sdelay $0x5  }
0x9e: {  	v6 =	vmul.u32 v3, v6;
	_ =	sdelay $0x1  }
.Ltmp7:
0x9f: {  	v6 =	vadd.s32 v4, v6;
	(pc) =	sbr.rel @p0 .LBB2_17-.Ltmp7, $4  }
0xa0: {  	vm0 =	vlt.s32 v6, $0x0;
	v7 =	vadd.s32 $0x7FFFFFFF, v6  }
0xa1: {  	v7 =	vsel vm0, v7, v6  }
0xa2: {  	vm0 =	vlt.s32 v7, $0x0;
	v8 =	vadd.s32 $0x7FFFFFFF, v7  }
0xa3: {  	s23 =	sadd.s32 $0x10, s23;
	v6 =	vor.u32 s21, v0;
	v7 =	vsel vm0, v8, v7  }
0xa4: {  	v6 =	vshrl.u32 v6, $0x3;
	vm0 =	veq.s32 v7, $0x7FFFFFFF;
	v7 =	vand.u32 $0xFFFFF, v7  }
0xa5: {  	v5 =	vor.u32 v5, v6;
	v6 =	vsel vm0, $0x0, v7  }
0xa6: {  	v7 =	vshll.u32 v6, $0x11  }
0xa7: {  	s22 =	sadd.s32 s22, s19;
	v6 =	vshrl.u32 v6, $0x3;
	v7 =	vand.u32 $0xE0000, v7  }
0xa8: {  	s22 =	sand.u32 $0x3FF0, s22;
	v6 =	vor.u32 v6, v7  }
0xa9: {  	[tilespmem:s22+$0x1010] =	vst v6  }
0xaa: {  	v5 =	vld.idx.msk [tilespmem:v5+s2+$0x0], $0xffff;
	_ =	sdelay $0x4  }
0xab: {  	v5 =	vmul.u32 v3, v5;
	_ =	sdelay $0x1  }
0xac: {  	v5 =	vadd.s32 v4, v5  }
0xad: {  	vm15 =	vlt.s32 v5, $0x0;
	v6 =	vadd.s32 $0x7FFFFFFF, v5  }
0xae: {  	v5 =	vsel vm15, v6, v5  }
0xaf: {  	vm0 =	vlt.s32 v5, $0x0;
	v6 =	vadd.s32 $0x7FFFFFFF, v5  }
0xb0: {  	s20 =	sadd.s32 $0x1, s20;
	v5 =	vsel vm0, v6, v5  }
0xb1: {  	p0 =	sne.s32 s20, $0x20;
	vm0 =	veq.s32 v5, $0x7FFFFFFF;
	v5 =	vand.u32 $0xFFFFF, v5  }
.Ltmp8:
0xb2: {  	v5 =	vsel vm0, $0x0, v5;
	(pc) =	sbr.rel @p0 .LBB2_16-.Ltmp8, $4  }
0xb3: {  	v6 =	vshll.u32 v5, $0x11  }
0xb4: {  	s21 =	sadd.s32 s21, s19;
	v5 =	vshrl.u32 v5, $0x3;
	v6 =	vand.u32 $0xE0000, v6  }
0xb5: {  	s21 =	sand.u32 $0x3FF0, s21;
	v5 =	vor.u32 v5, v6  }
0xb6: {  	s19 =	sadd.s32 $0xD0, s19;
	[tilespmem:s21+$0x1010] =	vst v5  }
0xb7: {  	_ =	swait.ge [sflag:s14], $0x400  }
0xb8: {  	s19 =	simm.s32 $0x33;
	[sflag:s14] =	ssyncset.done $0x0  }
.LBB2_20:
0xb9: {  	p0 =	sne.s32 s19, $0x1;
	s19 =	sadd.s32 $0xFFFFFFFF, s19;
	[sflag:s14] =	ssyncadd.s32 $0xFFFFFC00  }
.Ltmp9:
0xba: {  	(pc) =	sbr.rel @p0 .LBB2_20-.Ltmp9, $3  }
0xbb: {  	_ =	sdelay $0x1  }
0xbc: {  	_ =	swait.ge [sflag:s14], $0x400  }
0xbd: {  	[sflag:s14] =	ssyncset.done $0x0  }
0xbe: {  	[sflag:s14] =	ssyncadd.s32 $0xFFFFFC00;
	s19 =	simm.s32 $0x0  }
0xbf: {  	[hbm4b:s7+s19] =	stream.linear.scatter [tilespmem:s16], [sflag:$0x2], $0xD000, $0x38;
	[tilespmem:$0x1E410] =	vst v63  }
0xc0: {  	_ =	swait.ge [sflag:s17], $0xD000  }
0xc1: {  	[sflag:s17] =	ssyncset.done $0x0  }
0xc2: {  	s20 =	simm.s32 $0x4410;
	s21 =	simm.s32 $0x1010;
	[sflag:s17] =	ssyncadd.s32 $0xFFFF3000  }
0xc3: {  	[tilespmem:s20], [sflag:$0x1] =	stream.indirect.gather [hbm4b:s3+s13], $0x8, s21, s13, $0xb8;
	[tilespmem:$0x1E410] =	vst v63  }
0xc4: {  	s21 =	simm.s32 $0x200  }
.LBB2_22:
0xc5: {  	p0 =	sne.s32 s21, $0x6600  }
.Ltmp10:
0xc6: {  	_ = 	snop;
	(pc) =	sbr.rel @p0 .LBB2_22-.Ltmp10, $4  }
0xc7: {  	_ = 	snop  }
0xc8: {  	s22 =	sshra.s32 s21, $0x2;
	s21 =	sadd.s32 $0x200, s21  }
0xc9: {  	s20 =	sadd.s32 $0x400, s20;
	s22 =	sadd.s32 $0x1010, s22  }
0xca: {  	[tilespmem:s20], [sflag:$0x1] =	stream.indirect.gather [hbm4b:s3+s13], $0x8, s22, s13, $0xb8;
	[tilespmem:$0x1E410] =	vst v63  }
0xcb: {  	s20 =	simm.s32 $0x0  }
.LBB2_24:
0xcc: {  	s21 =	sshll.u32 s20, $0x5;
	s22 =	simm.s32 $0x0  }
0xcd: {  	s21 =	sor.u32 $0xC00, s21;
	v6 =	vor.u32 s22, v0  }
0xce: {  	v5 =	vmov s21;
	v6 =	vshrl.u32 v6, $0x3  }
0xcf: {  	v6 =	vor.u32 v5, v6;
	_ =	sdelay $0x4  }
0xd0: {  	v6 =	vld.idx.msk [tilespmem:v6+s2+$0x0], $0xffff;
	_ =	sdelay $0x4  }
0xd1: {  	v6 =	vmul.u32 v3, v6;
	_ =	sdelay $0x1  }
0xd2: {  	v6 =	vadd.s32 v4, v6  }
0xd3: {  	vm0 =	vlt.s32 v6, $0x0;
	v7 =	vadd.s32 $0x7FFFFFFF, v6  }
0xd4: {  	v7 =	vsel vm0, v7, v6  }
0xd5: {  	s21 =	simm.s32 $0x10;
	vm0 =	vlt.s32 v7, $0x0;
	v8 =	vadd.s32 $0x7FFFFFFF, v7  }
0xd6: {  	s23 =	simm.s32 $0x20;
	v6 =	vor.u32 s21, v0;
	v7 =	vsel vm0, v8, v7  }
.LBB2_25:
0xd7: {  	p0 =	sne.s32 s23, $0xC0;
	v6 =	vshrl.u32 v6, $0x3;
	vm0 =	veq.s32 v7, $0x7FFFFFFF;
	v7 =	vand.u32 $0xFFFFF, v7  }
0xd8: {  	v6 =	vor.u32 v5, v6;
	v7 =	vsel vm0, $0x0, v7  }
0xd9: {  	v8 =	vshll.u32 v7, $0x11  }
0xda: {  	s24 =	sadd.s32 s22, s19;
	s22 =	smov.u32 s21;
	s21 =	smov.u32 s23;
	v7 =	vshrl.u32 v7, $0x3;
	v8 =	vand.u32 $0xE0000, v8  }
0xdb: {  	s24 =	sand.u32 $0x3FF0, s24;
	v7 =	vor.u32 v7, v8  }
0xdc: {  	[tilespmem:s24+$0x2A10] =	vst v7  }
0xdd: {  	v6 =	vld.idx.msk [tilespmem:v6+s2+$0x0], $0xffff;
	_ =	sdelay $0x5  }
0xde: {  	v6 =	vmul.u32 v3, v6;
	_ =	sdelay $0x1  }
.Ltmp11:
0xdf: {  	v6 =	vadd.s32 v4, v6;
	(pc) =	sbr.rel @p0 .LBB2_25-.Ltmp11, $4  }
0xe0: {  	vm0 =	vlt.s32 v6, $0x0;
	v7 =	vadd.s32 $0x7FFFFFFF, v6  }
0xe1: {  	v7 =	vsel vm0, v7, v6  }
0xe2: {  	vm0 =	vlt.s32 v7, $0x0;
	v8 =	vadd.s32 $0x7FFFFFFF, v7  }
0xe3: {  	s23 =	sadd.s32 $0x10, s23;
	v6 =	vor.u32 s21, v0;
	v7 =	vsel vm0, v8, v7  }
0xe4: {  	v6 =	vshrl.u32 v6, $0x3;
	vm0 =	veq.s32 v7, $0x7FFFFFFF;
	v7 =	vand.u32 $0xFFFFF, v7  }
0xe5: {  	v5 =	vor.u32 v5, v6;
	v6 =	vsel vm0, $0x0, v7  }
0xe6: {  	v7 =	vshll.u32 v6, $0x11  }
0xe7: {  	s22 =	sadd.s32 s22, s19;
	v6 =	vshrl.u32 v6, $0x3;
	v7 =	vand.u32 $0xE0000, v7  }
0xe8: {  	s22 =	sand.u32 $0x3FF0, s22;
	v6 =	vor.u32 v6, v7  }
0xe9: {  	[tilespmem:s22+$0x2A10] =	vst v6  }
0xea: {  	v5 =	vld.idx.msk [tilespmem:v5+s2+$0x0], $0xffff;
	_ =	sdelay $0x4  }
0xeb: {  	v5 =	vmul.u32 v3, v5;
	_ =	sdelay $0x1  }
0xec: {  	v5 =	vadd.s32 v4, v5  }
0xed: {  	vm15 =	vlt.s32 v5, $0x0;
	v6 =	vadd.s32 $0x7FFFFFFF, v5  }
0xee: {  	v5 =	vsel vm15, v6, v5  }
0xef: {  	vm0 =	vlt.s32 v5, $0x0;
	v6 =	vadd.s32 $0x7FFFFFFF, v5  }
0xf0: {  	s20 =	sadd.s32 $0x1, s20;
	v5 =	vsel vm0, v6, v5  }
0xf1: {  	p0 =	sne.s32 s20, $0x20;
	vm0 =	veq.s32 v5, $0x7FFFFFFF;
	v5 =	vand.u32 $0xFFFFF, v5  }
.Ltmp12:
0xf2: {  	v5 =	vsel vm0, $0x0, v5;
	(pc) =	sbr.rel @p0 .LBB2_24-.Ltmp12, $4  }
0xf3: {  	v6 =	vshll.u32 v5, $0x11  }
0xf4: {  	s21 =	sadd.s32 s21, s19;
	v5 =	vshrl.u32 v5, $0x3;
	v6 =	vand.u32 $0xE0000, v6  }
0xf5: {  	s21 =	sand.u32 $0x3FF0, s21;
	v5 =	vor.u32 v5, v6  }
0xf6: {  	s19 =	sadd.s32 $0xD0, s19;
	[tilespmem:s21+$0x2A10] =	vst v5  }
0xf7: {  	_ =	swait.ge [sflag:s14], $0x400  }
0xf8: {  	s19 =	simm.s32 $0x33;
	[sflag:s14] =	ssyncset.done $0x0  }
.LBB2_28:
0xf9: {  	p0 =	sne.s32 s19, $0x1;
	s19 =	sadd.s32 $0xFFFFFFFF, s19;
	[sflag:s14] =	ssyncadd.s32 $0xFFFFFC00  }
.Ltmp13:
0xfa: {  	(pc) =	sbr.rel @p0 .LBB2_28-.Ltmp13, $3  }
0xfb: {  	_ =	sdelay $0x1  }
0xfc: {  	_ =	swait.ge [sflag:s14], $0x400  }
0xfd: {  	[sflag:s14] =	ssyncset.done $0x0  }
0xfe: {  	[sflag:s14] =	ssyncadd.s32 $0xFFFFFC00;
	s19 =	simm.s32 $0x0  }
0xff: {  	[hbm4b:s8+s19] =	stream.linear.scatter [tilespmem:s15], [sflag:$0x2], $0xD000, $0x38;
	[tilespmem:$0x1E410] =	vst v63  }
0x100: {  	_ =	swait.ge [sflag:s17], $0xD000  }
0x101: {  	[sflag:s17] =	ssyncset.done $0x0  }
0x102: {  	s20 =	simm.s32 $0x11410;
	[sflag:s17] =	ssyncadd.s32 $0xFFFF3000  }
.LBB2_30:
0x103: {  	p0 =	sne.s32 s19, $0x6600  }
.Ltmp14:
0x104: {  	_ = 	snop;
	(pc) =	sbr.rel @p0 .LBB2_30-.Ltmp14, $4  }
0x105: {  	s21 =	sshra.s32 s19, $0x2  }
0x106: {  	s21 =	sadd.s32 $0x2A10, s21  }
0x107: {  	[tilespmem:s20], [sflag:$0x1] =	stream.indirect.gather [hbm4b:s3+s13], $0x8, s21, s13, $0xb8;
	[tilespmem:$0x1E410] =	vst v63  }
0x108: {  	s19 =	sadd.s32 $0x200, s19;
	s20 =	sadd.s32 $0x400, s20  }
0x109: {  	_ =	swait.ge [sflag:s14], $0x400  }
0x10a: {  	s19 =	simm.s32 $0x33;
	[sflag:s14] =	ssyncset.done $0x0  }
.LBB2_32:
0x10b: {  	p0 =	sne.s32 s19, $0x1;
	s19 =	sadd.s32 $0xFFFFFFFF, s19;
	[sflag:s14] =	ssyncadd.s32 $0xFFFFFC00  }
.Ltmp15:
0x10c: {  	(pc) =	sbr.rel @p0 .LBB2_32-.Ltmp15, $3  }
0x10d: {  	_ =	sdelay $0x1  }
0x10e: {  	_ =	swait.ge [sflag:s14], $0x400  }
0x10f: {  	[sflag:s14] =	ssyncset.done $0x0  }
0x110: {  	[sflag:s14] =	ssyncadd.s32 $0xFFFFFC00  }
0x111: {  	s18 =	sadd.s32 $0x1, s18;
	_ =	swait.ge [sflag:s17], $0xD000  }
0x112: {  	p0 =	sne.s32 s18, s10;
	[sflag:s17] =	ssyncset.done $0x0  }
.Ltmp16:
0x113: {  	[sflag:s17] =	ssyncadd.s32 $0xFFFF3000;
	(pc) =	sbr.rel @p0 .LBB2_1-.Ltmp16, $4  }
0x114: {  	[hbm4b:s9+s2] =	stream.linear.scatter [tilespmem:s16], [sflag:$0x3], $0xD000, $0x38;
	[tilespmem:$0x1E410] =	vst v63  }
0x115: {  	_ =	swait.ge [sflag:s11], $0xD000  }
0x116: {  	[sflag:s11] =	ssyncset.done $0x0  }
0x117: {  	[sflag:s11] =	ssyncadd.s32 $0xFFFF3000  }
0x118: {  	_ =	sfence.sel $0x180000  }
0x119: {  	[bflag:$0x0] =	sbarrier.arrive $0xFFFF  }
0x11a: {  	p0 =	sne.s32 s1, $0x0;
	_ =	strace $0x9000004A  }
0x11b: {  	s0 =	sadd.s32 @!p0 $0x100000, s0;
	[bflag:$0x2] =	sbarrier.arrive $0xFFFF  }
0x11c: {  	[sflag:s0] =	ssyncadd.tile.s32 @!p0 $0x1;
	_ =	shalt  }
.Lfunc_end2:
_tile_overlayer_lowered:
.L_overlay_start_2:
0x11d: {  	(tag) =	ssettag $0x2  }
0x11e: {  	s0 =	rddreg [dreg:$0x0];
	s2 =	stileid.u32  }
0x11f: {  	s1 =	rddreg [dreg:$0x1];
	p0 =	sne.s32 s2, $0x0  }
0x120: {  	s3 =	rddreg [dreg:$0x2];
	[bflag:$0x3] =	sbarrier.arrive $0xFFFF;
	s2 =	simm.s32 @!p0 $0x1C03  }
0x121: {  	[timem:s3], [sflag:s2] =	dma.local @!p0 [hbm:s0], s1  }
0x122: {  	s0 =	simm.s32 @!p0 $0x3  }
0x123: {  	_ =	swait.ge @!p0 [sflag:s0], s1  }
0x124: {  	s1 =	ssub.s32 @!p0 $0x0, s1;
	[sflag:s0] =	ssyncset.done @!p0 $0x0  }
0x125: {  	[sflag:s0] =	ssyncadd.s32 @!p0 s1  }
0x126: {  	[bflag:$0x3] =	sbarrier.arrive $0xFFFF  }
0x127: {  	_ =	shalt  }

</sc_bundles>
